<compile_context>
chip_gen: v7x
topology: tpu7x:2x2x1
jax: 0.10.2.dev20260603
libtpu: 0.0.44.dev20260713+nightly
codegen_flags: <defaults>
</compile_context>

<pallas_src>
import functools

import jax
import jax.numpy as jnp
from jax import lax
from jax.experimental import pallas as pl
from jax.experimental.pallas import tpu as pltpu
from jax.experimental.pallas import tpu_sc as plsc

_CHUNK = 128


def _sc_gather_t(table_t, idx2d, n_rows):
    d = table_t.shape[0]
    info = plsc.get_sparse_core_info()
    nc, ns = info.num_cores, info.num_subcores
    nw = nc * ns
    rows_per_w = n_rows // nw
    chunks_per_w = rows_per_w // _CHUNK

    mesh = plsc.VectorSubcoreMesh(core_axis_name="c", subcore_axis_name="s")

    @functools.partial(
        pl.kernel,
        mesh=mesh,
        out_type=jax.ShapeDtypeStruct((d, n_rows), jnp.float32),
        scratch_types=[
            pltpu.VMEM((chunks_per_w, _CHUNK), jnp.int32),
            pltpu.VMEM((d, rows_per_w), jnp.float32),
            pltpu.SemaphoreType.DMA,
            pltpu.SemaphoreType.DMA,
        ],
        compiler_params=pltpu.CompilerParams(
            use_tc_tiling_on_sc=False, skip_device_barrier=True
        ),
    )
    def gather_kernel(table_hbm, idx_hbm, out_hbm, idx_v, rows_v, sem_a, sem_b):
        wid = lax.axis_index("s") * nc + lax.axis_index("c")
        pltpu.sync_copy(idx_hbm.at[pl.ds(wid * chunks_per_w, chunks_per_w)], idx_v)

        def fire(j, sem):
            return [
                pltpu.async_copy(
                    table_hbm.at[k].at[idx_v.at[j]],
                    rows_v.at[k, pl.ds(j * _CHUNK, _CHUNK)],
                    sem,
                )
                for k in range(d)
            ]

        pending = fire(0, sem_a)
        for j in range(1, chunks_per_w):
            nxt = fire(j, sem_b if j % 2 else sem_a)
            for cp in pending:
                cp.wait()
            pending = nxt
        for cp in pending:
            cp.wait()
        pltpu.sync_copy(
            rows_v, out_hbm.at[:, pl.ds(wid * rows_per_w, rows_per_w)]
        )

    return gather_kernel(table_t, idx2d)


def _tc_body(qt_ref, pt_ref, rt_ref, s_ref, at_ref, pos_ref, neg_ref):
    qt = qt_ref[...]
    pt = pt_ref[...]
    rt3 = rt_ref[...]
    rt = rt3.reshape(rt3.shape[0], rt3.shape[1] * rt3.shape[2])
    s = s_ref[...]
    at = at_ref[...]

    def nrm_cols(x):
        n = jnp.sqrt(jnp.sum(x * x, axis=0, keepdims=True))
        return x / jnp.maximum(n, 1e-12)

    bt = nrm_cols(qt)
    pnt = nrm_cols(pt)
    ant = nrm_cols(at)
    et = rt - s * bt
    c = jnp.sum(et * et, axis=0, keepdims=True) + 1.0
    ft = (2.0 * s) * et
    fhat = jnp.concatenate([ft, c], axis=0)
    ahat = jnp.concatenate(
        [ant, jnp.ones((1, ant.shape[1]), jnp.float32)], axis=0
    )
    g = jax.lax.dot_general(
        fhat, ahat, (((0,), (0,)), ((), ())),
        preferred_element_type=jnp.float32,
    )
    gc = jnp.maximum(g, 1e-30)
    neg_ref[...] = -(gc * jax.lax.rsqrt(gc))
    vt = et + s * pnt
    pos_ref[...] = -jnp.sqrt(jnp.sum(vt * vt, axis=0))


def kernel(query_embeds, pos_target_embeds, neg_target_embeds, relation_table,
           r_type, is_head_prediction):
    q_n, d = query_embeds.shape
    n_neg = neg_target_embeds.shape[0]

    idx2d = r_type.reshape(q_n // _CHUNK, _CHUNK)
    rel_t = _sc_gather_t(relation_table.T, idx2d, q_n)

    sgn = jnp.where(is_head_prediction, 1.0, -1.0).astype(jnp.float32)
    sgn = sgn.reshape(1, q_n)

    bq = 2048
    grid = (q_n // bq,)
    pos_d, neg_d = pl.pallas_call(
        _tc_body,
        grid=grid,
        in_specs=[
            pl.BlockSpec((d, bq), lambda i: (0, i)),
            pl.BlockSpec((d, bq), lambda i: (0, i)),
            pl.BlockSpec((d, bq // 128, 128), lambda i: (0, i, 0)),
            pl.BlockSpec((1, bq), lambda i: (0, i)),
            pl.BlockSpec((d, n_neg), lambda i: (0, 0)),
        ],
        out_specs=(
            pl.BlockSpec((bq,), lambda i: (i,)),
            pl.BlockSpec((bq, n_neg), lambda i: (i, 0)),
        ),
        out_shape=(
            jax.ShapeDtypeStruct((q_n,), jnp.float32),
            jax.ShapeDtypeStruct((q_n, n_neg), jnp.float32),
        ),
    )(query_embeds.T, pos_target_embeds.T,
      rel_t.reshape(d, q_n // 128, 128), sgn, neg_target_embeds.T)
    return (pos_d, neg_d)

# --- scband reference (transcript-rebuilt; emitter-appended) ---
"""Pipeline reference for scband-trans-edecoder-44616120271612 (READ-ONLY COPY).

The authoritative reference and input builder live on the scoring server;
editing this copy changes nothing except your own understanding.
"""

import jax, jax.numpy as jnp
import numpy as np

Q = 16384
D = 16
NUM_NEGS = 1024
NUM_RELATIONS = 100000
P = 2


def _normalize(x):
    n = jnp.linalg.norm(x, ord=2, axis=-1, keepdims=True)
    return x / jnp.maximum(n, 1e-12)


def _distance(head, rel, tail, p):
    head = _normalize(head)
    tail = _normalize(tail)
    return jnp.linalg.norm(head + rel - tail, ord=p, axis=-1)


def setup_inputs(seed: int = 0) -> dict:
    key = jax.random.key(seed)
    k1, k2, k3, k4, k5, k6 = jax.random.split(key, 6)
    query_embeds = jax.random.normal(k1, (Q, D), dtype=jnp.float32)
    pos_target_embeds = jax.random.normal(k2, (Q, D), dtype=jnp.float32)
    neg_target_embeds = jax.random.normal(k3, (NUM_NEGS, D), dtype=jnp.float32)
    r_type = jax.random.randint(k4, (Q,), 0, NUM_RELATIONS, dtype=jnp.int32)
    is_head_prediction = jax.random.randint(k5, (Q,), 0, 2, dtype=jnp.int32).astype(bool)
    bound = 6.0 / float(np.sqrt(D))
    relation_table = jax.random.uniform(k6, (NUM_RELATIONS, D), dtype=jnp.float32, minval=-bound, maxval=bound)
    return {
        'query_embeds': query_embeds,
        'pos_target_embeds': pos_target_embeds,
        'neg_target_embeds': neg_target_embeds,
        'relation_table': relation_table,
        'r_type': r_type,
        'is_head_prediction': is_head_prediction,
    }


def reference(query_embeds, pos_target_embeds, neg_target_embeds, relation_table, r_type, is_head_prediction):
    # embedding gather: relation vectors
    relation_embeds = jnp.take(relation_table, r_type, axis=0)  # (Q, D)

    ihp = is_head_prediction.reshape(-1, 1)
    head_embeds = jnp.where(ihp, pos_target_embeds, query_embeds)
    tail_embeds = jnp.where(ihp, query_embeds, pos_target_embeds)
    pos_distances = _distance(head_embeds, relation_embeds, tail_embeds, P)  # (Q,)

    neg_t = neg_target_embeds.reshape(1, -1, neg_target_embeds.shape[1])  # (1, N, D)
    q = query_embeds.reshape(-1, 1, query_embeds.shape[1])                 # (Q, 1, D)
    r = relation_embeds.reshape(-1, 1, relation_embeds.shape[1])           # (Q, 1, D)

    head_pred_distances = _distance(neg_t, r, q, P)  # (Q, N)
    tail_pred_distances = _distance(q, r, neg_t, P)  # (Q, N)

    neg_distances = jnp.where(ihp, head_pred_distances, tail_pred_distances)
    neg_distances = neg_distances.astype(query_embeds.dtype)

    return (-1.0 * pos_distances, -1.0 * neg_distances)

if __name__ == "__main__":
    import jax
    _d = setup_inputs()
    print(jax.jit(kernel)(*tuple(_d.values())))

</pallas_src>

<mosaic_0001>
#map = affine_map<(d0, d1) -> (0, 0)>
module attributes {stable_mosaic.version = 14 : i64} {
  func.func @gather_kernel(%arg0: i32, %arg1: i32, %arg2: memref<16x100000xf32, #tpu.memory_space<hbm>>, %arg3: memref<128x128xi32, #tpu.memory_space<hbm>>, %arg4: memref<16x16384xf32, #tpu.memory_space<hbm>>, %arg5: memref<4x128xi32, #tpu.memory_space<vmem>>, %arg6: memref<16x512xf32, #tpu.memory_space<vmem>>, %arg7: memref<!tpu.dma_semaphore, #tpu.memory_space<semaphore_mem>>, %arg8: memref<!tpu.dma_semaphore, #tpu.memory_space<semaphore_mem>>) attributes {dimension_semantics = [#tpu.dimension_semantics<core_parallel>, #tpu.dimension_semantics<subcore_parallel>], iteration_bounds = array<i64: 2, 16>, scalar_prefetch = 0 : i64, scratch_operands = 4 : i64, tpu.core_type = #tpu.core_type<sc_vector_subcore>, window_params = [{transform_indices = #map}, {transform_indices = #map}, {transform_indices = #map}]} {
    %mul3A = arith.constant 2 : i32
    %mul3A_0 = arith.muli %arg1, %mul3A : i32
    %add3A = arith.addi %mul3A_0, %arg0 : i32
    %mul3A_1 = arith.constant 4 : i32
    %mul3A_2 = arith.muli %add3A, %mul3A_1 : i32
    "tpu.region"() ({
      %run_scoped3A = tpu.sem_alloc : memref<!tpu.dma_semaphore, #tpu.memory_space<semaphore_mem>>
      %dma_start3A_1795 = arith.constant 0 : i32
      %dma_start3A_1796 = tpu.memref_slice %arg3[%mul3A_2, %dma_start3A_1795] : memref<128x128xi32, #tpu.memory_space<hbm>> -> memref<4x128xi32, #tpu.memory_space<hbm>>
      %dma_start3A_1797 = arith.constant 0 : i32
      %dma_start3A_1798 = tpu.memref_slice %arg3[%mul3A_2, %dma_start3A_1797] : memref<128x128xi32, #tpu.memory_space<hbm>> -> memref<4x128xi32, #tpu.memory_space<hbm>>
      tpu.enqueue_dma source(%dma_start3A_1798 : memref<4x128xi32, #tpu.memory_space<hbm>>) target(%arg5 : memref<4x128xi32, #tpu.memory_space<vmem>>) target_semaphore(%run_scoped3A : memref<!tpu.dma_semaphore, #tpu.memory_space<semaphore_mem>>)
      %dma_wait3A_1799 = arith.constant 0 : i32
      %dma_wait3A_1800 = tpu.memref_slice %arg3[%mul3A_2, %dma_wait3A_1799] : memref<128x128xi32, #tpu.memory_space<hbm>> -> memref<4x128xi32, #tpu.memory_space<hbm>>
      %dma_wait3A_1801 = arith.constant 0 : i32
      %dma_wait3A_1802 = tpu.memref_slice %arg3[%mul3A_2, %dma_wait3A_1801] : memref<128x128xi32, #tpu.memory_space<hbm>> -> memref<4x128xi32, #tpu.memory_space<hbm>>
      tpu.wait_dma2 semaphore(%run_scoped3A : memref<!tpu.dma_semaphore, #tpu.memory_space<semaphore_mem>>) src(%dma_wait3A_1802 : memref<4x128xi32, #tpu.memory_space<hbm>>) dst(%arg5 : memref<4x128xi32, #tpu.memory_space<vmem>>)
      tpu.yield
    }) : () -> ()
    %dma_start3A = arith.constant 0 : i32
    %dma_start3A_3 = arith.constant 0 : i32
    %dma_start3A_4 = arith.constant 0 : i32
    %dma_start3A_5 = arith.constant 0 : i32
    %dma_start3A_6 = tpu.memref_slice %arg6[%dma_start3A_4, %dma_start3A_5] : memref<16x512xf32, #tpu.memory_space<vmem>> -> memref<1x128xf32, #tpu.memory_space<vmem>>
    %dma_start3A_7 = tpu.memref_squeeze %dma_start3A_6 : memref<1x128xf32, #tpu.memory_space<vmem>> -> memref<128xf32, #tpu.memory_space<vmem>>
    %dma_start3A_8 = arith.constant 0 : i32
    %dma_start3A_9 = tpu.memref_slice %arg5[%dma_start3A_3, %dma_start3A_8] : memref<4x128xi32, #tpu.memory_space<vmem>> -> memref<1x128xi32, #tpu.memory_space<vmem>>
    %dma_start3A_10 = tpu.memref_squeeze %dma_start3A_9 : memref<1x128xi32, #tpu.memory_space<vmem>> -> memref<128xi32, #tpu.memory_space<vmem>>
    %dma_start3A_11 = arith.constant 0 : i32
    %dma_start3A_12 = tpu.memref_slice %arg2[%dma_start3A, %dma_start3A_11] : memref<16x100000xf32, #tpu.memory_space<hbm>> -> memref<1x100000xf32, #tpu.memory_space<hbm>>
    %dma_start3A_13 = tpu.memref_squeeze %dma_start3A_12 : memref<1x100000xf32, #tpu.memory_space<hbm>> -> memref<100000xf32, #tpu.memory_space<hbm>>
    %dma_start3A_14 = arith.constant 0 : i32
    %dma_start3A_15 = tpu.memref_slice %dma_start3A_13[%dma_start3A_14] : memref<100000xf32, #tpu.memory_space<hbm>> -> memref<100000xf32, #tpu.memory_space<hbm>>
    tpu.enqueue_indirect_dma source(%dma_start3A_15 : memref<100000xf32, #tpu.memory_space<hbm>>) target(%dma_start3A_7 : memref<128xf32, #tpu.memory_space<vmem>>) offsets(%dma_start3A_10 : memref<128xi32, #tpu.memory_space<vmem>>) semaphore(%arg7 : memref<!tpu.dma_semaphore, #tpu.memory_space<semaphore_mem>>)
    %dma_start3A_16 = arith.constant 1 : i32
    %dma_start3A_17 = arith.constant 0 : i32
    %dma_start3A_18 = arith.constant 1 : i32
    %dma_start3A_19 = arith.constant 0 : i32
    %dma_start3A_20 = tpu.memref_slice %arg6[%dma_start3A_18, %dma_start3A_19] : memref<16x512xf32, #tpu.memory_space<vmem>> -> memref<1x128xf32, #tpu.memory_space<vmem>>
    %dma_start3A_21 = tpu.memref_squeeze %dma_start3A_20 : memref<1x128xf32, #tpu.memory_space<vmem>> -> memref<128xf32, #tpu.memory_space<vmem>>
    %dma_start3A_22 = arith.constant 0 : i32
    %dma_start3A_23 = tpu.memref_slice %arg5[%dma_start3A_17, %dma_start3A_22] : memref<4x128xi32, #tpu.memory_space<vmem>> -> memref<1x128xi32, #tpu.memory_space<vmem>>
    %dma_start3A_24 = tpu.memref_squeeze %dma_start3A_23 : memref<1x128xi32, #tpu.memory_space<vmem>> -> memref<128xi32, #tpu.memory_space<vmem>>
    %dma_start3A_25 = arith.constant 0 : i32
    %dma_start3A_26 = tpu.memref_slice %arg2[%dma_start3A_16, %dma_start3A_25] : memref<16x100000xf32, #tpu.memory_space<hbm>> -> memref<1x100000xf32, #tpu.memory_space<hbm>>
    %dma_start3A_27 = tpu.memref_squeeze %dma_start3A_26 : memref<1x100000xf32, #tpu.memory_space<hbm>> -> memref<100000xf32, #tpu.memory_space<hbm>>
    %dma_start3A_28 = arith.constant 0 : i32
    %dma_start3A_29 = tpu.memref_slice %dma_start3A_27[%dma_start3A_28] : memref<100000xf32, #tpu.memory_space<hbm>> -> memref<100000xf32, #tpu.memory_space<hbm>>
    tpu.enqueue_indirect_dma source(%dma_start3A_29 : memref<100000xf32, #tpu.memory_space<hbm>>) target(%dma_start3A_21 : memref<128xf32, #tpu.memory_space<vmem>>) offsets(%dma_start3A_24 : memref<128xi32, #tpu.memory_space<vmem>>) semaphore(%arg7 : memref<!tpu.dma_semaphore, #tpu.memory_space<semaphore_mem>>)
    %dma_start3A_30 = arith.constant 2 : i32
    %dma_start3A_31 = arith.constant 0 : i32
    %dma_start3A_32 = arith.constant 2 : i32
    %dma_start3A_33 = arith.constant 0 : i32
    %dma_start3A_34 = tpu.memref_slice %arg6[%dma_start3A_32, %dma_start3A_33] : memref<16x512xf32, #tpu.memory_space<vmem>> -> memref<1x128xf32, #tpu.memory_space<vmem>>
    %dma_start3A_35 = tpu.memref_squeeze %dma_start3A_34 : memref<1x128xf32, #tpu.memory_space<vmem>> -> memref<128xf32, #tpu.memory_space<vmem>>
    %dma_start3A_36 = arith.constant 0 : i32
    %dma_start3A_37 = tpu.memref_slice %arg5[%dma_start3A_31, %dma_start3A_36] : memref<4x128xi32, #tpu.memory_space<vmem>> -> memref<1x128xi32, #tpu.memory_space<vmem>>
    %dma_start3A_38 = tpu.memref_squeeze %dma_start3A_37 : memref<1x128xi32, #tpu.memory_space<vmem>> -> memref<128xi32, #tpu.memory_space<vmem>>
    %dma_start3A_39 = arith.constant 0 : i32
    %dma_start3A_40 = tpu.memref_slice %arg2[%dma_start3A_30, %dma_start3A_39] : memref<16x100000xf32, #tpu.memory_space<hbm>> -> memref<1x100000xf32, #tpu.memory_space<hbm>>
    %dma_start3A_41 = tpu.memref_squeeze %dma_start3A_40 : memref<1x100000xf32, #tpu.memory_space<hbm>> -> memref<100000xf32, #tpu.memory_space<hbm>>
    %dma_start3A_42 = arith.constant 0 : i32
    %dma_start3A_43 = tpu.memref_slice %dma_start3A_41[%dma_start3A_42] : memref<100000xf32, #tpu.memory_space<hbm>> -> memref<100000xf32, #tpu.memory_space<hbm>>
    tpu.enqueue_indirect_dma source(%dma_start3A_43 : memref<100000xf32, #tpu.memory_space<hbm>>) target(%dma_start3A_35 : memref<128xf32, #tpu.memory_space<vmem>>) offsets(%dma_start3A_38 : memref<128xi32, #tpu.memory_space<vmem>>) semaphore(%arg7 : memref<!tpu.dma_semaphore, #tpu.memory_space<semaphore_mem>>)
    %dma_start3A_44 = arith.constant 3 : i32
    %dma_start3A_45 = arith.constant 0 : i32
    %dma_start3A_46 = arith.constant 3 : i32
    %dma_start3A_47 = arith.constant 0 : i32
    %dma_start3A_48 = tpu.memref_slice %arg6[%dma_start3A_46, %dma_start3A_47] : memref<16x512xf32, #tpu.memory_space<vmem>> -> memref<1x128xf32, #tpu.memory_space<vmem>>
    %dma_start3A_49 = tpu.memref_squeeze %dma_start3A_48 : memref<1x128xf32, #tpu.memory_space<vmem>> -> memref<128xf32, #tpu.memory_space<vmem>>
    %dma_start3A_50 = arith.constant 0 : i32
    %dma_start3A_51 = tpu.memref_slice %arg5[%dma_start3A_45, %dma_start3A_50] : memref<4x128xi32, #tpu.memory_space<vmem>> -> memref<1x128xi32, #tpu.memory_space<vmem>>
    %dma_start3A_52 = tpu.memref_squeeze %dma_start3A_51 : memref<1x128xi32, #tpu.memory_space<vmem>> -> memref<128xi32, #tpu.memory_space<vmem>>
    %dma_start3A_53 = arith.constant 0 : i32
    %dma_start3A_54 = tpu.memref_slice %arg2[%dma_start3A_44, %dma_start3A_53] : memref<16x100000xf32, #tpu.memory_space<hbm>> -> memref<1x100000xf32, #tpu.memory_space<hbm>>
    %dma_start3A_55 = tpu.memref_squeeze %dma_start3A_54 : memref<1x100000xf32, #tpu.memory_space<hbm>> -> memref<100000xf32, #tpu.memory_space<hbm>>
    %dma_start3A_56 = arith.constant 0 : i32
    %dma_start3A_57 = tpu.memref_slice %dma_start3A_55[%dma_start3A_56] : memref<100000xf32, #tpu.memory_space<hbm>> -> memref<100000xf32, #tpu.memory_space<hbm>>
    tpu.enqueue_indirect_dma source(%dma_start3A_57 : memref<100000xf32, #tpu.memory_space<hbm>>) target(%dma_start3A_49 : memref<128xf32, #tpu.memory_space<vmem>>) offsets(%dma_start3A_52 : memref<128xi32, #tpu.memory_space<vmem>>) semaphore(%arg7 : memref<!tpu.dma_semaphore, #tpu.memory_space<semaphore_mem>>)
    %dma_start3A_58 = arith.constant 4 : i32
    %dma_start3A_59 = arith.constant 0 : i32
    %dma_start3A_60 = arith.constant 4 : i32
    %dma_start3A_61 = arith.constant 0 : i32
    %dma_start3A_62 = tpu.memref_slice %arg6[%dma_start3A_60, %dma_start3A_61] : memref<16x512xf32, #tpu.memory_space<vmem>> -> memref<1x128xf32, #tpu.memory_space<vmem>>
    %dma_start3A_63 = tpu.memref_squeeze %dma_start3A_62 : memref<1x128xf32, #tpu.memory_space<vmem>> -> memref<128xf32, #tpu.memory_space<vmem>>
    %dma_start3A_64 = arith.constant 0 : i32
    %dma_start3A_65 = tpu.memref_slice %arg5[%dma_start3A_59, %dma_start3A_64] : memref<4x128xi32, #tpu.memory_space<vmem>> -> memref<1x128xi32, #tpu.memory_space<vmem>>
    %dma_start3A_66 = tpu.memref_squeeze %dma_start3A_65 : memref<1x128xi32, #tpu.memory_space<vmem>> -> memref<128xi32, #tpu.memory_space<vmem>>
    %dma_start3A_67 = arith.constant 0 : i32
    %dma_start3A_68 = tpu.memref_slice %arg2[%dma_start3A_58, %dma_start3A_67] : memref<16x100000xf32, #tpu.memory_space<hbm>> -> memref<1x100000xf32, #tpu.memory_space<hbm>>
    %dma_start3A_69 = tpu.memref_squeeze %dma_start3A_68 : memref<1x100000xf32, #tpu.memory_space<hbm>> -> memref<100000xf32, #tpu.memory_space<hbm>>
    %dma_start3A_70 = arith.constant 0 : i32
    %dma_start3A_71 = tpu.memref_slice %dma_start3A_69[%dma_start3A_70] : memref<100000xf32, #tpu.memory_space<hbm>> -> memref<100000xf32, #tpu.memory_space<hbm>>
    tpu.enqueue_indirect_dma source(%dma_start3A_71 : memref<100000xf32, #tpu.memory_space<hbm>>) target(%dma_start3A_63 : memref<128xf32, #tpu.memory_space<vmem>>) offsets(%dma_start3A_66 : memref<128xi32, #tpu.memory_space<vmem>>) semaphore(%arg7 : memref<!tpu.dma_semaphore, #tpu.memory_space<semaphore_mem>>)
    %dma_start3A_72 = arith.constant 5 : i32
    %dma_start3A_73 = arith.constant 0 : i32
    %dma_start3A_74 = arith.constant 5 : i32
    %dma_start3A_75 = arith.constant 0 : i32
    %dma_start3A_76 = tpu.memref_slice %arg6[%dma_start3A_74, %dma_start3A_75] : memref<16x512xf32, #tpu.memory_space<vmem>> -> memref<1x128xf32, #tpu.memory_space<vmem>>
    %dma_start3A_77 = tpu.memref_squeeze %dma_start3A_76 : memref<1x128xf32, #tpu.memory_space<vmem>> -> memref<128xf32, #tpu.memory_space<vmem>>
    %dma_start3A_78 = arith.constant 0 : i32
    %dma_start3A_79 = tpu.memref_slice %arg5[%dma_start3A_73, %dma_start3A_78] : memref<4x128xi32, #tpu.memory_space<vmem>> -> memref<1x128xi32, #tpu.memory_space<vmem>>
    %dma_start3A_80 = tpu.memref_squeeze %dma_start3A_79 : memref<1x128xi32, #tpu.memory_space<vmem>> -> memref<128xi32, #tpu.memory_space<vmem>>
    %dma_start3A_81 = arith.constant 0 : i32
    %dma_start3A_82 = tpu.memref_slice %arg2[%dma_start3A_72, %dma_start3A_81] : memref<16x100000xf32, #tpu.memory_space<hbm>> -> memref<1x100000xf32, #tpu.memory_space<hbm>>
    %dma_start3A_83 = tpu.memref_squeeze %dma_start3A_82 : memref<1x100000xf32, #tpu.memory_space<hbm>> -> memref<100000xf32, #tpu.memory_space<hbm>>
    %dma_start3A_84 = arith.constant 0 : i32
    %dma_start3A_85 = tpu.memref_slice %dma_start3A_83[%dma_start3A_84] : memref<100000xf32, #tpu.memory_space<hbm>> -> memref<100000xf32, #tpu.memory_space<hbm>>
    tpu.enqueue_indirect_dma source(%dma_start3A_85 : memref<100000xf32, #tpu.memory_space<hbm>>) target(%dma_start3A_77 : memref<128xf32, #tpu.memory_space<vmem>>) offsets(%dma_start3A_80 : memref<128xi32, #tpu.memory_space<vmem>>) semaphore(%arg7 : memref<!tpu.dma_semaphore, #tpu.memory_space<semaphore_mem>>)
    %dma_start3A_86 = arith.constant 6 : i32
    %dma_start3A_87 = arith.constant 0 : i32
    %dma_start3A_88 = arith.constant 6 : i32
    %dma_start3A_89 = arith.constant 0 : i32
    %dma_start3A_90 = tpu.memref_slice %arg6[%dma_start3A_88, %dma_start3A_89] : memref<16x512xf32, #tpu.memory_space<vmem>> -> memref<1x128xf32, #tpu.memory_space<vmem>>
    %dma_start3A_91 = tpu.memref_squeeze %dma_start3A_90 : memref<1x128xf32, #tpu.memory_space<vmem>> -> memref<128xf32, #tpu.memory_space<vmem>>
    %dma_start3A_92 = arith.constant 0 : i32
    %dma_start3A_93 = tpu.memref_slice %arg5[%dma_start3A_87, %dma_start3A_92] : memref<4x128xi32, #tpu.memory_space<vmem>> -> memref<1x128xi32, #tpu.memory_space<vmem>>
    %dma_start3A_94 = tpu.memref_squeeze %dma_start3A_93 : memref<1x128xi32, #tpu.memory_space<vmem>> -> memref<128xi32, #tpu.memory_space<vmem>>
    %dma_start3A_95 = arith.constant 0 : i32
    %dma_start3A_96 = tpu.memref_slice %arg2[%dma_start3A_86, %dma_start3A_95] : memref<16x100000xf32, #tpu.memory_space<hbm>> -> memref<1x100000xf32, #tpu.memory_space<hbm>>
    %dma_start3A_97 = tpu.memref_squeeze %dma_start3A_96 : memref<1x100000xf32, #tpu.memory_space<hbm>> -> memref<100000xf32, #tpu.memory_space<hbm>>
    %dma_start3A_98 = arith.constant 0 : i32
    %dma_start3A_99 = tpu.memref_slice %dma_start3A_97[%dma_start3A_98] : memref<100000xf32, #tpu.memory_space<hbm>> -> memref<100000xf32, #tpu.memory_space<hbm>>
    tpu.enqueue_indirect_dma source(%dma_start3A_99 : memref<100000xf32, #tpu.memory_space<hbm>>) target(%dma_start3A_91 : memref<128xf32, #tpu.memory_space<vmem>>) offsets(%dma_start3A_94 : memref<128xi32, #tpu.memory_space<vmem>>) semaphore(%arg7 : memref<!tpu.dma_semaphore, #tpu.memory_space<semaphore_mem>>)
    %dma_start3A_100 = arith.constant 7 : i32
    %dma_start3A_101 = arith.constant 0 : i32
    %dma_start3A_102 = arith.constant 7 : i32
    %dma_start3A_103 = arith.constant 0 : i32
    %dma_start3A_104 = tpu.memref_slice %arg6[%dma_start3A_102, %dma_start3A_103] : memref<16x512xf32, #tpu.memory_space<vmem>> -> memref<1x128xf32, #tpu.memory_space<vmem>>
    %dma_start3A_105 = tpu.memref_squeeze %dma_start3A_104 : memref<1x128xf32, #tpu.memory_space<vmem>> -> memref<128xf32, #tpu.memory_space<vmem>>
    %dma_start3A_106 = arith.constant 0 : i32
    %dma_start3A_107 = tpu.memref_slice %arg5[%dma_start3A_101, %dma_start3A_106] : memref<4x128xi32, #tpu.memory_space<vmem>> -> memref<1x128xi32, #tpu.memory_space<vmem>>
    %dma_start3A_108 = tpu.memref_squeeze %dma_start3A_107 : memref<1x128xi32, #tpu.memory_space<vmem>> -> memref<128xi32, #tpu.memory_space<vmem>>
    %dma_start3A_109 = arith.constant 0 : i32
    %dma_start3A_110 = tpu.memref_slice %arg2[%dma_start3A_100, %dma_start3A_109] : memref<16x100000xf32, #tpu.memory_space<hbm>> -> memref<1x100000xf32, #tpu.memory_space<hbm>>
    %dma_start3A_111 = tpu.memref_squeeze %dma_start3A_110 : memref<1x100000xf32, #tpu.memory_space<hbm>> -> memref<100000xf32, #tpu.memory_space<hbm>>
    %dma_start3A_112 = arith.constant 0 : i32
    %dma_start3A_113 = tpu.memref_slice %dma_start3A_111[%dma_start3A_112] : memref<100000xf32, #tpu.memory_space<hbm>> -> memref<100000xf32, #tpu.memory_space<hbm>>
    tpu.enqueue_indirect_dma source(%dma_start3A_113 : memref<100000xf32, #tpu.memory_space<hbm>>) target(%dma_start3A_105 : memref<128xf32, #tpu.memory_space<vmem>>) offsets(%dma_start3A_108 : memref<128xi32, #tpu.memory_space<vmem>>) semaphore(%arg7 : memref<!tpu.dma_semaphore, #tpu.memory_space<semaphore_mem>>)
    %dma_start3A_114 = arith.constant 8 : i32
    %dma_start3A_115 = arith.constant 0 : i32
    %dma_start3A_116 = arith.constant 8 : i32
    %dma_start3A_117 = arith.constant 0 : i32
    %dma_start3A_118 = tpu.memref_slice %arg6[%dma_start3A_116, %dma_start3A_117] : memref<16x512xf32, #tpu.memory_space<vmem>> -> memref<1x128xf32, #tpu.memory_space<vmem>>
    %dma_start3A_119 = tpu.memref_squeeze %dma_start3A_118 : memref<1x128xf32, #tpu.memory_space<vmem>> -> memref<128xf32, #tpu.memory_space<vmem>>
    %dma_start3A_120 = arith.constant 0 : i32
    %dma_start3A_121 = tpu.memref_slice %arg5[%dma_start3A_115, %dma_start3A_120] : memref<4x128xi32, #tpu.memory_space<vmem>> -> memref<1x128xi32, #tpu.memory_space<vmem>>
    %dma_start3A_122 = tpu.memref_squeeze %dma_start3A_121 : memref<1x128xi32, #tpu.memory_space<vmem>> -> memref<128xi32, #tpu.memory_space<vmem>>
    %dma_start3A_123 = arith.constant 0 : i32
    %dma_start3A_124 = tpu.memref_slice %arg2[%dma_start3A_114, %dma_start3A_123] : memref<16x100000xf32, #tpu.memory_space<hbm>> -> memref<1x100000xf32, #tpu.memory_space<hbm>>
    %dma_start3A_125 = tpu.memref_squeeze %dma_start3A_124 : memref<1x100000xf32, #tpu.memory_space<hbm>> -> memref<100000xf32, #tpu.memory_space<hbm>>
    %dma_start3A_126 = arith.constant 0 : i32
    %dma_start3A_127 = tpu.memref_slice %dma_start3A_125[%dma_start3A_126] : memref<100000xf32, #tpu.memory_space<hbm>> -> memref<100000xf32, #tpu.memory_space<hbm>>
    tpu.enqueue_indirect_dma source(%dma_start3A_127 : memref<100000xf32, #tpu.memory_space<hbm>>) target(%dma_start3A_119 : memref<128xf32, #tpu.memory_space<vmem>>) offsets(%dma_start3A_122 : memref<128xi32, #tpu.memory_space<vmem>>) semaphore(%arg7 : memref<!tpu.dma_semaphore, #tpu.memory_space<semaphore_mem>>)
    %dma_start3A_128 = arith.constant 9 : i32
    %dma_start3A_129 = arith.constant 0 : i32
    %dma_start3A_130 = arith.constant 9 : i32
    %dma_start3A_131 = arith.constant 0 : i32
    %dma_start3A_132 = tpu.memref_slice %arg6[%dma_start3A_130, %dma_start3A_131] : memref<16x512xf32, #tpu.memory_space<vmem>> -> memref<1x128xf32, #tpu.memory_space<vmem>>
    %dma_start3A_133 = tpu.memref_squeeze %dma_start3A_132 : memref<1x128xf32, #tpu.memory_space<vmem>> -> memref<128xf32, #tpu.memory_space<vmem>>
    %dma_start3A_134 = arith.constant 0 : i32
    %dma_start3A_135 = tpu.memref_slice %arg5[%dma_start3A_129, %dma_start3A_134] : memref<4x128xi32, #tpu.memory_space<vmem>> -> memref<1x128xi32, #tpu.memory_space<vmem>>
    %dma_start3A_136 = tpu.memref_squeeze %dma_start3A_135 : memref<1x128xi32, #tpu.memory_space<vmem>> -> memref<128xi32, #tpu.memory_space<vmem>>
    %dma_start3A_137 = arith.constant 0 : i32
    %dma_start3A_138 = tpu.memref_slice %arg2[%dma_start3A_128, %dma_start3A_137] : memref<16x100000xf32, #tpu.memory_space<hbm>> -> memref<1x100000xf32, #tpu.memory_space<hbm>>
    %dma_start3A_139 = tpu.memref_squeeze %dma_start3A_138 : memref<1x100000xf32, #tpu.memory_space<hbm>> -> memref<100000xf32, #tpu.memory_space<hbm>>
    %dma_start3A_140 = arith.constant 0 : i32
    %dma_start3A_141 = tpu.memref_slice %dma_start3A_139[%dma_start3A_140] : memref<100000xf32, #tpu.memory_space<hbm>> -> memref<100000xf32, #tpu.memory_space<hbm>>
    tpu.enqueue_indirect_dma source(%dma_start3A_141 : memref<100000xf32, #tpu.memory_space<hbm>>) target(%dma_start3A_133 : memref<128xf32, #tpu.memory_space<vmem>>) offsets(%dma_start3A_136 : memref<128xi32, #tpu.memory_space<vmem>>) semaphore(%arg7 : memref<!tpu.dma_semaphore, #tpu.memory_space<semaphore_mem>>)
    %dma_start3A_142 = arith.constant 10 : i32
    %dma_start3A_143 = arith.constant 0 : i32
    %dma_start3A_144 = arith.constant 10 : i32
    %dma_start3A_145 = arith.constant 0 : i32
    %dma_start3A_146 = tpu.memref_slice %arg6[%dma_start3A_144, %dma_start3A_145] : memref<16x512xf32, #tpu.memory_space<vmem>> -> memref<1x128xf32, #tpu.memory_space<vmem>>
    %dma_start3A_147 = tpu.memref_squeeze %dma_start3A_146 : memref<1x128xf32, #tpu.memory_space<vmem>> -> memref<128xf32, #tpu.memory_space<vmem>>
    %dma_start3A_148 = arith.constant 0 : i32
    %dma_start3A_149 = tpu.memref_slice %arg5[%dma_start3A_143, %dma_start3A_148] : memref<4x128xi32, #tpu.memory_space<vmem>> -> memref<1x128xi32, #tpu.memory_space<vmem>>
    %dma_start3A_150 = tpu.memref_squeeze %dma_start3A_149 : memref<1x128xi32, #tpu.memory_space<vmem>> -> memref<128xi32, #tpu.memory_space<vmem>>
    %dma_start3A_151 = arith.constant 0 : i32
    %dma_start3A_152 = tpu.memref_slice %arg2[%dma_start3A_142, %dma_start3A_151] : memref<16x100000xf32, #tpu.memory_space<hbm>> -> memref<1x100000xf32, #tpu.memory_space<hbm>>
    %dma_start3A_153 = tpu.memref_squeeze %dma_start3A_152 : memref<1x100000xf32, #tpu.memory_space<hbm>> -> memref<100000xf32, #tpu.memory_space<hbm>>
    %dma_start3A_154 = arith.constant 0 : i32
    %dma_start3A_155 = tpu.memref_slice %dma_start3A_153[%dma_start3A_154] : memref<100000xf32, #tpu.memory_space<hbm>> -> memref<100000xf32, #tpu.memory_space<hbm>>
    tpu.enqueue_indirect_dma source(%dma_start3A_155 : memref<100000xf32, #tpu.memory_space<hbm>>) target(%dma_start3A_147 : memref<128xf32, #tpu.memory_space<vmem>>) offsets(%dma_start3A_150 : memref<128xi32, #tpu.memory_space<vmem>>) semaphore(%arg7 : memref<!tpu.dma_semaphore, #tpu.memory_space<semaphore_mem>>)
    %dma_start3A_156 = arith.constant 11 : i32
    %dma_start3A_157 = arith.constant 0 : i32
    %dma_start3A_158 = arith.constant 11 : i32
    %dma_start3A_159 = arith.constant 0 : i32
    %dma_start3A_160 = tpu.memref_slice %arg6[%dma_start3A_158, %dma_start3A_159] : memref<16x512xf32, #tpu.memory_space<vmem>> -> memref<1x128xf32, #tpu.memory_space<vmem>>
    %dma_start3A_161 = tpu.memref_squeeze %dma_start3A_160 : memref<1x128xf32, #tpu.memory_space<vmem>> -> memref<128xf32, #tpu.memory_space<vmem>>
    %dma_start3A_162 = arith.constant 0 : i32
    %dma_start3A_163 = tpu.memref_slice %arg5[%dma_start3A_157, %dma_start3A_162] : memref<4x128xi32, #tpu.memory_space<vmem>> -> memref<1x128xi32, #tpu.memory_space<vmem>>
    %dma_start3A_164 = tpu.memref_squeeze %dma_start3A_163 : memref<1x128xi32, #tpu.memory_space<vmem>> -> memref<128xi32, #tpu.memory_space<vmem>>
    %dma_start3A_165 = arith.constant 0 : i32
    %dma_start3A_166 = tpu.memref_slice %arg2[%dma_start3A_156, %dma_start3A_165] : memref<16x100000xf32, #tpu.memory_space<hbm>> -> memref<1x100000xf32, #tpu.memory_space<hbm>>
    %dma_start3A_167 = tpu.memref_squeeze %dma_start3A_166 : memref<1x100000xf32, #tpu.memory_space<hbm>> -> memref<100000xf32, #tpu.memory_space<hbm>>
    %dma_start3A_168 = arith.constant 0 : i32
    %dma_start3A_169 = tpu.memref_slice %dma_start3A_167[%dma_start3A_168] : memref<100000xf32, #tpu.memory_space<hbm>> -> memref<100000xf32, #tpu.memory_space<hbm>>
    tpu.enqueue_indirect_dma source(%dma_start3A_169 : memref<100000xf32, #tpu.memory_space<hbm>>) target(%dma_start3A_161 : memref<128xf32, #tpu.memory_space<vmem>>) offsets(%dma_start3A_164 : memref<128xi32, #tpu.memory_space<vmem>>) semaphore(%arg7 : memref<!tpu.dma_semaphore, #tpu.memory_space<semaphore_mem>>)
    %dma_start3A_170 = arith.constant 12 : i32
    %dma_start3A_171 = arith.constant 0 : i32
    %dma_start3A_172 = arith.constant 12 : i32
    %dma_start3A_173 = arith.constant 0 : i32
    %dma_start3A_174 = tpu.memref_slice %arg6[%dma_start3A_172, %dma_start3A_173] : memref<16x512xf32, #tpu.memory_space<vmem>> -> memref<1x128xf32, #tpu.memory_space<vmem>>
    %dma_start3A_175 = tpu.memref_squeeze %dma_start3A_174 : memref<1x128xf32, #tpu.memory_space<vmem>> -> memref<128xf32, #tpu.memory_space<vmem>>
    %dma_start3A_176 = arith.constant 0 : i32
    %dma_start3A_177 = tpu.memref_slice %arg5[%dma_start3A_171, %dma_start3A_176] : memref<4x128xi32, #tpu.memory_space<vmem>> -> memref<1x128xi32, #tpu.memory_space<vmem>>
    %dma_start3A_178 = tpu.memref_squeeze %dma_start3A_177 : memref<1x128xi32, #tpu.memory_space<vmem>> -> memref<128xi32, #tpu.memory_space<vmem>>
    %dma_start3A_179 = arith.constant 0 : i32
    %dma_start3A_180 = tpu.memref_slice %arg2[%dma_start3A_170, %dma_start3A_179] : memref<16x100000xf32, #tpu.memory_space<hbm>> -> memref<1x100000xf32, #tpu.memory_space<hbm>>
    %dma_start3A_181 = tpu.memref_squeeze %dma_start3A_180 : memref<1x100000xf32, #tpu.memory_space<hbm>> -> memref<100000xf32, #tpu.memory_space<hbm>>
    %dma_start3A_182 = arith.constant 0 : i32
    %dma_start3A_183 = tpu.memref_slice %dma_start3A_181[%dma_start3A_182] : memref<100000xf32, #tpu.memory_space<hbm>> -> memref<100000xf32, #tpu.memory_space<hbm>>
    tpu.enqueue_indirect_dma source(%dma_start3A_183 : memref<100000xf32, #tpu.memory_space<hbm>>) target(%dma_start3A_175 : memref<128xf32, #tpu.memory_space<vmem>>) offsets(%dma_start3A_178 : memref<128xi32, #tpu.memory_space<vmem>>) semaphore(%arg7 : memref<!tpu.dma_semaphore, #tpu.memory_space<semaphore_mem>>)
    %dma_start3A_184 = arith.constant 13 : i32
    %dma_start3A_185 = arith.constant 0 : i32
    %dma_start3A_186 = arith.constant 13 : i32
    %dma_start3A_187 = arith.constant 0 : i32
    %dma_start3A_188 = tpu.memref_slice %arg6[%dma_start3A_186, %dma_start3A_187] : memref<16x512xf32, #tpu.memory_space<vmem>> -> memref<1x128xf32, #tpu.memory_space<vmem>>
    %dma_start3A_189 = tpu.memref_squeeze %dma_start3A_188 : memref<1x128xf32, #tpu.memory_space<vmem>> -> memref<128xf32, #tpu.memory_space<vmem>>
    %dma_start3A_190 = arith.constant 0 : i32
    %dma_start3A_191 = tpu.memref_slice %arg5[%dma_start3A_185, %dma_start3A_190] : memref<4x128xi32, #tpu.memory_space<vmem>> -> memref<1x128xi32, #tpu.memory_space<vmem>>
    %dma_start3A_192 = tpu.memref_squeeze %dma_start3A_191 : memref<1x128xi32, #tpu.memory_space<vmem>> -> memref<128xi32, #tpu.memory_space<vmem>>
    %dma_start3A_193 = arith.constant 0 : i32
    %dma_start3A_194 = tpu.memref_slice %arg2[%dma_start3A_184, %dma_start3A_193] : memref<16x100000xf32, #tpu.memory_space<hbm>> -> memref<1x100000xf32, #tpu.memory_space<hbm>>
    %dma_start3A_195 = tpu.memref_squeeze %dma_start3A_194 : memref<1x100000xf32, #tpu.memory_space<hbm>> -> memref<100000xf32, #tpu.memory_space<hbm>>
    %dma_start3A_196 = arith.constant 0 : i32
    %dma_start3A_197 = tpu.memref_slice %dma_start3A_195[%dma_start3A_196] : memref<100000xf32, #tpu.memory_space<hbm>> -> memref<100000xf32, #tpu.memory_space<hbm>>
    tpu.enqueue_indirect_dma source(%dma_start3A_197 : memref<100000xf32, #tpu.memory_space<hbm>>) target(%dma_start3A_189 : memref<128xf32, #tpu.memory_space<vmem>>) offsets(%dma_start3A_192 : memref<128xi32, #tpu.memory_space<vmem>>) semaphore(%arg7 : memref<!tpu.dma_semaphore, #tpu.memory_space<semaphore_mem>>)
    %dma_start3A_198 = arith.constant 14 : i32
    %dma_start3A_199 = arith.constant 0 : i32
    %dma_start3A_200 = arith.constant 14 : i32
    %dma_start3A_201 = arith.constant 0 : i32
    %dma_start3A_202 = tpu.memref_slice %arg6[%dma_start3A_200, %dma_start3A_201] : memref<16x512xf32, #tpu.memory_space<vmem>> -> memref<1x128xf32, #tpu.memory_space<vmem>>
    %dma_start3A_203 = tpu.memref_squeeze %dma_start3A_202 : memref<1x128xf32, #tpu.memory_space<vmem>> -> memref<128xf32, #tpu.memory_space<vmem>>
    %dma_start3A_204 = arith.constant 0 : i32
    %dma_start3A_205 = tpu.memref_slice %arg5[%dma_start3A_199, %dma_start3A_204] : memref<4x128xi32, #tpu.memory_space<vmem>> -> memref<1x128xi32, #tpu.memory_space<vmem>>
    %dma_start3A_206 = tpu.memref_squeeze %dma_start3A_205 : memref<1x128xi32, #tpu.memory_space<vmem>> -> memref<128xi32, #tpu.memory_space<vmem>>
    %dma_start3A_207 = arith.constant 0 : i32
    %dma_start3A_208 = tpu.memref_slice %arg2[%dma_start3A_198, %dma_start3A_207] : memref<16x100000xf32, #tpu.memory_space<hbm>> -> memref<1x100000xf32, #tpu.memory_space<hbm>>
    %dma_start3A_209 = tpu.memref_squeeze %dma_start3A_208 : memref<1x100000xf32, #tpu.memory_space<hbm>> -> memref<100000xf32, #tpu.memory_space<hbm>>
    %dma_start3A_210 = arith.constant 0 : i32
    %dma_start3A_211 = tpu.memref_slice %dma_start3A_209[%dma_start3A_210] : memref<100000xf32, #tpu.memory_space<hbm>> -> memref<100000xf32, #tpu.memory_space<hbm>>
    tpu.enqueue_indirect_dma source(%dma_start3A_211 : memref<100000xf32, #tpu.memory_space<hbm>>) target(%dma_start3A_203 : memref<128xf32, #tpu.memory_space<vmem>>) offsets(%dma_start3A_206 : memref<128xi32, #tpu.memory_space<vmem>>) semaphore(%arg7 : memref<!tpu.dma_semaphore, #tpu.memory_space<semaphore_mem>>)
    %dma_start3A_212 = arith.constant 15 : i32
    %dma_start3A_213 = arith.constant 0 : i32
    %dma_start3A_214 = arith.constant 15 : i32
    %dma_start3A_215 = arith.constant 0 : i32
    %dma_start3A_216 = tpu.memref_slice %arg6[%dma_start3A_214, %dma_start3A_215] : memref<16x512xf32, #tpu.memory_space<vmem>> -> memref<1x128xf32, #tpu.memory_space<vmem>>
    %dma_start3A_217 = tpu.memref_squeeze %dma_start3A_216 : memref<1x128xf32, #tpu.memory_space<vmem>> -> memref<128xf32, #tpu.memory_space<vmem>>
    %dma_start3A_218 = arith.constant 0 : i32
    %dma_start3A_219 = tpu.memref_slice %arg5[%dma_start3A_213, %dma_start3A_218] : memref<4x128xi32, #tpu.memory_space<vmem>> -> memref<1x128xi32, #tpu.memory_space<vmem>>
    %dma_start3A_220 = tpu.memref_squeeze %dma_start3A_219 : memref<1x128xi32, #tpu.memory_space<vmem>> -> memref<128xi32, #tpu.memory_space<vmem>>
    %dma_start3A_221 = arith.constant 0 : i32
    %dma_start3A_222 = tpu.memref_slice %arg2[%dma_start3A_212, %dma_start3A_221] : memref<16x100000xf32, #tpu.memory_space<hbm>> -> memref<1x100000xf32, #tpu.memory_space<hbm>>
    %dma_start3A_223 = tpu.memref_squeeze %dma_start3A_222 : memref<1x100000xf32, #tpu.memory_space<hbm>> -> memref<100000xf32, #tpu.memory_space<hbm>>
    %dma_start3A_224 = arith.constant 0 : i32
    %dma_start3A_225 = tpu.memref_slice %dma_start3A_223[%dma_start3A_224] : memref<100000xf32, #tpu.memory_space<hbm>> -> memref<100000xf32, #tpu.memory_space<hbm>>
    tpu.enqueue_indirect_dma source(%dma_start3A_225 : memref<100000xf32, #tpu.memory_space<hbm>>) target(%dma_start3A_217 : memref<128xf32, #tpu.memory_space<vmem>>) offsets(%dma_start3A_220 : memref<128xi32, #tpu.memory_space<vmem>>) semaphore(%arg7 : memref<!tpu.dma_semaphore, #tpu.memory_space<semaphore_mem>>)
    %dma_start3A_226 = arith.constant 0 : i32
    %dma_start3A_227 = arith.constant 1 : i32
    %dma_start3A_228 = arith.constant 0 : i32
    %dma_start3A_229 = arith.constant 128 : i32
    %dma_start3A_230 = tpu.memref_slice %arg6[%dma_start3A_228, %dma_start3A_229] : memref<16x512xf32, #tpu.memory_space<vmem>> -> memref<1x128xf32, #tpu.memory_space<vmem>>
    %dma_start3A_231 = tpu.memref_squeeze %dma_start3A_230 : memref<1x128xf32, #tpu.memory_space<vmem>> -> memref<128xf32, #tpu.memory_space<vmem>>
    %dma_start3A_232 = arith.constant 0 : i32
    %dma_start3A_233 = tpu.memref_slice %arg5[%dma_start3A_227, %dma_start3A_232] : memref<4x128xi32, #tpu.memory_space<vmem>> -> memref<1x128xi32, #tpu.memory_space<vmem>>
    %dma_start3A_234 = tpu.memref_squeeze %dma_start3A_233 : memref<1x128xi32, #tpu.memory_space<vmem>> -> memref<128xi32, #tpu.memory_space<vmem>>
    %dma_start3A_235 = arith.constant 0 : i32
    %dma_start3A_236 = tpu.memref_slice %arg2[%dma_start3A_226, %dma_start3A_235] : memref<16x100000xf32, #tpu.memory_space<hbm>> -> memref<1x100000xf32, #tpu.memory_space<hbm>>
    %dma_start3A_237 = tpu.memref_squeeze %dma_start3A_236 : memref<1x100000xf32, #tpu.memory_space<hbm>> -> memref<100000xf32, #tpu.memory_space<hbm>>
    %dma_start3A_238 = arith.constant 0 : i32
    %dma_start3A_239 = tpu.memref_slice %dma_start3A_237[%dma_start3A_238] : memref<100000xf32, #tpu.memory_space<hbm>> -> memref<100000xf32, #tpu.memory_space<hbm>>
    tpu.enqueue_indirect_dma source(%dma_start3A_239 : memref<100000xf32, #tpu.memory_space<hbm>>) target(%dma_start3A_231 : memref<128xf32, #tpu.memory_space<vmem>>) offsets(%dma_start3A_234 : memref<128xi32, #tpu.memory_space<vmem>>) semaphore(%arg8 : memref<!tpu.dma_semaphore, #tpu.memory_space<semaphore_mem>>)
    %dma_start3A_240 = arith.constant 1 : i32
    %dma_start3A_241 = arith.constant 1 : i32
    %dma_start3A_242 = arith.constant 1 : i32
    %dma_start3A_243 = arith.constant 128 : i32
    %dma_start3A_244 = tpu.memref_slice %arg6[%dma_start3A_242, %dma_start3A_243] : memref<16x512xf32, #tpu.memory_space<vmem>> -> memref<1x128xf32, #tpu.memory_space<vmem>>
    %dma_start3A_245 = tpu.memref_squeeze %dma_start3A_244 : memref<1x128xf32, #tpu.memory_space<vmem>> -> memref<128xf32, #tpu.memory_space<vmem>>
    %dma_start3A_246 = arith.constant 0 : i32
    %dma_start3A_247 = tpu.memref_slice %arg5[%dma_start3A_241, %dma_start3A_246] : memref<4x128xi32, #tpu.memory_space<vmem>> -> memref<1x128xi32, #tpu.memory_space<vmem>>
    %dma_start3A_248 = tpu.memref_squeeze %dma_start3A_247 : memref<1x128xi32, #tpu.memory_space<vmem>> -> memref<128xi32, #tpu.memory_space<vmem>>
    %dma_start3A_249 = arith.constant 0 : i32
    %dma_start3A_250 = tpu.memref_slice %arg2[%dma_start3A_240, %dma_start3A_249] : memref<16x100000xf32, #tpu.memory_space<hbm>> -> memref<1x100000xf32, #tpu.memory_space<hbm>>
    %dma_start3A_251 = tpu.memref_squeeze %dma_start3A_250 : memref<1x100000xf32, #tpu.memory_space<hbm>> -> memref<100000xf32, #tpu.memory_space<hbm>>
    %dma_start3A_252 = arith.constant 0 : i32
    %dma_start3A_253 = tpu.memref_slice %dma_start3A_251[%dma_start3A_252] : memref<100000xf32, #tpu.memory_space<hbm>> -> memref<100000xf32, #tpu.memory_space<hbm>>
    tpu.enqueue_indirect_dma source(%dma_start3A_253 : memref<100000xf32, #tpu.memory_space<hbm>>) target(%dma_start3A_245 : memref<128xf32, #tpu.memory_space<vmem>>) offsets(%dma_start3A_248 : memref<128xi32, #tpu.memory_space<vmem>>) semaphore(%arg8 : memref<!tpu.dma_semaphore, #tpu.memory_space<semaphore_mem>>)
    %dma_start3A_254 = arith.constant 2 : i32
    %dma_start3A_255 = arith.constant 1 : i32
    %dma_start3A_256 = arith.constant 2 : i32
    %dma_start3A_257 = arith.constant 128 : i32
    %dma_start3A_258 = tpu.memref_slice %arg6[%dma_start3A_256, %dma_start3A_257] : memref<16x512xf32, #tpu.memory_space<vmem>> -> memref<1x128xf32, #tpu.memory_space<vmem>>
    %dma_start3A_259 = tpu.memref_squeeze %dma_start3A_258 : memref<1x128xf32, #tpu.memory_space<vmem>> -> memref<128xf32, #tpu.memory_space<vmem>>
    %dma_start3A_260 = arith.constant 0 : i32
    %dma_start3A_261 = tpu.memref_slice %arg5[%dma_start3A_255, %dma_start3A_260] : memref<4x128xi32, #tpu.memory_space<vmem>> -> memref<1x128xi32, #tpu.memory_space<vmem>>
    %dma_start3A_262 = tpu.memref_squeeze %dma_start3A_261 : memref<1x128xi32, #tpu.memory_space<vmem>> -> memref<128xi32, #tpu.memory_space<vmem>>
    %dma_start3A_263 = arith.constant 0 : i32
    %dma_start3A_264 = tpu.memref_slice %arg2[%dma_start3A_254, %dma_start3A_263] : memref<16x100000xf32, #tpu.memory_space<hbm>> -> memref<1x100000xf32, #tpu.memory_space<hbm>>
    %dma_start3A_265 = tpu.memref_squeeze %dma_start3A_264 : memref<1x100000xf32, #tpu.memory_space<hbm>> -> memref<100000xf32, #tpu.memory_space<hbm>>
    %dma_start3A_266 = arith.constant 0 : i32
    %dma_start3A_267 = tpu.memref_slice %dma_start3A_265[%dma_start3A_266] : memref<100000xf32, #tpu.memory_space<hbm>> -> memref<100000xf32, #tpu.memory_space<hbm>>
    tpu.enqueue_indirect_dma source(%dma_start3A_267 : memref<100000xf32, #tpu.memory_space<hbm>>) target(%dma_start3A_259 : memref<128xf32, #tpu.memory_space<vmem>>) offsets(%dma_start3A_262 : memref<128xi32, #tpu.memory_space<vmem>>) semaphore(%arg8 : memref<!tpu.dma_semaphore, #tpu.memory_space<semaphore_mem>>)
    %dma_start3A_268 = arith.constant 3 : i32
    %dma_start3A_269 = arith.constant 1 : i32
    %dma_start3A_270 = arith.constant 3 : i32
    %dma_start3A_271 = arith.constant 128 : i32
    %dma_start3A_272 = tpu.memref_slice %arg6[%dma_start3A_270, %dma_start3A_271] : memref<16x512xf32, #tpu.memory_space<vmem>> -> memref<1x128xf32, #tpu.memory_space<vmem>>
    %dma_start3A_273 = tpu.memref_squeeze %dma_start3A_272 : memref<1x128xf32, #tpu.memory_space<vmem>> -> memref<128xf32, #tpu.memory_space<vmem>>
    %dma_start3A_274 = arith.constant 0 : i32
    %dma_start3A_275 = tpu.memref_slice %arg5[%dma_start3A_269, %dma_start3A_274] : memref<4x128xi32, #tpu.memory_space<vmem>> -> memref<1x128xi32, #tpu.memory_space<vmem>>
    %dma_start3A_276 = tpu.memref_squeeze %dma_start3A_275 : memref<1x128xi32, #tpu.memory_space<vmem>> -> memref<128xi32, #tpu.memory_space<vmem>>
    %dma_start3A_277 = arith.constant 0 : i32
    %dma_start3A_278 = tpu.memref_slice %arg2[%dma_start3A_268, %dma_start3A_277] : memref<16x100000xf32, #tpu.memory_space<hbm>> -> memref<1x100000xf32, #tpu.memory_space<hbm>>
    %dma_start3A_279 = tpu.memref_squeeze %dma_start3A_278 : memref<1x100000xf32, #tpu.memory_space<hbm>> -> memref<100000xf32, #tpu.memory_space<hbm>>
    %dma_start3A_280 = arith.constant 0 : i32
    %dma_start3A_281 = tpu.memref_slice %dma_start3A_279[%dma_start3A_280] : memref<100000xf32, #tpu.memory_space<hbm>> -> memref<100000xf32, #tpu.memory_space<hbm>>
    tpu.enqueue_indirect_dma source(%dma_start3A_281 : memref<100000xf32, #tpu.memory_space<hbm>>) target(%dma_start3A_273 : memref<128xf32, #tpu.memory_space<vmem>>) offsets(%dma_start3A_276 : memref<128xi32, #tpu.memory_space<vmem>>) semaphore(%arg8 : memref<!tpu.dma_semaphore, #tpu.memory_space<semaphore_mem>>)
    %dma_start3A_282 = arith.constant 4 : i32
    %dma_start3A_283 = arith.constant 1 : i32
    %dma_start3A_284 = arith.constant 4 : i32
    %dma_start3A_285 = arith.constant 128 : i32
    %dma_start3A_286 = tpu.memref_slice %arg6[%dma_start3A_284, %dma_start3A_285] : memref<16x512xf32, #tpu.memory_space<vmem>> -> memref<1x128xf32, #tpu.memory_space<vmem>>
    %dma_start3A_287 = tpu.memref_squeeze %dma_start3A_286 : memref<1x128xf32, #tpu.memory_space<vmem>> -> memref<128xf32, #tpu.memory_space<vmem>>
    %dma_start3A_288 = arith.constant 0 : i32
    %dma_start3A_289 = tpu.memref_slice %arg5[%dma_start3A_283, %dma_start3A_288] : memref<4x128xi32, #tpu.memory_space<vmem>> -> memref<1x128xi32, #tpu.memory_space<vmem>>
    %dma_start3A_290 = tpu.memref_squeeze %dma_start3A_289 : memref<1x128xi32, #tpu.memory_space<vmem>> -> memref<128xi32, #tpu.memory_space<vmem>>
    %dma_start3A_291 = arith.constant 0 : i32
    %dma_start3A_292 = tpu.memref_slice %arg2[%dma_start3A_282, %dma_start3A_291] : memref<16x100000xf32, #tpu.memory_space<hbm>> -> memref<1x100000xf32, #tpu.memory_space<hbm>>
    %dma_start3A_293 = tpu.memref_squeeze %dma_start3A_292 : memref<1x100000xf32, #tpu.memory_space<hbm>> -> memref<100000xf32, #tpu.memory_space<hbm>>
    %dma_start3A_294 = arith.constant 0 : i32
    %dma_start3A_295 = tpu.memref_slice %dma_start3A_293[%dma_start3A_294] : memref<100000xf32, #tpu.memory_space<hbm>> -> memref<100000xf32, #tpu.memory_space<hbm>>
    tpu.enqueue_indirect_dma source(%dma_start3A_295 : memref<100000xf32, #tpu.memory_space<hbm>>) target(%dma_start3A_287 : memref<128xf32, #tpu.memory_space<vmem>>) offsets(%dma_start3A_290 : memref<128xi32, #tpu.memory_space<vmem>>) semaphore(%arg8 : memref<!tpu.dma_semaphore, #tpu.memory_space<semaphore_mem>>)
    %dma_start3A_296 = arith.constant 5 : i32
    %dma_start3A_297 = arith.constant 1 : i32
    %dma_start3A_298 = arith.constant 5 : i32
    %dma_start3A_299 = arith.constant 128 : i32
    %dma_start3A_300 = tpu.memref_slice %arg6[%dma_start3A_298, %dma_start3A_299] : memref<16x512xf32, #tpu.memory_space<vmem>> -> memref<1x128xf32, #tpu.memory_space<vmem>>
    %dma_start3A_301 = tpu.memref_squeeze %dma_start3A_300 : memref<1x128xf32, #tpu.memory_space<vmem>> -> memref<128xf32, #tpu.memory_space<vmem>>
    %dma_start3A_302 = arith.constant 0 : i32
    %dma_start3A_303 = tpu.memref_slice %arg5[%dma_start3A_297, %dma_start3A_302] : memref<4x128xi32, #tpu.memory_space<vmem>> -> memref<1x128xi32, #tpu.memory_space<vmem>>
    %dma_start3A_304 = tpu.memref_squeeze %dma_start3A_303 : memref<1x128xi32, #tpu.memory_space<vmem>> -> memref<128xi32, #tpu.memory_space<vmem>>
    %dma_start3A_305 = arith.constant 0 : i32
    %dma_start3A_306 = tpu.memref_slice %arg2[%dma_start3A_296, %dma_start3A_305] : memref<16x100000xf32, #tpu.memory_space<hbm>> -> memref<1x100000xf32, #tpu.memory_space<hbm>>
    %dma_start3A_307 = tpu.memref_squeeze %dma_start3A_306 : memref<1x100000xf32, #tpu.memory_space<hbm>> -> memref<100000xf32, #tpu.memory_space<hbm>>
    %dma_start3A_308 = arith.constant 0 : i32
    %dma_start3A_309 = tpu.memref_slice %dma_start3A_307[%dma_start3A_308] : memref<100000xf32, #tpu.memory_space<hbm>> -> memref<100000xf32, #tpu.memory_space<hbm>>
    tpu.enqueue_indirect_dma source(%dma_start3A_309 : memref<100000xf32, #tpu.memory_space<hbm>>) target(%dma_start3A_301 : memref<128xf32, #tpu.memory_space<vmem>>) offsets(%dma_start3A_304 : memref<128xi32, #tpu.memory_space<vmem>>) semaphore(%arg8 : memref<!tpu.dma_semaphore, #tpu.memory_space<semaphore_mem>>)
    %dma_start3A_310 = arith.constant 6 : i32
    %dma_start3A_311 = arith.constant 1 : i32
    %dma_start3A_312 = arith.constant 6 : i32
    %dma_start3A_313 = arith.constant 128 : i32
    %dma_start3A_314 = tpu.memref_slice %arg6[%dma_start3A_312, %dma_start3A_313] : memref<16x512xf32, #tpu.memory_space<vmem>> -> memref<1x128xf32, #tpu.memory_space<vmem>>
    %dma_start3A_315 = tpu.memref_squeeze %dma_start3A_314 : memref<1x128xf32, #tpu.memory_space<vmem>> -> memref<128xf32, #tpu.memory_space<vmem>>
    %dma_start3A_316 = arith.constant 0 : i32
    %dma_start3A_317 = tpu.memref_slice %arg5[%dma_start3A_311, %dma_start3A_316] : memref<4x128xi32, #tpu.memory_space<vmem>> -> memref<1x128xi32, #tpu.memory_space<vmem>>
    %dma_start3A_318 = tpu.memref_squeeze %dma_start3A_317 : memref<1x128xi32, #tpu.memory_space<vmem>> -> memref<128xi32, #tpu.memory_space<vmem>>
    %dma_start3A_319 = arith.constant 0 : i32
    %dma_start3A_320 = tpu.memref_slice %arg2[%dma_start3A_310, %dma_start3A_319] : memref<16x100000xf32, #tpu.memory_space<hbm>> -> memref<1x100000xf32, #tpu.memory_space<hbm>>
    %dma_start3A_321 = tpu.memref_squeeze %dma_start3A_320 : memref<1x100000xf32, #tpu.memory_space<hbm>> -> memref<100000xf32, #tpu.memory_space<hbm>>
    %dma_start3A_322 = arith.constant 0 : i32
    %dma_start3A_323 = tpu.memref_slice %dma_start3A_321[%dma_start3A_322] : memref<100000xf32, #tpu.memory_space<hbm>> -> memref<100000xf32, #tpu.memory_space<hbm>>
    tpu.enqueue_indirect_dma source(%dma_start3A_323 : memref<100000xf32, #tpu.memory_space<hbm>>) target(%dma_start3A_315 : memref<128xf32, #tpu.memory_space<vmem>>) offsets(%dma_start3A_318 : memref<128xi32, #tpu.memory_space<vmem>>) semaphore(%arg8 : memref<!tpu.dma_semaphore, #tpu.memory_space<semaphore_mem>>)
    %dma_start3A_324 = arith.constant 7 : i32
    %dma_start3A_325 = arith.constant 1 : i32
    %dma_start3A_326 = arith.constant 7 : i32
    %dma_start3A_327 = arith.constant 128 : i32
    %dma_start3A_328 = tpu.memref_slice %arg6[%dma_start3A_326, %dma_start3A_327] : memref<16x512xf32, #tpu.memory_space<vmem>> -> memref<1x128xf32, #tpu.memory_space<vmem>>
    %dma_start3A_329 = tpu.memref_squeeze %dma_start3A_328 : memref<1x128xf32, #tpu.memory_space<vmem>> -> memref<128xf32, #tpu.memory_space<vmem>>
    %dma_start3A_330 = arith.constant 0 : i32
    %dma_start3A_331 = tpu.memref_slice %arg5[%dma_start3A_325, %dma_start3A_330] : memref<4x128xi32, #tpu.memory_space<vmem>> -> memref<1x128xi32, #tpu.memory_space<vmem>>
    %dma_start3A_332 = tpu.memref_squeeze %dma_start3A_331 : memref<1x128xi32, #tpu.memory_space<vmem>> -> memref<128xi32, #tpu.memory_space<vmem>>
    %dma_start3A_333 = arith.constant 0 : i32
    %dma_start3A_334 = tpu.memref_slice %arg2[%dma_start3A_324, %dma_start3A_333] : memref<16x100000xf32, #tpu.memory_space<hbm>> -> memref<1x100000xf32, #tpu.memory_space<hbm>>
    %dma_start3A_335 = tpu.memref_squeeze %dma_start3A_334 : memref<1x100000xf32, #tpu.memory_space<hbm>> -> memref<100000xf32, #tpu.memory_space<hbm>>
    %dma_start3A_336 = arith.constant 0 : i32
    %dma_start3A_337 = tpu.memref_slice %dma_start3A_335[%dma_start3A_336] : memref<100000xf32, #tpu.memory_space<hbm>> -> memref<100000xf32, #tpu.memory_space<hbm>>
    tpu.enqueue_indirect_dma source(%dma_start3A_337 : memref<100000xf32, #tpu.memory_space<hbm>>) target(%dma_start3A_329 : memref<128xf32, #tpu.memory_space<vmem>>) offsets(%dma_start3A_332 : memref<128xi32, #tpu.memory_space<vmem>>) semaphore(%arg8 : memref<!tpu.dma_semaphore, #tpu.memory_space<semaphore_mem>>)
    %dma_start3A_338 = arith.constant 8 : i32
    %dma_start3A_339 = arith.constant 1 : i32
    %dma_start3A_340 = arith.constant 8 : i32
    %dma_start3A_341 = arith.constant 128 : i32
    %dma_start3A_342 = tpu.memref_slice %arg6[%dma_start3A_340, %dma_start3A_341] : memref<16x512xf32, #tpu.memory_space<vmem>> -> memref<1x128xf32, #tpu.memory_space<vmem>>
    %dma_start3A_343 = tpu.memref_squeeze %dma_start3A_342 : memref<1x128xf32, #tpu.memory_space<vmem>> -> memref<128xf32, #tpu.memory_space<vmem>>
    %dma_start3A_344 = arith.constant 0 : i32
    %dma_start3A_345 = tpu.memref_slice %arg5[%dma_start3A_339, %dma_start3A_344] : memref<4x128xi32, #tpu.memory_space<vmem>> -> memref<1x128xi32, #tpu.memory_space<vmem>>
    %dma_start3A_346 = tpu.memref_squeeze %dma_start3A_345 : memref<1x128xi32, #tpu.memory_space<vmem>> -> memref<128xi32, #tpu.memory_space<vmem>>
    %dma_start3A_347 = arith.constant 0 : i32
    %dma_start3A_348 = tpu.memref_slice %arg2[%dma_start3A_338, %dma_start3A_347] : memref<16x100000xf32, #tpu.memory_space<hbm>> -> memref<1x100000xf32, #tpu.memory_space<hbm>>
    %dma_start3A_349 = tpu.memref_squeeze %dma_start3A_348 : memref<1x100000xf32, #tpu.memory_space<hbm>> -> memref<100000xf32, #tpu.memory_space<hbm>>
    %dma_start3A_350 = arith.constant 0 : i32
    %dma_start3A_351 = tpu.memref_slice %dma_start3A_349[%dma_start3A_350] : memref<100000xf32, #tpu.memory_space<hbm>> -> memref<100000xf32, #tpu.memory_space<hbm>>
    tpu.enqueue_indirect_dma source(%dma_start3A_351 : memref<100000xf32, #tpu.memory_space<hbm>>) target(%dma_start3A_343 : memref<128xf32, #tpu.memory_space<vmem>>) offsets(%dma_start3A_346 : memref<128xi32, #tpu.memory_space<vmem>>) semaphore(%arg8 : memref<!tpu.dma_semaphore, #tpu.memory_space<semaphore_mem>>)
    %dma_start3A_352 = arith.constant 9 : i32
    %dma_start3A_353 = arith.constant 1 : i32
    %dma_start3A_354 = arith.constant 9 : i32
    %dma_start3A_355 = arith.constant 128 : i32
    %dma_start3A_356 = tpu.memref_slice %arg6[%dma_start3A_354, %dma_start3A_355] : memref<16x512xf32, #tpu.memory_space<vmem>> -> memref<1x128xf32, #tpu.memory_space<vmem>>
    %dma_start3A_357 = tpu.memref_squeeze %dma_start3A_356 : memref<1x128xf32, #tpu.memory_space<vmem>> -> memref<128xf32, #tpu.memory_space<vmem>>
    %dma_start3A_358 = arith.constant 0 : i32
    %dma_start3A_359 = tpu.memref_slice %arg5[%dma_start3A_353, %dma_start3A_358] : memref<4x128xi32, #tpu.memory_space<vmem>> -> memref<1x128xi32, #tpu.memory_space<vmem>>
    %dma_start3A_360 = tpu.memref_squeeze %dma_start3A_359 : memref<1x128xi32, #tpu.memory_space<vmem>> -> memref<128xi32, #tpu.memory_space<vmem>>
    %dma_start3A_361 = arith.constant 0 : i32
    %dma_start3A_362 = tpu.memref_slice %arg2[%dma_start3A_352, %dma_start3A_361] : memref<16x100000xf32, #tpu.memory_space<hbm>> -> memref<1x100000xf32, #tpu.memory_space<hbm>>
    %dma_start3A_363 = tpu.memref_squeeze %dma_start3A_362 : memref<1x100000xf32, #tpu.memory_space<hbm>> -> memref<100000xf32, #tpu.memory_space<hbm>>
    %dma_start3A_364 = arith.constant 0 : i32
    %dma_start3A_365 = tpu.memref_slice %dma_start3A_363[%dma_start3A_364] : memref<100000xf32, #tpu.memory_space<hbm>> -> memref<100000xf32, #tpu.memory_space<hbm>>
    tpu.enqueue_indirect_dma source(%dma_start3A_365 : memref<100000xf32, #tpu.memory_space<hbm>>) target(%dma_start3A_357 : memref<128xf32, #tpu.memory_space<vmem>>) offsets(%dma_start3A_360 : memref<128xi32, #tpu.memory_space<vmem>>) semaphore(%arg8 : memref<!tpu.dma_semaphore, #tpu.memory_space<semaphore_mem>>)
    %dma_start3A_366 = arith.constant 10 : i32
    %dma_start3A_367 = arith.constant 1 : i32
    %dma_start3A_368 = arith.constant 10 : i32
    %dma_start3A_369 = arith.constant 128 : i32
    %dma_start3A_370 = tpu.memref_slice %arg6[%dma_start3A_368, %dma_start3A_369] : memref<16x512xf32, #tpu.memory_space<vmem>> -> memref<1x128xf32, #tpu.memory_space<vmem>>
    %dma_start3A_371 = tpu.memref_squeeze %dma_start3A_370 : memref<1x128xf32, #tpu.memory_space<vmem>> -> memref<128xf32, #tpu.memory_space<vmem>>
    %dma_start3A_372 = arith.constant 0 : i32
    %dma_start3A_373 = tpu.memref_slice %arg5[%dma_start3A_367, %dma_start3A_372] : memref<4x128xi32, #tpu.memory_space<vmem>> -> memref<1x128xi32, #tpu.memory_space<vmem>>
    %dma_start3A_374 = tpu.memref_squeeze %dma_start3A_373 : memref<1x128xi32, #tpu.memory_space<vmem>> -> memref<128xi32, #tpu.memory_space<vmem>>
    %dma_start3A_375 = arith.constant 0 : i32
    %dma_start3A_376 = tpu.memref_slice %arg2[%dma_start3A_366, %dma_start3A_375] : memref<16x100000xf32, #tpu.memory_space<hbm>> -> memref<1x100000xf32, #tpu.memory_space<hbm>>
    %dma_start3A_377 = tpu.memref_squeeze %dma_start3A_376 : memref<1x100000xf32, #tpu.memory_space<hbm>> -> memref<100000xf32, #tpu.memory_space<hbm>>
    %dma_start3A_378 = arith.constant 0 : i32
    %dma_start3A_379 = tpu.memref_slice %dma_start3A_377[%dma_start3A_378] : memref<100000xf32, #tpu.memory_space<hbm>> -> memref<100000xf32, #tpu.memory_space<hbm>>
    tpu.enqueue_indirect_dma source(%dma_start3A_379 : memref<100000xf32, #tpu.memory_space<hbm>>) target(%dma_start3A_371 : memref<128xf32, #tpu.memory_space<vmem>>) offsets(%dma_start3A_374 : memref<128xi32, #tpu.memory_space<vmem>>) semaphore(%arg8 : memref<!tpu.dma_semaphore, #tpu.memory_space<semaphore_mem>>)
    %dma_start3A_380 = arith.constant 11 : i32
    %dma_start3A_381 = arith.constant 1 : i32
    %dma_start3A_382 = arith.constant 11 : i32
    %dma_start3A_383 = arith.constant 128 : i32
    %dma_start3A_384 = tpu.memref_slice %arg6[%dma_start3A_382, %dma_start3A_383] : memref<16x512xf32, #tpu.memory_space<vmem>> -> memref<1x128xf32, #tpu.memory_space<vmem>>
    %dma_start3A_385 = tpu.memref_squeeze %dma_start3A_384 : memref<1x128xf32, #tpu.memory_space<vmem>> -> memref<128xf32, #tpu.memory_space<vmem>>
    %dma_start3A_386 = arith.constant 0 : i32
    %dma_start3A_387 = tpu.memref_slice %arg5[%dma_start3A_381, %dma_start3A_386] : memref<4x128xi32, #tpu.memory_space<vmem>> -> memref<1x128xi32, #tpu.memory_space<vmem>>
    %dma_start3A_388 = tpu.memref_squeeze %dma_start3A_387 : memref<1x128xi32, #tpu.memory_space<vmem>> -> memref<128xi32, #tpu.memory_space<vmem>>
    %dma_start3A_389 = arith.constant 0 : i32
    %dma_start3A_390 = tpu.memref_slice %arg2[%dma_start3A_380, %dma_start3A_389] : memref<16x100000xf32, #tpu.memory_space<hbm>> -> memref<1x100000xf32, #tpu.memory_space<hbm>>
    %dma_start3A_391 = tpu.memref_squeeze %dma_start3A_390 : memref<1x100000xf32, #tpu.memory_space<hbm>> -> memref<100000xf32, #tpu.memory_space<hbm>>
    %dma_start3A_392 = arith.constant 0 : i32
    %dma_start3A_393 = tpu.memref_slice %dma_start3A_391[%dma_start3A_392] : memref<100000xf32, #tpu.memory_space<hbm>> -> memref<100000xf32, #tpu.memory_space<hbm>>
    tpu.enqueue_indirect_dma source(%dma_start3A_393 : memref<100000xf32, #tpu.memory_space<hbm>>) target(%dma_start3A_385 : memref<128xf32, #tpu.memory_space<vmem>>) offsets(%dma_start3A_388 : memref<128xi32, #tpu.memory_space<vmem>>) semaphore(%arg8 : memref<!tpu.dma_semaphore, #tpu.memory_space<semaphore_mem>>)
    %dma_start3A_394 = arith.constant 12 : i32
    %dma_start3A_395 = arith.constant 1 : i32
    %dma_start3A_396 = arith.constant 12 : i32
    %dma_start3A_397 = arith.constant 128 : i32
    %dma_start3A_398 = tpu.memref_slice %arg6[%dma_start3A_396, %dma_start3A_397] : memref<16x512xf32, #tpu.memory_space<vmem>> -> memref<1x128xf32, #tpu.memory_space<vmem>>
    %dma_start3A_399 = tpu.memref_squeeze %dma_start3A_398 : memref<1x128xf32, #tpu.memory_space<vmem>> -> memref<128xf32, #tpu.memory_space<vmem>>
    %dma_start3A_400 = arith.constant 0 : i32
    %dma_start3A_401 = tpu.memref_slice %arg5[%dma_start3A_395, %dma_start3A_400] : memref<4x128xi32, #tpu.memory_space<vmem>> -> memref<1x128xi32, #tpu.memory_space<vmem>>
    %dma_start3A_402 = tpu.memref_squeeze %dma_start3A_401 : memref<1x128xi32, #tpu.memory_space<vmem>> -> memref<128xi32, #tpu.memory_space<vmem>>
    %dma_start3A_403 = arith.constant 0 : i32
    %dma_start3A_404 = tpu.memref_slice %arg2[%dma_start3A_394, %dma_start3A_403] : memref<16x100000xf32, #tpu.memory_space<hbm>> -> memref<1x100000xf32, #tpu.memory_space<hbm>>
    %dma_start3A_405 = tpu.memref_squeeze %dma_start3A_404 : memref<1x100000xf32, #tpu.memory_space<hbm>> -> memref<100000xf32, #tpu.memory_space<hbm>>
    %dma_start3A_406 = arith.constant 0 : i32
    %dma_start3A_407 = tpu.memref_slice %dma_start3A_405[%dma_start3A_406] : memref<100000xf32, #tpu.memory_space<hbm>> -> memref<100000xf32, #tpu.memory_space<hbm>>
    tpu.enqueue_indirect_dma source(%dma_start3A_407 : memref<100000xf32, #tpu.memory_space<hbm>>) target(%dma_start3A_399 : memref<128xf32, #tpu.memory_space<vmem>>) offsets(%dma_start3A_402 : memref<128xi32, #tpu.memory_space<vmem>>) semaphore(%arg8 : memref<!tpu.dma_semaphore, #tpu.memory_space<semaphore_mem>>)
    %dma_start3A_408 = arith.constant 13 : i32
    %dma_start3A_409 = arith.constant 1 : i32
    %dma_start3A_410 = arith.constant 13 : i32
    %dma_start3A_411 = arith.constant 128 : i32
    %dma_start3A_412 = tpu.memref_slice %arg6[%dma_start3A_410, %dma_start3A_411] : memref<16x512xf32, #tpu.memory_space<vmem>> -> memref<1x128xf32, #tpu.memory_space<vmem>>
    %dma_start3A_413 = tpu.memref_squeeze %dma_start3A_412 : memref<1x128xf32, #tpu.memory_space<vmem>> -> memref<128xf32, #tpu.memory_space<vmem>>
    %dma_start3A_414 = arith.constant 0 : i32
    %dma_start3A_415 = tpu.memref_slice %arg5[%dma_start3A_409, %dma_start3A_414] : memref<4x128xi32, #tpu.memory_space<vmem>> -> memref<1x128xi32, #tpu.memory_space<vmem>>
    %dma_start3A_416 = tpu.memref_squeeze %dma_start3A_415 : memref<1x128xi32, #tpu.memory_space<vmem>> -> memref<128xi32, #tpu.memory_space<vmem>>
    %dma_start3A_417 = arith.constant 0 : i32
    %dma_start3A_418 = tpu.memref_slice %arg2[%dma_start3A_408, %dma_start3A_417] : memref<16x100000xf32, #tpu.memory_space<hbm>> -> memref<1x100000xf32, #tpu.memory_space<hbm>>
    %dma_start3A_419 = tpu.memref_squeeze %dma_start3A_418 : memref<1x100000xf32, #tpu.memory_space<hbm>> -> memref<100000xf32, #tpu.memory_space<hbm>>
    %dma_start3A_420 = arith.constant 0 : i32
    %dma_start3A_421 = tpu.memref_slice %dma_start3A_419[%dma_start3A_420] : memref<100000xf32, #tpu.memory_space<hbm>> -> memref<100000xf32, #tpu.memory_space<hbm>>
    tpu.enqueue_indirect_dma source(%dma_start3A_421 : memref<100000xf32, #tpu.memory_space<hbm>>) target(%dma_start3A_413 : memref<128xf32, #tpu.memory_space<vmem>>) offsets(%dma_start3A_416 : memref<128xi32, #tpu.memory_space<vmem>>) semaphore(%arg8 : memref<!tpu.dma_semaphore, #tpu.memory_space<semaphore_mem>>)
    %dma_start3A_422 = arith.constant 14 : i32
    %dma_start3A_423 = arith.constant 1 : i32
    %dma_start3A_424 = arith.constant 14 : i32
    %dma_start3A_425 = arith.constant 128 : i32
    %dma_start3A_426 = tpu.memref_slice %arg6[%dma_start3A_424, %dma_start3A_425] : memref<16x512xf32, #tpu.memory_space<vmem>> -> memref<1x128xf32, #tpu.memory_space<vmem>>
    %dma_start3A_427 = tpu.memref_squeeze %dma_start3A_426 : memref<1x128xf32, #tpu.memory_space<vmem>> -> memref<128xf32, #tpu.memory_space<vmem>>
    %dma_start3A_428 = arith.constant 0 : i32
    %dma_start3A_429 = tpu.memref_slice %arg5[%dma_start3A_423, %dma_start3A_428] : memref<4x128xi32, #tpu.memory_space<vmem>> -> memref<1x128xi32, #tpu.memory_space<vmem>>
    %dma_start3A_430 = tpu.memref_squeeze %dma_start3A_429 : memref<1x128xi32, #tpu.memory_space<vmem>> -> memref<128xi32, #tpu.memory_space<vmem>>
    %dma_start3A_431 = arith.constant 0 : i32
    %dma_start3A_432 = tpu.memref_slice %arg2[%dma_start3A_422, %dma_start3A_431] : memref<16x100000xf32, #tpu.memory_space<hbm>> -> memref<1x100000xf32, #tpu.memory_space<hbm>>
    %dma_start3A_433 = tpu.memref_squeeze %dma_start3A_432 : memref<1x100000xf32, #tpu.memory_space<hbm>> -> memref<100000xf32, #tpu.memory_space<hbm>>
    %dma_start3A_434 = arith.constant 0 : i32
    %dma_start3A_435 = tpu.memref_slice %dma_start3A_433[%dma_start3A_434] : memref<100000xf32, #tpu.memory_space<hbm>> -> memref<100000xf32, #tpu.memory_space<hbm>>
    tpu.enqueue_indirect_dma source(%dma_start3A_435 : memref<100000xf32, #tpu.memory_space<hbm>>) target(%dma_start3A_427 : memref<128xf32, #tpu.memory_space<vmem>>) offsets(%dma_start3A_430 : memref<128xi32, #tpu.memory_space<vmem>>) semaphore(%arg8 : memref<!tpu.dma_semaphore, #tpu.memory_space<semaphore_mem>>)
    %dma_start3A_436 = arith.constant 15 : i32
    %dma_start3A_437 = arith.constant 1 : i32
    %dma_start3A_438 = arith.constant 15 : i32
    %dma_start3A_439 = arith.constant 128 : i32
    %dma_start3A_440 = tpu.memref_slice %arg6[%dma_start3A_438, %dma_start3A_439] : memref<16x512xf32, #tpu.memory_space<vmem>> -> memref<1x128xf32, #tpu.memory_space<vmem>>
    %dma_start3A_441 = tpu.memref_squeeze %dma_start3A_440 : memref<1x128xf32, #tpu.memory_space<vmem>> -> memref<128xf32, #tpu.memory_space<vmem>>
    %dma_start3A_442 = arith.constant 0 : i32
    %dma_start3A_443 = tpu.memref_slice %arg5[%dma_start3A_437, %dma_start3A_442] : memref<4x128xi32, #tpu.memory_space<vmem>> -> memref<1x128xi32, #tpu.memory_space<vmem>>
    %dma_start3A_444 = tpu.memref_squeeze %dma_start3A_443 : memref<1x128xi32, #tpu.memory_space<vmem>> -> memref<128xi32, #tpu.memory_space<vmem>>
    %dma_start3A_445 = arith.constant 0 : i32
    %dma_start3A_446 = tpu.memref_slice %arg2[%dma_start3A_436, %dma_start3A_445] : memref<16x100000xf32, #tpu.memory_space<hbm>> -> memref<1x100000xf32, #tpu.memory_space<hbm>>
    %dma_start3A_447 = tpu.memref_squeeze %dma_start3A_446 : memref<1x100000xf32, #tpu.memory_space<hbm>> -> memref<100000xf32, #tpu.memory_space<hbm>>
    %dma_start3A_448 = arith.constant 0 : i32
    %dma_start3A_449 = tpu.memref_slice %dma_start3A_447[%dma_start3A_448] : memref<100000xf32, #tpu.memory_space<hbm>> -> memref<100000xf32, #tpu.memory_space<hbm>>
    tpu.enqueue_indirect_dma source(%dma_start3A_449 : memref<100000xf32, #tpu.memory_space<hbm>>) target(%dma_start3A_441 : memref<128xf32, #tpu.memory_space<vmem>>) offsets(%dma_start3A_444 : memref<128xi32, #tpu.memory_space<vmem>>) semaphore(%arg8 : memref<!tpu.dma_semaphore, #tpu.memory_space<semaphore_mem>>)
    %dma_wait3A = arith.constant 0 : i32
    %dma_wait3A_450 = arith.constant 0 : i32
    %dma_wait3A_451 = arith.constant 0 : i32
    %dma_wait3A_452 = arith.constant 0 : i32
    %dma_wait3A_453 = tpu.memref_slice %arg6[%dma_wait3A_451, %dma_wait3A_452] : memref<16x512xf32, #tpu.memory_space<vmem>> -> memref<1x128xf32, #tpu.memory_space<vmem>>
    %dma_wait3A_454 = tpu.memref_squeeze %dma_wait3A_453 : memref<1x128xf32, #tpu.memory_space<vmem>> -> memref<128xf32, #tpu.memory_space<vmem>>
    %dma_wait3A_455 = arith.constant 0 : i32
    %dma_wait3A_456 = tpu.memref_slice %arg5[%dma_wait3A_450, %dma_wait3A_455] : memref<4x128xi32, #tpu.memory_space<vmem>> -> memref<1x128xi32, #tpu.memory_space<vmem>>
    %dma_wait3A_457 = tpu.memref_squeeze %dma_wait3A_456 : memref<1x128xi32, #tpu.memory_space<vmem>> -> memref<128xi32, #tpu.memory_space<vmem>>
    %dma_wait3A_458 = arith.constant 0 : i32
    %dma_wait3A_459 = tpu.memref_slice %arg2[%dma_wait3A, %dma_wait3A_458] : memref<16x100000xf32, #tpu.memory_space<hbm>> -> memref<1x100000xf32, #tpu.memory_space<hbm>>
    %dma_wait3A_460 = tpu.memref_squeeze %dma_wait3A_459 : memref<1x100000xf32, #tpu.memory_space<hbm>> -> memref<100000xf32, #tpu.memory_space<hbm>>
    %dma_wait3A_461 = arith.constant 0 : i32
    %dma_wait3A_462 = tpu.memref_slice %dma_wait3A_460[%dma_wait3A_461] : memref<100000xf32, #tpu.memory_space<hbm>> -> memref<100000xf32, #tpu.memory_space<hbm>>
    tpu.wait_indirect_dma semaphore(%arg7 : memref<!tpu.dma_semaphore, #tpu.memory_space<semaphore_mem>>) src(%dma_wait3A_462 : memref<100000xf32, #tpu.memory_space<hbm>>) dst(%dma_wait3A_454 : memref<128xf32, #tpu.memory_space<vmem>>)
    %dma_wait3A_463 = arith.constant 1 : i32
    %dma_wait3A_464 = arith.constant 0 : i32
    %dma_wait3A_465 = arith.constant 1 : i32
    %dma_wait3A_466 = arith.constant 0 : i32
    %dma_wait3A_467 = tpu.memref_slice %arg6[%dma_wait3A_465, %dma_wait3A_466] : memref<16x512xf32, #tpu.memory_space<vmem>> -> memref<1x128xf32, #tpu.memory_space<vmem>>
    %dma_wait3A_468 = tpu.memref_squeeze %dma_wait3A_467 : memref<1x128xf32, #tpu.memory_space<vmem>> -> memref<128xf32, #tpu.memory_space<vmem>>
    %dma_wait3A_469 = arith.constant 0 : i32
    %dma_wait3A_470 = tpu.memref_slice %arg5[%dma_wait3A_464, %dma_wait3A_469] : memref<4x128xi32, #tpu.memory_space<vmem>> -> memref<1x128xi32, #tpu.memory_space<vmem>>
    %dma_wait3A_471 = tpu.memref_squeeze %dma_wait3A_470 : memref<1x128xi32, #tpu.memory_space<vmem>> -> memref<128xi32, #tpu.memory_space<vmem>>
    %dma_wait3A_472 = arith.constant 0 : i32
    %dma_wait3A_473 = tpu.memref_slice %arg2[%dma_wait3A_463, %dma_wait3A_472] : memref<16x100000xf32, #tpu.memory_space<hbm>> -> memref<1x100000xf32, #tpu.memory_space<hbm>>
    %dma_wait3A_474 = tpu.memref_squeeze %dma_wait3A_473 : memref<1x100000xf32, #tpu.memory_space<hbm>> -> memref<100000xf32, #tpu.memory_space<hbm>>
    %dma_wait3A_475 = arith.constant 0 : i32
    %dma_wait3A_476 = tpu.memref_slice %dma_wait3A_474[%dma_wait3A_475] : memref<100000xf32, #tpu.memory_space<hbm>> -> memref<100000xf32, #tpu.memory_space<hbm>>
    tpu.wait_indirect_dma semaphore(%arg7 : memref<!tpu.dma_semaphore, #tpu.memory_space<semaphore_mem>>) src(%dma_wait3A_476 : memref<100000xf32, #tpu.memory_space<hbm>>) dst(%dma_wait3A_468 : memref<128xf32, #tpu.memory_space<vmem>>)
    %dma_wait3A_477 = arith.constant 2 : i32
    %dma_wait3A_478 = arith.constant 0 : i32
    %dma_wait3A_479 = arith.constant 2 : i32
    %dma_wait3A_480 = arith.constant 0 : i32
    %dma_wait3A_481 = tpu.memref_slice %arg6[%dma_wait3A_479, %dma_wait3A_480] : memref<16x512xf32, #tpu.memory_space<vmem>> -> memref<1x128xf32, #tpu.memory_space<vmem>>
    %dma_wait3A_482 = tpu.memref_squeeze %dma_wait3A_481 : memref<1x128xf32, #tpu.memory_space<vmem>> -> memref<128xf32, #tpu.memory_space<vmem>>
    %dma_wait3A_483 = arith.constant 0 : i32
    %dma_wait3A_484 = tpu.memref_slice %arg5[%dma_wait3A_478, %dma_wait3A_483] : memref<4x128xi32, #tpu.memory_space<vmem>> -> memref<1x128xi32, #tpu.memory_space<vmem>>
    %dma_wait3A_485 = tpu.memref_squeeze %dma_wait3A_484 : memref<1x128xi32, #tpu.memory_space<vmem>> -> memref<128xi32, #tpu.memory_space<vmem>>
    %dma_wait3A_486 = arith.constant 0 : i32
    %dma_wait3A_487 = tpu.memref_slice %arg2[%dma_wait3A_477, %dma_wait3A_486] : memref<16x100000xf32, #tpu.memory_space<hbm>> -> memref<1x100000xf32, #tpu.memory_space<hbm>>
    %dma_wait3A_488 = tpu.memref_squeeze %dma_wait3A_487 : memref<1x100000xf32, #tpu.memory_space<hbm>> -> memref<100000xf32, #tpu.memory_space<hbm>>
    %dma_wait3A_489 = arith.constant 0 : i32
    %dma_wait3A_490 = tpu.memref_slice %dma_wait3A_488[%dma_wait3A_489] : memref<100000xf32, #tpu.memory_space<hbm>> -> memref<100000xf32, #tpu.memory_space<hbm>>
    tpu.wait_indirect_dma semaphore(%arg7 : memref<!tpu.dma_semaphore, #tpu.memory_space<semaphore_mem>>) src(%dma_wait3A_490 : memref<100000xf32, #tpu.memory_space<hbm>>) dst(%dma_wait3A_482 : memref<128xf32, #tpu.memory_space<vmem>>)
    %dma_wait3A_491 = arith.constant 3 : i32
    %dma_wait3A_492 = arith.constant 0 : i32
    %dma_wait3A_493 = arith.constant 3 : i32
    %dma_wait3A_494 = arith.constant 0 : i32
    %dma_wait3A_495 = tpu.memref_slice %arg6[%dma_wait3A_493, %dma_wait3A_494] : memref<16x512xf32, #tpu.memory_space<vmem>> -> memref<1x128xf32, #tpu.memory_space<vmem>>
    %dma_wait3A_496 = tpu.memref_squeeze %dma_wait3A_495 : memref<1x128xf32, #tpu.memory_space<vmem>> -> memref<128xf32, #tpu.memory_space<vmem>>
    %dma_wait3A_497 = arith.constant 0 : i32
    %dma_wait3A_498 = tpu.memref_slice %arg5[%dma_wait3A_492, %dma_wait3A_497] : memref<4x128xi32, #tpu.memory_space<vmem>> -> memref<1x128xi32, #tpu.memory_space<vmem>>
    %dma_wait3A_499 = tpu.memref_squeeze %dma_wait3A_498 : memref<1x128xi32, #tpu.memory_space<vmem>> -> memref<128xi32, #tpu.memory_space<vmem>>
    %dma_wait3A_500 = arith.constant 0 : i32
    %dma_wait3A_501 = tpu.memref_slice %arg2[%dma_wait3A_491, %dma_wait3A_500] : memref<16x100000xf32, #tpu.memory_space<hbm>> -> memref<1x100000xf32, #tpu.memory_space<hbm>>
    %dma_wait3A_502 = tpu.memref_squeeze %dma_wait3A_501 : memref<1x100000xf32, #tpu.memory_space<hbm>> -> memref<100000xf32, #tpu.memory_space<hbm>>
    %dma_wait3A_503 = arith.constant 0 : i32
    %dma_wait3A_504 = tpu.memref_slice %dma_wait3A_502[%dma_wait3A_503] : memref<100000xf32, #tpu.memory_space<hbm>> -> memref<100000xf32, #tpu.memory_space<hbm>>
    tpu.wait_indirect_dma semaphore(%arg7 : memref<!tpu.dma_semaphore, #tpu.memory_space<semaphore_mem>>) src(%dma_wait3A_504 : memref<100000xf32, #tpu.memory_space<hbm>>) dst(%dma_wait3A_496 : memref<128xf32, #tpu.memory_space<vmem>>)
    %dma_wait3A_505 = arith.constant 4 : i32
    %dma_wait3A_506 = arith.constant 0 : i32
    %dma_wait3A_507 = arith.constant 4 : i32
    %dma_wait3A_508 = arith.constant 0 : i32
    %dma_wait3A_509 = tpu.memref_slice %arg6[%dma_wait3A_507, %dma_wait3A_508] : memref<16x512xf32, #tpu.memory_space<vmem>> -> memref<1x128xf32, #tpu.memory_space<vmem>>
    %dma_wait3A_510 = tpu.memref_squeeze %dma_wait3A_509 : memref<1x128xf32, #tpu.memory_space<vmem>> -> memref<128xf32, #tpu.memory_space<vmem>>
    %dma_wait3A_511 = arith.constant 0 : i32
    %dma_wait3A_512 = tpu.memref_slice %arg5[%dma_wait3A_506, %dma_wait3A_511] : memref<4x128xi32, #tpu.memory_space<vmem>> -> memref<1x128xi32, #tpu.memory_space<vmem>>
    %dma_wait3A_513 = tpu.memref_squeeze %dma_wait3A_512 : memref<1x128xi32, #tpu.memory_space<vmem>> -> memref<128xi32, #tpu.memory_space<vmem>>
    %dma_wait3A_514 = arith.constant 0 : i32
    %dma_wait3A_515 = tpu.memref_slice %arg2[%dma_wait3A_505, %dma_wait3A_514] : memref<16x100000xf32, #tpu.memory_space<hbm>> -> memref<1x100000xf32, #tpu.memory_space<hbm>>
    %dma_wait3A_516 = tpu.memref_squeeze %dma_wait3A_515 : memref<1x100000xf32, #tpu.memory_space<hbm>> -> memref<100000xf32, #tpu.memory_space<hbm>>
    %dma_wait3A_517 = arith.constant 0 : i32
    %dma_wait3A_518 = tpu.memref_slice %dma_wait3A_516[%dma_wait3A_517] : memref<100000xf32, #tpu.memory_space<hbm>> -> memref<100000xf32, #tpu.memory_space<hbm>>
    tpu.wait_indirect_dma semaphore(%arg7 : memref<!tpu.dma_semaphore, #tpu.memory_space<semaphore_mem>>) src(%dma_wait3A_518 : memref<100000xf32, #tpu.memory_space<hbm>>) dst(%dma_wait3A_510 : memref<128xf32, #tpu.memory_space<vmem>>)
    %dma_wait3A_519 = arith.constant 5 : i32
    %dma_wait3A_520 = arith.constant 0 : i32
    %dma_wait3A_521 = arith.constant 5 : i32
    %dma_wait3A_522 = arith.constant 0 : i32
    %dma_wait3A_523 = tpu.memref_slice %arg6[%dma_wait3A_521, %dma_wait3A_522] : memref<16x512xf32, #tpu.memory_space<vmem>> -> memref<1x128xf32, #tpu.memory_space<vmem>>
    %dma_wait3A_524 = tpu.memref_squeeze %dma_wait3A_523 : memref<1x128xf32, #tpu.memory_space<vmem>> -> memref<128xf32, #tpu.memory_space<vmem>>
    %dma_wait3A_525 = arith.constant 0 : i32
    %dma_wait3A_526 = tpu.memref_slice %arg5[%dma_wait3A_520, %dma_wait3A_525] : memref<4x128xi32, #tpu.memory_space<vmem>> -> memref<1x128xi32, #tpu.memory_space<vmem>>
    %dma_wait3A_527 = tpu.memref_squeeze %dma_wait3A_526 : memref<1x128xi32, #tpu.memory_space<vmem>> -> memref<128xi32, #tpu.memory_space<vmem>>
    %dma_wait3A_528 = arith.constant 0 : i32
    %dma_wait3A_529 = tpu.memref_slice %arg2[%dma_wait3A_519, %dma_wait3A_528] : memref<16x100000xf32, #tpu.memory_space<hbm>> -> memref<1x100000xf32, #tpu.memory_space<hbm>>
    %dma_wait3A_530 = tpu.memref_squeeze %dma_wait3A_529 : memref<1x100000xf32, #tpu.memory_space<hbm>> -> memref<100000xf32, #tpu.memory_space<hbm>>
    %dma_wait3A_531 = arith.constant 0 : i32
    %dma_wait3A_532 = tpu.memref_slice %dma_wait3A_530[%dma_wait3A_531] : memref<100000xf32, #tpu.memory_space<hbm>> -> memref<100000xf32, #tpu.memory_space<hbm>>
    tpu.wait_indirect_dma semaphore(%arg7 : memref<!tpu.dma_semaphore, #tpu.memory_space<semaphore_mem>>) src(%dma_wait3A_532 : memref<100000xf32, #tpu.memory_space<hbm>>) dst(%dma_wait3A_524 : memref<128xf32, #tpu.memory_space<vmem>>)
    %dma_wait3A_533 = arith.constant 6 : i32
    %dma_wait3A_534 = arith.constant 0 : i32
    %dma_wait3A_535 = arith.constant 6 : i32
    %dma_wait3A_536 = arith.constant 0 : i32
    %dma_wait3A_537 = tpu.memref_slice %arg6[%dma_wait3A_535, %dma_wait3A_536] : memref<16x512xf32, #tpu.memory_space<vmem>> -> memref<1x128xf32, #tpu.memory_space<vmem>>
    %dma_wait3A_538 = tpu.memref_squeeze %dma_wait3A_537 : memref<1x128xf32, #tpu.memory_space<vmem>> -> memref<128xf32, #tpu.memory_space<vmem>>
    %dma_wait3A_539 = arith.constant 0 : i32
    %dma_wait3A_540 = tpu.memref_slice %arg5[%dma_wait3A_534, %dma_wait3A_539] : memref<4x128xi32, #tpu.memory_space<vmem>> -> memref<1x128xi32, #tpu.memory_space<vmem>>
    %dma_wait3A_541 = tpu.memref_squeeze %dma_wait3A_540 : memref<1x128xi32, #tpu.memory_space<vmem>> -> memref<128xi32, #tpu.memory_space<vmem>>
    %dma_wait3A_542 = arith.constant 0 : i32
    %dma_wait3A_543 = tpu.memref_slice %arg2[%dma_wait3A_533, %dma_wait3A_542] : memref<16x100000xf32, #tpu.memory_space<hbm>> -> memref<1x100000xf32, #tpu.memory_space<hbm>>
    %dma_wait3A_544 = tpu.memref_squeeze %dma_wait3A_543 : memref<1x100000xf32, #tpu.memory_space<hbm>> -> memref<100000xf32, #tpu.memory_space<hbm>>
    %dma_wait3A_545 = arith.constant 0 : i32
    %dma_wait3A_546 = tpu.memref_slice %dma_wait3A_544[%dma_wait3A_545] : memref<100000xf32, #tpu.memory_space<hbm>> -> memref<100000xf32, #tpu.memory_space<hbm>>
    tpu.wait_indirect_dma semaphore(%arg7 : memref<!tpu.dma_semaphore, #tpu.memory_space<semaphore_mem>>) src(%dma_wait3A_546 : memref<100000xf32, #tpu.memory_space<hbm>>) dst(%dma_wait3A_538 : memref<128xf32, #tpu.memory_space<vmem>>)
    %dma_wait3A_547 = arith.constant 7 : i32
    %dma_wait3A_548 = arith.constant 0 : i32
    %dma_wait3A_549 = arith.constant 7 : i32
    %dma_wait3A_550 = arith.constant 0 : i32
    %dma_wait3A_551 = tpu.memref_slice %arg6[%dma_wait3A_549, %dma_wait3A_550] : memref<16x512xf32, #tpu.memory_space<vmem>> -> memref<1x128xf32, #tpu.memory_space<vmem>>
    %dma_wait3A_552 = tpu.memref_squeeze %dma_wait3A_551 : memref<1x128xf32, #tpu.memory_space<vmem>> -> memref<128xf32, #tpu.memory_space<vmem>>
    %dma_wait3A_553 = arith.constant 0 : i32
    %dma_wait3A_554 = tpu.memref_slice %arg5[%dma_wait3A_548, %dma_wait3A_553] : memref<4x128xi32, #tpu.memory_space<vmem>> -> memref<1x128xi32, #tpu.memory_space<vmem>>
    %dma_wait3A_555 = tpu.memref_squeeze %dma_wait3A_554 : memref<1x128xi32, #tpu.memory_space<vmem>> -> memref<128xi32, #tpu.memory_space<vmem>>
    %dma_wait3A_556 = arith.constant 0 : i32
    %dma_wait3A_557 = tpu.memref_slice %arg2[%dma_wait3A_547, %dma_wait3A_556] : memref<16x100000xf32, #tpu.memory_space<hbm>> -> memref<1x100000xf32, #tpu.memory_space<hbm>>
    %dma_wait3A_558 = tpu.memref_squeeze %dma_wait3A_557 : memref<1x100000xf32, #tpu.memory_space<hbm>> -> memref<100000xf32, #tpu.memory_space<hbm>>
    %dma_wait3A_559 = arith.constant 0 : i32
    %dma_wait3A_560 = tpu.memref_slice %dma_wait3A_558[%dma_wait3A_559] : memref<100000xf32, #tpu.memory_space<hbm>> -> memref<100000xf32, #tpu.memory_space<hbm>>
    tpu.wait_indirect_dma semaphore(%arg7 : memref<!tpu.dma_semaphore, #tpu.memory_space<semaphore_mem>>) src(%dma_wait3A_560 : memref<100000xf32, #tpu.memory_space<hbm>>) dst(%dma_wait3A_552 : memref<128xf32, #tpu.memory_space<vmem>>)
    %dma_wait3A_561 = arith.constant 8 : i32
    %dma_wait3A_562 = arith.constant 0 : i32
    %dma_wait3A_563 = arith.constant 8 : i32
    %dma_wait3A_564 = arith.constant 0 : i32
    %dma_wait3A_565 = tpu.memref_slice %arg6[%dma_wait3A_563, %dma_wait3A_564] : memref<16x512xf32, #tpu.memory_space<vmem>> -> memref<1x128xf32, #tpu.memory_space<vmem>>
    %dma_wait3A_566 = tpu.memref_squeeze %dma_wait3A_565 : memref<1x128xf32, #tpu.memory_space<vmem>> -> memref<128xf32, #tpu.memory_space<vmem>>
    %dma_wait3A_567 = arith.constant 0 : i32
    %dma_wait3A_568 = tpu.memref_slice %arg5[%dma_wait3A_562, %dma_wait3A_567] : memref<4x128xi32, #tpu.memory_space<vmem>> -> memref<1x128xi32, #tpu.memory_space<vmem>>
    %dma_wait3A_569 = tpu.memref_squeeze %dma_wait3A_568 : memref<1x128xi32, #tpu.memory_space<vmem>> -> memref<128xi32, #tpu.memory_space<vmem>>
    %dma_wait3A_570 = arith.constant 0 : i32
    %dma_wait3A_571 = tpu.memref_slice %arg2[%dma_wait3A_561, %dma_wait3A_570] : memref<16x100000xf32, #tpu.memory_space<hbm>> -> memref<1x100000xf32, #tpu.memory_space<hbm>>
    %dma_wait3A_572 = tpu.memref_squeeze %dma_wait3A_571 : memref<1x100000xf32, #tpu.memory_space<hbm>> -> memref<100000xf32, #tpu.memory_space<hbm>>
    %dma_wait3A_573 = arith.constant 0 : i32
    %dma_wait3A_574 = tpu.memref_slice %dma_wait3A_572[%dma_wait3A_573] : memref<100000xf32, #tpu.memory_space<hbm>> -> memref<100000xf32, #tpu.memory_space<hbm>>
    tpu.wait_indirect_dma semaphore(%arg7 : memref<!tpu.dma_semaphore, #tpu.memory_space<semaphore_mem>>) src(%dma_wait3A_574 : memref<100000xf32, #tpu.memory_space<hbm>>) dst(%dma_wait3A_566 : memref<128xf32, #tpu.memory_space<vmem>>)
    %dma_wait3A_575 = arith.constant 9 : i32
    %dma_wait3A_576 = arith.constant 0 : i32
    %dma_wait3A_577 = arith.constant 9 : i32
    %dma_wait3A_578 = arith.constant 0 : i32
    %dma_wait3A_579 = tpu.memref_slice %arg6[%dma_wait3A_577, %dma_wait3A_578] : memref<16x512xf32, #tpu.memory_space<vmem>> -> memref<1x128xf32, #tpu.memory_space<vmem>>
    %dma_wait3A_580 = tpu.memref_squeeze %dma_wait3A_579 : memref<1x128xf32, #tpu.memory_space<vmem>> -> memref<128xf32, #tpu.memory_space<vmem>>
    %dma_wait3A_581 = arith.constant 0 : i32
    %dma_wait3A_582 = tpu.memref_slice %arg5[%dma_wait3A_576, %dma_wait3A_581] : memref<4x128xi32, #tpu.memory_space<vmem>> -> memref<1x128xi32, #tpu.memory_space<vmem>>
    %dma_wait3A_583 = tpu.memref_squeeze %dma_wait3A_582 : memref<1x128xi32, #tpu.memory_space<vmem>> -> memref<128xi32, #tpu.memory_space<vmem>>
    %dma_wait3A_584 = arith.constant 0 : i32
    %dma_wait3A_585 = tpu.memref_slice %arg2[%dma_wait3A_575, %dma_wait3A_584] : memref<16x100000xf32, #tpu.memory_space<hbm>> -> memref<1x100000xf32, #tpu.memory_space<hbm>>
    %dma_wait3A_586 = tpu.memref_squeeze %dma_wait3A_585 : memref<1x100000xf32, #tpu.memory_space<hbm>> -> memref<100000xf32, #tpu.memory_space<hbm>>
    %dma_wait3A_587 = arith.constant 0 : i32
    %dma_wait3A_588 = tpu.memref_slice %dma_wait3A_586[%dma_wait3A_587] : memref<100000xf32, #tpu.memory_space<hbm>> -> memref<100000xf32, #tpu.memory_space<hbm>>
    tpu.wait_indirect_dma semaphore(%arg7 : memref<!tpu.dma_semaphore, #tpu.memory_space<semaphore_mem>>) src(%dma_wait3A_588 : memref<100000xf32, #tpu.memory_space<hbm>>) dst(%dma_wait3A_580 : memref<128xf32, #tpu.memory_space<vmem>>)
    %dma_wait3A_589 = arith.constant 10 : i32
    %dma_wait3A_590 = arith.constant 0 : i32
    %dma_wait3A_591 = arith.constant 10 : i32
    %dma_wait3A_592 = arith.constant 0 : i32
    %dma_wait3A_593 = tpu.memref_slice %arg6[%dma_wait3A_591, %dma_wait3A_592] : memref<16x512xf32, #tpu.memory_space<vmem>> -> memref<1x128xf32, #tpu.memory_space<vmem>>
    %dma_wait3A_594 = tpu.memref_squeeze %dma_wait3A_593 : memref<1x128xf32, #tpu.memory_space<vmem>> -> memref<128xf32, #tpu.memory_space<vmem>>
    %dma_wait3A_595 = arith.constant 0 : i32
    %dma_wait3A_596 = tpu.memref_slice %arg5[%dma_wait3A_590, %dma_wait3A_595] : memref<4x128xi32, #tpu.memory_space<vmem>> -> memref<1x128xi32, #tpu.memory_space<vmem>>
    %dma_wait3A_597 = tpu.memref_squeeze %dma_wait3A_596 : memref<1x128xi32, #tpu.memory_space<vmem>> -> memref<128xi32, #tpu.memory_space<vmem>>
    %dma_wait3A_598 = arith.constant 0 : i32
    %dma_wait3A_599 = tpu.memref_slice %arg2[%dma_wait3A_589, %dma_wait3A_598] : memref<16x100000xf32, #tpu.memory_space<hbm>> -> memref<1x100000xf32, #tpu.memory_space<hbm>>
    %dma_wait3A_600 = tpu.memref_squeeze %dma_wait3A_599 : memref<1x100000xf32, #tpu.memory_space<hbm>> -> memref<100000xf32, #tpu.memory_space<hbm>>
    %dma_wait3A_601 = arith.constant 0 : i32
    %dma_wait3A_602 = tpu.memref_slice %dma_wait3A_600[%dma_wait3A_601] : memref<100000xf32, #tpu.memory_space<hbm>> -> memref<100000xf32, #tpu.memory_space<hbm>>
    tpu.wait_indirect_dma semaphore(%arg7 : memref<!tpu.dma_semaphore, #tpu.memory_space<semaphore_mem>>) src(%dma_wait3A_602 : memref<100000xf32, #tpu.memory_space<hbm>>) dst(%dma_wait3A_594 : memref<128xf32, #tpu.memory_space<vmem>>)
    %dma_wait3A_603 = arith.constant 11 : i32
    %dma_wait3A_604 = arith.constant 0 : i32
    %dma_wait3A_605 = arith.constant 11 : i32
    %dma_wait3A_606 = arith.constant 0 : i32
    %dma_wait3A_607 = tpu.memref_slice %arg6[%dma_wait3A_605, %dma_wait3A_606] : memref<16x512xf32, #tpu.memory_space<vmem>> -> memref<1x128xf32, #tpu.memory_space<vmem>>
    %dma_wait3A_608 = tpu.memref_squeeze %dma_wait3A_607 : memref<1x128xf32, #tpu.memory_space<vmem>> -> memref<128xf32, #tpu.memory_space<vmem>>
    %dma_wait3A_609 = arith.constant 0 : i32
    %dma_wait3A_610 = tpu.memref_slice %arg5[%dma_wait3A_604, %dma_wait3A_609] : memref<4x128xi32, #tpu.memory_space<vmem>> -> memref<1x128xi32, #tpu.memory_space<vmem>>
    %dma_wait3A_611 = tpu.memref_squeeze %dma_wait3A_610 : memref<1x128xi32, #tpu.memory_space<vmem>> -> memref<128xi32, #tpu.memory_space<vmem>>
    %dma_wait3A_612 = arith.constant 0 : i32
    %dma_wait3A_613 = tpu.memref_slice %arg2[%dma_wait3A_603, %dma_wait3A_612] : memref<16x100000xf32, #tpu.memory_space<hbm>> -> memref<1x100000xf32, #tpu.memory_space<hbm>>
    %dma_wait3A_614 = tpu.memref_squeeze %dma_wait3A_613 : memref<1x100000xf32, #tpu.memory_space<hbm>> -> memref<100000xf32, #tpu.memory_space<hbm>>
    %dma_wait3A_615 = arith.constant 0 : i32
    %dma_wait3A_616 = tpu.memref_slice %dma_wait3A_614[%dma_wait3A_615] : memref<100000xf32, #tpu.memory_space<hbm>> -> memref<100000xf32, #tpu.memory_space<hbm>>
    tpu.wait_indirect_dma semaphore(%arg7 : memref<!tpu.dma_semaphore, #tpu.memory_space<semaphore_mem>>) src(%dma_wait3A_616 : memref<100000xf32, #tpu.memory_space<hbm>>) dst(%dma_wait3A_608 : memref<128xf32, #tpu.memory_space<vmem>>)
    %dma_wait3A_617 = arith.constant 12 : i32
    %dma_wait3A_618 = arith.constant 0 : i32
    %dma_wait3A_619 = arith.constant 12 : i32
    %dma_wait3A_620 = arith.constant 0 : i32
    %dma_wait3A_621 = tpu.memref_slice %arg6[%dma_wait3A_619, %dma_wait3A_620] : memref<16x512xf32, #tpu.memory_space<vmem>> -> memref<1x128xf32, #tpu.memory_space<vmem>>
    %dma_wait3A_622 = tpu.memref_squeeze %dma_wait3A_621 : memref<1x128xf32, #tpu.memory_space<vmem>> -> memref<128xf32, #tpu.memory_space<vmem>>
    %dma_wait3A_623 = arith.constant 0 : i32
    %dma_wait3A_624 = tpu.memref_slice %arg5[%dma_wait3A_618, %dma_wait3A_623] : memref<4x128xi32, #tpu.memory_space<vmem>> -> memref<1x128xi32, #tpu.memory_space<vmem>>
    %dma_wait3A_625 = tpu.memref_squeeze %dma_wait3A_624 : memref<1x128xi32, #tpu.memory_space<vmem>> -> memref<128xi32, #tpu.memory_space<vmem>>
    %dma_wait3A_626 = arith.constant 0 : i32
    %dma_wait3A_627 = tpu.memref_slice %arg2[%dma_wait3A_617, %dma_wait3A_626] : memref<16x100000xf32, #tpu.memory_space<hbm>> -> memref<1x100000xf32, #tpu.memory_space<hbm>>
    %dma_wait3A_628 = tpu.memref_squeeze %dma_wait3A_627 : memref<1x100000xf32, #tpu.memory_space<hbm>> -> memref<100000xf32, #tpu.memory_space<hbm>>
    %dma_wait3A_629 = arith.constant 0 : i32
    %dma_wait3A_630 = tpu.memref_slice %dma_wait3A_628[%dma_wait3A_629] : memref<100000xf32, #tpu.memory_space<hbm>> -> memref<100000xf32, #tpu.memory_space<hbm>>
    tpu.wait_indirect_dma semaphore(%arg7 : memref<!tpu.dma_semaphore, #tpu.memory_space<semaphore_mem>>) src(%dma_wait3A_630 : memref<100000xf32, #tpu.memory_space<hbm>>) dst(%dma_wait3A_622 : memref<128xf32, #tpu.memory_space<vmem>>)
    %dma_wait3A_631 = arith.constant 13 : i32
    %dma_wait3A_632 = arith.constant 0 : i32
    %dma_wait3A_633 = arith.constant 13 : i32
    %dma_wait3A_634 = arith.constant 0 : i32
    %dma_wait3A_635 = tpu.memref_slice %arg6[%dma_wait3A_633, %dma_wait3A_634] : memref<16x512xf32, #tpu.memory_space<vmem>> -> memref<1x128xf32, #tpu.memory_space<vmem>>
    %dma_wait3A_636 = tpu.memref_squeeze %dma_wait3A_635 : memref<1x128xf32, #tpu.memory_space<vmem>> -> memref<128xf32, #tpu.memory_space<vmem>>
    %dma_wait3A_637 = arith.constant 0 : i32
    %dma_wait3A_638 = tpu.memref_slice %arg5[%dma_wait3A_632, %dma_wait3A_637] : memref<4x128xi32, #tpu.memory_space<vmem>> -> memref<1x128xi32, #tpu.memory_space<vmem>>
    %dma_wait3A_639 = tpu.memref_squeeze %dma_wait3A_638 : memref<1x128xi32, #tpu.memory_space<vmem>> -> memref<128xi32, #tpu.memory_space<vmem>>
    %dma_wait3A_640 = arith.constant 0 : i32
    %dma_wait3A_641 = tpu.memref_slice %arg2[%dma_wait3A_631, %dma_wait3A_640] : memref<16x100000xf32, #tpu.memory_space<hbm>> -> memref<1x100000xf32, #tpu.memory_space<hbm>>
    %dma_wait3A_642 = tpu.memref_squeeze %dma_wait3A_641 : memref<1x100000xf32, #tpu.memory_space<hbm>> -> memref<100000xf32, #tpu.memory_space<hbm>>
    %dma_wait3A_643 = arith.constant 0 : i32
    %dma_wait3A_644 = tpu.memref_slice %dma_wait3A_642[%dma_wait3A_643] : memref<100000xf32, #tpu.memory_space<hbm>> -> memref<100000xf32, #tpu.memory_space<hbm>>
    tpu.wait_indirect_dma semaphore(%arg7 : memref<!tpu.dma_semaphore, #tpu.memory_space<semaphore_mem>>) src(%dma_wait3A_644 : memref<100000xf32, #tpu.memory_space<hbm>>) dst(%dma_wait3A_636 : memref<128xf32, #tpu.memory_space<vmem>>)
    %dma_wait3A_645 = arith.constant 14 : i32
    %dma_wait3A_646 = arith.constant 0 : i32
    %dma_wait3A_647 = arith.constant 14 : i32
    %dma_wait3A_648 = arith.constant 0 : i32
    %dma_wait3A_649 = tpu.memref_slice %arg6[%dma_wait3A_647, %dma_wait3A_648] : memref<16x512xf32, #tpu.memory_space<vmem>> -> memref<1x128xf32, #tpu.memory_space<vmem>>
    %dma_wait3A_650 = tpu.memref_squeeze %dma_wait3A_649 : memref<1x128xf32, #tpu.memory_space<vmem>> -> memref<128xf32, #tpu.memory_space<vmem>>
    %dma_wait3A_651 = arith.constant 0 : i32
    %dma_wait3A_652 = tpu.memref_slice %arg5[%dma_wait3A_646, %dma_wait3A_651] : memref<4x128xi32, #tpu.memory_space<vmem>> -> memref<1x128xi32, #tpu.memory_space<vmem>>
    %dma_wait3A_653 = tpu.memref_squeeze %dma_wait3A_652 : memref<1x128xi32, #tpu.memory_space<vmem>> -> memref<128xi32, #tpu.memory_space<vmem>>
    %dma_wait3A_654 = arith.constant 0 : i32
    %dma_wait3A_655 = tpu.memref_slice %arg2[%dma_wait3A_645, %dma_wait3A_654] : memref<16x100000xf32, #tpu.memory_space<hbm>> -> memref<1x100000xf32, #tpu.memory_space<hbm>>
    %dma_wait3A_656 = tpu.memref_squeeze %dma_wait3A_655 : memref<1x100000xf32, #tpu.memory_space<hbm>> -> memref<100000xf32, #tpu.memory_space<hbm>>
    %dma_wait3A_657 = arith.constant 0 : i32
    %dma_wait3A_658 = tpu.memref_slice %dma_wait3A_656[%dma_wait3A_657] : memref<100000xf32, #tpu.memory_space<hbm>> -> memref<100000xf32, #tpu.memory_space<hbm>>
    tpu.wait_indirect_dma semaphore(%arg7 : memref<!tpu.dma_semaphore, #tpu.memory_space<semaphore_mem>>) src(%dma_wait3A_658 : memref<100000xf32, #tpu.memory_space<hbm>>) dst(%dma_wait3A_650 : memref<128xf32, #tpu.memory_space<vmem>>)
    %dma_wait3A_659 = arith.constant 15 : i32
    %dma_wait3A_660 = arith.constant 0 : i32
    %dma_wait3A_661 = arith.constant 15 : i32
    %dma_wait3A_662 = arith.constant 0 : i32
    %dma_wait3A_663 = tpu.memref_slice %arg6[%dma_wait3A_661, %dma_wait3A_662] : memref<16x512xf32, #tpu.memory_space<vmem>> -> memref<1x128xf32, #tpu.memory_space<vmem>>
    %dma_wait3A_664 = tpu.memref_squeeze %dma_wait3A_663 : memref<1x128xf32, #tpu.memory_space<vmem>> -> memref<128xf32, #tpu.memory_space<vmem>>
    %dma_wait3A_665 = arith.constant 0 : i32
    %dma_wait3A_666 = tpu.memref_slice %arg5[%dma_wait3A_660, %dma_wait3A_665] : memref<4x128xi32, #tpu.memory_space<vmem>> -> memref<1x128xi32, #tpu.memory_space<vmem>>
    %dma_wait3A_667 = tpu.memref_squeeze %dma_wait3A_666 : memref<1x128xi32, #tpu.memory_space<vmem>> -> memref<128xi32, #tpu.memory_space<vmem>>
    %dma_wait3A_668 = arith.constant 0 : i32
    %dma_wait3A_669 = tpu.memref_slice %arg2[%dma_wait3A_659, %dma_wait3A_668] : memref<16x100000xf32, #tpu.memory_space<hbm>> -> memref<1x100000xf32, #tpu.memory_space<hbm>>
    %dma_wait3A_670 = tpu.memref_squeeze %dma_wait3A_669 : memref<1x100000xf32, #tpu.memory_space<hbm>> -> memref<100000xf32, #tpu.memory_space<hbm>>
    %dma_wait3A_671 = arith.constant 0 : i32
    %dma_wait3A_672 = tpu.memref_slice %dma_wait3A_670[%dma_wait3A_671] : memref<100000xf32, #tpu.memory_space<hbm>> -> memref<100000xf32, #tpu.memory_space<hbm>>
    tpu.wait_indirect_dma semaphore(%arg7 : memref<!tpu.dma_semaphore, #tpu.memory_space<semaphore_mem>>) src(%dma_wait3A_672 : memref<100000xf32, #tpu.memory_space<hbm>>) dst(%dma_wait3A_664 : memref<128xf32, #tpu.memory_space<vmem>>)
    %dma_start3A_673 = arith.constant 0 : i32
    %dma_start3A_674 = arith.constant 2 : i32
    %dma_start3A_675 = arith.constant 0 : i32
    %dma_start3A_676 = arith.constant 256 : i32
    %dma_start3A_677 = tpu.memref_slice %arg6[%dma_start3A_675, %dma_start3A_676] : memref<16x512xf32, #tpu.memory_space<vmem>> -> memref<1x128xf32, #tpu.memory_space<vmem>>
    %dma_start3A_678 = tpu.memref_squeeze %dma_start3A_677 : memref<1x128xf32, #tpu.memory_space<vmem>> -> memref<128xf32, #tpu.memory_space<vmem>>
    %dma_start3A_679 = arith.constant 0 : i32
    %dma_start3A_680 = tpu.memref_slice %arg5[%dma_start3A_674, %dma_start3A_679] : memref<4x128xi32, #tpu.memory_space<vmem>> -> memref<1x128xi32, #tpu.memory_space<vmem>>
    %dma_start3A_681 = tpu.memref_squeeze %dma_start3A_680 : memref<1x128xi32, #tpu.memory_space<vmem>> -> memref<128xi32, #tpu.memory_space<vmem>>
    %dma_start3A_682 = arith.constant 0 : i32
    %dma_start3A_683 = tpu.memref_slice %arg2[%dma_start3A_673, %dma_start3A_682] : memref<16x100000xf32, #tpu.memory_space<hbm>> -> memref<1x100000xf32, #tpu.memory_space<hbm>>
    %dma_start3A_684 = tpu.memref_squeeze %dma_start3A_683 : memref<1x100000xf32, #tpu.memory_space<hbm>> -> memref<100000xf32, #tpu.memory_space<hbm>>
    %dma_start3A_685 = arith.constant 0 : i32
    %dma_start3A_686 = tpu.memref_slice %dma_start3A_684[%dma_start3A_685] : memref<100000xf32, #tpu.memory_space<hbm>> -> memref<100000xf32, #tpu.memory_space<hbm>>
    tpu.enqueue_indirect_dma source(%dma_start3A_686 : memref<100000xf32, #tpu.memory_space<hbm>>) target(%dma_start3A_678 : memref<128xf32, #tpu.memory_space<vmem>>) offsets(%dma_start3A_681 : memref<128xi32, #tpu.memory_space<vmem>>) semaphore(%arg7 : memref<!tpu.dma_semaphore, #tpu.memory_space<semaphore_mem>>)
    %dma_start3A_687 = arith.constant 1 : i32
    %dma_start3A_688 = arith.constant 2 : i32
    %dma_start3A_689 = arith.constant 1 : i32
    %dma_start3A_690 = arith.constant 256 : i32
    %dma_start3A_691 = tpu.memref_slice %arg6[%dma_start3A_689, %dma_start3A_690] : memref<16x512xf32, #tpu.memory_space<vmem>> -> memref<1x128xf32, #tpu.memory_space<vmem>>
    %dma_start3A_692 = tpu.memref_squeeze %dma_start3A_691 : memref<1x128xf32, #tpu.memory_space<vmem>> -> memref<128xf32, #tpu.memory_space<vmem>>
    %dma_start3A_693 = arith.constant 0 : i32
    %dma_start3A_694 = tpu.memref_slice %arg5[%dma_start3A_688, %dma_start3A_693] : memref<4x128xi32, #tpu.memory_space<vmem>> -> memref<1x128xi32, #tpu.memory_space<vmem>>
    %dma_start3A_695 = tpu.memref_squeeze %dma_start3A_694 : memref<1x128xi32, #tpu.memory_space<vmem>> -> memref<128xi32, #tpu.memory_space<vmem>>
    %dma_start3A_696 = arith.constant 0 : i32
    %dma_start3A_697 = tpu.memref_slice %arg2[%dma_start3A_687, %dma_start3A_696] : memref<16x100000xf32, #tpu.memory_space<hbm>> -> memref<1x100000xf32, #tpu.memory_space<hbm>>
    %dma_start3A_698 = tpu.memref_squeeze %dma_start3A_697 : memref<1x100000xf32, #tpu.memory_space<hbm>> -> memref<100000xf32, #tpu.memory_space<hbm>>
    %dma_start3A_699 = arith.constant 0 : i32
    %dma_start3A_700 = tpu.memref_slice %dma_start3A_698[%dma_start3A_699] : memref<100000xf32, #tpu.memory_space<hbm>> -> memref<100000xf32, #tpu.memory_space<hbm>>
    tpu.enqueue_indirect_dma source(%dma_start3A_700 : memref<100000xf32, #tpu.memory_space<hbm>>) target(%dma_start3A_692 : memref<128xf32, #tpu.memory_space<vmem>>) offsets(%dma_start3A_695 : memref<128xi32, #tpu.memory_space<vmem>>) semaphore(%arg7 : memref<!tpu.dma_semaphore, #tpu.memory_space<semaphore_mem>>)
    %dma_start3A_701 = arith.constant 2 : i32
    %dma_start3A_702 = arith.constant 2 : i32
    %dma_start3A_703 = arith.constant 2 : i32
    %dma_start3A_704 = arith.constant 256 : i32
    %dma_start3A_705 = tpu.memref_slice %arg6[%dma_start3A_703, %dma_start3A_704] : memref<16x512xf32, #tpu.memory_space<vmem>> -> memref<1x128xf32, #tpu.memory_space<vmem>>
    %dma_start3A_706 = tpu.memref_squeeze %dma_start3A_705 : memref<1x128xf32, #tpu.memory_space<vmem>> -> memref<128xf32, #tpu.memory_space<vmem>>
    %dma_start3A_707 = arith.constant 0 : i32
    %dma_start3A_708 = tpu.memref_slice %arg5[%dma_start3A_702, %dma_start3A_707] : memref<4x128xi32, #tpu.memory_space<vmem>> -> memref<1x128xi32, #tpu.memory_space<vmem>>
    %dma_start3A_709 = tpu.memref_squeeze %dma_start3A_708 : memref<1x128xi32, #tpu.memory_space<vmem>> -> memref<128xi32, #tpu.memory_space<vmem>>
    %dma_start3A_710 = arith.constant 0 : i32
    %dma_start3A_711 = tpu.memref_slice %arg2[%dma_start3A_701, %dma_start3A_710] : memref<16x100000xf32, #tpu.memory_space<hbm>> -> memref<1x100000xf32, #tpu.memory_space<hbm>>
    %dma_start3A_712 = tpu.memref_squeeze %dma_start3A_711 : memref<1x100000xf32, #tpu.memory_space<hbm>> -> memref<100000xf32, #tpu.memory_space<hbm>>
    %dma_start3A_713 = arith.constant 0 : i32
    %dma_start3A_714 = tpu.memref_slice %dma_start3A_712[%dma_start3A_713] : memref<100000xf32, #tpu.memory_space<hbm>> -> memref<100000xf32, #tpu.memory_space<hbm>>
    tpu.enqueue_indirect_dma source(%dma_start3A_714 : memref<100000xf32, #tpu.memory_space<hbm>>) target(%dma_start3A_706 : memref<128xf32, #tpu.memory_space<vmem>>) offsets(%dma_start3A_709 : memref<128xi32, #tpu.memory_space<vmem>>) semaphore(%arg7 : memref<!tpu.dma_semaphore, #tpu.memory_space<semaphore_mem>>)
    %dma_start3A_715 = arith.constant 3 : i32
    %dma_start3A_716 = arith.constant 2 : i32
    %dma_start3A_717 = arith.constant 3 : i32
    %dma_start3A_718 = arith.constant 256 : i32
    %dma_start3A_719 = tpu.memref_slice %arg6[%dma_start3A_717, %dma_start3A_718] : memref<16x512xf32, #tpu.memory_space<vmem>> -> memref<1x128xf32, #tpu.memory_space<vmem>>
    %dma_start3A_720 = tpu.memref_squeeze %dma_start3A_719 : memref<1x128xf32, #tpu.memory_space<vmem>> -> memref<128xf32, #tpu.memory_space<vmem>>
    %dma_start3A_721 = arith.constant 0 : i32
    %dma_start3A_722 = tpu.memref_slice %arg5[%dma_start3A_716, %dma_start3A_721] : memref<4x128xi32, #tpu.memory_space<vmem>> -> memref<1x128xi32, #tpu.memory_space<vmem>>
    %dma_start3A_723 = tpu.memref_squeeze %dma_start3A_722 : memref<1x128xi32, #tpu.memory_space<vmem>> -> memref<128xi32, #tpu.memory_space<vmem>>
    %dma_start3A_724 = arith.constant 0 : i32
    %dma_start3A_725 = tpu.memref_slice %arg2[%dma_start3A_715, %dma_start3A_724] : memref<16x100000xf32, #tpu.memory_space<hbm>> -> memref<1x100000xf32, #tpu.memory_space<hbm>>
    %dma_start3A_726 = tpu.memref_squeeze %dma_start3A_725 : memref<1x100000xf32, #tpu.memory_space<hbm>> -> memref<100000xf32, #tpu.memory_space<hbm>>
    %dma_start3A_727 = arith.constant 0 : i32
    %dma_start3A_728 = tpu.memref_slice %dma_start3A_726[%dma_start3A_727] : memref<100000xf32, #tpu.memory_space<hbm>> -> memref<100000xf32, #tpu.memory_space<hbm>>
    tpu.enqueue_indirect_dma source(%dma_start3A_728 : memref<100000xf32, #tpu.memory_space<hbm>>) target(%dma_start3A_720 : memref<128xf32, #tpu.memory_space<vmem>>) offsets(%dma_start3A_723 : memref<128xi32, #tpu.memory_space<vmem>>) semaphore(%arg7 : memref<!tpu.dma_semaphore, #tpu.memory_space<semaphore_mem>>)
    %dma_start3A_729 = arith.constant 4 : i32
    %dma_start3A_730 = arith.constant 2 : i32
    %dma_start3A_731 = arith.constant 4 : i32
    %dma_start3A_732 = arith.constant 256 : i32
    %dma_start3A_733 = tpu.memref_slice %arg6[%dma_start3A_731, %dma_start3A_732] : memref<16x512xf32, #tpu.memory_space<vmem>> -> memref<1x128xf32, #tpu.memory_space<vmem>>
    %dma_start3A_734 = tpu.memref_squeeze %dma_start3A_733 : memref<1x128xf32, #tpu.memory_space<vmem>> -> memref<128xf32, #tpu.memory_space<vmem>>
    %dma_start3A_735 = arith.constant 0 : i32
    %dma_start3A_736 = tpu.memref_slice %arg5[%dma_start3A_730, %dma_start3A_735] : memref<4x128xi32, #tpu.memory_space<vmem>> -> memref<1x128xi32, #tpu.memory_space<vmem>>
    %dma_start3A_737 = tpu.memref_squeeze %dma_start3A_736 : memref<1x128xi32, #tpu.memory_space<vmem>> -> memref<128xi32, #tpu.memory_space<vmem>>
    %dma_start3A_738 = arith.constant 0 : i32
    %dma_start3A_739 = tpu.memref_slice %arg2[%dma_start3A_729, %dma_start3A_738] : memref<16x100000xf32, #tpu.memory_space<hbm>> -> memref<1x100000xf32, #tpu.memory_space<hbm>>
    %dma_start3A_740 = tpu.memref_squeeze %dma_start3A_739 : memref<1x100000xf32, #tpu.memory_space<hbm>> -> memref<100000xf32, #tpu.memory_space<hbm>>
    %dma_start3A_741 = arith.constant 0 : i32
    %dma_start3A_742 = tpu.memref_slice %dma_start3A_740[%dma_start3A_741] : memref<100000xf32, #tpu.memory_space<hbm>> -> memref<100000xf32, #tpu.memory_space<hbm>>
    tpu.enqueue_indirect_dma source(%dma_start3A_742 : memref<100000xf32, #tpu.memory_space<hbm>>) target(%dma_start3A_734 : memref<128xf32, #tpu.memory_space<vmem>>) offsets(%dma_start3A_737 : memref<128xi32, #tpu.memory_space<vmem>>) semaphore(%arg7 : memref<!tpu.dma_semaphore, #tpu.memory_space<semaphore_mem>>)
    %dma_start3A_743 = arith.constant 5 : i32
    %dma_start3A_744 = arith.constant 2 : i32
    %dma_start3A_745 = arith.constant 5 : i32
    %dma_start3A_746 = arith.constant 256 : i32
    %dma_start3A_747 = tpu.memref_slice %arg6[%dma_start3A_745, %dma_start3A_746] : memref<16x512xf32, #tpu.memory_space<vmem>> -> memref<1x128xf32, #tpu.memory_space<vmem>>
    %dma_start3A_748 = tpu.memref_squeeze %dma_start3A_747 : memref<1x128xf32, #tpu.memory_space<vmem>> -> memref<128xf32, #tpu.memory_space<vmem>>
    %dma_start3A_749 = arith.constant 0 : i32
    %dma_start3A_750 = tpu.memref_slice %arg5[%dma_start3A_744, %dma_start3A_749] : memref<4x128xi32, #tpu.memory_space<vmem>> -> memref<1x128xi32, #tpu.memory_space<vmem>>
    %dma_start3A_751 = tpu.memref_squeeze %dma_start3A_750 : memref<1x128xi32, #tpu.memory_space<vmem>> -> memref<128xi32, #tpu.memory_space<vmem>>
    %dma_start3A_752 = arith.constant 0 : i32
    %dma_start3A_753 = tpu.memref_slice %arg2[%dma_start3A_743, %dma_start3A_752] : memref<16x100000xf32, #tpu.memory_space<hbm>> -> memref<1x100000xf32, #tpu.memory_space<hbm>>
    %dma_start3A_754 = tpu.memref_squeeze %dma_start3A_753 : memref<1x100000xf32, #tpu.memory_space<hbm>> -> memref<100000xf32, #tpu.memory_space<hbm>>
    %dma_start3A_755 = arith.constant 0 : i32
    %dma_start3A_756 = tpu.memref_slice %dma_start3A_754[%dma_start3A_755] : memref<100000xf32, #tpu.memory_space<hbm>> -> memref<100000xf32, #tpu.memory_space<hbm>>
    tpu.enqueue_indirect_dma source(%dma_start3A_756 : memref<100000xf32, #tpu.memory_space<hbm>>) target(%dma_start3A_748 : memref<128xf32, #tpu.memory_space<vmem>>) offsets(%dma_start3A_751 : memref<128xi32, #tpu.memory_space<vmem>>) semaphore(%arg7 : memref<!tpu.dma_semaphore, #tpu.memory_space<semaphore_mem>>)
    %dma_start3A_757 = arith.constant 6 : i32
    %dma_start3A_758 = arith.constant 2 : i32
    %dma_start3A_759 = arith.constant 6 : i32
    %dma_start3A_760 = arith.constant 256 : i32
    %dma_start3A_761 = tpu.memref_slice %arg6[%dma_start3A_759, %dma_start3A_760] : memref<16x512xf32, #tpu.memory_space<vmem>> -> memref<1x128xf32, #tpu.memory_space<vmem>>
    %dma_start3A_762 = tpu.memref_squeeze %dma_start3A_761 : memref<1x128xf32, #tpu.memory_space<vmem>> -> memref<128xf32, #tpu.memory_space<vmem>>
    %dma_start3A_763 = arith.constant 0 : i32
    %dma_start3A_764 = tpu.memref_slice %arg5[%dma_start3A_758, %dma_start3A_763] : memref<4x128xi32, #tpu.memory_space<vmem>> -> memref<1x128xi32, #tpu.memory_space<vmem>>
    %dma_start3A_765 = tpu.memref_squeeze %dma_start3A_764 : memref<1x128xi32, #tpu.memory_space<vmem>> -> memref<128xi32, #tpu.memory_space<vmem>>
    %dma_start3A_766 = arith.constant 0 : i32
    %dma_start3A_767 = tpu.memref_slice %arg2[%dma_start3A_757, %dma_start3A_766] : memref<16x100000xf32, #tpu.memory_space<hbm>> -> memref<1x100000xf32, #tpu.memory_space<hbm>>
    %dma_start3A_768 = tpu.memref_squeeze %dma_start3A_767 : memref<1x100000xf32, #tpu.memory_space<hbm>> -> memref<100000xf32, #tpu.memory_space<hbm>>
    %dma_start3A_769 = arith.constant 0 : i32
    %dma_start3A_770 = tpu.memref_slice %dma_start3A_768[%dma_start3A_769] : memref<100000xf32, #tpu.memory_space<hbm>> -> memref<100000xf32, #tpu.memory_space<hbm>>
    tpu.enqueue_indirect_dma source(%dma_start3A_770 : memref<100000xf32, #tpu.memory_space<hbm>>) target(%dma_start3A_762 : memref<128xf32, #tpu.memory_space<vmem>>) offsets(%dma_start3A_765 : memref<128xi32, #tpu.memory_space<vmem>>) semaphore(%arg7 : memref<!tpu.dma_semaphore, #tpu.memory_space<semaphore_mem>>)
    %dma_start3A_771 = arith.constant 7 : i32
    %dma_start3A_772 = arith.constant 2 : i32
    %dma_start3A_773 = arith.constant 7 : i32
    %dma_start3A_774 = arith.constant 256 : i32
    %dma_start3A_775 = tpu.memref_slice %arg6[%dma_start3A_773, %dma_start3A_774] : memref<16x512xf32, #tpu.memory_space<vmem>> -> memref<1x128xf32, #tpu.memory_space<vmem>>
    %dma_start3A_776 = tpu.memref_squeeze %dma_start3A_775 : memref<1x128xf32, #tpu.memory_space<vmem>> -> memref<128xf32, #tpu.memory_space<vmem>>
    %dma_start3A_777 = arith.constant 0 : i32
    %dma_start3A_778 = tpu.memref_slice %arg5[%dma_start3A_772, %dma_start3A_777] : memref<4x128xi32, #tpu.memory_space<vmem>> -> memref<1x128xi32, #tpu.memory_space<vmem>>
    %dma_start3A_779 = tpu.memref_squeeze %dma_start3A_778 : memref<1x128xi32, #tpu.memory_space<vmem>> -> memref<128xi32, #tpu.memory_space<vmem>>
    %dma_start3A_780 = arith.constant 0 : i32
    %dma_start3A_781 = tpu.memref_slice %arg2[%dma_start3A_771, %dma_start3A_780] : memref<16x100000xf32, #tpu.memory_space<hbm>> -> memref<1x100000xf32, #tpu.memory_space<hbm>>
    %dma_start3A_782 = tpu.memref_squeeze %dma_start3A_781 : memref<1x100000xf32, #tpu.memory_space<hbm>> -> memref<100000xf32, #tpu.memory_space<hbm>>
    %dma_start3A_783 = arith.constant 0 : i32
    %dma_start3A_784 = tpu.memref_slice %dma_start3A_782[%dma_start3A_783] : memref<100000xf32, #tpu.memory_space<hbm>> -> memref<100000xf32, #tpu.memory_space<hbm>>
    tpu.enqueue_indirect_dma source(%dma_start3A_784 : memref<100000xf32, #tpu.memory_space<hbm>>) target(%dma_start3A_776 : memref<128xf32, #tpu.memory_space<vmem>>) offsets(%dma_start3A_779 : memref<128xi32, #tpu.memory_space<vmem>>) semaphore(%arg7 : memref<!tpu.dma_semaphore, #tpu.memory_space<semaphore_mem>>)
    %dma_start3A_785 = arith.constant 8 : i32
    %dma_start3A_786 = arith.constant 2 : i32
    %dma_start3A_787 = arith.constant 8 : i32
    %dma_start3A_788 = arith.constant 256 : i32
    %dma_start3A_789 = tpu.memref_slice %arg6[%dma_start3A_787, %dma_start3A_788] : memref<16x512xf32, #tpu.memory_space<vmem>> -> memref<1x128xf32, #tpu.memory_space<vmem>>
    %dma_start3A_790 = tpu.memref_squeeze %dma_start3A_789 : memref<1x128xf32, #tpu.memory_space<vmem>> -> memref<128xf32, #tpu.memory_space<vmem>>
    %dma_start3A_791 = arith.constant 0 : i32
    %dma_start3A_792 = tpu.memref_slice %arg5[%dma_start3A_786, %dma_start3A_791] : memref<4x128xi32, #tpu.memory_space<vmem>> -> memref<1x128xi32, #tpu.memory_space<vmem>>
    %dma_start3A_793 = tpu.memref_squeeze %dma_start3A_792 : memref<1x128xi32, #tpu.memory_space<vmem>> -> memref<128xi32, #tpu.memory_space<vmem>>
    %dma_start3A_794 = arith.constant 0 : i32
    %dma_start3A_795 = tpu.memref_slice %arg2[%dma_start3A_785, %dma_start3A_794] : memref<16x100000xf32, #tpu.memory_space<hbm>> -> memref<1x100000xf32, #tpu.memory_space<hbm>>
    %dma_start3A_796 = tpu.memref_squeeze %dma_start3A_795 : memref<1x100000xf32, #tpu.memory_space<hbm>> -> memref<100000xf32, #tpu.memory_space<hbm>>
    %dma_start3A_797 = arith.constant 0 : i32
    %dma_start3A_798 = tpu.memref_slice %dma_start3A_796[%dma_start3A_797] : memref<100000xf32, #tpu.memory_space<hbm>> -> memref<100000xf32, #tpu.memory_space<hbm>>
    tpu.enqueue_indirect_dma source(%dma_start3A_798 : memref<100000xf32, #tpu.memory_space<hbm>>) target(%dma_start3A_790 : memref<128xf32, #tpu.memory_space<vmem>>) offsets(%dma_start3A_793 : memref<128xi32, #tpu.memory_space<vmem>>) semaphore(%arg7 : memref<!tpu.dma_semaphore, #tpu.memory_space<semaphore_mem>>)
    %dma_start3A_799 = arith.constant 9 : i32
    %dma_start3A_800 = arith.constant 2 : i32
    %dma_start3A_801 = arith.constant 9 : i32
    %dma_start3A_802 = arith.constant 256 : i32
    %dma_start3A_803 = tpu.memref_slice %arg6[%dma_start3A_801, %dma_start3A_802] : memref<16x512xf32, #tpu.memory_space<vmem>> -> memref<1x128xf32, #tpu.memory_space<vmem>>
    %dma_start3A_804 = tpu.memref_squeeze %dma_start3A_803 : memref<1x128xf32, #tpu.memory_space<vmem>> -> memref<128xf32, #tpu.memory_space<vmem>>
    %dma_start3A_805 = arith.constant 0 : i32
    %dma_start3A_806 = tpu.memref_slice %arg5[%dma_start3A_800, %dma_start3A_805] : memref<4x128xi32, #tpu.memory_space<vmem>> -> memref<1x128xi32, #tpu.memory_space<vmem>>
    %dma_start3A_807 = tpu.memref_squeeze %dma_start3A_806 : memref<1x128xi32, #tpu.memory_space<vmem>> -> memref<128xi32, #tpu.memory_space<vmem>>
    %dma_start3A_808 = arith.constant 0 : i32
    %dma_start3A_809 = tpu.memref_slice %arg2[%dma_start3A_799, %dma_start3A_808] : memref<16x100000xf32, #tpu.memory_space<hbm>> -> memref<1x100000xf32, #tpu.memory_space<hbm>>
    %dma_start3A_810 = tpu.memref_squeeze %dma_start3A_809 : memref<1x100000xf32, #tpu.memory_space<hbm>> -> memref<100000xf32, #tpu.memory_space<hbm>>
    %dma_start3A_811 = arith.constant 0 : i32
    %dma_start3A_812 = tpu.memref_slice %dma_start3A_810[%dma_start3A_811] : memref<100000xf32, #tpu.memory_space<hbm>> -> memref<100000xf32, #tpu.memory_space<hbm>>
    tpu.enqueue_indirect_dma source(%dma_start3A_812 : memref<100000xf32, #tpu.memory_space<hbm>>) target(%dma_start3A_804 : memref<128xf32, #tpu.memory_space<vmem>>) offsets(%dma_start3A_807 : memref<128xi32, #tpu.memory_space<vmem>>) semaphore(%arg7 : memref<!tpu.dma_semaphore, #tpu.memory_space<semaphore_mem>>)
    %dma_start3A_813 = arith.constant 10 : i32
    %dma_start3A_814 = arith.constant 2 : i32
    %dma_start3A_815 = arith.constant 10 : i32
    %dma_start3A_816 = arith.constant 256 : i32
    %dma_start3A_817 = tpu.memref_slice %arg6[%dma_start3A_815, %dma_start3A_816] : memref<16x512xf32, #tpu.memory_space<vmem>> -> memref<1x128xf32, #tpu.memory_space<vmem>>
    %dma_start3A_818 = tpu.memref_squeeze %dma_start3A_817 : memref<1x128xf32, #tpu.memory_space<vmem>> -> memref<128xf32, #tpu.memory_space<vmem>>
    %dma_start3A_819 = arith.constant 0 : i32
    %dma_start3A_820 = tpu.memref_slice %arg5[%dma_start3A_814, %dma_start3A_819] : memref<4x128xi32, #tpu.memory_space<vmem>> -> memref<1x128xi32, #tpu.memory_space<vmem>>
    %dma_start3A_821 = tpu.memref_squeeze %dma_start3A_820 : memref<1x128xi32, #tpu.memory_space<vmem>> -> memref<128xi32, #tpu.memory_space<vmem>>
    %dma_start3A_822 = arith.constant 0 : i32
    %dma_start3A_823 = tpu.memref_slice %arg2[%dma_start3A_813, %dma_start3A_822] : memref<16x100000xf32, #tpu.memory_space<hbm>> -> memref<1x100000xf32, #tpu.memory_space<hbm>>
    %dma_start3A_824 = tpu.memref_squeeze %dma_start3A_823 : memref<1x100000xf32, #tpu.memory_space<hbm>> -> memref<100000xf32, #tpu.memory_space<hbm>>
    %dma_start3A_825 = arith.constant 0 : i32
    %dma_start3A_826 = tpu.memref_slice %dma_start3A_824[%dma_start3A_825] : memref<100000xf32, #tpu.memory_space<hbm>> -> memref<100000xf32, #tpu.memory_space<hbm>>
    tpu.enqueue_indirect_dma source(%dma_start3A_826 : memref<100000xf32, #tpu.memory_space<hbm>>) target(%dma_start3A_818 : memref<128xf32, #tpu.memory_space<vmem>>) offsets(%dma_start3A_821 : memref<128xi32, #tpu.memory_space<vmem>>) semaphore(%arg7 : memref<!tpu.dma_semaphore, #tpu.memory_space<semaphore_mem>>)
    %dma_start3A_827 = arith.constant 11 : i32
    %dma_start3A_828 = arith.constant 2 : i32
    %dma_start3A_829 = arith.constant 11 : i32
    %dma_start3A_830 = arith.constant 256 : i32
    %dma_start3A_831 = tpu.memref_slice %arg6[%dma_start3A_829, %dma_start3A_830] : memref<16x512xf32, #tpu.memory_space<vmem>> -> memref<1x128xf32, #tpu.memory_space<vmem>>
    %dma_start3A_832 = tpu.memref_squeeze %dma_start3A_831 : memref<1x128xf32, #tpu.memory_space<vmem>> -> memref<128xf32, #tpu.memory_space<vmem>>
    %dma_start3A_833 = arith.constant 0 : i32
    %dma_start3A_834 = tpu.memref_slice %arg5[%dma_start3A_828, %dma_start3A_833] : memref<4x128xi32, #tpu.memory_space<vmem>> -> memref<1x128xi32, #tpu.memory_space<vmem>>
    %dma_start3A_835 = tpu.memref_squeeze %dma_start3A_834 : memref<1x128xi32, #tpu.memory_space<vmem>> -> memref<128xi32, #tpu.memory_space<vmem>>
    %dma_start3A_836 = arith.constant 0 : i32
    %dma_start3A_837 = tpu.memref_slice %arg2[%dma_start3A_827, %dma_start3A_836] : memref<16x100000xf32, #tpu.memory_space<hbm>> -> memref<1x100000xf32, #tpu.memory_space<hbm>>
    %dma_start3A_838 = tpu.memref_squeeze %dma_start3A_837 : memref<1x100000xf32, #tpu.memory_space<hbm>> -> memref<100000xf32, #tpu.memory_space<hbm>>
    %dma_start3A_839 = arith.constant 0 : i32
    %dma_start3A_840 = tpu.memref_slice %dma_start3A_838[%dma_start3A_839] : memref<100000xf32, #tpu.memory_space<hbm>> -> memref<100000xf32, #tpu.memory_space<hbm>>
    tpu.enqueue_indirect_dma source(%dma_start3A_840 : memref<100000xf32, #tpu.memory_space<hbm>>) target(%dma_start3A_832 : memref<128xf32, #tpu.memory_space<vmem>>) offsets(%dma_start3A_835 : memref<128xi32, #tpu.memory_space<vmem>>) semaphore(%arg7 : memref<!tpu.dma_semaphore, #tpu.memory_space<semaphore_mem>>)
    %dma_start3A_841 = arith.constant 12 : i32
    %dma_start3A_842 = arith.constant 2 : i32
    %dma_start3A_843 = arith.constant 12 : i32
    %dma_start3A_844 = arith.constant 256 : i32
    %dma_start3A_845 = tpu.memref_slice %arg6[%dma_start3A_843, %dma_start3A_844] : memref<16x512xf32, #tpu.memory_space<vmem>> -> memref<1x128xf32, #tpu.memory_space<vmem>>
    %dma_start3A_846 = tpu.memref_squeeze %dma_start3A_845 : memref<1x128xf32, #tpu.memory_space<vmem>> -> memref<128xf32, #tpu.memory_space<vmem>>
    %dma_start3A_847 = arith.constant 0 : i32
    %dma_start3A_848 = tpu.memref_slice %arg5[%dma_start3A_842, %dma_start3A_847] : memref<4x128xi32, #tpu.memory_space<vmem>> -> memref<1x128xi32, #tpu.memory_space<vmem>>
    %dma_start3A_849 = tpu.memref_squeeze %dma_start3A_848 : memref<1x128xi32, #tpu.memory_space<vmem>> -> memref<128xi32, #tpu.memory_space<vmem>>
    %dma_start3A_850 = arith.constant 0 : i32
    %dma_start3A_851 = tpu.memref_slice %arg2[%dma_start3A_841, %dma_start3A_850] : memref<16x100000xf32, #tpu.memory_space<hbm>> -> memref<1x100000xf32, #tpu.memory_space<hbm>>
    %dma_start3A_852 = tpu.memref_squeeze %dma_start3A_851 : memref<1x100000xf32, #tpu.memory_space<hbm>> -> memref<100000xf32, #tpu.memory_space<hbm>>
    %dma_start3A_853 = arith.constant 0 : i32
    %dma_start3A_854 = tpu.memref_slice %dma_start3A_852[%dma_start3A_853] : memref<100000xf32, #tpu.memory_space<hbm>> -> memref<100000xf32, #tpu.memory_space<hbm>>
    tpu.enqueue_indirect_dma source(%dma_start3A_854 : memref<100000xf32, #tpu.memory_space<hbm>>) target(%dma_start3A_846 : memref<128xf32, #tpu.memory_space<vmem>>) offsets(%dma_start3A_849 : memref<128xi32, #tpu.memory_space<vmem>>) semaphore(%arg7 : memref<!tpu.dma_semaphore, #tpu.memory_space<semaphore_mem>>)
    %dma_start3A_855 = arith.constant 13 : i32
    %dma_start3A_856 = arith.constant 2 : i32
    %dma_start3A_857 = arith.constant 13 : i32
    %dma_start3A_858 = arith.constant 256 : i32
    %dma_start3A_859 = tpu.memref_slice %arg6[%dma_start3A_857, %dma_start3A_858] : memref<16x512xf32, #tpu.memory_space<vmem>> -> memref<1x128xf32, #tpu.memory_space<vmem>>
    %dma_start3A_860 = tpu.memref_squeeze %dma_start3A_859 : memref<1x128xf32, #tpu.memory_space<vmem>> -> memref<128xf32, #tpu.memory_space<vmem>>
    %dma_start3A_861 = arith.constant 0 : i32
    %dma_start3A_862 = tpu.memref_slice %arg5[%dma_start3A_856, %dma_start3A_861] : memref<4x128xi32, #tpu.memory_space<vmem>> -> memref<1x128xi32, #tpu.memory_space<vmem>>
    %dma_start3A_863 = tpu.memref_squeeze %dma_start3A_862 : memref<1x128xi32, #tpu.memory_space<vmem>> -> memref<128xi32, #tpu.memory_space<vmem>>
    %dma_start3A_864 = arith.constant 0 : i32
    %dma_start3A_865 = tpu.memref_slice %arg2[%dma_start3A_855, %dma_start3A_864] : memref<16x100000xf32, #tpu.memory_space<hbm>> -> memref<1x100000xf32, #tpu.memory_space<hbm>>
    %dma_start3A_866 = tpu.memref_squeeze %dma_start3A_865 : memref<1x100000xf32, #tpu.memory_space<hbm>> -> memref<100000xf32, #tpu.memory_space<hbm>>
    %dma_start3A_867 = arith.constant 0 : i32
    %dma_start3A_868 = tpu.memref_slice %dma_start3A_866[%dma_start3A_867] : memref<100000xf32, #tpu.memory_space<hbm>> -> memref<100000xf32, #tpu.memory_space<hbm>>
    tpu.enqueue_indirect_dma source(%dma_start3A_868 : memref<100000xf32, #tpu.memory_space<hbm>>) target(%dma_start3A_860 : memref<128xf32, #tpu.memory_space<vmem>>) offsets(%dma_start3A_863 : memref<128xi32, #tpu.memory_space<vmem>>) semaphore(%arg7 : memref<!tpu.dma_semaphore, #tpu.memory_space<semaphore_mem>>)
    %dma_start3A_869 = arith.constant 14 : i32
    %dma_start3A_870 = arith.constant 2 : i32
    %dma_start3A_871 = arith.constant 14 : i32
    %dma_start3A_872 = arith.constant 256 : i32
    %dma_start3A_873 = tpu.memref_slice %arg6[%dma_start3A_871, %dma_start3A_872] : memref<16x512xf32, #tpu.memory_space<vmem>> -> memref<1x128xf32, #tpu.memory_space<vmem>>
    %dma_start3A_874 = tpu.memref_squeeze %dma_start3A_873 : memref<1x128xf32, #tpu.memory_space<vmem>> -> memref<128xf32, #tpu.memory_space<vmem>>
    %dma_start3A_875 = arith.constant 0 : i32
    %dma_start3A_876 = tpu.memref_slice %arg5[%dma_start3A_870, %dma_start3A_875] : memref<4x128xi32, #tpu.memory_space<vmem>> -> memref<1x128xi32, #tpu.memory_space<vmem>>
    %dma_start3A_877 = tpu.memref_squeeze %dma_start3A_876 : memref<1x128xi32, #tpu.memory_space<vmem>> -> memref<128xi32, #tpu.memory_space<vmem>>
    %dma_start3A_878 = arith.constant 0 : i32
    %dma_start3A_879 = tpu.memref_slice %arg2[%dma_start3A_869, %dma_start3A_878] : memref<16x100000xf32, #tpu.memory_space<hbm>> -> memref<1x100000xf32, #tpu.memory_space<hbm>>
    %dma_start3A_880 = tpu.memref_squeeze %dma_start3A_879 : memref<1x100000xf32, #tpu.memory_space<hbm>> -> memref<100000xf32, #tpu.memory_space<hbm>>
    %dma_start3A_881 = arith.constant 0 : i32
    %dma_start3A_882 = tpu.memref_slice %dma_start3A_880[%dma_start3A_881] : memref<100000xf32, #tpu.memory_space<hbm>> -> memref<100000xf32, #tpu.memory_space<hbm>>
    tpu.enqueue_indirect_dma source(%dma_start3A_882 : memref<100000xf32, #tpu.memory_space<hbm>>) target(%dma_start3A_874 : memref<128xf32, #tpu.memory_space<vmem>>) offsets(%dma_start3A_877 : memref<128xi32, #tpu.memory_space<vmem>>) semaphore(%arg7 : memref<!tpu.dma_semaphore, #tpu.memory_space<semaphore_mem>>)
    %dma_start3A_883 = arith.constant 15 : i32
    %dma_start3A_884 = arith.constant 2 : i32
    %dma_start3A_885 = arith.constant 15 : i32
    %dma_start3A_886 = arith.constant 256 : i32
    %dma_start3A_887 = tpu.memref_slice %arg6[%dma_start3A_885, %dma_start3A_886] : memref<16x512xf32, #tpu.memory_space<vmem>> -> memref<1x128xf32, #tpu.memory_space<vmem>>
    %dma_start3A_888 = tpu.memref_squeeze %dma_start3A_887 : memref<1x128xf32, #tpu.memory_space<vmem>> -> memref<128xf32, #tpu.memory_space<vmem>>
    %dma_start3A_889 = arith.constant 0 : i32
    %dma_start3A_890 = tpu.memref_slice %arg5[%dma_start3A_884, %dma_start3A_889] : memref<4x128xi32, #tpu.memory_space<vmem>> -> memref<1x128xi32, #tpu.memory_space<vmem>>
    %dma_start3A_891 = tpu.memref_squeeze %dma_start3A_890 : memref<1x128xi32, #tpu.memory_space<vmem>> -> memref<128xi32, #tpu.memory_space<vmem>>
    %dma_start3A_892 = arith.constant 0 : i32
    %dma_start3A_893 = tpu.memref_slice %arg2[%dma_start3A_883, %dma_start3A_892] : memref<16x100000xf32, #tpu.memory_space<hbm>> -> memref<1x100000xf32, #tpu.memory_space<hbm>>
    %dma_start3A_894 = tpu.memref_squeeze %dma_start3A_893 : memref<1x100000xf32, #tpu.memory_space<hbm>> -> memref<100000xf32, #tpu.memory_space<hbm>>
    %dma_start3A_895 = arith.constant 0 : i32
    %dma_start3A_896 = tpu.memref_slice %dma_start3A_894[%dma_start3A_895] : memref<100000xf32, #tpu.memory_space<hbm>> -> memref<100000xf32, #tpu.memory_space<hbm>>
    tpu.enqueue_indirect_dma source(%dma_start3A_896 : memref<100000xf32, #tpu.memory_space<hbm>>) target(%dma_start3A_888 : memref<128xf32, #tpu.memory_space<vmem>>) offsets(%dma_start3A_891 : memref<128xi32, #tpu.memory_space<vmem>>) semaphore(%arg7 : memref<!tpu.dma_semaphore, #tpu.memory_space<semaphore_mem>>)
    %dma_wait3A_897 = arith.constant 0 : i32
    %dma_wait3A_898 = arith.constant 1 : i32
    %dma_wait3A_899 = arith.constant 0 : i32
    %dma_wait3A_900 = arith.constant 128 : i32
    %dma_wait3A_901 = tpu.memref_slice %arg6[%dma_wait3A_899, %dma_wait3A_900] : memref<16x512xf32, #tpu.memory_space<vmem>> -> memref<1x128xf32, #tpu.memory_space<vmem>>
    %dma_wait3A_902 = tpu.memref_squeeze %dma_wait3A_901 : memref<1x128xf32, #tpu.memory_space<vmem>> -> memref<128xf32, #tpu.memory_space<vmem>>
    %dma_wait3A_903 = arith.constant 0 : i32
    %dma_wait3A_904 = tpu.memref_slice %arg5[%dma_wait3A_898, %dma_wait3A_903] : memref<4x128xi32, #tpu.memory_space<vmem>> -> memref<1x128xi32, #tpu.memory_space<vmem>>
    %dma_wait3A_905 = tpu.memref_squeeze %dma_wait3A_904 : memref<1x128xi32, #tpu.memory_space<vmem>> -> memref<128xi32, #tpu.memory_space<vmem>>
    %dma_wait3A_906 = arith.constant 0 : i32
    %dma_wait3A_907 = tpu.memref_slice %arg2[%dma_wait3A_897, %dma_wait3A_906] : memref<16x100000xf32, #tpu.memory_space<hbm>> -> memref<1x100000xf32, #tpu.memory_space<hbm>>
    %dma_wait3A_908 = tpu.memref_squeeze %dma_wait3A_907 : memref<1x100000xf32, #tpu.memory_space<hbm>> -> memref<100000xf32, #tpu.memory_space<hbm>>
    %dma_wait3A_909 = arith.constant 0 : i32
    %dma_wait3A_910 = tpu.memref_slice %dma_wait3A_908[%dma_wait3A_909] : memref<100000xf32, #tpu.memory_space<hbm>> -> memref<100000xf32, #tpu.memory_space<hbm>>
    tpu.wait_indirect_dma semaphore(%arg8 : memref<!tpu.dma_semaphore, #tpu.memory_space<semaphore_mem>>) src(%dma_wait3A_910 : memref<100000xf32, #tpu.memory_space<hbm>>) dst(%dma_wait3A_902 : memref<128xf32, #tpu.memory_space<vmem>>)
    %dma_wait3A_911 = arith.constant 1 : i32
    %dma_wait3A_912 = arith.constant 1 : i32
    %dma_wait3A_913 = arith.constant 1 : i32
    %dma_wait3A_914 = arith.constant 128 : i32
    %dma_wait3A_915 = tpu.memref_slice %arg6[%dma_wait3A_913, %dma_wait3A_914] : memref<16x512xf32, #tpu.memory_space<vmem>> -> memref<1x128xf32, #tpu.memory_space<vmem>>
    %dma_wait3A_916 = tpu.memref_squeeze %dma_wait3A_915 : memref<1x128xf32, #tpu.memory_space<vmem>> -> memref<128xf32, #tpu.memory_space<vmem>>
    %dma_wait3A_917 = arith.constant 0 : i32
    %dma_wait3A_918 = tpu.memref_slice %arg5[%dma_wait3A_912, %dma_wait3A_917] : memref<4x128xi32, #tpu.memory_space<vmem>> -> memref<1x128xi32, #tpu.memory_space<vmem>>
    %dma_wait3A_919 = tpu.memref_squeeze %dma_wait3A_918 : memref<1x128xi32, #tpu.memory_space<vmem>> -> memref<128xi32, #tpu.memory_space<vmem>>
    %dma_wait3A_920 = arith.constant 0 : i32
    %dma_wait3A_921 = tpu.memref_slice %arg2[%dma_wait3A_911, %dma_wait3A_920] : memref<16x100000xf32, #tpu.memory_space<hbm>> -> memref<1x100000xf32, #tpu.memory_space<hbm>>
    %dma_wait3A_922 = tpu.memref_squeeze %dma_wait3A_921 : memref<1x100000xf32, #tpu.memory_space<hbm>> -> memref<100000xf32, #tpu.memory_space<hbm>>
    %dma_wait3A_923 = arith.constant 0 : i32
    %dma_wait3A_924 = tpu.memref_slice %dma_wait3A_922[%dma_wait3A_923] : memref<100000xf32, #tpu.memory_space<hbm>> -> memref<100000xf32, #tpu.memory_space<hbm>>
    tpu.wait_indirect_dma semaphore(%arg8 : memref<!tpu.dma_semaphore, #tpu.memory_space<semaphore_mem>>) src(%dma_wait3A_924 : memref<100000xf32, #tpu.memory_space<hbm>>) dst(%dma_wait3A_916 : memref<128xf32, #tpu.memory_space<vmem>>)
    %dma_wait3A_925 = arith.constant 2 : i32
    %dma_wait3A_926 = arith.constant 1 : i32
    %dma_wait3A_927 = arith.constant 2 : i32
    %dma_wait3A_928 = arith.constant 128 : i32
    %dma_wait3A_929 = tpu.memref_slice %arg6[%dma_wait3A_927, %dma_wait3A_928] : memref<16x512xf32, #tpu.memory_space<vmem>> -> memref<1x128xf32, #tpu.memory_space<vmem>>
    %dma_wait3A_930 = tpu.memref_squeeze %dma_wait3A_929 : memref<1x128xf32, #tpu.memory_space<vmem>> -> memref<128xf32, #tpu.memory_space<vmem>>
    %dma_wait3A_931 = arith.constant 0 : i32
    %dma_wait3A_932 = tpu.memref_slice %arg5[%dma_wait3A_926, %dma_wait3A_931] : memref<4x128xi32, #tpu.memory_space<vmem>> -> memref<1x128xi32, #tpu.memory_space<vmem>>
    %dma_wait3A_933 = tpu.memref_squeeze %dma_wait3A_932 : memref<1x128xi32, #tpu.memory_space<vmem>> -> memref<128xi32, #tpu.memory_space<vmem>>
    %dma_wait3A_934 = arith.constant 0 : i32
    %dma_wait3A_935 = tpu.memref_slice %arg2[%dma_wait3A_925, %dma_wait3A_934] : memref<16x100000xf32, #tpu.memory_space<hbm>> -> memref<1x100000xf32, #tpu.memory_space<hbm>>
    %dma_wait3A_936 = tpu.memref_squeeze %dma_wait3A_935 : memref<1x100000xf32, #tpu.memory_space<hbm>> -> memref<100000xf32, #tpu.memory_space<hbm>>
    %dma_wait3A_937 = arith.constant 0 : i32
    %dma_wait3A_938 = tpu.memref_slice %dma_wait3A_936[%dma_wait3A_937] : memref<100000xf32, #tpu.memory_space<hbm>> -> memref<100000xf32, #tpu.memory_space<hbm>>
    tpu.wait_indirect_dma semaphore(%arg8 : memref<!tpu.dma_semaphore, #tpu.memory_space<semaphore_mem>>) src(%dma_wait3A_938 : memref<100000xf32, #tpu.memory_space<hbm>>) dst(%dma_wait3A_930 : memref<128xf32, #tpu.memory_space<vmem>>)
    %dma_wait3A_939 = arith.constant 3 : i32
    %dma_wait3A_940 = arith.constant 1 : i32
    %dma_wait3A_941 = arith.constant 3 : i32
    %dma_wait3A_942 = arith.constant 128 : i32
    %dma_wait3A_943 = tpu.memref_slice %arg6[%dma_wait3A_941, %dma_wait3A_942] : memref<16x512xf32, #tpu.memory_space<vmem>> -> memref<1x128xf32, #tpu.memory_space<vmem>>
    %dma_wait3A_944 = tpu.memref_squeeze %dma_wait3A_943 : memref<1x128xf32, #tpu.memory_space<vmem>> -> memref<128xf32, #tpu.memory_space<vmem>>
    %dma_wait3A_945 = arith.constant 0 : i32
    %dma_wait3A_946 = tpu.memref_slice %arg5[%dma_wait3A_940, %dma_wait3A_945] : memref<4x128xi32, #tpu.memory_space<vmem>> -> memref<1x128xi32, #tpu.memory_space<vmem>>
    %dma_wait3A_947 = tpu.memref_squeeze %dma_wait3A_946 : memref<1x128xi32, #tpu.memory_space<vmem>> -> memref<128xi32, #tpu.memory_space<vmem>>
    %dma_wait3A_948 = arith.constant 0 : i32
    %dma_wait3A_949 = tpu.memref_slice %arg2[%dma_wait3A_939, %dma_wait3A_948] : memref<16x100000xf32, #tpu.memory_space<hbm>> -> memref<1x100000xf32, #tpu.memory_space<hbm>>
    %dma_wait3A_950 = tpu.memref_squeeze %dma_wait3A_949 : memref<1x100000xf32, #tpu.memory_space<hbm>> -> memref<100000xf32, #tpu.memory_space<hbm>>
    %dma_wait3A_951 = arith.constant 0 : i32
    %dma_wait3A_952 = tpu.memref_slice %dma_wait3A_950[%dma_wait3A_951] : memref<100000xf32, #tpu.memory_space<hbm>> -> memref<100000xf32, #tpu.memory_space<hbm>>
    tpu.wait_indirect_dma semaphore(%arg8 : memref<!tpu.dma_semaphore, #tpu.memory_space<semaphore_mem>>) src(%dma_wait3A_952 : memref<100000xf32, #tpu.memory_space<hbm>>) dst(%dma_wait3A_944 : memref<128xf32, #tpu.memory_space<vmem>>)
    %dma_wait3A_953 = arith.constant 4 : i32
    %dma_wait3A_954 = arith.constant 1 : i32
    %dma_wait3A_955 = arith.constant 4 : i32
    %dma_wait3A_956 = arith.constant 128 : i32
    %dma_wait3A_957 = tpu.memref_slice %arg6[%dma_wait3A_955, %dma_wait3A_956] : memref<16x512xf32, #tpu.memory_space<vmem>> -> memref<1x128xf32, #tpu.memory_space<vmem>>
    %dma_wait3A_958 = tpu.memref_squeeze %dma_wait3A_957 : memref<1x128xf32, #tpu.memory_space<vmem>> -> memref<128xf32, #tpu.memory_space<vmem>>
    %dma_wait3A_959 = arith.constant 0 : i32
    %dma_wait3A_960 = tpu.memref_slice %arg5[%dma_wait3A_954, %dma_wait3A_959] : memref<4x128xi32, #tpu.memory_space<vmem>> -> memref<1x128xi32, #tpu.memory_space<vmem>>
    %dma_wait3A_961 = tpu.memref_squeeze %dma_wait3A_960 : memref<1x128xi32, #tpu.memory_space<vmem>> -> memref<128xi32, #tpu.memory_space<vmem>>
    %dma_wait3A_962 = arith.constant 0 : i32
    %dma_wait3A_963 = tpu.memref_slice %arg2[%dma_wait3A_953, %dma_wait3A_962] : memref<16x100000xf32, #tpu.memory_space<hbm>> -> memref<1x100000xf32, #tpu.memory_space<hbm>>
    %dma_wait3A_964 = tpu.memref_squeeze %dma_wait3A_963 : memref<1x100000xf32, #tpu.memory_space<hbm>> -> memref<100000xf32, #tpu.memory_space<hbm>>
    %dma_wait3A_965 = arith.constant 0 : i32
    %dma_wait3A_966 = tpu.memref_slice %dma_wait3A_964[%dma_wait3A_965] : memref<100000xf32, #tpu.memory_space<hbm>> -> memref<100000xf32, #tpu.memory_space<hbm>>
    tpu.wait_indirect_dma semaphore(%arg8 : memref<!tpu.dma_semaphore, #tpu.memory_space<semaphore_mem>>) src(%dma_wait3A_966 : memref<100000xf32, #tpu.memory_space<hbm>>) dst(%dma_wait3A_958 : memref<128xf32, #tpu.memory_space<vmem>>)
    %dma_wait3A_967 = arith.constant 5 : i32
    %dma_wait3A_968 = arith.constant 1 : i32
    %dma_wait3A_969 = arith.constant 5 : i32
    %dma_wait3A_970 = arith.constant 128 : i32
    %dma_wait3A_971 = tpu.memref_slice %arg6[%dma_wait3A_969, %dma_wait3A_970] : memref<16x512xf32, #tpu.memory_space<vmem>> -> memref<1x128xf32, #tpu.memory_space<vmem>>
    %dma_wait3A_972 = tpu.memref_squeeze %dma_wait3A_971 : memref<1x128xf32, #tpu.memory_space<vmem>> -> memref<128xf32, #tpu.memory_space<vmem>>
    %dma_wait3A_973 = arith.constant 0 : i32
    %dma_wait3A_974 = tpu.memref_slice %arg5[%dma_wait3A_968, %dma_wait3A_973] : memref<4x128xi32, #tpu.memory_space<vmem>> -> memref<1x128xi32, #tpu.memory_space<vmem>>
    %dma_wait3A_975 = tpu.memref_squeeze %dma_wait3A_974 : memref<1x128xi32, #tpu.memory_space<vmem>> -> memref<128xi32, #tpu.memory_space<vmem>>
    %dma_wait3A_976 = arith.constant 0 : i32
    %dma_wait3A_977 = tpu.memref_slice %arg2[%dma_wait3A_967, %dma_wait3A_976] : memref<16x100000xf32, #tpu.memory_space<hbm>> -> memref<1x100000xf32, #tpu.memory_space<hbm>>
    %dma_wait3A_978 = tpu.memref_squeeze %dma_wait3A_977 : memref<1x100000xf32, #tpu.memory_space<hbm>> -> memref<100000xf32, #tpu.memory_space<hbm>>
    %dma_wait3A_979 = arith.constant 0 : i32
    %dma_wait3A_980 = tpu.memref_slice %dma_wait3A_978[%dma_wait3A_979] : memref<100000xf32, #tpu.memory_space<hbm>> -> memref<100000xf32, #tpu.memory_space<hbm>>
    tpu.wait_indirect_dma semaphore(%arg8 : memref<!tpu.dma_semaphore, #tpu.memory_space<semaphore_mem>>) src(%dma_wait3A_980 : memref<100000xf32, #tpu.memory_space<hbm>>) dst(%dma_wait3A_972 : memref<128xf32, #tpu.memory_space<vmem>>)
    %dma_wait3A_981 = arith.constant 6 : i32
    %dma_wait3A_982 = arith.constant 1 : i32
    %dma_wait3A_983 = arith.constant 6 : i32
    %dma_wait3A_984 = arith.constant 128 : i32
    %dma_wait3A_985 = tpu.memref_slice %arg6[%dma_wait3A_983, %dma_wait3A_984] : memref<16x512xf32, #tpu.memory_space<vmem>> -> memref<1x128xf32, #tpu.memory_space<vmem>>
    %dma_wait3A_986 = tpu.memref_squeeze %dma_wait3A_985 : memref<1x128xf32, #tpu.memory_space<vmem>> -> memref<128xf32, #tpu.memory_space<vmem>>
    %dma_wait3A_987 = arith.constant 0 : i32
    %dma_wait3A_988 = tpu.memref_slice %arg5[%dma_wait3A_982, %dma_wait3A_987] : memref<4x128xi32, #tpu.memory_space<vmem>> -> memref<1x128xi32, #tpu.memory_space<vmem>>
    %dma_wait3A_989 = tpu.memref_squeeze %dma_wait3A_988 : memref<1x128xi32, #tpu.memory_space<vmem>> -> memref<128xi32, #tpu.memory_space<vmem>>
    %dma_wait3A_990 = arith.constant 0 : i32
    %dma_wait3A_991 = tpu.memref_slice %arg2[%dma_wait3A_981, %dma_wait3A_990] : memref<16x100000xf32, #tpu.memory_space<hbm>> -> memref<1x100000xf32, #tpu.memory_space<hbm>>
    %dma_wait3A_992 = tpu.memref_squeeze %dma_wait3A_991 : memref<1x100000xf32, #tpu.memory_space<hbm>> -> memref<100000xf32, #tpu.memory_space<hbm>>
    %dma_wait3A_993 = arith.constant 0 : i32
    %dma_wait3A_994 = tpu.memref_slice %dma_wait3A_992[%dma_wait3A_993] : memref<100000xf32, #tpu.memory_space<hbm>> -> memref<100000xf32, #tpu.memory_space<hbm>>
    tpu.wait_indirect_dma semaphore(%arg8 : memref<!tpu.dma_semaphore, #tpu.memory_space<semaphore_mem>>) src(%dma_wait3A_994 : memref<100000xf32, #tpu.memory_space<hbm>>) dst(%dma_wait3A_986 : memref<128xf32, #tpu.memory_space<vmem>>)
    %dma_wait3A_995 = arith.constant 7 : i32
    %dma_wait3A_996 = arith.constant 1 : i32
    %dma_wait3A_997 = arith.constant 7 : i32
    %dma_wait3A_998 = arith.constant 128 : i32
    %dma_wait3A_999 = tpu.memref_slice %arg6[%dma_wait3A_997, %dma_wait3A_998] : memref<16x512xf32, #tpu.memory_space<vmem>> -> memref<1x128xf32, #tpu.memory_space<vmem>>
    %dma_wait3A_1000 = tpu.memref_squeeze %dma_wait3A_999 : memref<1x128xf32, #tpu.memory_space<vmem>> -> memref<128xf32, #tpu.memory_space<vmem>>
    %dma_wait3A_1001 = arith.constant 0 : i32
    %dma_wait3A_1002 = tpu.memref_slice %arg5[%dma_wait3A_996, %dma_wait3A_1001] : memref<4x128xi32, #tpu.memory_space<vmem>> -> memref<1x128xi32, #tpu.memory_space<vmem>>
    %dma_wait3A_1003 = tpu.memref_squeeze %dma_wait3A_1002 : memref<1x128xi32, #tpu.memory_space<vmem>> -> memref<128xi32, #tpu.memory_space<vmem>>
    %dma_wait3A_1004 = arith.constant 0 : i32
    %dma_wait3A_1005 = tpu.memref_slice %arg2[%dma_wait3A_995, %dma_wait3A_1004] : memref<16x100000xf32, #tpu.memory_space<hbm>> -> memref<1x100000xf32, #tpu.memory_space<hbm>>
    %dma_wait3A_1006 = tpu.memref_squeeze %dma_wait3A_1005 : memref<1x100000xf32, #tpu.memory_space<hbm>> -> memref<100000xf32, #tpu.memory_space<hbm>>
    %dma_wait3A_1007 = arith.constant 0 : i32
    %dma_wait3A_1008 = tpu.memref_slice %dma_wait3A_1006[%dma_wait3A_1007] : memref<100000xf32, #tpu.memory_space<hbm>> -> memref<100000xf32, #tpu.memory_space<hbm>>
    tpu.wait_indirect_dma semaphore(%arg8 : memref<!tpu.dma_semaphore, #tpu.memory_space<semaphore_mem>>) src(%dma_wait3A_1008 : memref<100000xf32, #tpu.memory_space<hbm>>) dst(%dma_wait3A_1000 : memref<128xf32, #tpu.memory_space<vmem>>)
    %dma_wait3A_1009 = arith.constant 8 : i32
    %dma_wait3A_1010 = arith.constant 1 : i32
    %dma_wait3A_1011 = arith.constant 8 : i32
    %dma_wait3A_1012 = arith.constant 128 : i32
    %dma_wait3A_1013 = tpu.memref_slice %arg6[%dma_wait3A_1011, %dma_wait3A_1012] : memref<16x512xf32, #tpu.memory_space<vmem>> -> memref<1x128xf32, #tpu.memory_space<vmem>>
    %dma_wait3A_1014 = tpu.memref_squeeze %dma_wait3A_1013 : memref<1x128xf32, #tpu.memory_space<vmem>> -> memref<128xf32, #tpu.memory_space<vmem>>
    %dma_wait3A_1015 = arith.constant 0 : i32
    %dma_wait3A_1016 = tpu.memref_slice %arg5[%dma_wait3A_1010, %dma_wait3A_1015] : memref<4x128xi32, #tpu.memory_space<vmem>> -> memref<1x128xi32, #tpu.memory_space<vmem>>
    %dma_wait3A_1017 = tpu.memref_squeeze %dma_wait3A_1016 : memref<1x128xi32, #tpu.memory_space<vmem>> -> memref<128xi32, #tpu.memory_space<vmem>>
    %dma_wait3A_1018 = arith.constant 0 : i32
    %dma_wait3A_1019 = tpu.memref_slice %arg2[%dma_wait3A_1009, %dma_wait3A_1018] : memref<16x100000xf32, #tpu.memory_space<hbm>> -> memref<1x100000xf32, #tpu.memory_space<hbm>>
    %dma_wait3A_1020 = tpu.memref_squeeze %dma_wait3A_1019 : memref<1x100000xf32, #tpu.memory_space<hbm>> -> memref<100000xf32, #tpu.memory_space<hbm>>
    %dma_wait3A_1021 = arith.constant 0 : i32
    %dma_wait3A_1022 = tpu.memref_slice %dma_wait3A_1020[%dma_wait3A_1021] : memref<100000xf32, #tpu.memory_space<hbm>> -> memref<100000xf32, #tpu.memory_space<hbm>>
    tpu.wait_indirect_dma semaphore(%arg8 : memref<!tpu.dma_semaphore, #tpu.memory_space<semaphore_mem>>) src(%dma_wait3A_1022 : memref<100000xf32, #tpu.memory_space<hbm>>) dst(%dma_wait3A_1014 : memref<128xf32, #tpu.memory_space<vmem>>)
    %dma_wait3A_1023 = arith.constant 9 : i32
    %dma_wait3A_1024 = arith.constant 1 : i32
    %dma_wait3A_1025 = arith.constant 9 : i32
    %dma_wait3A_1026 = arith.constant 128 : i32
    %dma_wait3A_1027 = tpu.memref_slice %arg6[%dma_wait3A_1025, %dma_wait3A_1026] : memref<16x512xf32, #tpu.memory_space<vmem>> -> memref<1x128xf32, #tpu.memory_space<vmem>>
    %dma_wait3A_1028 = tpu.memref_squeeze %dma_wait3A_1027 : memref<1x128xf32, #tpu.memory_space<vmem>> -> memref<128xf32, #tpu.memory_space<vmem>>
    %dma_wait3A_1029 = arith.constant 0 : i32
    %dma_wait3A_1030 = tpu.memref_slice %arg5[%dma_wait3A_1024, %dma_wait3A_1029] : memref<4x128xi32, #tpu.memory_space<vmem>> -> memref<1x128xi32, #tpu.memory_space<vmem>>
    %dma_wait3A_1031 = tpu.memref_squeeze %dma_wait3A_1030 : memref<1x128xi32, #tpu.memory_space<vmem>> -> memref<128xi32, #tpu.memory_space<vmem>>
    %dma_wait3A_1032 = arith.constant 0 : i32
    %dma_wait3A_1033 = tpu.memref_slice %arg2[%dma_wait3A_1023, %dma_wait3A_1032] : memref<16x100000xf32, #tpu.memory_space<hbm>> -> memref<1x100000xf32, #tpu.memory_space<hbm>>
    %dma_wait3A_1034 = tpu.memref_squeeze %dma_wait3A_1033 : memref<1x100000xf32, #tpu.memory_space<hbm>> -> memref<100000xf32, #tpu.memory_space<hbm>>
    %dma_wait3A_1035 = arith.constant 0 : i32
    %dma_wait3A_1036 = tpu.memref_slice %dma_wait3A_1034[%dma_wait3A_1035] : memref<100000xf32, #tpu.memory_space<hbm>> -> memref<100000xf32, #tpu.memory_space<hbm>>
    tpu.wait_indirect_dma semaphore(%arg8 : memref<!tpu.dma_semaphore, #tpu.memory_space<semaphore_mem>>) src(%dma_wait3A_1036 : memref<100000xf32, #tpu.memory_space<hbm>>) dst(%dma_wait3A_1028 : memref<128xf32, #tpu.memory_space<vmem>>)
    %dma_wait3A_1037 = arith.constant 10 : i32
    %dma_wait3A_1038 = arith.constant 1 : i32
    %dma_wait3A_1039 = arith.constant 10 : i32
    %dma_wait3A_1040 = arith.constant 128 : i32
    %dma_wait3A_1041 = tpu.memref_slice %arg6[%dma_wait3A_1039, %dma_wait3A_1040] : memref<16x512xf32, #tpu.memory_space<vmem>> -> memref<1x128xf32, #tpu.memory_space<vmem>>
    %dma_wait3A_1042 = tpu.memref_squeeze %dma_wait3A_1041 : memref<1x128xf32, #tpu.memory_space<vmem>> -> memref<128xf32, #tpu.memory_space<vmem>>
    %dma_wait3A_1043 = arith.constant 0 : i32
    %dma_wait3A_1044 = tpu.memref_slice %arg5[%dma_wait3A_1038, %dma_wait3A_1043] : memref<4x128xi32, #tpu.memory_space<vmem>> -> memref<1x128xi32, #tpu.memory_space<vmem>>
    %dma_wait3A_1045 = tpu.memref_squeeze %dma_wait3A_1044 : memref<1x128xi32, #tpu.memory_space<vmem>> -> memref<128xi32, #tpu.memory_space<vmem>>
    %dma_wait3A_1046 = arith.constant 0 : i32
    %dma_wait3A_1047 = tpu.memref_slice %arg2[%dma_wait3A_1037, %dma_wait3A_1046] : memref<16x100000xf32, #tpu.memory_space<hbm>> -> memref<1x100000xf32, #tpu.memory_space<hbm>>
    %dma_wait3A_1048 = tpu.memref_squeeze %dma_wait3A_1047 : memref<1x100000xf32, #tpu.memory_space<hbm>> -> memref<100000xf32, #tpu.memory_space<hbm>>
    %dma_wait3A_1049 = arith.constant 0 : i32
    %dma_wait3A_1050 = tpu.memref_slice %dma_wait3A_1048[%dma_wait3A_1049] : memref<100000xf32, #tpu.memory_space<hbm>> -> memref<100000xf32, #tpu.memory_space<hbm>>
    tpu.wait_indirect_dma semaphore(%arg8 : memref<!tpu.dma_semaphore, #tpu.memory_space<semaphore_mem>>) src(%dma_wait3A_1050 : memref<100000xf32, #tpu.memory_space<hbm>>) dst(%dma_wait3A_1042 : memref<128xf32, #tpu.memory_space<vmem>>)
    %dma_wait3A_1051 = arith.constant 11 : i32
    %dma_wait3A_1052 = arith.constant 1 : i32
    %dma_wait3A_1053 = arith.constant 11 : i32
    %dma_wait3A_1054 = arith.constant 128 : i32
    %dma_wait3A_1055 = tpu.memref_slice %arg6[%dma_wait3A_1053, %dma_wait3A_1054] : memref<16x512xf32, #tpu.memory_space<vmem>> -> memref<1x128xf32, #tpu.memory_space<vmem>>
    %dma_wait3A_1056 = tpu.memref_squeeze %dma_wait3A_1055 : memref<1x128xf32, #tpu.memory_space<vmem>> -> memref<128xf32, #tpu.memory_space<vmem>>
    %dma_wait3A_1057 = arith.constant 0 : i32
    %dma_wait3A_1058 = tpu.memref_slice %arg5[%dma_wait3A_1052, %dma_wait3A_1057] : memref<4x128xi32, #tpu.memory_space<vmem>> -> memref<1x128xi32, #tpu.memory_space<vmem>>
    %dma_wait3A_1059 = tpu.memref_squeeze %dma_wait3A_1058 : memref<1x128xi32, #tpu.memory_space<vmem>> -> memref<128xi32, #tpu.memory_space<vmem>>
    %dma_wait3A_1060 = arith.constant 0 : i32
    %dma_wait3A_1061 = tpu.memref_slice %arg2[%dma_wait3A_1051, %dma_wait3A_1060] : memref<16x100000xf32, #tpu.memory_space<hbm>> -> memref<1x100000xf32, #tpu.memory_space<hbm>>
    %dma_wait3A_1062 = tpu.memref_squeeze %dma_wait3A_1061 : memref<1x100000xf32, #tpu.memory_space<hbm>> -> memref<100000xf32, #tpu.memory_space<hbm>>
    %dma_wait3A_1063 = arith.constant 0 : i32
    %dma_wait3A_1064 = tpu.memref_slice %dma_wait3A_1062[%dma_wait3A_1063] : memref<100000xf32, #tpu.memory_space<hbm>> -> memref<100000xf32, #tpu.memory_space<hbm>>
    tpu.wait_indirect_dma semaphore(%arg8 : memref<!tpu.dma_semaphore, #tpu.memory_space<semaphore_mem>>) src(%dma_wait3A_1064 : memref<100000xf32, #tpu.memory_space<hbm>>) dst(%dma_wait3A_1056 : memref<128xf32, #tpu.memory_space<vmem>>)
    %dma_wait3A_1065 = arith.constant 12 : i32
    %dma_wait3A_1066 = arith.constant 1 : i32
    %dma_wait3A_1067 = arith.constant 12 : i32
    %dma_wait3A_1068 = arith.constant 128 : i32
    %dma_wait3A_1069 = tpu.memref_slice %arg6[%dma_wait3A_1067, %dma_wait3A_1068] : memref<16x512xf32, #tpu.memory_space<vmem>> -> memref<1x128xf32, #tpu.memory_space<vmem>>
    %dma_wait3A_1070 = tpu.memref_squeeze %dma_wait3A_1069 : memref<1x128xf32, #tpu.memory_space<vmem>> -> memref<128xf32, #tpu.memory_space<vmem>>
    %dma_wait3A_1071 = arith.constant 0 : i32
    %dma_wait3A_1072 = tpu.memref_slice %arg5[%dma_wait3A_1066, %dma_wait3A_1071] : memref<4x128xi32, #tpu.memory_space<vmem>> -> memref<1x128xi32, #tpu.memory_space<vmem>>
    %dma_wait3A_1073 = tpu.memref_squeeze %dma_wait3A_1072 : memref<1x128xi32, #tpu.memory_space<vmem>> -> memref<128xi32, #tpu.memory_space<vmem>>
    %dma_wait3A_1074 = arith.constant 0 : i32
    %dma_wait3A_1075 = tpu.memref_slice %arg2[%dma_wait3A_1065, %dma_wait3A_1074] : memref<16x100000xf32, #tpu.memory_space<hbm>> -> memref<1x100000xf32, #tpu.memory_space<hbm>>
    %dma_wait3A_1076 = tpu.memref_squeeze %dma_wait3A_1075 : memref<1x100000xf32, #tpu.memory_space<hbm>> -> memref<100000xf32, #tpu.memory_space<hbm>>
    %dma_wait3A_1077 = arith.constant 0 : i32
    %dma_wait3A_1078 = tpu.memref_slice %dma_wait3A_1076[%dma_wait3A_1077] : memref<100000xf32, #tpu.memory_space<hbm>> -> memref<100000xf32, #tpu.memory_space<hbm>>
    tpu.wait_indirect_dma semaphore(%arg8 : memref<!tpu.dma_semaphore, #tpu.memory_space<semaphore_mem>>) src(%dma_wait3A_1078 : memref<100000xf32, #tpu.memory_space<hbm>>) dst(%dma_wait3A_1070 : memref<128xf32, #tpu.memory_space<vmem>>)
    %dma_wait3A_1079 = arith.constant 13 : i32
    %dma_wait3A_1080 = arith.constant 1 : i32
    %dma_wait3A_1081 = arith.constant 13 : i32
    %dma_wait3A_1082 = arith.constant 128 : i32
    %dma_wait3A_1083 = tpu.memref_slice %arg6[%dma_wait3A_1081, %dma_wait3A_1082] : memref<16x512xf32, #tpu.memory_space<vmem>> -> memref<1x128xf32, #tpu.memory_space<vmem>>
    %dma_wait3A_1084 = tpu.memref_squeeze %dma_wait3A_1083 : memref<1x128xf32, #tpu.memory_space<vmem>> -> memref<128xf32, #tpu.memory_space<vmem>>
    %dma_wait3A_1085 = arith.constant 0 : i32
    %dma_wait3A_1086 = tpu.memref_slice %arg5[%dma_wait3A_1080, %dma_wait3A_1085] : memref<4x128xi32, #tpu.memory_space<vmem>> -> memref<1x128xi32, #tpu.memory_space<vmem>>
    %dma_wait3A_1087 = tpu.memref_squeeze %dma_wait3A_1086 : memref<1x128xi32, #tpu.memory_space<vmem>> -> memref<128xi32, #tpu.memory_space<vmem>>
    %dma_wait3A_1088 = arith.constant 0 : i32
    %dma_wait3A_1089 = tpu.memref_slice %arg2[%dma_wait3A_1079, %dma_wait3A_1088] : memref<16x100000xf32, #tpu.memory_space<hbm>> -> memref<1x100000xf32, #tpu.memory_space<hbm>>
    %dma_wait3A_1090 = tpu.memref_squeeze %dma_wait3A_1089 : memref<1x100000xf32, #tpu.memory_space<hbm>> -> memref<100000xf32, #tpu.memory_space<hbm>>
    %dma_wait3A_1091 = arith.constant 0 : i32
    %dma_wait3A_1092 = tpu.memref_slice %dma_wait3A_1090[%dma_wait3A_1091] : memref<100000xf32, #tpu.memory_space<hbm>> -> memref<100000xf32, #tpu.memory_space<hbm>>
    tpu.wait_indirect_dma semaphore(%arg8 : memref<!tpu.dma_semaphore, #tpu.memory_space<semaphore_mem>>) src(%dma_wait3A_1092 : memref<100000xf32, #tpu.memory_space<hbm>>) dst(%dma_wait3A_1084 : memref<128xf32, #tpu.memory_space<vmem>>)
    %dma_wait3A_1093 = arith.constant 14 : i32
    %dma_wait3A_1094 = arith.constant 1 : i32
    %dma_wait3A_1095 = arith.constant 14 : i32
    %dma_wait3A_1096 = arith.constant 128 : i32
    %dma_wait3A_1097 = tpu.memref_slice %arg6[%dma_wait3A_1095, %dma_wait3A_1096] : memref<16x512xf32, #tpu.memory_space<vmem>> -> memref<1x128xf32, #tpu.memory_space<vmem>>
    %dma_wait3A_1098 = tpu.memref_squeeze %dma_wait3A_1097 : memref<1x128xf32, #tpu.memory_space<vmem>> -> memref<128xf32, #tpu.memory_space<vmem>>
    %dma_wait3A_1099 = arith.constant 0 : i32
    %dma_wait3A_1100 = tpu.memref_slice %arg5[%dma_wait3A_1094, %dma_wait3A_1099] : memref<4x128xi32, #tpu.memory_space<vmem>> -> memref<1x128xi32, #tpu.memory_space<vmem>>
    %dma_wait3A_1101 = tpu.memref_squeeze %dma_wait3A_1100 : memref<1x128xi32, #tpu.memory_space<vmem>> -> memref<128xi32, #tpu.memory_space<vmem>>
    %dma_wait3A_1102 = arith.constant 0 : i32
    %dma_wait3A_1103 = tpu.memref_slice %arg2[%dma_wait3A_1093, %dma_wait3A_1102] : memref<16x100000xf32, #tpu.memory_space<hbm>> -> memref<1x100000xf32, #tpu.memory_space<hbm>>
    %dma_wait3A_1104 = tpu.memref_squeeze %dma_wait3A_1103 : memref<1x100000xf32, #tpu.memory_space<hbm>> -> memref<100000xf32, #tpu.memory_space<hbm>>
    %dma_wait3A_1105 = arith.constant 0 : i32
    %dma_wait3A_1106 = tpu.memref_slice %dma_wait3A_1104[%dma_wait3A_1105] : memref<100000xf32, #tpu.memory_space<hbm>> -> memref<100000xf32, #tpu.memory_space<hbm>>
    tpu.wait_indirect_dma semaphore(%arg8 : memref<!tpu.dma_semaphore, #tpu.memory_space<semaphore_mem>>) src(%dma_wait3A_1106 : memref<100000xf32, #tpu.memory_space<hbm>>) dst(%dma_wait3A_1098 : memref<128xf32, #tpu.memory_space<vmem>>)
    %dma_wait3A_1107 = arith.constant 15 : i32
    %dma_wait3A_1108 = arith.constant 1 : i32
    %dma_wait3A_1109 = arith.constant 15 : i32
    %dma_wait3A_1110 = arith.constant 128 : i32
    %dma_wait3A_1111 = tpu.memref_slice %arg6[%dma_wait3A_1109, %dma_wait3A_1110] : memref<16x512xf32, #tpu.memory_space<vmem>> -> memref<1x128xf32, #tpu.memory_space<vmem>>
    %dma_wait3A_1112 = tpu.memref_squeeze %dma_wait3A_1111 : memref<1x128xf32, #tpu.memory_space<vmem>> -> memref<128xf32, #tpu.memory_space<vmem>>
    %dma_wait3A_1113 = arith.constant 0 : i32
    %dma_wait3A_1114 = tpu.memref_slice %arg5[%dma_wait3A_1108, %dma_wait3A_1113] : memref<4x128xi32, #tpu.memory_space<vmem>> -> memref<1x128xi32, #tpu.memory_space<vmem>>
    %dma_wait3A_1115 = tpu.memref_squeeze %dma_wait3A_1114 : memref<1x128xi32, #tpu.memory_space<vmem>> -> memref<128xi32, #tpu.memory_space<vmem>>
    %dma_wait3A_1116 = arith.constant 0 : i32
    %dma_wait3A_1117 = tpu.memref_slice %arg2[%dma_wait3A_1107, %dma_wait3A_1116] : memref<16x100000xf32, #tpu.memory_space<hbm>> -> memref<1x100000xf32, #tpu.memory_space<hbm>>
    %dma_wait3A_1118 = tpu.memref_squeeze %dma_wait3A_1117 : memref<1x100000xf32, #tpu.memory_space<hbm>> -> memref<100000xf32, #tpu.memory_space<hbm>>
    %dma_wait3A_1119 = arith.constant 0 : i32
    %dma_wait3A_1120 = tpu.memref_slice %dma_wait3A_1118[%dma_wait3A_1119] : memref<100000xf32, #tpu.memory_space<hbm>> -> memref<100000xf32, #tpu.memory_space<hbm>>
    tpu.wait_indirect_dma semaphore(%arg8 : memref<!tpu.dma_semaphore, #tpu.memory_space<semaphore_mem>>) src(%dma_wait3A_1120 : memref<100000xf32, #tpu.memory_space<hbm>>) dst(%dma_wait3A_1112 : memref<128xf32, #tpu.memory_space<vmem>>)
    %dma_start3A_1121 = arith.constant 0 : i32
    %dma_start3A_1122 = arith.constant 3 : i32
    %dma_start3A_1123 = arith.constant 0 : i32
    %dma_start3A_1124 = arith.constant 384 : i32
    %dma_start3A_1125 = tpu.memref_slice %arg6[%dma_start3A_1123, %dma_start3A_1124] : memref<16x512xf32, #tpu.memory_space<vmem>> -> memref<1x128xf32, #tpu.memory_space<vmem>>
    %dma_start3A_1126 = tpu.memref_squeeze %dma_start3A_1125 : memref<1x128xf32, #tpu.memory_space<vmem>> -> memref<128xf32, #tpu.memory_space<vmem>>
    %dma_start3A_1127 = arith.constant 0 : i32
    %dma_start3A_1128 = tpu.memref_slice %arg5[%dma_start3A_1122, %dma_start3A_1127] : memref<4x128xi32, #tpu.memory_space<vmem>> -> memref<1x128xi32, #tpu.memory_space<vmem>>
    %dma_start3A_1129 = tpu.memref_squeeze %dma_start3A_1128 : memref<1x128xi32, #tpu.memory_space<vmem>> -> memref<128xi32, #tpu.memory_space<vmem>>
    %dma_start3A_1130 = arith.constant 0 : i32
    %dma_start3A_1131 = tpu.memref_slice %arg2[%dma_start3A_1121, %dma_start3A_1130] : memref<16x100000xf32, #tpu.memory_space<hbm>> -> memref<1x100000xf32, #tpu.memory_space<hbm>>
    %dma_start3A_1132 = tpu.memref_squeeze %dma_start3A_1131 : memref<1x100000xf32, #tpu.memory_space<hbm>> -> memref<100000xf32, #tpu.memory_space<hbm>>
    %dma_start3A_1133 = arith.constant 0 : i32
    %dma_start3A_1134 = tpu.memref_slice %dma_start3A_1132[%dma_start3A_1133] : memref<100000xf32, #tpu.memory_space<hbm>> -> memref<100000xf32, #tpu.memory_space<hbm>>
    tpu.enqueue_indirect_dma source(%dma_start3A_1134 : memref<100000xf32, #tpu.memory_space<hbm>>) target(%dma_start3A_1126 : memref<128xf32, #tpu.memory_space<vmem>>) offsets(%dma_start3A_1129 : memref<128xi32, #tpu.memory_space<vmem>>) semaphore(%arg8 : memref<!tpu.dma_semaphore, #tpu.memory_space<semaphore_mem>>)
    %dma_start3A_1135 = arith.constant 1 : i32
    %dma_start3A_1136 = arith.constant 3 : i32
    %dma_start3A_1137 = arith.constant 1 : i32
    %dma_start3A_1138 = arith.constant 384 : i32
    %dma_start3A_1139 = tpu.memref_slice %arg6[%dma_start3A_1137, %dma_start3A_1138] : memref<16x512xf32, #tpu.memory_space<vmem>> -> memref<1x128xf32, #tpu.memory_space<vmem>>
    %dma_start3A_1140 = tpu.memref_squeeze %dma_start3A_1139 : memref<1x128xf32, #tpu.memory_space<vmem>> -> memref<128xf32, #tpu.memory_space<vmem>>
    %dma_start3A_1141 = arith.constant 0 : i32
    %dma_start3A_1142 = tpu.memref_slice %arg5[%dma_start3A_1136, %dma_start3A_1141] : memref<4x128xi32, #tpu.memory_space<vmem>> -> memref<1x128xi32, #tpu.memory_space<vmem>>
    %dma_start3A_1143 = tpu.memref_squeeze %dma_start3A_1142 : memref<1x128xi32, #tpu.memory_space<vmem>> -> memref<128xi32, #tpu.memory_space<vmem>>
    %dma_start3A_1144 = arith.constant 0 : i32
    %dma_start3A_1145 = tpu.memref_slice %arg2[%dma_start3A_1135, %dma_start3A_1144] : memref<16x100000xf32, #tpu.memory_space<hbm>> -> memref<1x100000xf32, #tpu.memory_space<hbm>>
    %dma_start3A_1146 = tpu.memref_squeeze %dma_start3A_1145 : memref<1x100000xf32, #tpu.memory_space<hbm>> -> memref<100000xf32, #tpu.memory_space<hbm>>
    %dma_start3A_1147 = arith.constant 0 : i32
    %dma_start3A_1148 = tpu.memref_slice %dma_start3A_1146[%dma_start3A_1147] : memref<100000xf32, #tpu.memory_space<hbm>> -> memref<100000xf32, #tpu.memory_space<hbm>>
    tpu.enqueue_indirect_dma source(%dma_start3A_1148 : memref<100000xf32, #tpu.memory_space<hbm>>) target(%dma_start3A_1140 : memref<128xf32, #tpu.memory_space<vmem>>) offsets(%dma_start3A_1143 : memref<128xi32, #tpu.memory_space<vmem>>) semaphore(%arg8 : memref<!tpu.dma_semaphore, #tpu.memory_space<semaphore_mem>>)
    %dma_start3A_1149 = arith.constant 2 : i32
    %dma_start3A_1150 = arith.constant 3 : i32
    %dma_start3A_1151 = arith.constant 2 : i32
    %dma_start3A_1152 = arith.constant 384 : i32
    %dma_start3A_1153 = tpu.memref_slice %arg6[%dma_start3A_1151, %dma_start3A_1152] : memref<16x512xf32, #tpu.memory_space<vmem>> -> memref<1x128xf32, #tpu.memory_space<vmem>>
    %dma_start3A_1154 = tpu.memref_squeeze %dma_start3A_1153 : memref<1x128xf32, #tpu.memory_space<vmem>> -> memref<128xf32, #tpu.memory_space<vmem>>
    %dma_start3A_1155 = arith.constant 0 : i32
    %dma_start3A_1156 = tpu.memref_slice %arg5[%dma_start3A_1150, %dma_start3A_1155] : memref<4x128xi32, #tpu.memory_space<vmem>> -> memref<1x128xi32, #tpu.memory_space<vmem>>
    %dma_start3A_1157 = tpu.memref_squeeze %dma_start3A_1156 : memref<1x128xi32, #tpu.memory_space<vmem>> -> memref<128xi32, #tpu.memory_space<vmem>>
    %dma_start3A_1158 = arith.constant 0 : i32
    %dma_start3A_1159 = tpu.memref_slice %arg2[%dma_start3A_1149, %dma_start3A_1158] : memref<16x100000xf32, #tpu.memory_space<hbm>> -> memref<1x100000xf32, #tpu.memory_space<hbm>>
    %dma_start3A_1160 = tpu.memref_squeeze %dma_start3A_1159 : memref<1x100000xf32, #tpu.memory_space<hbm>> -> memref<100000xf32, #tpu.memory_space<hbm>>
    %dma_start3A_1161 = arith.constant 0 : i32
    %dma_start3A_1162 = tpu.memref_slice %dma_start3A_1160[%dma_start3A_1161] : memref<100000xf32, #tpu.memory_space<hbm>> -> memref<100000xf32, #tpu.memory_space<hbm>>
    tpu.enqueue_indirect_dma source(%dma_start3A_1162 : memref<100000xf32, #tpu.memory_space<hbm>>) target(%dma_start3A_1154 : memref<128xf32, #tpu.memory_space<vmem>>) offsets(%dma_start3A_1157 : memref<128xi32, #tpu.memory_space<vmem>>) semaphore(%arg8 : memref<!tpu.dma_semaphore, #tpu.memory_space<semaphore_mem>>)
    %dma_start3A_1163 = arith.constant 3 : i32
    %dma_start3A_1164 = arith.constant 3 : i32
    %dma_start3A_1165 = arith.constant 3 : i32
    %dma_start3A_1166 = arith.constant 384 : i32
    %dma_start3A_1167 = tpu.memref_slice %arg6[%dma_start3A_1165, %dma_start3A_1166] : memref<16x512xf32, #tpu.memory_space<vmem>> -> memref<1x128xf32, #tpu.memory_space<vmem>>
    %dma_start3A_1168 = tpu.memref_squeeze %dma_start3A_1167 : memref<1x128xf32, #tpu.memory_space<vmem>> -> memref<128xf32, #tpu.memory_space<vmem>>
    %dma_start3A_1169 = arith.constant 0 : i32
    %dma_start3A_1170 = tpu.memref_slice %arg5[%dma_start3A_1164, %dma_start3A_1169] : memref<4x128xi32, #tpu.memory_space<vmem>> -> memref<1x128xi32, #tpu.memory_space<vmem>>
    %dma_start3A_1171 = tpu.memref_squeeze %dma_start3A_1170 : memref<1x128xi32, #tpu.memory_space<vmem>> -> memref<128xi32, #tpu.memory_space<vmem>>
    %dma_start3A_1172 = arith.constant 0 : i32
    %dma_start3A_1173 = tpu.memref_slice %arg2[%dma_start3A_1163, %dma_start3A_1172] : memref<16x100000xf32, #tpu.memory_space<hbm>> -> memref<1x100000xf32, #tpu.memory_space<hbm>>
    %dma_start3A_1174 = tpu.memref_squeeze %dma_start3A_1173 : memref<1x100000xf32, #tpu.memory_space<hbm>> -> memref<100000xf32, #tpu.memory_space<hbm>>
    %dma_start3A_1175 = arith.constant 0 : i32
    %dma_start3A_1176 = tpu.memref_slice %dma_start3A_1174[%dma_start3A_1175] : memref<100000xf32, #tpu.memory_space<hbm>> -> memref<100000xf32, #tpu.memory_space<hbm>>
    tpu.enqueue_indirect_dma source(%dma_start3A_1176 : memref<100000xf32, #tpu.memory_space<hbm>>) target(%dma_start3A_1168 : memref<128xf32, #tpu.memory_space<vmem>>) offsets(%dma_start3A_1171 : memref<128xi32, #tpu.memory_space<vmem>>) semaphore(%arg8 : memref<!tpu.dma_semaphore, #tpu.memory_space<semaphore_mem>>)
    %dma_start3A_1177 = arith.constant 4 : i32
    %dma_start3A_1178 = arith.constant 3 : i32
    %dma_start3A_1179 = arith.constant 4 : i32
    %dma_start3A_1180 = arith.constant 384 : i32
    %dma_start3A_1181 = tpu.memref_slice %arg6[%dma_start3A_1179, %dma_start3A_1180] : memref<16x512xf32, #tpu.memory_space<vmem>> -> memref<1x128xf32, #tpu.memory_space<vmem>>
    %dma_start3A_1182 = tpu.memref_squeeze %dma_start3A_1181 : memref<1x128xf32, #tpu.memory_space<vmem>> -> memref<128xf32, #tpu.memory_space<vmem>>
    %dma_start3A_1183 = arith.constant 0 : i32
    %dma_start3A_1184 = tpu.memref_slice %arg5[%dma_start3A_1178, %dma_start3A_1183] : memref<4x128xi32, #tpu.memory_space<vmem>> -> memref<1x128xi32, #tpu.memory_space<vmem>>
    %dma_start3A_1185 = tpu.memref_squeeze %dma_start3A_1184 : memref<1x128xi32, #tpu.memory_space<vmem>> -> memref<128xi32, #tpu.memory_space<vmem>>
    %dma_start3A_1186 = arith.constant 0 : i32
    %dma_start3A_1187 = tpu.memref_slice %arg2[%dma_start3A_1177, %dma_start3A_1186] : memref<16x100000xf32, #tpu.memory_space<hbm>> -> memref<1x100000xf32, #tpu.memory_space<hbm>>
    %dma_start3A_1188 = tpu.memref_squeeze %dma_start3A_1187 : memref<1x100000xf32, #tpu.memory_space<hbm>> -> memref<100000xf32, #tpu.memory_space<hbm>>
    %dma_start3A_1189 = arith.constant 0 : i32
    %dma_start3A_1190 = tpu.memref_slice %dma_start3A_1188[%dma_start3A_1189] : memref<100000xf32, #tpu.memory_space<hbm>> -> memref<100000xf32, #tpu.memory_space<hbm>>
    tpu.enqueue_indirect_dma source(%dma_start3A_1190 : memref<100000xf32, #tpu.memory_space<hbm>>) target(%dma_start3A_1182 : memref<128xf32, #tpu.memory_space<vmem>>) offsets(%dma_start3A_1185 : memref<128xi32, #tpu.memory_space<vmem>>) semaphore(%arg8 : memref<!tpu.dma_semaphore, #tpu.memory_space<semaphore_mem>>)
    %dma_start3A_1191 = arith.constant 5 : i32
    %dma_start3A_1192 = arith.constant 3 : i32
    %dma_start3A_1193 = arith.constant 5 : i32
    %dma_start3A_1194 = arith.constant 384 : i32
    %dma_start3A_1195 = tpu.memref_slice %arg6[%dma_start3A_1193, %dma_start3A_1194] : memref<16x512xf32, #tpu.memory_space<vmem>> -> memref<1x128xf32, #tpu.memory_space<vmem>>
    %dma_start3A_1196 = tpu.memref_squeeze %dma_start3A_1195 : memref<1x128xf32, #tpu.memory_space<vmem>> -> memref<128xf32, #tpu.memory_space<vmem>>
    %dma_start3A_1197 = arith.constant 0 : i32
    %dma_start3A_1198 = tpu.memref_slice %arg5[%dma_start3A_1192, %dma_start3A_1197] : memref<4x128xi32, #tpu.memory_space<vmem>> -> memref<1x128xi32, #tpu.memory_space<vmem>>
    %dma_start3A_1199 = tpu.memref_squeeze %dma_start3A_1198 : memref<1x128xi32, #tpu.memory_space<vmem>> -> memref<128xi32, #tpu.memory_space<vmem>>
    %dma_start3A_1200 = arith.constant 0 : i32
    %dma_start3A_1201 = tpu.memref_slice %arg2[%dma_start3A_1191, %dma_start3A_1200] : memref<16x100000xf32, #tpu.memory_space<hbm>> -> memref<1x100000xf32, #tpu.memory_space<hbm>>
    %dma_start3A_1202 = tpu.memref_squeeze %dma_start3A_1201 : memref<1x100000xf32, #tpu.memory_space<hbm>> -> memref<100000xf32, #tpu.memory_space<hbm>>
    %dma_start3A_1203 = arith.constant 0 : i32
    %dma_start3A_1204 = tpu.memref_slice %dma_start3A_1202[%dma_start3A_1203] : memref<100000xf32, #tpu.memory_space<hbm>> -> memref<100000xf32, #tpu.memory_space<hbm>>
    tpu.enqueue_indirect_dma source(%dma_start3A_1204 : memref<100000xf32, #tpu.memory_space<hbm>>) target(%dma_start3A_1196 : memref<128xf32, #tpu.memory_space<vmem>>) offsets(%dma_start3A_1199 : memref<128xi32, #tpu.memory_space<vmem>>) semaphore(%arg8 : memref<!tpu.dma_semaphore, #tpu.memory_space<semaphore_mem>>)
    %dma_start3A_1205 = arith.constant 6 : i32
    %dma_start3A_1206 = arith.constant 3 : i32
    %dma_start3A_1207 = arith.constant 6 : i32
    %dma_start3A_1208 = arith.constant 384 : i32
    %dma_start3A_1209 = tpu.memref_slice %arg6[%dma_start3A_1207, %dma_start3A_1208] : memref<16x512xf32, #tpu.memory_space<vmem>> -> memref<1x128xf32, #tpu.memory_space<vmem>>
    %dma_start3A_1210 = tpu.memref_squeeze %dma_start3A_1209 : memref<1x128xf32, #tpu.memory_space<vmem>> -> memref<128xf32, #tpu.memory_space<vmem>>
    %dma_start3A_1211 = arith.constant 0 : i32
    %dma_start3A_1212 = tpu.memref_slice %arg5[%dma_start3A_1206, %dma_start3A_1211] : memref<4x128xi32, #tpu.memory_space<vmem>> -> memref<1x128xi32, #tpu.memory_space<vmem>>
    %dma_start3A_1213 = tpu.memref_squeeze %dma_start3A_1212 : memref<1x128xi32, #tpu.memory_space<vmem>> -> memref<128xi32, #tpu.memory_space<vmem>>
    %dma_start3A_1214 = arith.constant 0 : i32
    %dma_start3A_1215 = tpu.memref_slice %arg2[%dma_start3A_1205, %dma_start3A_1214] : memref<16x100000xf32, #tpu.memory_space<hbm>> -> memref<1x100000xf32, #tpu.memory_space<hbm>>
    %dma_start3A_1216 = tpu.memref_squeeze %dma_start3A_1215 : memref<1x100000xf32, #tpu.memory_space<hbm>> -> memref<100000xf32, #tpu.memory_space<hbm>>
    %dma_start3A_1217 = arith.constant 0 : i32
    %dma_start3A_1218 = tpu.memref_slice %dma_start3A_1216[%dma_start3A_1217] : memref<100000xf32, #tpu.memory_space<hbm>> -> memref<100000xf32, #tpu.memory_space<hbm>>
    tpu.enqueue_indirect_dma source(%dma_start3A_1218 : memref<100000xf32, #tpu.memory_space<hbm>>) target(%dma_start3A_1210 : memref<128xf32, #tpu.memory_space<vmem>>) offsets(%dma_start3A_1213 : memref<128xi32, #tpu.memory_space<vmem>>) semaphore(%arg8 : memref<!tpu.dma_semaphore, #tpu.memory_space<semaphore_mem>>)
    %dma_start3A_1219 = arith.constant 7 : i32
    %dma_start3A_1220 = arith.constant 3 : i32
    %dma_start3A_1221 = arith.constant 7 : i32
    %dma_start3A_1222 = arith.constant 384 : i32
    %dma_start3A_1223 = tpu.memref_slice %arg6[%dma_start3A_1221, %dma_start3A_1222] : memref<16x512xf32, #tpu.memory_space<vmem>> -> memref<1x128xf32, #tpu.memory_space<vmem>>
    %dma_start3A_1224 = tpu.memref_squeeze %dma_start3A_1223 : memref<1x128xf32, #tpu.memory_space<vmem>> -> memref<128xf32, #tpu.memory_space<vmem>>
    %dma_start3A_1225 = arith.constant 0 : i32
    %dma_start3A_1226 = tpu.memref_slice %arg5[%dma_start3A_1220, %dma_start3A_1225] : memref<4x128xi32, #tpu.memory_space<vmem>> -> memref<1x128xi32, #tpu.memory_space<vmem>>
    %dma_start3A_1227 = tpu.memref_squeeze %dma_start3A_1226 : memref<1x128xi32, #tpu.memory_space<vmem>> -> memref<128xi32, #tpu.memory_space<vmem>>
    %dma_start3A_1228 = arith.constant 0 : i32
    %dma_start3A_1229 = tpu.memref_slice %arg2[%dma_start3A_1219, %dma_start3A_1228] : memref<16x100000xf32, #tpu.memory_space<hbm>> -> memref<1x100000xf32, #tpu.memory_space<hbm>>
    %dma_start3A_1230 = tpu.memref_squeeze %dma_start3A_1229 : memref<1x100000xf32, #tpu.memory_space<hbm>> -> memref<100000xf32, #tpu.memory_space<hbm>>
    %dma_start3A_1231 = arith.constant 0 : i32
    %dma_start3A_1232 = tpu.memref_slice %dma_start3A_1230[%dma_start3A_1231] : memref<100000xf32, #tpu.memory_space<hbm>> -> memref<100000xf32, #tpu.memory_space<hbm>>
    tpu.enqueue_indirect_dma source(%dma_start3A_1232 : memref<100000xf32, #tpu.memory_space<hbm>>) target(%dma_start3A_1224 : memref<128xf32, #tpu.memory_space<vmem>>) offsets(%dma_start3A_1227 : memref<128xi32, #tpu.memory_space<vmem>>) semaphore(%arg8 : memref<!tpu.dma_semaphore, #tpu.memory_space<semaphore_mem>>)
    %dma_start3A_1233 = arith.constant 8 : i32
    %dma_start3A_1234 = arith.constant 3 : i32
    %dma_start3A_1235 = arith.constant 8 : i32
    %dma_start3A_1236 = arith.constant 384 : i32
    %dma_start3A_1237 = tpu.memref_slice %arg6[%dma_start3A_1235, %dma_start3A_1236] : memref<16x512xf32, #tpu.memory_space<vmem>> -> memref<1x128xf32, #tpu.memory_space<vmem>>
    %dma_start3A_1238 = tpu.memref_squeeze %dma_start3A_1237 : memref<1x128xf32, #tpu.memory_space<vmem>> -> memref<128xf32, #tpu.memory_space<vmem>>
    %dma_start3A_1239 = arith.constant 0 : i32
    %dma_start3A_1240 = tpu.memref_slice %arg5[%dma_start3A_1234, %dma_start3A_1239] : memref<4x128xi32, #tpu.memory_space<vmem>> -> memref<1x128xi32, #tpu.memory_space<vmem>>
    %dma_start3A_1241 = tpu.memref_squeeze %dma_start3A_1240 : memref<1x128xi32, #tpu.memory_space<vmem>> -> memref<128xi32, #tpu.memory_space<vmem>>
    %dma_start3A_1242 = arith.constant 0 : i32
    %dma_start3A_1243 = tpu.memref_slice %arg2[%dma_start3A_1233, %dma_start3A_1242] : memref<16x100000xf32, #tpu.memory_space<hbm>> -> memref<1x100000xf32, #tpu.memory_space<hbm>>
    %dma_start3A_1244 = tpu.memref_squeeze %dma_start3A_1243 : memref<1x100000xf32, #tpu.memory_space<hbm>> -> memref<100000xf32, #tpu.memory_space<hbm>>
    %dma_start3A_1245 = arith.constant 0 : i32
    %dma_start3A_1246 = tpu.memref_slice %dma_start3A_1244[%dma_start3A_1245] : memref<100000xf32, #tpu.memory_space<hbm>> -> memref<100000xf32, #tpu.memory_space<hbm>>
    tpu.enqueue_indirect_dma source(%dma_start3A_1246 : memref<100000xf32, #tpu.memory_space<hbm>>) target(%dma_start3A_1238 : memref<128xf32, #tpu.memory_space<vmem>>) offsets(%dma_start3A_1241 : memref<128xi32, #tpu.memory_space<vmem>>) semaphore(%arg8 : memref<!tpu.dma_semaphore, #tpu.memory_space<semaphore_mem>>)
    %dma_start3A_1247 = arith.constant 9 : i32
    %dma_start3A_1248 = arith.constant 3 : i32
    %dma_start3A_1249 = arith.constant 9 : i32
    %dma_start3A_1250 = arith.constant 384 : i32
    %dma_start3A_1251 = tpu.memref_slice %arg6[%dma_start3A_1249, %dma_start3A_1250] : memref<16x512xf32, #tpu.memory_space<vmem>> -> memref<1x128xf32, #tpu.memory_space<vmem>>
    %dma_start3A_1252 = tpu.memref_squeeze %dma_start3A_1251 : memref<1x128xf32, #tpu.memory_space<vmem>> -> memref<128xf32, #tpu.memory_space<vmem>>
    %dma_start3A_1253 = arith.constant 0 : i32
    %dma_start3A_1254 = tpu.memref_slice %arg5[%dma_start3A_1248, %dma_start3A_1253] : memref<4x128xi32, #tpu.memory_space<vmem>> -> memref<1x128xi32, #tpu.memory_space<vmem>>
    %dma_start3A_1255 = tpu.memref_squeeze %dma_start3A_1254 : memref<1x128xi32, #tpu.memory_space<vmem>> -> memref<128xi32, #tpu.memory_space<vmem>>
    %dma_start3A_1256 = arith.constant 0 : i32
    %dma_start3A_1257 = tpu.memref_slice %arg2[%dma_start3A_1247, %dma_start3A_1256] : memref<16x100000xf32, #tpu.memory_space<hbm>> -> memref<1x100000xf32, #tpu.memory_space<hbm>>
    %dma_start3A_1258 = tpu.memref_squeeze %dma_start3A_1257 : memref<1x100000xf32, #tpu.memory_space<hbm>> -> memref<100000xf32, #tpu.memory_space<hbm>>
    %dma_start3A_1259 = arith.constant 0 : i32
    %dma_start3A_1260 = tpu.memref_slice %dma_start3A_1258[%dma_start3A_1259] : memref<100000xf32, #tpu.memory_space<hbm>> -> memref<100000xf32, #tpu.memory_space<hbm>>
    tpu.enqueue_indirect_dma source(%dma_start3A_1260 : memref<100000xf32, #tpu.memory_space<hbm>>) target(%dma_start3A_1252 : memref<128xf32, #tpu.memory_space<vmem>>) offsets(%dma_start3A_1255 : memref<128xi32, #tpu.memory_space<vmem>>) semaphore(%arg8 : memref<!tpu.dma_semaphore, #tpu.memory_space<semaphore_mem>>)
    %dma_start3A_1261 = arith.constant 10 : i32
    %dma_start3A_1262 = arith.constant 3 : i32
    %dma_start3A_1263 = arith.constant 10 : i32
    %dma_start3A_1264 = arith.constant 384 : i32
    %dma_start3A_1265 = tpu.memref_slice %arg6[%dma_start3A_1263, %dma_start3A_1264] : memref<16x512xf32, #tpu.memory_space<vmem>> -> memref<1x128xf32, #tpu.memory_space<vmem>>
    %dma_start3A_1266 = tpu.memref_squeeze %dma_start3A_1265 : memref<1x128xf32, #tpu.memory_space<vmem>> -> memref<128xf32, #tpu.memory_space<vmem>>
    %dma_start3A_1267 = arith.constant 0 : i32
    %dma_start3A_1268 = tpu.memref_slice %arg5[%dma_start3A_1262, %dma_start3A_1267] : memref<4x128xi32, #tpu.memory_space<vmem>> -> memref<1x128xi32, #tpu.memory_space<vmem>>
    %dma_start3A_1269 = tpu.memref_squeeze %dma_start3A_1268 : memref<1x128xi32, #tpu.memory_space<vmem>> -> memref<128xi32, #tpu.memory_space<vmem>>
    %dma_start3A_1270 = arith.constant 0 : i32
    %dma_start3A_1271 = tpu.memref_slice %arg2[%dma_start3A_1261, %dma_start3A_1270] : memref<16x100000xf32, #tpu.memory_space<hbm>> -> memref<1x100000xf32, #tpu.memory_space<hbm>>
    %dma_start3A_1272 = tpu.memref_squeeze %dma_start3A_1271 : memref<1x100000xf32, #tpu.memory_space<hbm>> -> memref<100000xf32, #tpu.memory_space<hbm>>
    %dma_start3A_1273 = arith.constant 0 : i32
    %dma_start3A_1274 = tpu.memref_slice %dma_start3A_1272[%dma_start3A_1273] : memref<100000xf32, #tpu.memory_space<hbm>> -> memref<100000xf32, #tpu.memory_space<hbm>>
    tpu.enqueue_indirect_dma source(%dma_start3A_1274 : memref<100000xf32, #tpu.memory_space<hbm>>) target(%dma_start3A_1266 : memref<128xf32, #tpu.memory_space<vmem>>) offsets(%dma_start3A_1269 : memref<128xi32, #tpu.memory_space<vmem>>) semaphore(%arg8 : memref<!tpu.dma_semaphore, #tpu.memory_space<semaphore_mem>>)
    %dma_start3A_1275 = arith.constant 11 : i32
    %dma_start3A_1276 = arith.constant 3 : i32
    %dma_start3A_1277 = arith.constant 11 : i32
    %dma_start3A_1278 = arith.constant 384 : i32
    %dma_start3A_1279 = tpu.memref_slice %arg6[%dma_start3A_1277, %dma_start3A_1278] : memref<16x512xf32, #tpu.memory_space<vmem>> -> memref<1x128xf32, #tpu.memory_space<vmem>>
    %dma_start3A_1280 = tpu.memref_squeeze %dma_start3A_1279 : memref<1x128xf32, #tpu.memory_space<vmem>> -> memref<128xf32, #tpu.memory_space<vmem>>
    %dma_start3A_1281 = arith.constant 0 : i32
    %dma_start3A_1282 = tpu.memref_slice %arg5[%dma_start3A_1276, %dma_start3A_1281] : memref<4x128xi32, #tpu.memory_space<vmem>> -> memref<1x128xi32, #tpu.memory_space<vmem>>
    %dma_start3A_1283 = tpu.memref_squeeze %dma_start3A_1282 : memref<1x128xi32, #tpu.memory_space<vmem>> -> memref<128xi32, #tpu.memory_space<vmem>>
    %dma_start3A_1284 = arith.constant 0 : i32
    %dma_start3A_1285 = tpu.memref_slice %arg2[%dma_start3A_1275, %dma_start3A_1284] : memref<16x100000xf32, #tpu.memory_space<hbm>> -> memref<1x100000xf32, #tpu.memory_space<hbm>>
    %dma_start3A_1286 = tpu.memref_squeeze %dma_start3A_1285 : memref<1x100000xf32, #tpu.memory_space<hbm>> -> memref<100000xf32, #tpu.memory_space<hbm>>
    %dma_start3A_1287 = arith.constant 0 : i32
    %dma_start3A_1288 = tpu.memref_slice %dma_start3A_1286[%dma_start3A_1287] : memref<100000xf32, #tpu.memory_space<hbm>> -> memref<100000xf32, #tpu.memory_space<hbm>>
    tpu.enqueue_indirect_dma source(%dma_start3A_1288 : memref<100000xf32, #tpu.memory_space<hbm>>) target(%dma_start3A_1280 : memref<128xf32, #tpu.memory_space<vmem>>) offsets(%dma_start3A_1283 : memref<128xi32, #tpu.memory_space<vmem>>) semaphore(%arg8 : memref<!tpu.dma_semaphore, #tpu.memory_space<semaphore_mem>>)
    %dma_start3A_1289 = arith.constant 12 : i32
    %dma_start3A_1290 = arith.constant 3 : i32
    %dma_start3A_1291 = arith.constant 12 : i32
    %dma_start3A_1292 = arith.constant 384 : i32
    %dma_start3A_1293 = tpu.memref_slice %arg6[%dma_start3A_1291, %dma_start3A_1292] : memref<16x512xf32, #tpu.memory_space<vmem>> -> memref<1x128xf32, #tpu.memory_space<vmem>>
    %dma_start3A_1294 = tpu.memref_squeeze %dma_start3A_1293 : memref<1x128xf32, #tpu.memory_space<vmem>> -> memref<128xf32, #tpu.memory_space<vmem>>
    %dma_start3A_1295 = arith.constant 0 : i32
    %dma_start3A_1296 = tpu.memref_slice %arg5[%dma_start3A_1290, %dma_start3A_1295] : memref<4x128xi32, #tpu.memory_space<vmem>> -> memref<1x128xi32, #tpu.memory_space<vmem>>
    %dma_start3A_1297 = tpu.memref_squeeze %dma_start3A_1296 : memref<1x128xi32, #tpu.memory_space<vmem>> -> memref<128xi32, #tpu.memory_space<vmem>>
    %dma_start3A_1298 = arith.constant 0 : i32
    %dma_start3A_1299 = tpu.memref_slice %arg2[%dma_start3A_1289, %dma_start3A_1298] : memref<16x100000xf32, #tpu.memory_space<hbm>> -> memref<1x100000xf32, #tpu.memory_space<hbm>>
    %dma_start3A_1300 = tpu.memref_squeeze %dma_start3A_1299 : memref<1x100000xf32, #tpu.memory_space<hbm>> -> memref<100000xf32, #tpu.memory_space<hbm>>
    %dma_start3A_1301 = arith.constant 0 : i32
    %dma_start3A_1302 = tpu.memref_slice %dma_start3A_1300[%dma_start3A_1301] : memref<100000xf32, #tpu.memory_space<hbm>> -> memref<100000xf32, #tpu.memory_space<hbm>>
    tpu.enqueue_indirect_dma source(%dma_start3A_1302 : memref<100000xf32, #tpu.memory_space<hbm>>) target(%dma_start3A_1294 : memref<128xf32, #tpu.memory_space<vmem>>) offsets(%dma_start3A_1297 : memref<128xi32, #tpu.memory_space<vmem>>) semaphore(%arg8 : memref<!tpu.dma_semaphore, #tpu.memory_space<semaphore_mem>>)
    %dma_start3A_1303 = arith.constant 13 : i32
    %dma_start3A_1304 = arith.constant 3 : i32
    %dma_start3A_1305 = arith.constant 13 : i32
    %dma_start3A_1306 = arith.constant 384 : i32
    %dma_start3A_1307 = tpu.memref_slice %arg6[%dma_start3A_1305, %dma_start3A_1306] : memref<16x512xf32, #tpu.memory_space<vmem>> -> memref<1x128xf32, #tpu.memory_space<vmem>>
    %dma_start3A_1308 = tpu.memref_squeeze %dma_start3A_1307 : memref<1x128xf32, #tpu.memory_space<vmem>> -> memref<128xf32, #tpu.memory_space<vmem>>
    %dma_start3A_1309 = arith.constant 0 : i32
    %dma_start3A_1310 = tpu.memref_slice %arg5[%dma_start3A_1304, %dma_start3A_1309] : memref<4x128xi32, #tpu.memory_space<vmem>> -> memref<1x128xi32, #tpu.memory_space<vmem>>
    %dma_start3A_1311 = tpu.memref_squeeze %dma_start3A_1310 : memref<1x128xi32, #tpu.memory_space<vmem>> -> memref<128xi32, #tpu.memory_space<vmem>>
    %dma_start3A_1312 = arith.constant 0 : i32
    %dma_start3A_1313 = tpu.memref_slice %arg2[%dma_start3A_1303, %dma_start3A_1312] : memref<16x100000xf32, #tpu.memory_space<hbm>> -> memref<1x100000xf32, #tpu.memory_space<hbm>>
    %dma_start3A_1314 = tpu.memref_squeeze %dma_start3A_1313 : memref<1x100000xf32, #tpu.memory_space<hbm>> -> memref<100000xf32, #tpu.memory_space<hbm>>
    %dma_start3A_1315 = arith.constant 0 : i32
    %dma_start3A_1316 = tpu.memref_slice %dma_start3A_1314[%dma_start3A_1315] : memref<100000xf32, #tpu.memory_space<hbm>> -> memref<100000xf32, #tpu.memory_space<hbm>>
    tpu.enqueue_indirect_dma source(%dma_start3A_1316 : memref<100000xf32, #tpu.memory_space<hbm>>) target(%dma_start3A_1308 : memref<128xf32, #tpu.memory_space<vmem>>) offsets(%dma_start3A_1311 : memref<128xi32, #tpu.memory_space<vmem>>) semaphore(%arg8 : memref<!tpu.dma_semaphore, #tpu.memory_space<semaphore_mem>>)
    %dma_start3A_1317 = arith.constant 14 : i32
    %dma_start3A_1318 = arith.constant 3 : i32
    %dma_start3A_1319 = arith.constant 14 : i32
    %dma_start3A_1320 = arith.constant 384 : i32
    %dma_start3A_1321 = tpu.memref_slice %arg6[%dma_start3A_1319, %dma_start3A_1320] : memref<16x512xf32, #tpu.memory_space<vmem>> -> memref<1x128xf32, #tpu.memory_space<vmem>>
    %dma_start3A_1322 = tpu.memref_squeeze %dma_start3A_1321 : memref<1x128xf32, #tpu.memory_space<vmem>> -> memref<128xf32, #tpu.memory_space<vmem>>
    %dma_start3A_1323 = arith.constant 0 : i32
    %dma_start3A_1324 = tpu.memref_slice %arg5[%dma_start3A_1318, %dma_start3A_1323] : memref<4x128xi32, #tpu.memory_space<vmem>> -> memref<1x128xi32, #tpu.memory_space<vmem>>
    %dma_start3A_1325 = tpu.memref_squeeze %dma_start3A_1324 : memref<1x128xi32, #tpu.memory_space<vmem>> -> memref<128xi32, #tpu.memory_space<vmem>>
    %dma_start3A_1326 = arith.constant 0 : i32
    %dma_start3A_1327 = tpu.memref_slice %arg2[%dma_start3A_1317, %dma_start3A_1326] : memref<16x100000xf32, #tpu.memory_space<hbm>> -> memref<1x100000xf32, #tpu.memory_space<hbm>>
    %dma_start3A_1328 = tpu.memref_squeeze %dma_start3A_1327 : memref<1x100000xf32, #tpu.memory_space<hbm>> -> memref<100000xf32, #tpu.memory_space<hbm>>
    %dma_start3A_1329 = arith.constant 0 : i32
    %dma_start3A_1330 = tpu.memref_slice %dma_start3A_1328[%dma_start3A_1329] : memref<100000xf32, #tpu.memory_space<hbm>> -> memref<100000xf32, #tpu.memory_space<hbm>>
    tpu.enqueue_indirect_dma source(%dma_start3A_1330 : memref<100000xf32, #tpu.memory_space<hbm>>) target(%dma_start3A_1322 : memref<128xf32, #tpu.memory_space<vmem>>) offsets(%dma_start3A_1325 : memref<128xi32, #tpu.memory_space<vmem>>) semaphore(%arg8 : memref<!tpu.dma_semaphore, #tpu.memory_space<semaphore_mem>>)
    %dma_start3A_1331 = arith.constant 15 : i32
    %dma_start3A_1332 = arith.constant 3 : i32
    %dma_start3A_1333 = arith.constant 15 : i32
    %dma_start3A_1334 = arith.constant 384 : i32
    %dma_start3A_1335 = tpu.memref_slice %arg6[%dma_start3A_1333, %dma_start3A_1334] : memref<16x512xf32, #tpu.memory_space<vmem>> -> memref<1x128xf32, #tpu.memory_space<vmem>>
    %dma_start3A_1336 = tpu.memref_squeeze %dma_start3A_1335 : memref<1x128xf32, #tpu.memory_space<vmem>> -> memref<128xf32, #tpu.memory_space<vmem>>
    %dma_start3A_1337 = arith.constant 0 : i32
    %dma_start3A_1338 = tpu.memref_slice %arg5[%dma_start3A_1332, %dma_start3A_1337] : memref<4x128xi32, #tpu.memory_space<vmem>> -> memref<1x128xi32, #tpu.memory_space<vmem>>
    %dma_start3A_1339 = tpu.memref_squeeze %dma_start3A_1338 : memref<1x128xi32, #tpu.memory_space<vmem>> -> memref<128xi32, #tpu.memory_space<vmem>>
    %dma_start3A_1340 = arith.constant 0 : i32
    %dma_start3A_1341 = tpu.memref_slice %arg2[%dma_start3A_1331, %dma_start3A_1340] : memref<16x100000xf32, #tpu.memory_space<hbm>> -> memref<1x100000xf32, #tpu.memory_space<hbm>>
    %dma_start3A_1342 = tpu.memref_squeeze %dma_start3A_1341 : memref<1x100000xf32, #tpu.memory_space<hbm>> -> memref<100000xf32, #tpu.memory_space<hbm>>
    %dma_start3A_1343 = arith.constant 0 : i32
    %dma_start3A_1344 = tpu.memref_slice %dma_start3A_1342[%dma_start3A_1343] : memref<100000xf32, #tpu.memory_space<hbm>> -> memref<100000xf32, #tpu.memory_space<hbm>>
    tpu.enqueue_indirect_dma source(%dma_start3A_1344 : memref<100000xf32, #tpu.memory_space<hbm>>) target(%dma_start3A_1336 : memref<128xf32, #tpu.memory_space<vmem>>) offsets(%dma_start3A_1339 : memref<128xi32, #tpu.memory_space<vmem>>) semaphore(%arg8 : memref<!tpu.dma_semaphore, #tpu.memory_space<semaphore_mem>>)
    %dma_wait3A_1345 = arith.constant 0 : i32
    %dma_wait3A_1346 = arith.constant 2 : i32
    %dma_wait3A_1347 = arith.constant 0 : i32
    %dma_wait3A_1348 = arith.constant 256 : i32
    %dma_wait3A_1349 = tpu.memref_slice %arg6[%dma_wait3A_1347, %dma_wait3A_1348] : memref<16x512xf32, #tpu.memory_space<vmem>> -> memref<1x128xf32, #tpu.memory_space<vmem>>
    %dma_wait3A_1350 = tpu.memref_squeeze %dma_wait3A_1349 : memref<1x128xf32, #tpu.memory_space<vmem>> -> memref<128xf32, #tpu.memory_space<vmem>>
    %dma_wait3A_1351 = arith.constant 0 : i32
    %dma_wait3A_1352 = tpu.memref_slice %arg5[%dma_wait3A_1346, %dma_wait3A_1351] : memref<4x128xi32, #tpu.memory_space<vmem>> -> memref<1x128xi32, #tpu.memory_space<vmem>>
    %dma_wait3A_1353 = tpu.memref_squeeze %dma_wait3A_1352 : memref<1x128xi32, #tpu.memory_space<vmem>> -> memref<128xi32, #tpu.memory_space<vmem>>
    %dma_wait3A_1354 = arith.constant 0 : i32
    %dma_wait3A_1355 = tpu.memref_slice %arg2[%dma_wait3A_1345, %dma_wait3A_1354] : memref<16x100000xf32, #tpu.memory_space<hbm>> -> memref<1x100000xf32, #tpu.memory_space<hbm>>
    %dma_wait3A_1356 = tpu.memref_squeeze %dma_wait3A_1355 : memref<1x100000xf32, #tpu.memory_space<hbm>> -> memref<100000xf32, #tpu.memory_space<hbm>>
    %dma_wait3A_1357 = arith.constant 0 : i32
    %dma_wait3A_1358 = tpu.memref_slice %dma_wait3A_1356[%dma_wait3A_1357] : memref<100000xf32, #tpu.memory_space<hbm>> -> memref<100000xf32, #tpu.memory_space<hbm>>
    tpu.wait_indirect_dma semaphore(%arg7 : memref<!tpu.dma_semaphore, #tpu.memory_space<semaphore_mem>>) src(%dma_wait3A_1358 : memref<100000xf32, #tpu.memory_space<hbm>>) dst(%dma_wait3A_1350 : memref<128xf32, #tpu.memory_space<vmem>>)
    %dma_wait3A_1359 = arith.constant 1 : i32
    %dma_wait3A_1360 = arith.constant 2 : i32
    %dma_wait3A_1361 = arith.constant 1 : i32
    %dma_wait3A_1362 = arith.constant 256 : i32
    %dma_wait3A_1363 = tpu.memref_slice %arg6[%dma_wait3A_1361, %dma_wait3A_1362] : memref<16x512xf32, #tpu.memory_space<vmem>> -> memref<1x128xf32, #tpu.memory_space<vmem>>
    %dma_wait3A_1364 = tpu.memref_squeeze %dma_wait3A_1363 : memref<1x128xf32, #tpu.memory_space<vmem>> -> memref<128xf32, #tpu.memory_space<vmem>>
    %dma_wait3A_1365 = arith.constant 0 : i32
    %dma_wait3A_1366 = tpu.memref_slice %arg5[%dma_wait3A_1360, %dma_wait3A_1365] : memref<4x128xi32, #tpu.memory_space<vmem>> -> memref<1x128xi32, #tpu.memory_space<vmem>>
    %dma_wait3A_1367 = tpu.memref_squeeze %dma_wait3A_1366 : memref<1x128xi32, #tpu.memory_space<vmem>> -> memref<128xi32, #tpu.memory_space<vmem>>
    %dma_wait3A_1368 = arith.constant 0 : i32
    %dma_wait3A_1369 = tpu.memref_slice %arg2[%dma_wait3A_1359, %dma_wait3A_1368] : memref<16x100000xf32, #tpu.memory_space<hbm>> -> memref<1x100000xf32, #tpu.memory_space<hbm>>
    %dma_wait3A_1370 = tpu.memref_squeeze %dma_wait3A_1369 : memref<1x100000xf32, #tpu.memory_space<hbm>> -> memref<100000xf32, #tpu.memory_space<hbm>>
    %dma_wait3A_1371 = arith.constant 0 : i32
    %dma_wait3A_1372 = tpu.memref_slice %dma_wait3A_1370[%dma_wait3A_1371] : memref<100000xf32, #tpu.memory_space<hbm>> -> memref<100000xf32, #tpu.memory_space<hbm>>
    tpu.wait_indirect_dma semaphore(%arg7 : memref<!tpu.dma_semaphore, #tpu.memory_space<semaphore_mem>>) src(%dma_wait3A_1372 : memref<100000xf32, #tpu.memory_space<hbm>>) dst(%dma_wait3A_1364 : memref<128xf32, #tpu.memory_space<vmem>>)
    %dma_wait3A_1373 = arith.constant 2 : i32
    %dma_wait3A_1374 = arith.constant 2 : i32
    %dma_wait3A_1375 = arith.constant 2 : i32
    %dma_wait3A_1376 = arith.constant 256 : i32
    %dma_wait3A_1377 = tpu.memref_slice %arg6[%dma_wait3A_1375, %dma_wait3A_1376] : memref<16x512xf32, #tpu.memory_space<vmem>> -> memref<1x128xf32, #tpu.memory_space<vmem>>
    %dma_wait3A_1378 = tpu.memref_squeeze %dma_wait3A_1377 : memref<1x128xf32, #tpu.memory_space<vmem>> -> memref<128xf32, #tpu.memory_space<vmem>>
    %dma_wait3A_1379 = arith.constant 0 : i32
    %dma_wait3A_1380 = tpu.memref_slice %arg5[%dma_wait3A_1374, %dma_wait3A_1379] : memref<4x128xi32, #tpu.memory_space<vmem>> -> memref<1x128xi32, #tpu.memory_space<vmem>>
    %dma_wait3A_1381 = tpu.memref_squeeze %dma_wait3A_1380 : memref<1x128xi32, #tpu.memory_space<vmem>> -> memref<128xi32, #tpu.memory_space<vmem>>
    %dma_wait3A_1382 = arith.constant 0 : i32
    %dma_wait3A_1383 = tpu.memref_slice %arg2[%dma_wait3A_1373, %dma_wait3A_1382] : memref<16x100000xf32, #tpu.memory_space<hbm>> -> memref<1x100000xf32, #tpu.memory_space<hbm>>
    %dma_wait3A_1384 = tpu.memref_squeeze %dma_wait3A_1383 : memref<1x100000xf32, #tpu.memory_space<hbm>> -> memref<100000xf32, #tpu.memory_space<hbm>>
    %dma_wait3A_1385 = arith.constant 0 : i32
    %dma_wait3A_1386 = tpu.memref_slice %dma_wait3A_1384[%dma_wait3A_1385] : memref<100000xf32, #tpu.memory_space<hbm>> -> memref<100000xf32, #tpu.memory_space<hbm>>
    tpu.wait_indirect_dma semaphore(%arg7 : memref<!tpu.dma_semaphore, #tpu.memory_space<semaphore_mem>>) src(%dma_wait3A_1386 : memref<100000xf32, #tpu.memory_space<hbm>>) dst(%dma_wait3A_1378 : memref<128xf32, #tpu.memory_space<vmem>>)
    %dma_wait3A_1387 = arith.constant 3 : i32
    %dma_wait3A_1388 = arith.constant 2 : i32
    %dma_wait3A_1389 = arith.constant 3 : i32
    %dma_wait3A_1390 = arith.constant 256 : i32
    %dma_wait3A_1391 = tpu.memref_slice %arg6[%dma_wait3A_1389, %dma_wait3A_1390] : memref<16x512xf32, #tpu.memory_space<vmem>> -> memref<1x128xf32, #tpu.memory_space<vmem>>
    %dma_wait3A_1392 = tpu.memref_squeeze %dma_wait3A_1391 : memref<1x128xf32, #tpu.memory_space<vmem>> -> memref<128xf32, #tpu.memory_space<vmem>>
    %dma_wait3A_1393 = arith.constant 0 : i32
    %dma_wait3A_1394 = tpu.memref_slice %arg5[%dma_wait3A_1388, %dma_wait3A_1393] : memref<4x128xi32, #tpu.memory_space<vmem>> -> memref<1x128xi32, #tpu.memory_space<vmem>>
    %dma_wait3A_1395 = tpu.memref_squeeze %dma_wait3A_1394 : memref<1x128xi32, #tpu.memory_space<vmem>> -> memref<128xi32, #tpu.memory_space<vmem>>
    %dma_wait3A_1396 = arith.constant 0 : i32
    %dma_wait3A_1397 = tpu.memref_slice %arg2[%dma_wait3A_1387, %dma_wait3A_1396] : memref<16x100000xf32, #tpu.memory_space<hbm>> -> memref<1x100000xf32, #tpu.memory_space<hbm>>
    %dma_wait3A_1398 = tpu.memref_squeeze %dma_wait3A_1397 : memref<1x100000xf32, #tpu.memory_space<hbm>> -> memref<100000xf32, #tpu.memory_space<hbm>>
    %dma_wait3A_1399 = arith.constant 0 : i32
    %dma_wait3A_1400 = tpu.memref_slice %dma_wait3A_1398[%dma_wait3A_1399] : memref<100000xf32, #tpu.memory_space<hbm>> -> memref<100000xf32, #tpu.memory_space<hbm>>
    tpu.wait_indirect_dma semaphore(%arg7 : memref<!tpu.dma_semaphore, #tpu.memory_space<semaphore_mem>>) src(%dma_wait3A_1400 : memref<100000xf32, #tpu.memory_space<hbm>>) dst(%dma_wait3A_1392 : memref<128xf32, #tpu.memory_space<vmem>>)
    %dma_wait3A_1401 = arith.constant 4 : i32
    %dma_wait3A_1402 = arith.constant 2 : i32
    %dma_wait3A_1403 = arith.constant 4 : i32
    %dma_wait3A_1404 = arith.constant 256 : i32
    %dma_wait3A_1405 = tpu.memref_slice %arg6[%dma_wait3A_1403, %dma_wait3A_1404] : memref<16x512xf32, #tpu.memory_space<vmem>> -> memref<1x128xf32, #tpu.memory_space<vmem>>
    %dma_wait3A_1406 = tpu.memref_squeeze %dma_wait3A_1405 : memref<1x128xf32, #tpu.memory_space<vmem>> -> memref<128xf32, #tpu.memory_space<vmem>>
    %dma_wait3A_1407 = arith.constant 0 : i32
    %dma_wait3A_1408 = tpu.memref_slice %arg5[%dma_wait3A_1402, %dma_wait3A_1407] : memref<4x128xi32, #tpu.memory_space<vmem>> -> memref<1x128xi32, #tpu.memory_space<vmem>>
    %dma_wait3A_1409 = tpu.memref_squeeze %dma_wait3A_1408 : memref<1x128xi32, #tpu.memory_space<vmem>> -> memref<128xi32, #tpu.memory_space<vmem>>
    %dma_wait3A_1410 = arith.constant 0 : i32
    %dma_wait3A_1411 = tpu.memref_slice %arg2[%dma_wait3A_1401, %dma_wait3A_1410] : memref<16x100000xf32, #tpu.memory_space<hbm>> -> memref<1x100000xf32, #tpu.memory_space<hbm>>
    %dma_wait3A_1412 = tpu.memref_squeeze %dma_wait3A_1411 : memref<1x100000xf32, #tpu.memory_space<hbm>> -> memref<100000xf32, #tpu.memory_space<hbm>>
    %dma_wait3A_1413 = arith.constant 0 : i32
    %dma_wait3A_1414 = tpu.memref_slice %dma_wait3A_1412[%dma_wait3A_1413] : memref<100000xf32, #tpu.memory_space<hbm>> -> memref<100000xf32, #tpu.memory_space<hbm>>
    tpu.wait_indirect_dma semaphore(%arg7 : memref<!tpu.dma_semaphore, #tpu.memory_space<semaphore_mem>>) src(%dma_wait3A_1414 : memref<100000xf32, #tpu.memory_space<hbm>>) dst(%dma_wait3A_1406 : memref<128xf32, #tpu.memory_space<vmem>>)
    %dma_wait3A_1415 = arith.constant 5 : i32
    %dma_wait3A_1416 = arith.constant 2 : i32
    %dma_wait3A_1417 = arith.constant 5 : i32
    %dma_wait3A_1418 = arith.constant 256 : i32
    %dma_wait3A_1419 = tpu.memref_slice %arg6[%dma_wait3A_1417, %dma_wait3A_1418] : memref<16x512xf32, #tpu.memory_space<vmem>> -> memref<1x128xf32, #tpu.memory_space<vmem>>
    %dma_wait3A_1420 = tpu.memref_squeeze %dma_wait3A_1419 : memref<1x128xf32, #tpu.memory_space<vmem>> -> memref<128xf32, #tpu.memory_space<vmem>>
    %dma_wait3A_1421 = arith.constant 0 : i32
    %dma_wait3A_1422 = tpu.memref_slice %arg5[%dma_wait3A_1416, %dma_wait3A_1421] : memref<4x128xi32, #tpu.memory_space<vmem>> -> memref<1x128xi32, #tpu.memory_space<vmem>>
    %dma_wait3A_1423 = tpu.memref_squeeze %dma_wait3A_1422 : memref<1x128xi32, #tpu.memory_space<vmem>> -> memref<128xi32, #tpu.memory_space<vmem>>
    %dma_wait3A_1424 = arith.constant 0 : i32
    %dma_wait3A_1425 = tpu.memref_slice %arg2[%dma_wait3A_1415, %dma_wait3A_1424] : memref<16x100000xf32, #tpu.memory_space<hbm>> -> memref<1x100000xf32, #tpu.memory_space<hbm>>
    %dma_wait3A_1426 = tpu.memref_squeeze %dma_wait3A_1425 : memref<1x100000xf32, #tpu.memory_space<hbm>> -> memref<100000xf32, #tpu.memory_space<hbm>>
    %dma_wait3A_1427 = arith.constant 0 : i32
    %dma_wait3A_1428 = tpu.memref_slice %dma_wait3A_1426[%dma_wait3A_1427] : memref<100000xf32, #tpu.memory_space<hbm>> -> memref<100000xf32, #tpu.memory_space<hbm>>
    tpu.wait_indirect_dma semaphore(%arg7 : memref<!tpu.dma_semaphore, #tpu.memory_space<semaphore_mem>>) src(%dma_wait3A_1428 : memref<100000xf32, #tpu.memory_space<hbm>>) dst(%dma_wait3A_1420 : memref<128xf32, #tpu.memory_space<vmem>>)
    %dma_wait3A_1429 = arith.constant 6 : i32
    %dma_wait3A_1430 = arith.constant 2 : i32
    %dma_wait3A_1431 = arith.constant 6 : i32
    %dma_wait3A_1432 = arith.constant 256 : i32
    %dma_wait3A_1433 = tpu.memref_slice %arg6[%dma_wait3A_1431, %dma_wait3A_1432] : memref<16x512xf32, #tpu.memory_space<vmem>> -> memref<1x128xf32, #tpu.memory_space<vmem>>
    %dma_wait3A_1434 = tpu.memref_squeeze %dma_wait3A_1433 : memref<1x128xf32, #tpu.memory_space<vmem>> -> memref<128xf32, #tpu.memory_space<vmem>>
    %dma_wait3A_1435 = arith.constant 0 : i32
    %dma_wait3A_1436 = tpu.memref_slice %arg5[%dma_wait3A_1430, %dma_wait3A_1435] : memref<4x128xi32, #tpu.memory_space<vmem>> -> memref<1x128xi32, #tpu.memory_space<vmem>>
    %dma_wait3A_1437 = tpu.memref_squeeze %dma_wait3A_1436 : memref<1x128xi32, #tpu.memory_space<vmem>> -> memref<128xi32, #tpu.memory_space<vmem>>
    %dma_wait3A_1438 = arith.constant 0 : i32
    %dma_wait3A_1439 = tpu.memref_slice %arg2[%dma_wait3A_1429, %dma_wait3A_1438] : memref<16x100000xf32, #tpu.memory_space<hbm>> -> memref<1x100000xf32, #tpu.memory_space<hbm>>
    %dma_wait3A_1440 = tpu.memref_squeeze %dma_wait3A_1439 : memref<1x100000xf32, #tpu.memory_space<hbm>> -> memref<100000xf32, #tpu.memory_space<hbm>>
    %dma_wait3A_1441 = arith.constant 0 : i32
    %dma_wait3A_1442 = tpu.memref_slice %dma_wait3A_1440[%dma_wait3A_1441] : memref<100000xf32, #tpu.memory_space<hbm>> -> memref<100000xf32, #tpu.memory_space<hbm>>
    tpu.wait_indirect_dma semaphore(%arg7 : memref<!tpu.dma_semaphore, #tpu.memory_space<semaphore_mem>>) src(%dma_wait3A_1442 : memref<100000xf32, #tpu.memory_space<hbm>>) dst(%dma_wait3A_1434 : memref<128xf32, #tpu.memory_space<vmem>>)
    %dma_wait3A_1443 = arith.constant 7 : i32
    %dma_wait3A_1444 = arith.constant 2 : i32
    %dma_wait3A_1445 = arith.constant 7 : i32
    %dma_wait3A_1446 = arith.constant 256 : i32
    %dma_wait3A_1447 = tpu.memref_slice %arg6[%dma_wait3A_1445, %dma_wait3A_1446] : memref<16x512xf32, #tpu.memory_space<vmem>> -> memref<1x128xf32, #tpu.memory_space<vmem>>
    %dma_wait3A_1448 = tpu.memref_squeeze %dma_wait3A_1447 : memref<1x128xf32, #tpu.memory_space<vmem>> -> memref<128xf32, #tpu.memory_space<vmem>>
    %dma_wait3A_1449 = arith.constant 0 : i32
    %dma_wait3A_1450 = tpu.memref_slice %arg5[%dma_wait3A_1444, %dma_wait3A_1449] : memref<4x128xi32, #tpu.memory_space<vmem>> -> memref<1x128xi32, #tpu.memory_space<vmem>>
    %dma_wait3A_1451 = tpu.memref_squeeze %dma_wait3A_1450 : memref<1x128xi32, #tpu.memory_space<vmem>> -> memref<128xi32, #tpu.memory_space<vmem>>
    %dma_wait3A_1452 = arith.constant 0 : i32
    %dma_wait3A_1453 = tpu.memref_slice %arg2[%dma_wait3A_1443, %dma_wait3A_1452] : memref<16x100000xf32, #tpu.memory_space<hbm>> -> memref<1x100000xf32, #tpu.memory_space<hbm>>
    %dma_wait3A_1454 = tpu.memref_squeeze %dma_wait3A_1453 : memref<1x100000xf32, #tpu.memory_space<hbm>> -> memref<100000xf32, #tpu.memory_space<hbm>>
    %dma_wait3A_1455 = arith.constant 0 : i32
    %dma_wait3A_1456 = tpu.memref_slice %dma_wait3A_1454[%dma_wait3A_1455] : memref<100000xf32, #tpu.memory_space<hbm>> -> memref<100000xf32, #tpu.memory_space<hbm>>
    tpu.wait_indirect_dma semaphore(%arg7 : memref<!tpu.dma_semaphore, #tpu.memory_space<semaphore_mem>>) src(%dma_wait3A_1456 : memref<100000xf32, #tpu.memory_space<hbm>>) dst(%dma_wait3A_1448 : memref<128xf32, #tpu.memory_space<vmem>>)
    %dma_wait3A_1457 = arith.constant 8 : i32
    %dma_wait3A_1458 = arith.constant 2 : i32
    %dma_wait3A_1459 = arith.constant 8 : i32
    %dma_wait3A_1460 = arith.constant 256 : i32
    %dma_wait3A_1461 = tpu.memref_slice %arg6[%dma_wait3A_1459, %dma_wait3A_1460] : memref<16x512xf32, #tpu.memory_space<vmem>> -> memref<1x128xf32, #tpu.memory_space<vmem>>
    %dma_wait3A_1462 = tpu.memref_squeeze %dma_wait3A_1461 : memref<1x128xf32, #tpu.memory_space<vmem>> -> memref<128xf32, #tpu.memory_space<vmem>>
    %dma_wait3A_1463 = arith.constant 0 : i32
    %dma_wait3A_1464 = tpu.memref_slice %arg5[%dma_wait3A_1458, %dma_wait3A_1463] : memref<4x128xi32, #tpu.memory_space<vmem>> -> memref<1x128xi32, #tpu.memory_space<vmem>>
    %dma_wait3A_1465 = tpu.memref_squeeze %dma_wait3A_1464 : memref<1x128xi32, #tpu.memory_space<vmem>> -> memref<128xi32, #tpu.memory_space<vmem>>
    %dma_wait3A_1466 = arith.constant 0 : i32
    %dma_wait3A_1467 = tpu.memref_slice %arg2[%dma_wait3A_1457, %dma_wait3A_1466] : memref<16x100000xf32, #tpu.memory_space<hbm>> -> memref<1x100000xf32, #tpu.memory_space<hbm>>
    %dma_wait3A_1468 = tpu.memref_squeeze %dma_wait3A_1467 : memref<1x100000xf32, #tpu.memory_space<hbm>> -> memref<100000xf32, #tpu.memory_space<hbm>>
    %dma_wait3A_1469 = arith.constant 0 : i32
    %dma_wait3A_1470 = tpu.memref_slice %dma_wait3A_1468[%dma_wait3A_1469] : memref<100000xf32, #tpu.memory_space<hbm>> -> memref<100000xf32, #tpu.memory_space<hbm>>
    tpu.wait_indirect_dma semaphore(%arg7 : memref<!tpu.dma_semaphore, #tpu.memory_space<semaphore_mem>>) src(%dma_wait3A_1470 : memref<100000xf32, #tpu.memory_space<hbm>>) dst(%dma_wait3A_1462 : memref<128xf32, #tpu.memory_space<vmem>>)
    %dma_wait3A_1471 = arith.constant 9 : i32
    %dma_wait3A_1472 = arith.constant 2 : i32
    %dma_wait3A_1473 = arith.constant 9 : i32
    %dma_wait3A_1474 = arith.constant 256 : i32
    %dma_wait3A_1475 = tpu.memref_slice %arg6[%dma_wait3A_1473, %dma_wait3A_1474] : memref<16x512xf32, #tpu.memory_space<vmem>> -> memref<1x128xf32, #tpu.memory_space<vmem>>
    %dma_wait3A_1476 = tpu.memref_squeeze %dma_wait3A_1475 : memref<1x128xf32, #tpu.memory_space<vmem>> -> memref<128xf32, #tpu.memory_space<vmem>>
    %dma_wait3A_1477 = arith.constant 0 : i32
    %dma_wait3A_1478 = tpu.memref_slice %arg5[%dma_wait3A_1472, %dma_wait3A_1477] : memref<4x128xi32, #tpu.memory_space<vmem>> -> memref<1x128xi32, #tpu.memory_space<vmem>>
    %dma_wait3A_1479 = tpu.memref_squeeze %dma_wait3A_1478 : memref<1x128xi32, #tpu.memory_space<vmem>> -> memref<128xi32, #tpu.memory_space<vmem>>
    %dma_wait3A_1480 = arith.constant 0 : i32
    %dma_wait3A_1481 = tpu.memref_slice %arg2[%dma_wait3A_1471, %dma_wait3A_1480] : memref<16x100000xf32, #tpu.memory_space<hbm>> -> memref<1x100000xf32, #tpu.memory_space<hbm>>
    %dma_wait3A_1482 = tpu.memref_squeeze %dma_wait3A_1481 : memref<1x100000xf32, #tpu.memory_space<hbm>> -> memref<100000xf32, #tpu.memory_space<hbm>>
    %dma_wait3A_1483 = arith.constant 0 : i32
    %dma_wait3A_1484 = tpu.memref_slice %dma_wait3A_1482[%dma_wait3A_1483] : memref<100000xf32, #tpu.memory_space<hbm>> -> memref<100000xf32, #tpu.memory_space<hbm>>
    tpu.wait_indirect_dma semaphore(%arg7 : memref<!tpu.dma_semaphore, #tpu.memory_space<semaphore_mem>>) src(%dma_wait3A_1484 : memref<100000xf32, #tpu.memory_space<hbm>>) dst(%dma_wait3A_1476 : memref<128xf32, #tpu.memory_space<vmem>>)
    %dma_wait3A_1485 = arith.constant 10 : i32
    %dma_wait3A_1486 = arith.constant 2 : i32
    %dma_wait3A_1487 = arith.constant 10 : i32
    %dma_wait3A_1488 = arith.constant 256 : i32
    %dma_wait3A_1489 = tpu.memref_slice %arg6[%dma_wait3A_1487, %dma_wait3A_1488] : memref<16x512xf32, #tpu.memory_space<vmem>> -> memref<1x128xf32, #tpu.memory_space<vmem>>
    %dma_wait3A_1490 = tpu.memref_squeeze %dma_wait3A_1489 : memref<1x128xf32, #tpu.memory_space<vmem>> -> memref<128xf32, #tpu.memory_space<vmem>>
    %dma_wait3A_1491 = arith.constant 0 : i32
    %dma_wait3A_1492 = tpu.memref_slice %arg5[%dma_wait3A_1486, %dma_wait3A_1491] : memref<4x128xi32, #tpu.memory_space<vmem>> -> memref<1x128xi32, #tpu.memory_space<vmem>>
    %dma_wait3A_1493 = tpu.memref_squeeze %dma_wait3A_1492 : memref<1x128xi32, #tpu.memory_space<vmem>> -> memref<128xi32, #tpu.memory_space<vmem>>
    %dma_wait3A_1494 = arith.constant 0 : i32
    %dma_wait3A_1495 = tpu.memref_slice %arg2[%dma_wait3A_1485, %dma_wait3A_1494] : memref<16x100000xf32, #tpu.memory_space<hbm>> -> memref<1x100000xf32, #tpu.memory_space<hbm>>
    %dma_wait3A_1496 = tpu.memref_squeeze %dma_wait3A_1495 : memref<1x100000xf32, #tpu.memory_space<hbm>> -> memref<100000xf32, #tpu.memory_space<hbm>>
    %dma_wait3A_1497 = arith.constant 0 : i32
    %dma_wait3A_1498 = tpu.memref_slice %dma_wait3A_1496[%dma_wait3A_1497] : memref<100000xf32, #tpu.memory_space<hbm>> -> memref<100000xf32, #tpu.memory_space<hbm>>
    tpu.wait_indirect_dma semaphore(%arg7 : memref<!tpu.dma_semaphore, #tpu.memory_space<semaphore_mem>>) src(%dma_wait3A_1498 : memref<100000xf32, #tpu.memory_space<hbm>>) dst(%dma_wait3A_1490 : memref<128xf32, #tpu.memory_space<vmem>>)
    %dma_wait3A_1499 = arith.constant 11 : i32
    %dma_wait3A_1500 = arith.constant 2 : i32
    %dma_wait3A_1501 = arith.constant 11 : i32
    %dma_wait3A_1502 = arith.constant 256 : i32
    %dma_wait3A_1503 = tpu.memref_slice %arg6[%dma_wait3A_1501, %dma_wait3A_1502] : memref<16x512xf32, #tpu.memory_space<vmem>> -> memref<1x128xf32, #tpu.memory_space<vmem>>
    %dma_wait3A_1504 = tpu.memref_squeeze %dma_wait3A_1503 : memref<1x128xf32, #tpu.memory_space<vmem>> -> memref<128xf32, #tpu.memory_space<vmem>>
    %dma_wait3A_1505 = arith.constant 0 : i32
    %dma_wait3A_1506 = tpu.memref_slice %arg5[%dma_wait3A_1500, %dma_wait3A_1505] : memref<4x128xi32, #tpu.memory_space<vmem>> -> memref<1x128xi32, #tpu.memory_space<vmem>>
    %dma_wait3A_1507 = tpu.memref_squeeze %dma_wait3A_1506 : memref<1x128xi32, #tpu.memory_space<vmem>> -> memref<128xi32, #tpu.memory_space<vmem>>
    %dma_wait3A_1508 = arith.constant 0 : i32
    %dma_wait3A_1509 = tpu.memref_slice %arg2[%dma_wait3A_1499, %dma_wait3A_1508] : memref<16x100000xf32, #tpu.memory_space<hbm>> -> memref<1x100000xf32, #tpu.memory_space<hbm>>
    %dma_wait3A_1510 = tpu.memref_squeeze %dma_wait3A_1509 : memref<1x100000xf32, #tpu.memory_space<hbm>> -> memref<100000xf32, #tpu.memory_space<hbm>>
    %dma_wait3A_1511 = arith.constant 0 : i32
    %dma_wait3A_1512 = tpu.memref_slice %dma_wait3A_1510[%dma_wait3A_1511] : memref<100000xf32, #tpu.memory_space<hbm>> -> memref<100000xf32, #tpu.memory_space<hbm>>
    tpu.wait_indirect_dma semaphore(%arg7 : memref<!tpu.dma_semaphore, #tpu.memory_space<semaphore_mem>>) src(%dma_wait3A_1512 : memref<100000xf32, #tpu.memory_space<hbm>>) dst(%dma_wait3A_1504 : memref<128xf32, #tpu.memory_space<vmem>>)
    %dma_wait3A_1513 = arith.constant 12 : i32
    %dma_wait3A_1514 = arith.constant 2 : i32
    %dma_wait3A_1515 = arith.constant 12 : i32
    %dma_wait3A_1516 = arith.constant 256 : i32
    %dma_wait3A_1517 = tpu.memref_slice %arg6[%dma_wait3A_1515, %dma_wait3A_1516] : memref<16x512xf32, #tpu.memory_space<vmem>> -> memref<1x128xf32, #tpu.memory_space<vmem>>
    %dma_wait3A_1518 = tpu.memref_squeeze %dma_wait3A_1517 : memref<1x128xf32, #tpu.memory_space<vmem>> -> memref<128xf32, #tpu.memory_space<vmem>>
    %dma_wait3A_1519 = arith.constant 0 : i32
    %dma_wait3A_1520 = tpu.memref_slice %arg5[%dma_wait3A_1514, %dma_wait3A_1519] : memref<4x128xi32, #tpu.memory_space<vmem>> -> memref<1x128xi32, #tpu.memory_space<vmem>>
    %dma_wait3A_1521 = tpu.memref_squeeze %dma_wait3A_1520 : memref<1x128xi32, #tpu.memory_space<vmem>> -> memref<128xi32, #tpu.memory_space<vmem>>
    %dma_wait3A_1522 = arith.constant 0 : i32
    %dma_wait3A_1523 = tpu.memref_slice %arg2[%dma_wait3A_1513, %dma_wait3A_1522] : memref<16x100000xf32, #tpu.memory_space<hbm>> -> memref<1x100000xf32, #tpu.memory_space<hbm>>
    %dma_wait3A_1524 = tpu.memref_squeeze %dma_wait3A_1523 : memref<1x100000xf32, #tpu.memory_space<hbm>> -> memref<100000xf32, #tpu.memory_space<hbm>>
    %dma_wait3A_1525 = arith.constant 0 : i32
    %dma_wait3A_1526 = tpu.memref_slice %dma_wait3A_1524[%dma_wait3A_1525] : memref<100000xf32, #tpu.memory_space<hbm>> -> memref<100000xf32, #tpu.memory_space<hbm>>
    tpu.wait_indirect_dma semaphore(%arg7 : memref<!tpu.dma_semaphore, #tpu.memory_space<semaphore_mem>>) src(%dma_wait3A_1526 : memref<100000xf32, #tpu.memory_space<hbm>>) dst(%dma_wait3A_1518 : memref<128xf32, #tpu.memory_space<vmem>>)
    %dma_wait3A_1527 = arith.constant 13 : i32
    %dma_wait3A_1528 = arith.constant 2 : i32
    %dma_wait3A_1529 = arith.constant 13 : i32
    %dma_wait3A_1530 = arith.constant 256 : i32
    %dma_wait3A_1531 = tpu.memref_slice %arg6[%dma_wait3A_1529, %dma_wait3A_1530] : memref<16x512xf32, #tpu.memory_space<vmem>> -> memref<1x128xf32, #tpu.memory_space<vmem>>
    %dma_wait3A_1532 = tpu.memref_squeeze %dma_wait3A_1531 : memref<1x128xf32, #tpu.memory_space<vmem>> -> memref<128xf32, #tpu.memory_space<vmem>>
    %dma_wait3A_1533 = arith.constant 0 : i32
    %dma_wait3A_1534 = tpu.memref_slice %arg5[%dma_wait3A_1528, %dma_wait3A_1533] : memref<4x128xi32, #tpu.memory_space<vmem>> -> memref<1x128xi32, #tpu.memory_space<vmem>>
    %dma_wait3A_1535 = tpu.memref_squeeze %dma_wait3A_1534 : memref<1x128xi32, #tpu.memory_space<vmem>> -> memref<128xi32, #tpu.memory_space<vmem>>
    %dma_wait3A_1536 = arith.constant 0 : i32
    %dma_wait3A_1537 = tpu.memref_slice %arg2[%dma_wait3A_1527, %dma_wait3A_1536] : memref<16x100000xf32, #tpu.memory_space<hbm>> -> memref<1x100000xf32, #tpu.memory_space<hbm>>
    %dma_wait3A_1538 = tpu.memref_squeeze %dma_wait3A_1537 : memref<1x100000xf32, #tpu.memory_space<hbm>> -> memref<100000xf32, #tpu.memory_space<hbm>>
    %dma_wait3A_1539 = arith.constant 0 : i32
    %dma_wait3A_1540 = tpu.memref_slice %dma_wait3A_1538[%dma_wait3A_1539] : memref<100000xf32, #tpu.memory_space<hbm>> -> memref<100000xf32, #tpu.memory_space<hbm>>
    tpu.wait_indirect_dma semaphore(%arg7 : memref<!tpu.dma_semaphore, #tpu.memory_space<semaphore_mem>>) src(%dma_wait3A_1540 : memref<100000xf32, #tpu.memory_space<hbm>>) dst(%dma_wait3A_1532 : memref<128xf32, #tpu.memory_space<vmem>>)
    %dma_wait3A_1541 = arith.constant 14 : i32
    %dma_wait3A_1542 = arith.constant 2 : i32
    %dma_wait3A_1543 = arith.constant 14 : i32
    %dma_wait3A_1544 = arith.constant 256 : i32
    %dma_wait3A_1545 = tpu.memref_slice %arg6[%dma_wait3A_1543, %dma_wait3A_1544] : memref<16x512xf32, #tpu.memory_space<vmem>> -> memref<1x128xf32, #tpu.memory_space<vmem>>
    %dma_wait3A_1546 = tpu.memref_squeeze %dma_wait3A_1545 : memref<1x128xf32, #tpu.memory_space<vmem>> -> memref<128xf32, #tpu.memory_space<vmem>>
    %dma_wait3A_1547 = arith.constant 0 : i32
    %dma_wait3A_1548 = tpu.memref_slice %arg5[%dma_wait3A_1542, %dma_wait3A_1547] : memref<4x128xi32, #tpu.memory_space<vmem>> -> memref<1x128xi32, #tpu.memory_space<vmem>>
    %dma_wait3A_1549 = tpu.memref_squeeze %dma_wait3A_1548 : memref<1x128xi32, #tpu.memory_space<vmem>> -> memref<128xi32, #tpu.memory_space<vmem>>
    %dma_wait3A_1550 = arith.constant 0 : i32
    %dma_wait3A_1551 = tpu.memref_slice %arg2[%dma_wait3A_1541, %dma_wait3A_1550] : memref<16x100000xf32, #tpu.memory_space<hbm>> -> memref<1x100000xf32, #tpu.memory_space<hbm>>
    %dma_wait3A_1552 = tpu.memref_squeeze %dma_wait3A_1551 : memref<1x100000xf32, #tpu.memory_space<hbm>> -> memref<100000xf32, #tpu.memory_space<hbm>>
    %dma_wait3A_1553 = arith.constant 0 : i32
    %dma_wait3A_1554 = tpu.memref_slice %dma_wait3A_1552[%dma_wait3A_1553] : memref<100000xf32, #tpu.memory_space<hbm>> -> memref<100000xf32, #tpu.memory_space<hbm>>
    tpu.wait_indirect_dma semaphore(%arg7 : memref<!tpu.dma_semaphore, #tpu.memory_space<semaphore_mem>>) src(%dma_wait3A_1554 : memref<100000xf32, #tpu.memory_space<hbm>>) dst(%dma_wait3A_1546 : memref<128xf32, #tpu.memory_space<vmem>>)
    %dma_wait3A_1555 = arith.constant 15 : i32
    %dma_wait3A_1556 = arith.constant 2 : i32
    %dma_wait3A_1557 = arith.constant 15 : i32
    %dma_wait3A_1558 = arith.constant 256 : i32
    %dma_wait3A_1559 = tpu.memref_slice %arg6[%dma_wait3A_1557, %dma_wait3A_1558] : memref<16x512xf32, #tpu.memory_space<vmem>> -> memref<1x128xf32, #tpu.memory_space<vmem>>
    %dma_wait3A_1560 = tpu.memref_squeeze %dma_wait3A_1559 : memref<1x128xf32, #tpu.memory_space<vmem>> -> memref<128xf32, #tpu.memory_space<vmem>>
    %dma_wait3A_1561 = arith.constant 0 : i32
    %dma_wait3A_1562 = tpu.memref_slice %arg5[%dma_wait3A_1556, %dma_wait3A_1561] : memref<4x128xi32, #tpu.memory_space<vmem>> -> memref<1x128xi32, #tpu.memory_space<vmem>>
    %dma_wait3A_1563 = tpu.memref_squeeze %dma_wait3A_1562 : memref<1x128xi32, #tpu.memory_space<vmem>> -> memref<128xi32, #tpu.memory_space<vmem>>
    %dma_wait3A_1564 = arith.constant 0 : i32
    %dma_wait3A_1565 = tpu.memref_slice %arg2[%dma_wait3A_1555, %dma_wait3A_1564] : memref<16x100000xf32, #tpu.memory_space<hbm>> -> memref<1x100000xf32, #tpu.memory_space<hbm>>
    %dma_wait3A_1566 = tpu.memref_squeeze %dma_wait3A_1565 : memref<1x100000xf32, #tpu.memory_space<hbm>> -> memref<100000xf32, #tpu.memory_space<hbm>>
    %dma_wait3A_1567 = arith.constant 0 : i32
    %dma_wait3A_1568 = tpu.memref_slice %dma_wait3A_1566[%dma_wait3A_1567] : memref<100000xf32, #tpu.memory_space<hbm>> -> memref<100000xf32, #tpu.memory_space<hbm>>
    tpu.wait_indirect_dma semaphore(%arg7 : memref<!tpu.dma_semaphore, #tpu.memory_space<semaphore_mem>>) src(%dma_wait3A_1568 : memref<100000xf32, #tpu.memory_space<hbm>>) dst(%dma_wait3A_1560 : memref<128xf32, #tpu.memory_space<vmem>>)
    %dma_wait3A_1569 = arith.constant 0 : i32
    %dma_wait3A_1570 = arith.constant 3 : i32
    %dma_wait3A_1571 = arith.constant 0 : i32
    %dma_wait3A_1572 = arith.constant 384 : i32
    %dma_wait3A_1573 = tpu.memref_slice %arg6[%dma_wait3A_1571, %dma_wait3A_1572] : memref<16x512xf32, #tpu.memory_space<vmem>> -> memref<1x128xf32, #tpu.memory_space<vmem>>
    %dma_wait3A_1574 = tpu.memref_squeeze %dma_wait3A_1573 : memref<1x128xf32, #tpu.memory_space<vmem>> -> memref<128xf32, #tpu.memory_space<vmem>>
    %dma_wait3A_1575 = arith.constant 0 : i32
    %dma_wait3A_1576 = tpu.memref_slice %arg5[%dma_wait3A_1570, %dma_wait3A_1575] : memref<4x128xi32, #tpu.memory_space<vmem>> -> memref<1x128xi32, #tpu.memory_space<vmem>>
    %dma_wait3A_1577 = tpu.memref_squeeze %dma_wait3A_1576 : memref<1x128xi32, #tpu.memory_space<vmem>> -> memref<128xi32, #tpu.memory_space<vmem>>
    %dma_wait3A_1578 = arith.constant 0 : i32
    %dma_wait3A_1579 = tpu.memref_slice %arg2[%dma_wait3A_1569, %dma_wait3A_1578] : memref<16x100000xf32, #tpu.memory_space<hbm>> -> memref<1x100000xf32, #tpu.memory_space<hbm>>
    %dma_wait3A_1580 = tpu.memref_squeeze %dma_wait3A_1579 : memref<1x100000xf32, #tpu.memory_space<hbm>> -> memref<100000xf32, #tpu.memory_space<hbm>>
    %dma_wait3A_1581 = arith.constant 0 : i32
    %dma_wait3A_1582 = tpu.memref_slice %dma_wait3A_1580[%dma_wait3A_1581] : memref<100000xf32, #tpu.memory_space<hbm>> -> memref<100000xf32, #tpu.memory_space<hbm>>
    tpu.wait_indirect_dma semaphore(%arg8 : memref<!tpu.dma_semaphore, #tpu.memory_space<semaphore_mem>>) src(%dma_wait3A_1582 : memref<100000xf32, #tpu.memory_space<hbm>>) dst(%dma_wait3A_1574 : memref<128xf32, #tpu.memory_space<vmem>>)
    %dma_wait3A_1583 = arith.constant 1 : i32
    %dma_wait3A_1584 = arith.constant 3 : i32
    %dma_wait3A_1585 = arith.constant 1 : i32
    %dma_wait3A_1586 = arith.constant 384 : i32
    %dma_wait3A_1587 = tpu.memref_slice %arg6[%dma_wait3A_1585, %dma_wait3A_1586] : memref<16x512xf32, #tpu.memory_space<vmem>> -> memref<1x128xf32, #tpu.memory_space<vmem>>
    %dma_wait3A_1588 = tpu.memref_squeeze %dma_wait3A_1587 : memref<1x128xf32, #tpu.memory_space<vmem>> -> memref<128xf32, #tpu.memory_space<vmem>>
    %dma_wait3A_1589 = arith.constant 0 : i32
    %dma_wait3A_1590 = tpu.memref_slice %arg5[%dma_wait3A_1584, %dma_wait3A_1589] : memref<4x128xi32, #tpu.memory_space<vmem>> -> memref<1x128xi32, #tpu.memory_space<vmem>>
    %dma_wait3A_1591 = tpu.memref_squeeze %dma_wait3A_1590 : memref<1x128xi32, #tpu.memory_space<vmem>> -> memref<128xi32, #tpu.memory_space<vmem>>
    %dma_wait3A_1592 = arith.constant 0 : i32
    %dma_wait3A_1593 = tpu.memref_slice %arg2[%dma_wait3A_1583, %dma_wait3A_1592] : memref<16x100000xf32, #tpu.memory_space<hbm>> -> memref<1x100000xf32, #tpu.memory_space<hbm>>
    %dma_wait3A_1594 = tpu.memref_squeeze %dma_wait3A_1593 : memref<1x100000xf32, #tpu.memory_space<hbm>> -> memref<100000xf32, #tpu.memory_space<hbm>>
    %dma_wait3A_1595 = arith.constant 0 : i32
    %dma_wait3A_1596 = tpu.memref_slice %dma_wait3A_1594[%dma_wait3A_1595] : memref<100000xf32, #tpu.memory_space<hbm>> -> memref<100000xf32, #tpu.memory_space<hbm>>
    tpu.wait_indirect_dma semaphore(%arg8 : memref<!tpu.dma_semaphore, #tpu.memory_space<semaphore_mem>>) src(%dma_wait3A_1596 : memref<100000xf32, #tpu.memory_space<hbm>>) dst(%dma_wait3A_1588 : memref<128xf32, #tpu.memory_space<vmem>>)
    %dma_wait3A_1597 = arith.constant 2 : i32
    %dma_wait3A_1598 = arith.constant 3 : i32
    %dma_wait3A_1599 = arith.constant 2 : i32
    %dma_wait3A_1600 = arith.constant 384 : i32
    %dma_wait3A_1601 = tpu.memref_slice %arg6[%dma_wait3A_1599, %dma_wait3A_1600] : memref<16x512xf32, #tpu.memory_space<vmem>> -> memref<1x128xf32, #tpu.memory_space<vmem>>
    %dma_wait3A_1602 = tpu.memref_squeeze %dma_wait3A_1601 : memref<1x128xf32, #tpu.memory_space<vmem>> -> memref<128xf32, #tpu.memory_space<vmem>>
    %dma_wait3A_1603 = arith.constant 0 : i32
    %dma_wait3A_1604 = tpu.memref_slice %arg5[%dma_wait3A_1598, %dma_wait3A_1603] : memref<4x128xi32, #tpu.memory_space<vmem>> -> memref<1x128xi32, #tpu.memory_space<vmem>>
    %dma_wait3A_1605 = tpu.memref_squeeze %dma_wait3A_1604 : memref<1x128xi32, #tpu.memory_space<vmem>> -> memref<128xi32, #tpu.memory_space<vmem>>
    %dma_wait3A_1606 = arith.constant 0 : i32
    %dma_wait3A_1607 = tpu.memref_slice %arg2[%dma_wait3A_1597, %dma_wait3A_1606] : memref<16x100000xf32, #tpu.memory_space<hbm>> -> memref<1x100000xf32, #tpu.memory_space<hbm>>
    %dma_wait3A_1608 = tpu.memref_squeeze %dma_wait3A_1607 : memref<1x100000xf32, #tpu.memory_space<hbm>> -> memref<100000xf32, #tpu.memory_space<hbm>>
    %dma_wait3A_1609 = arith.constant 0 : i32
    %dma_wait3A_1610 = tpu.memref_slice %dma_wait3A_1608[%dma_wait3A_1609] : memref<100000xf32, #tpu.memory_space<hbm>> -> memref<100000xf32, #tpu.memory_space<hbm>>
    tpu.wait_indirect_dma semaphore(%arg8 : memref<!tpu.dma_semaphore, #tpu.memory_space<semaphore_mem>>) src(%dma_wait3A_1610 : memref<100000xf32, #tpu.memory_space<hbm>>) dst(%dma_wait3A_1602 : memref<128xf32, #tpu.memory_space<vmem>>)
    %dma_wait3A_1611 = arith.constant 3 : i32
    %dma_wait3A_1612 = arith.constant 3 : i32
    %dma_wait3A_1613 = arith.constant 3 : i32
    %dma_wait3A_1614 = arith.constant 384 : i32
    %dma_wait3A_1615 = tpu.memref_slice %arg6[%dma_wait3A_1613, %dma_wait3A_1614] : memref<16x512xf32, #tpu.memory_space<vmem>> -> memref<1x128xf32, #tpu.memory_space<vmem>>
    %dma_wait3A_1616 = tpu.memref_squeeze %dma_wait3A_1615 : memref<1x128xf32, #tpu.memory_space<vmem>> -> memref<128xf32, #tpu.memory_space<vmem>>
    %dma_wait3A_1617 = arith.constant 0 : i32
    %dma_wait3A_1618 = tpu.memref_slice %arg5[%dma_wait3A_1612, %dma_wait3A_1617] : memref<4x128xi32, #tpu.memory_space<vmem>> -> memref<1x128xi32, #tpu.memory_space<vmem>>
    %dma_wait3A_1619 = tpu.memref_squeeze %dma_wait3A_1618 : memref<1x128xi32, #tpu.memory_space<vmem>> -> memref<128xi32, #tpu.memory_space<vmem>>
    %dma_wait3A_1620 = arith.constant 0 : i32
    %dma_wait3A_1621 = tpu.memref_slice %arg2[%dma_wait3A_1611, %dma_wait3A_1620] : memref<16x100000xf32, #tpu.memory_space<hbm>> -> memref<1x100000xf32, #tpu.memory_space<hbm>>
    %dma_wait3A_1622 = tpu.memref_squeeze %dma_wait3A_1621 : memref<1x100000xf32, #tpu.memory_space<hbm>> -> memref<100000xf32, #tpu.memory_space<hbm>>
    %dma_wait3A_1623 = arith.constant 0 : i32
    %dma_wait3A_1624 = tpu.memref_slice %dma_wait3A_1622[%dma_wait3A_1623] : memref<100000xf32, #tpu.memory_space<hbm>> -> memref<100000xf32, #tpu.memory_space<hbm>>
    tpu.wait_indirect_dma semaphore(%arg8 : memref<!tpu.dma_semaphore, #tpu.memory_space<semaphore_mem>>) src(%dma_wait3A_1624 : memref<100000xf32, #tpu.memory_space<hbm>>) dst(%dma_wait3A_1616 : memref<128xf32, #tpu.memory_space<vmem>>)
    %dma_wait3A_1625 = arith.constant 4 : i32
    %dma_wait3A_1626 = arith.constant 3 : i32
    %dma_wait3A_1627 = arith.constant 4 : i32
    %dma_wait3A_1628 = arith.constant 384 : i32
    %dma_wait3A_1629 = tpu.memref_slice %arg6[%dma_wait3A_1627, %dma_wait3A_1628] : memref<16x512xf32, #tpu.memory_space<vmem>> -> memref<1x128xf32, #tpu.memory_space<vmem>>
    %dma_wait3A_1630 = tpu.memref_squeeze %dma_wait3A_1629 : memref<1x128xf32, #tpu.memory_space<vmem>> -> memref<128xf32, #tpu.memory_space<vmem>>
    %dma_wait3A_1631 = arith.constant 0 : i32
    %dma_wait3A_1632 = tpu.memref_slice %arg5[%dma_wait3A_1626, %dma_wait3A_1631] : memref<4x128xi32, #tpu.memory_space<vmem>> -> memref<1x128xi32, #tpu.memory_space<vmem>>
    %dma_wait3A_1633 = tpu.memref_squeeze %dma_wait3A_1632 : memref<1x128xi32, #tpu.memory_space<vmem>> -> memref<128xi32, #tpu.memory_space<vmem>>
    %dma_wait3A_1634 = arith.constant 0 : i32
    %dma_wait3A_1635 = tpu.memref_slice %arg2[%dma_wait3A_1625, %dma_wait3A_1634] : memref<16x100000xf32, #tpu.memory_space<hbm>> -> memref<1x100000xf32, #tpu.memory_space<hbm>>
    %dma_wait3A_1636 = tpu.memref_squeeze %dma_wait3A_1635 : memref<1x100000xf32, #tpu.memory_space<hbm>> -> memref<100000xf32, #tpu.memory_space<hbm>>
    %dma_wait3A_1637 = arith.constant 0 : i32
    %dma_wait3A_1638 = tpu.memref_slice %dma_wait3A_1636[%dma_wait3A_1637] : memref<100000xf32, #tpu.memory_space<hbm>> -> memref<100000xf32, #tpu.memory_space<hbm>>
    tpu.wait_indirect_dma semaphore(%arg8 : memref<!tpu.dma_semaphore, #tpu.memory_space<semaphore_mem>>) src(%dma_wait3A_1638 : memref<100000xf32, #tpu.memory_space<hbm>>) dst(%dma_wait3A_1630 : memref<128xf32, #tpu.memory_space<vmem>>)
    %dma_wait3A_1639 = arith.constant 5 : i32
    %dma_wait3A_1640 = arith.constant 3 : i32
    %dma_wait3A_1641 = arith.constant 5 : i32
    %dma_wait3A_1642 = arith.constant 384 : i32
    %dma_wait3A_1643 = tpu.memref_slice %arg6[%dma_wait3A_1641, %dma_wait3A_1642] : memref<16x512xf32, #tpu.memory_space<vmem>> -> memref<1x128xf32, #tpu.memory_space<vmem>>
    %dma_wait3A_1644 = tpu.memref_squeeze %dma_wait3A_1643 : memref<1x128xf32, #tpu.memory_space<vmem>> -> memref<128xf32, #tpu.memory_space<vmem>>
    %dma_wait3A_1645 = arith.constant 0 : i32
    %dma_wait3A_1646 = tpu.memref_slice %arg5[%dma_wait3A_1640, %dma_wait3A_1645] : memref<4x128xi32, #tpu.memory_space<vmem>> -> memref<1x128xi32, #tpu.memory_space<vmem>>
    %dma_wait3A_1647 = tpu.memref_squeeze %dma_wait3A_1646 : memref<1x128xi32, #tpu.memory_space<vmem>> -> memref<128xi32, #tpu.memory_space<vmem>>
    %dma_wait3A_1648 = arith.constant 0 : i32
    %dma_wait3A_1649 = tpu.memref_slice %arg2[%dma_wait3A_1639, %dma_wait3A_1648] : memref<16x100000xf32, #tpu.memory_space<hbm>> -> memref<1x100000xf32, #tpu.memory_space<hbm>>
    %dma_wait3A_1650 = tpu.memref_squeeze %dma_wait3A_1649 : memref<1x100000xf32, #tpu.memory_space<hbm>> -> memref<100000xf32, #tpu.memory_space<hbm>>
    %dma_wait3A_1651 = arith.constant 0 : i32
    %dma_wait3A_1652 = tpu.memref_slice %dma_wait3A_1650[%dma_wait3A_1651] : memref<100000xf32, #tpu.memory_space<hbm>> -> memref<100000xf32, #tpu.memory_space<hbm>>
    tpu.wait_indirect_dma semaphore(%arg8 : memref<!tpu.dma_semaphore, #tpu.memory_space<semaphore_mem>>) src(%dma_wait3A_1652 : memref<100000xf32, #tpu.memory_space<hbm>>) dst(%dma_wait3A_1644 : memref<128xf32, #tpu.memory_space<vmem>>)
    %dma_wait3A_1653 = arith.constant 6 : i32
    %dma_wait3A_1654 = arith.constant 3 : i32
    %dma_wait3A_1655 = arith.constant 6 : i32
    %dma_wait3A_1656 = arith.constant 384 : i32
    %dma_wait3A_1657 = tpu.memref_slice %arg6[%dma_wait3A_1655, %dma_wait3A_1656] : memref<16x512xf32, #tpu.memory_space<vmem>> -> memref<1x128xf32, #tpu.memory_space<vmem>>
    %dma_wait3A_1658 = tpu.memref_squeeze %dma_wait3A_1657 : memref<1x128xf32, #tpu.memory_space<vmem>> -> memref<128xf32, #tpu.memory_space<vmem>>
    %dma_wait3A_1659 = arith.constant 0 : i32
    %dma_wait3A_1660 = tpu.memref_slice %arg5[%dma_wait3A_1654, %dma_wait3A_1659] : memref<4x128xi32, #tpu.memory_space<vmem>> -> memref<1x128xi32, #tpu.memory_space<vmem>>
    %dma_wait3A_1661 = tpu.memref_squeeze %dma_wait3A_1660 : memref<1x128xi32, #tpu.memory_space<vmem>> -> memref<128xi32, #tpu.memory_space<vmem>>
    %dma_wait3A_1662 = arith.constant 0 : i32
    %dma_wait3A_1663 = tpu.memref_slice %arg2[%dma_wait3A_1653, %dma_wait3A_1662] : memref<16x100000xf32, #tpu.memory_space<hbm>> -> memref<1x100000xf32, #tpu.memory_space<hbm>>
    %dma_wait3A_1664 = tpu.memref_squeeze %dma_wait3A_1663 : memref<1x100000xf32, #tpu.memory_space<hbm>> -> memref<100000xf32, #tpu.memory_space<hbm>>
    %dma_wait3A_1665 = arith.constant 0 : i32
    %dma_wait3A_1666 = tpu.memref_slice %dma_wait3A_1664[%dma_wait3A_1665] : memref<100000xf32, #tpu.memory_space<hbm>> -> memref<100000xf32, #tpu.memory_space<hbm>>
    tpu.wait_indirect_dma semaphore(%arg8 : memref<!tpu.dma_semaphore, #tpu.memory_space<semaphore_mem>>) src(%dma_wait3A_1666 : memref<100000xf32, #tpu.memory_space<hbm>>) dst(%dma_wait3A_1658 : memref<128xf32, #tpu.memory_space<vmem>>)
    %dma_wait3A_1667 = arith.constant 7 : i32
    %dma_wait3A_1668 = arith.constant 3 : i32
    %dma_wait3A_1669 = arith.constant 7 : i32
    %dma_wait3A_1670 = arith.constant 384 : i32
    %dma_wait3A_1671 = tpu.memref_slice %arg6[%dma_wait3A_1669, %dma_wait3A_1670] : memref<16x512xf32, #tpu.memory_space<vmem>> -> memref<1x128xf32, #tpu.memory_space<vmem>>
    %dma_wait3A_1672 = tpu.memref_squeeze %dma_wait3A_1671 : memref<1x128xf32, #tpu.memory_space<vmem>> -> memref<128xf32, #tpu.memory_space<vmem>>
    %dma_wait3A_1673 = arith.constant 0 : i32
    %dma_wait3A_1674 = tpu.memref_slice %arg5[%dma_wait3A_1668, %dma_wait3A_1673] : memref<4x128xi32, #tpu.memory_space<vmem>> -> memref<1x128xi32, #tpu.memory_space<vmem>>
    %dma_wait3A_1675 = tpu.memref_squeeze %dma_wait3A_1674 : memref<1x128xi32, #tpu.memory_space<vmem>> -> memref<128xi32, #tpu.memory_space<vmem>>
    %dma_wait3A_1676 = arith.constant 0 : i32
    %dma_wait3A_1677 = tpu.memref_slice %arg2[%dma_wait3A_1667, %dma_wait3A_1676] : memref<16x100000xf32, #tpu.memory_space<hbm>> -> memref<1x100000xf32, #tpu.memory_space<hbm>>
    %dma_wait3A_1678 = tpu.memref_squeeze %dma_wait3A_1677 : memref<1x100000xf32, #tpu.memory_space<hbm>> -> memref<100000xf32, #tpu.memory_space<hbm>>
    %dma_wait3A_1679 = arith.constant 0 : i32
    %dma_wait3A_1680 = tpu.memref_slice %dma_wait3A_1678[%dma_wait3A_1679] : memref<100000xf32, #tpu.memory_space<hbm>> -> memref<100000xf32, #tpu.memory_space<hbm>>
    tpu.wait_indirect_dma semaphore(%arg8 : memref<!tpu.dma_semaphore, #tpu.memory_space<semaphore_mem>>) src(%dma_wait3A_1680 : memref<100000xf32, #tpu.memory_space<hbm>>) dst(%dma_wait3A_1672 : memref<128xf32, #tpu.memory_space<vmem>>)
    %dma_wait3A_1681 = arith.constant 8 : i32
    %dma_wait3A_1682 = arith.constant 3 : i32
    %dma_wait3A_1683 = arith.constant 8 : i32
    %dma_wait3A_1684 = arith.constant 384 : i32
    %dma_wait3A_1685 = tpu.memref_slice %arg6[%dma_wait3A_1683, %dma_wait3A_1684] : memref<16x512xf32, #tpu.memory_space<vmem>> -> memref<1x128xf32, #tpu.memory_space<vmem>>
    %dma_wait3A_1686 = tpu.memref_squeeze %dma_wait3A_1685 : memref<1x128xf32, #tpu.memory_space<vmem>> -> memref<128xf32, #tpu.memory_space<vmem>>
    %dma_wait3A_1687 = arith.constant 0 : i32
    %dma_wait3A_1688 = tpu.memref_slice %arg5[%dma_wait3A_1682, %dma_wait3A_1687] : memref<4x128xi32, #tpu.memory_space<vmem>> -> memref<1x128xi32, #tpu.memory_space<vmem>>
    %dma_wait3A_1689 = tpu.memref_squeeze %dma_wait3A_1688 : memref<1x128xi32, #tpu.memory_space<vmem>> -> memref<128xi32, #tpu.memory_space<vmem>>
    %dma_wait3A_1690 = arith.constant 0 : i32
    %dma_wait3A_1691 = tpu.memref_slice %arg2[%dma_wait3A_1681, %dma_wait3A_1690] : memref<16x100000xf32, #tpu.memory_space<hbm>> -> memref<1x100000xf32, #tpu.memory_space<hbm>>
    %dma_wait3A_1692 = tpu.memref_squeeze %dma_wait3A_1691 : memref<1x100000xf32, #tpu.memory_space<hbm>> -> memref<100000xf32, #tpu.memory_space<hbm>>
    %dma_wait3A_1693 = arith.constant 0 : i32
    %dma_wait3A_1694 = tpu.memref_slice %dma_wait3A_1692[%dma_wait3A_1693] : memref<100000xf32, #tpu.memory_space<hbm>> -> memref<100000xf32, #tpu.memory_space<hbm>>
    tpu.wait_indirect_dma semaphore(%arg8 : memref<!tpu.dma_semaphore, #tpu.memory_space<semaphore_mem>>) src(%dma_wait3A_1694 : memref<100000xf32, #tpu.memory_space<hbm>>) dst(%dma_wait3A_1686 : memref<128xf32, #tpu.memory_space<vmem>>)
    %dma_wait3A_1695 = arith.constant 9 : i32
    %dma_wait3A_1696 = arith.constant 3 : i32
    %dma_wait3A_1697 = arith.constant 9 : i32
    %dma_wait3A_1698 = arith.constant 384 : i32
    %dma_wait3A_1699 = tpu.memref_slice %arg6[%dma_wait3A_1697, %dma_wait3A_1698] : memref<16x512xf32, #tpu.memory_space<vmem>> -> memref<1x128xf32, #tpu.memory_space<vmem>>
    %dma_wait3A_1700 = tpu.memref_squeeze %dma_wait3A_1699 : memref<1x128xf32, #tpu.memory_space<vmem>> -> memref<128xf32, #tpu.memory_space<vmem>>
    %dma_wait3A_1701 = arith.constant 0 : i32
    %dma_wait3A_1702 = tpu.memref_slice %arg5[%dma_wait3A_1696, %dma_wait3A_1701] : memref<4x128xi32, #tpu.memory_space<vmem>> -> memref<1x128xi32, #tpu.memory_space<vmem>>
    %dma_wait3A_1703 = tpu.memref_squeeze %dma_wait3A_1702 : memref<1x128xi32, #tpu.memory_space<vmem>> -> memref<128xi32, #tpu.memory_space<vmem>>
    %dma_wait3A_1704 = arith.constant 0 : i32
    %dma_wait3A_1705 = tpu.memref_slice %arg2[%dma_wait3A_1695, %dma_wait3A_1704] : memref<16x100000xf32, #tpu.memory_space<hbm>> -> memref<1x100000xf32, #tpu.memory_space<hbm>>
    %dma_wait3A_1706 = tpu.memref_squeeze %dma_wait3A_1705 : memref<1x100000xf32, #tpu.memory_space<hbm>> -> memref<100000xf32, #tpu.memory_space<hbm>>
    %dma_wait3A_1707 = arith.constant 0 : i32
    %dma_wait3A_1708 = tpu.memref_slice %dma_wait3A_1706[%dma_wait3A_1707] : memref<100000xf32, #tpu.memory_space<hbm>> -> memref<100000xf32, #tpu.memory_space<hbm>>
    tpu.wait_indirect_dma semaphore(%arg8 : memref<!tpu.dma_semaphore, #tpu.memory_space<semaphore_mem>>) src(%dma_wait3A_1708 : memref<100000xf32, #tpu.memory_space<hbm>>) dst(%dma_wait3A_1700 : memref<128xf32, #tpu.memory_space<vmem>>)
    %dma_wait3A_1709 = arith.constant 10 : i32
    %dma_wait3A_1710 = arith.constant 3 : i32
    %dma_wait3A_1711 = arith.constant 10 : i32
    %dma_wait3A_1712 = arith.constant 384 : i32
    %dma_wait3A_1713 = tpu.memref_slice %arg6[%dma_wait3A_1711, %dma_wait3A_1712] : memref<16x512xf32, #tpu.memory_space<vmem>> -> memref<1x128xf32, #tpu.memory_space<vmem>>
    %dma_wait3A_1714 = tpu.memref_squeeze %dma_wait3A_1713 : memref<1x128xf32, #tpu.memory_space<vmem>> -> memref<128xf32, #tpu.memory_space<vmem>>
    %dma_wait3A_1715 = arith.constant 0 : i32
    %dma_wait3A_1716 = tpu.memref_slice %arg5[%dma_wait3A_1710, %dma_wait3A_1715] : memref<4x128xi32, #tpu.memory_space<vmem>> -> memref<1x128xi32, #tpu.memory_space<vmem>>
    %dma_wait3A_1717 = tpu.memref_squeeze %dma_wait3A_1716 : memref<1x128xi32, #tpu.memory_space<vmem>> -> memref<128xi32, #tpu.memory_space<vmem>>
    %dma_wait3A_1718 = arith.constant 0 : i32
    %dma_wait3A_1719 = tpu.memref_slice %arg2[%dma_wait3A_1709, %dma_wait3A_1718] : memref<16x100000xf32, #tpu.memory_space<hbm>> -> memref<1x100000xf32, #tpu.memory_space<hbm>>
    %dma_wait3A_1720 = tpu.memref_squeeze %dma_wait3A_1719 : memref<1x100000xf32, #tpu.memory_space<hbm>> -> memref<100000xf32, #tpu.memory_space<hbm>>
    %dma_wait3A_1721 = arith.constant 0 : i32
    %dma_wait3A_1722 = tpu.memref_slice %dma_wait3A_1720[%dma_wait3A_1721] : memref<100000xf32, #tpu.memory_space<hbm>> -> memref<100000xf32, #tpu.memory_space<hbm>>
    tpu.wait_indirect_dma semaphore(%arg8 : memref<!tpu.dma_semaphore, #tpu.memory_space<semaphore_mem>>) src(%dma_wait3A_1722 : memref<100000xf32, #tpu.memory_space<hbm>>) dst(%dma_wait3A_1714 : memref<128xf32, #tpu.memory_space<vmem>>)
    %dma_wait3A_1723 = arith.constant 11 : i32
    %dma_wait3A_1724 = arith.constant 3 : i32
    %dma_wait3A_1725 = arith.constant 11 : i32
    %dma_wait3A_1726 = arith.constant 384 : i32
    %dma_wait3A_1727 = tpu.memref_slice %arg6[%dma_wait3A_1725, %dma_wait3A_1726] : memref<16x512xf32, #tpu.memory_space<vmem>> -> memref<1x128xf32, #tpu.memory_space<vmem>>
    %dma_wait3A_1728 = tpu.memref_squeeze %dma_wait3A_1727 : memref<1x128xf32, #tpu.memory_space<vmem>> -> memref<128xf32, #tpu.memory_space<vmem>>
    %dma_wait3A_1729 = arith.constant 0 : i32
    %dma_wait3A_1730 = tpu.memref_slice %arg5[%dma_wait3A_1724, %dma_wait3A_1729] : memref<4x128xi32, #tpu.memory_space<vmem>> -> memref<1x128xi32, #tpu.memory_space<vmem>>
    %dma_wait3A_1731 = tpu.memref_squeeze %dma_wait3A_1730 : memref<1x128xi32, #tpu.memory_space<vmem>> -> memref<128xi32, #tpu.memory_space<vmem>>
    %dma_wait3A_1732 = arith.constant 0 : i32
    %dma_wait3A_1733 = tpu.memref_slice %arg2[%dma_wait3A_1723, %dma_wait3A_1732] : memref<16x100000xf32, #tpu.memory_space<hbm>> -> memref<1x100000xf32, #tpu.memory_space<hbm>>
    %dma_wait3A_1734 = tpu.memref_squeeze %dma_wait3A_1733 : memref<1x100000xf32, #tpu.memory_space<hbm>> -> memref<100000xf32, #tpu.memory_space<hbm>>
    %dma_wait3A_1735 = arith.constant 0 : i32
    %dma_wait3A_1736 = tpu.memref_slice %dma_wait3A_1734[%dma_wait3A_1735] : memref<100000xf32, #tpu.memory_space<hbm>> -> memref<100000xf32, #tpu.memory_space<hbm>>
    tpu.wait_indirect_dma semaphore(%arg8 : memref<!tpu.dma_semaphore, #tpu.memory_space<semaphore_mem>>) src(%dma_wait3A_1736 : memref<100000xf32, #tpu.memory_space<hbm>>) dst(%dma_wait3A_1728 : memref<128xf32, #tpu.memory_space<vmem>>)
    %dma_wait3A_1737 = arith.constant 12 : i32
    %dma_wait3A_1738 = arith.constant 3 : i32
    %dma_wait3A_1739 = arith.constant 12 : i32
    %dma_wait3A_1740 = arith.constant 384 : i32
    %dma_wait3A_1741 = tpu.memref_slice %arg6[%dma_wait3A_1739, %dma_wait3A_1740] : memref<16x512xf32, #tpu.memory_space<vmem>> -> memref<1x128xf32, #tpu.memory_space<vmem>>
    %dma_wait3A_1742 = tpu.memref_squeeze %dma_wait3A_1741 : memref<1x128xf32, #tpu.memory_space<vmem>> -> memref<128xf32, #tpu.memory_space<vmem>>
    %dma_wait3A_1743 = arith.constant 0 : i32
    %dma_wait3A_1744 = tpu.memref_slice %arg5[%dma_wait3A_1738, %dma_wait3A_1743] : memref<4x128xi32, #tpu.memory_space<vmem>> -> memref<1x128xi32, #tpu.memory_space<vmem>>
    %dma_wait3A_1745 = tpu.memref_squeeze %dma_wait3A_1744 : memref<1x128xi32, #tpu.memory_space<vmem>> -> memref<128xi32, #tpu.memory_space<vmem>>
    %dma_wait3A_1746 = arith.constant 0 : i32
    %dma_wait3A_1747 = tpu.memref_slice %arg2[%dma_wait3A_1737, %dma_wait3A_1746] : memref<16x100000xf32, #tpu.memory_space<hbm>> -> memref<1x100000xf32, #tpu.memory_space<hbm>>
    %dma_wait3A_1748 = tpu.memref_squeeze %dma_wait3A_1747 : memref<1x100000xf32, #tpu.memory_space<hbm>> -> memref<100000xf32, #tpu.memory_space<hbm>>
    %dma_wait3A_1749 = arith.constant 0 : i32
    %dma_wait3A_1750 = tpu.memref_slice %dma_wait3A_1748[%dma_wait3A_1749] : memref<100000xf32, #tpu.memory_space<hbm>> -> memref<100000xf32, #tpu.memory_space<hbm>>
    tpu.wait_indirect_dma semaphore(%arg8 : memref<!tpu.dma_semaphore, #tpu.memory_space<semaphore_mem>>) src(%dma_wait3A_1750 : memref<100000xf32, #tpu.memory_space<hbm>>) dst(%dma_wait3A_1742 : memref<128xf32, #tpu.memory_space<vmem>>)
    %dma_wait3A_1751 = arith.constant 13 : i32
    %dma_wait3A_1752 = arith.constant 3 : i32
    %dma_wait3A_1753 = arith.constant 13 : i32
    %dma_wait3A_1754 = arith.constant 384 : i32
    %dma_wait3A_1755 = tpu.memref_slice %arg6[%dma_wait3A_1753, %dma_wait3A_1754] : memref<16x512xf32, #tpu.memory_space<vmem>> -> memref<1x128xf32, #tpu.memory_space<vmem>>
    %dma_wait3A_1756 = tpu.memref_squeeze %dma_wait3A_1755 : memref<1x128xf32, #tpu.memory_space<vmem>> -> memref<128xf32, #tpu.memory_space<vmem>>
    %dma_wait3A_1757 = arith.constant 0 : i32
    %dma_wait3A_1758 = tpu.memref_slice %arg5[%dma_wait3A_1752, %dma_wait3A_1757] : memref<4x128xi32, #tpu.memory_space<vmem>> -> memref<1x128xi32, #tpu.memory_space<vmem>>
    %dma_wait3A_1759 = tpu.memref_squeeze %dma_wait3A_1758 : memref<1x128xi32, #tpu.memory_space<vmem>> -> memref<128xi32, #tpu.memory_space<vmem>>
    %dma_wait3A_1760 = arith.constant 0 : i32
    %dma_wait3A_1761 = tpu.memref_slice %arg2[%dma_wait3A_1751, %dma_wait3A_1760] : memref<16x100000xf32, #tpu.memory_space<hbm>> -> memref<1x100000xf32, #tpu.memory_space<hbm>>
    %dma_wait3A_1762 = tpu.memref_squeeze %dma_wait3A_1761 : memref<1x100000xf32, #tpu.memory_space<hbm>> -> memref<100000xf32, #tpu.memory_space<hbm>>
    %dma_wait3A_1763 = arith.constant 0 : i32
    %dma_wait3A_1764 = tpu.memref_slice %dma_wait3A_1762[%dma_wait3A_1763] : memref<100000xf32, #tpu.memory_space<hbm>> -> memref<100000xf32, #tpu.memory_space<hbm>>
    tpu.wait_indirect_dma semaphore(%arg8 : memref<!tpu.dma_semaphore, #tpu.memory_space<semaphore_mem>>) src(%dma_wait3A_1764 : memref<100000xf32, #tpu.memory_space<hbm>>) dst(%dma_wait3A_1756 : memref<128xf32, #tpu.memory_space<vmem>>)
    %dma_wait3A_1765 = arith.constant 14 : i32
    %dma_wait3A_1766 = arith.constant 3 : i32
    %dma_wait3A_1767 = arith.constant 14 : i32
    %dma_wait3A_1768 = arith.constant 384 : i32
    %dma_wait3A_1769 = tpu.memref_slice %arg6[%dma_wait3A_1767, %dma_wait3A_1768] : memref<16x512xf32, #tpu.memory_space<vmem>> -> memref<1x128xf32, #tpu.memory_space<vmem>>
    %dma_wait3A_1770 = tpu.memref_squeeze %dma_wait3A_1769 : memref<1x128xf32, #tpu.memory_space<vmem>> -> memref<128xf32, #tpu.memory_space<vmem>>
    %dma_wait3A_1771 = arith.constant 0 : i32
    %dma_wait3A_1772 = tpu.memref_slice %arg5[%dma_wait3A_1766, %dma_wait3A_1771] : memref<4x128xi32, #tpu.memory_space<vmem>> -> memref<1x128xi32, #tpu.memory_space<vmem>>
    %dma_wait3A_1773 = tpu.memref_squeeze %dma_wait3A_1772 : memref<1x128xi32, #tpu.memory_space<vmem>> -> memref<128xi32, #tpu.memory_space<vmem>>
    %dma_wait3A_1774 = arith.constant 0 : i32
    %dma_wait3A_1775 = tpu.memref_slice %arg2[%dma_wait3A_1765, %dma_wait3A_1774] : memref<16x100000xf32, #tpu.memory_space<hbm>> -> memref<1x100000xf32, #tpu.memory_space<hbm>>
    %dma_wait3A_1776 = tpu.memref_squeeze %dma_wait3A_1775 : memref<1x100000xf32, #tpu.memory_space<hbm>> -> memref<100000xf32, #tpu.memory_space<hbm>>
    %dma_wait3A_1777 = arith.constant 0 : i32
    %dma_wait3A_1778 = tpu.memref_slice %dma_wait3A_1776[%dma_wait3A_1777] : memref<100000xf32, #tpu.memory_space<hbm>> -> memref<100000xf32, #tpu.memory_space<hbm>>
    tpu.wait_indirect_dma semaphore(%arg8 : memref<!tpu.dma_semaphore, #tpu.memory_space<semaphore_mem>>) src(%dma_wait3A_1778 : memref<100000xf32, #tpu.memory_space<hbm>>) dst(%dma_wait3A_1770 : memref<128xf32, #tpu.memory_space<vmem>>)
    %dma_wait3A_1779 = arith.constant 15 : i32
    %dma_wait3A_1780 = arith.constant 3 : i32
    %dma_wait3A_1781 = arith.constant 15 : i32
    %dma_wait3A_1782 = arith.constant 384 : i32
    %dma_wait3A_1783 = tpu.memref_slice %arg6[%dma_wait3A_1781, %dma_wait3A_1782] : memref<16x512xf32, #tpu.memory_space<vmem>> -> memref<1x128xf32, #tpu.memory_space<vmem>>
    %dma_wait3A_1784 = tpu.memref_squeeze %dma_wait3A_1783 : memref<1x128xf32, #tpu.memory_space<vmem>> -> memref<128xf32, #tpu.memory_space<vmem>>
    %dma_wait3A_1785 = arith.constant 0 : i32
    %dma_wait3A_1786 = tpu.memref_slice %arg5[%dma_wait3A_1780, %dma_wait3A_1785] : memref<4x128xi32, #tpu.memory_space<vmem>> -> memref<1x128xi32, #tpu.memory_space<vmem>>
    %dma_wait3A_1787 = tpu.memref_squeeze %dma_wait3A_1786 : memref<1x128xi32, #tpu.memory_space<vmem>> -> memref<128xi32, #tpu.memory_space<vmem>>
    %dma_wait3A_1788 = arith.constant 0 : i32
    %dma_wait3A_1789 = tpu.memref_slice %arg2[%dma_wait3A_1779, %dma_wait3A_1788] : memref<16x100000xf32, #tpu.memory_space<hbm>> -> memref<1x100000xf32, #tpu.memory_space<hbm>>
    %dma_wait3A_1790 = tpu.memref_squeeze %dma_wait3A_1789 : memref<1x100000xf32, #tpu.memory_space<hbm>> -> memref<100000xf32, #tpu.memory_space<hbm>>
    %dma_wait3A_1791 = arith.constant 0 : i32
    %dma_wait3A_1792 = tpu.memref_slice %dma_wait3A_1790[%dma_wait3A_1791] : memref<100000xf32, #tpu.memory_space<hbm>> -> memref<100000xf32, #tpu.memory_space<hbm>>
    tpu.wait_indirect_dma semaphore(%arg8 : memref<!tpu.dma_semaphore, #tpu.memory_space<semaphore_mem>>) src(%dma_wait3A_1792 : memref<100000xf32, #tpu.memory_space<hbm>>) dst(%dma_wait3A_1784 : memref<128xf32, #tpu.memory_space<vmem>>)
    %mul3A_1793 = arith.constant 512 : i32
    %mul3A_1794 = arith.muli %add3A, %mul3A_1793 : i32
    "tpu.region"() ({
      %run_scoped3A = tpu.sem_alloc : memref<!tpu.dma_semaphore, #tpu.memory_space<semaphore_mem>>
      %dma_start3A_1795 = arith.constant 0 : i32
      %dma_start3A_1796 = tpu.memref_slice %arg4[%dma_start3A_1795, %mul3A_1794] : memref<16x16384xf32, #tpu.memory_space<hbm>> -> memref<16x512xf32, #tpu.memory_space<hbm>>
      %dma_start3A_1797 = arith.constant 0 : i32
      %dma_start3A_1798 = tpu.memref_slice %arg4[%dma_start3A_1797, %mul3A_1794] : memref<16x16384xf32, #tpu.memory_space<hbm>> -> memref<16x512xf32, #tpu.memory_space<hbm>>
      tpu.enqueue_dma source(%arg6 : memref<16x512xf32, #tpu.memory_space<vmem>>) target(%dma_start3A_1798 : memref<16x512xf32, #tpu.memory_space<hbm>>) target_semaphore(%run_scoped3A : memref<!tpu.dma_semaphore, #tpu.memory_space<semaphore_mem>>)
      %dma_wait3A_1799 = arith.constant 0 : i32
      %dma_wait3A_1800 = tpu.memref_slice %arg4[%dma_wait3A_1799, %mul3A_1794] : memref<16x16384xf32, #tpu.memory_space<hbm>> -> memref<16x512xf32, #tpu.memory_space<hbm>>
      %dma_wait3A_1801 = arith.constant 0 : i32
      %dma_wait3A_1802 = tpu.memref_slice %arg4[%dma_wait3A_1801, %mul3A_1794] : memref<16x16384xf32, #tpu.memory_space<hbm>> -> memref<16x512xf32, #tpu.memory_space<hbm>>
      tpu.wait_dma2 semaphore(%run_scoped3A : memref<!tpu.dma_semaphore, #tpu.memory_space<semaphore_mem>>) src(%arg6 : memref<16x512xf32, #tpu.memory_space<vmem>>) dst(%dma_wait3A_1802 : memref<16x512xf32, #tpu.memory_space<hbm>>)
      tpu.yield
    }) : () -> ()
    return
  }
}

module attributes {stable_mosaic.version = 14 : i64} {
  func.func @_tc_body(%arg0: i32, %arg1: memref<16x2048xf32, #tpu.memory_space<vmem>>, %arg2: memref<16x2048xf32, #tpu.memory_space<vmem>>, %arg3: memref<16x16x128xf32, #tpu.memory_space<vmem>>, %arg4: memref<1x2048xf32, #tpu.memory_space<vmem>>, %arg5: memref<16x1024xf32, #tpu.memory_space<vmem>>, %arg6: memref<2048xf32, #tpu.memory_space<vmem>>, %arg7: memref<2048x1024xf32, #tpu.memory_space<vmem>>) attributes {dimension_semantics = [#tpu.dimension_semantics<arbitrary>], iteration_bounds = array<i64: 8>, scalar_prefetch = 0 : i64, scratch_operands = 0 : i64, tpu.core_type = #tpu.core_type<tc>, window_params = [{transform_indices = @transform_0, window_bounds = array<i64: 16, 2048>}, {transform_indices = @transform_1, window_bounds = array<i64: 16, 2048>}, {transform_indices = @transform_2, window_bounds = array<i64: 16, 16, 128>}, {transform_indices = @transform_3, window_bounds = array<i64: 1, 2048>}, {pipeline_mode = #tpu.pipeline_mode<synchronous>, transform_indices = @transform_4, window_bounds = array<i64: 16, 1024>}, {transform_indices = @transform_5, window_bounds = array<i64: 2048>}, {transform_indices = @transform_6, window_bounds = array<i64: 2048, 1024>}]} {
    %get3A = arith.constant 0 : index
    %get3A_0 = arith.constant 0 : index
    %get3A_1 = vector.load %arg1[%get3A, %get3A_0] : memref<16x2048xf32, #tpu.memory_space<vmem>>, vector<16x2048xf32>
    %get3A_2 = arith.constant 0 : index
    %get3A_3 = arith.constant 0 : index
    %get3A_4 = vector.load %arg2[%get3A_2, %get3A_3] : memref<16x2048xf32, #tpu.memory_space<vmem>>, vector<16x2048xf32>
    %get3A_5 = arith.constant 0 : index
    %get3A_6 = arith.constant 0 : index
    %get3A_7 = arith.constant 0 : index
    %get3A_8 = vector.load %arg3[%get3A_5, %get3A_6, %get3A_7] : memref<16x16x128xf32, #tpu.memory_space<vmem>>, vector<16x16x128xf32>
    %reshape3A = vector.shape_cast %get3A_8 : vector<16x16x128xf32> to vector<16x2048xf32>
    %get3A_9 = arith.constant 0 : index
    %get3A_10 = arith.constant 0 : index
    %get3A_11 = vector.load %arg4[%get3A_9, %get3A_10] : memref<1x2048xf32, #tpu.memory_space<vmem>>, vector<1x2048xf32>
    %get3A_12 = arith.constant 0 : index
    %get3A_13 = arith.constant 0 : index
    %get3A_14 = vector.load %arg5[%get3A_12, %get3A_13] : memref<16x1024xf32, #tpu.memory_space<vmem>>, vector<16x1024xf32>
    %mul3A = arith.mulf %get3A_1, %get3A_1 : vector<16x2048xf32>
    %reduce_sum3A = arith.constant dense<0.000000e+00> : vector<2048xf32>
    %reduce_sum3A_15 = vector.multi_reduction <add>, %mul3A, %reduce_sum3A [0] : vector<16x2048xf32> to vector<2048xf32>
    %broadcast_in_dim3A = vector.shape_cast %reduce_sum3A_15 : vector<2048xf32> to vector<1x2048xf32>
    %sqrt3A = math.sqrt %broadcast_in_dim3A : vector<1x2048xf32>
    %max3A = arith.constant 9.99999996E-13 : f32
    %max3A_16 = vector.broadcast %max3A : f32 to vector<1x2048xf32>
    %max3A_17 = arith.maximumf %sqrt3A, %max3A_16 : vector<1x2048xf32>
    %div3A = vector.broadcast %max3A_17 : vector<1x2048xf32> to vector<16x2048xf32>
    %div3A_18 = arith.divf %get3A_1, %div3A : vector<16x2048xf32>
    %mul3A_19 = arith.mulf %get3A_4, %get3A_4 : vector<16x2048xf32>
    %reduce_sum3A_20 = arith.constant dense<0.000000e+00> : vector<2048xf32>
    %reduce_sum3A_21 = vector.multi_reduction <add>, %mul3A_19, %reduce_sum3A_20 [0] : vector<16x2048xf32> to vector<2048xf32>
    %broadcast_in_dim3A_22 = vector.shape_cast %reduce_sum3A_21 : vector<2048xf32> to vector<1x2048xf32>
    %sqrt3A_23 = math.sqrt %broadcast_in_dim3A_22 : vector<1x2048xf32>
    %max3A_24 = arith.constant 9.99999996E-13 : f32
    %max3A_25 = vector.broadcast %max3A_24 : f32 to vector<1x2048xf32>
    %max3A_26 = arith.maximumf %sqrt3A_23, %max3A_25 : vector<1x2048xf32>
    %div3A_27 = vector.broadcast %max3A_26 : vector<1x2048xf32> to vector<16x2048xf32>
    %div3A_28 = arith.divf %get3A_4, %div3A_27 : vector<16x2048xf32>
    %mul3A_29 = arith.mulf %get3A_14, %get3A_14 : vector<16x1024xf32>
    %reduce_sum3A_30 = arith.constant dense<0.000000e+00> : vector<1024xf32>
    %reduce_sum3A_31 = vector.multi_reduction <add>, %mul3A_29, %reduce_sum3A_30 [0] : vector<16x1024xf32> to vector<1024xf32>
    %broadcast_in_dim3A_32 = vector.shape_cast %reduce_sum3A_31 : vector<1024xf32> to vector<1x1024xf32>
    %sqrt3A_33 = math.sqrt %broadcast_in_dim3A_32 : vector<1x1024xf32>
    %max3A_34 = arith.constant 9.99999996E-13 : f32
    %max3A_35 = vector.broadcast %max3A_34 : f32 to vector<1x1024xf32>
    %max3A_36 = arith.maximumf %sqrt3A_33, %max3A_35 : vector<1x1024xf32>
    %div3A_37 = vector.broadcast %max3A_36 : vector<1x1024xf32> to vector<16x1024xf32>
    %div3A_38 = arith.divf %get3A_14, %div3A_37 : vector<16x1024xf32>
    %mul3A_39 = vector.broadcast %get3A_11 : vector<1x2048xf32> to vector<16x2048xf32>
    %mul3A_40 = arith.mulf %mul3A_39, %div3A_18 : vector<16x2048xf32>
    %sub3A = arith.subf %reshape3A, %mul3A_40 : vector<16x2048xf32>
    %mul3A_41 = arith.mulf %sub3A, %sub3A : vector<16x2048xf32>
    %reduce_sum3A_42 = arith.constant dense<0.000000e+00> : vector<2048xf32>
    %reduce_sum3A_43 = vector.multi_reduction <add>, %mul3A_41, %reduce_sum3A_42 [0] : vector<16x2048xf32> to vector<2048xf32>
    %broadcast_in_dim3A_44 = vector.shape_cast %reduce_sum3A_43 : vector<2048xf32> to vector<1x2048xf32>
    %add3A = arith.constant 1.000000e+00 : f32
    %add3A_45 = vector.broadcast %add3A : f32 to vector<1x2048xf32>
    %add3A_46 = arith.addf %broadcast_in_dim3A_44, %add3A_45 : vector<1x2048xf32>
    %mul3A_47 = arith.constant 2.000000e+00 : f32
    %mul3A_48 = vector.broadcast %mul3A_47 : f32 to vector<1x2048xf32>
    %mul3A_49 = arith.mulf %mul3A_48, %get3A_11 : vector<1x2048xf32>
    %mul3A_50 = vector.broadcast %mul3A_49 : vector<1x2048xf32> to vector<16x2048xf32>
    %mul3A_51 = arith.mulf %mul3A_50, %sub3A : vector<16x2048xf32>
    %concatenate3A = tpu.concatenate %mul3A_51, %add3A_46 in 0 : vector<16x2048xf32>, vector<1x2048xf32> -> vector<17x2048xf32>
    %broadcast_in_dim3A_52 = arith.constant 1.000000e+00 : f32
    %broadcast_in_dim3A_53 = vector.broadcast %broadcast_in_dim3A_52 : f32 to vector<1x1024xf32>
    %concatenate3A_54 = tpu.concatenate %div3A_38, %broadcast_in_dim3A_53 in 0 : vector<16x1024xf32>, vector<1x1024xf32> -> vector<17x1024xf32>
    %dot_general3A = arith.constant dense<0.000000e+00> : vector<2048x1024xf32>
    %dot_general3A_55 = tpu.matmul %concatenate3A, %concatenate3A_54, %dot_general3A {dimension_numbers = #tpu.dot_dimension_numbers<[0], [0], [1], [1], [0, 1, 1, 1], [], []>, transpose_lhs_hint = false} : vector<17x2048xf32>, vector<17x1024xf32>, vector<2048x1024xf32> -> vector<2048x1024xf32>
    %max3A_56 = arith.constant 1.000000e-30 : f32
    %max3A_57 = vector.broadcast %max3A_56 : f32 to vector<2048x1024xf32>
    %max3A_58 = arith.maximumf %dot_general3A_55, %max3A_57 : vector<2048x1024xf32>
    %rsqrt3A = math.rsqrt %max3A_58 : vector<2048x1024xf32>
    %mul3A_59 = arith.mulf %max3A_58, %rsqrt3A : vector<2048x1024xf32>
    %neg3A = arith.constant 0.000000e+00 : f32
    %neg3A_60 = vector.broadcast %neg3A : f32 to vector<2048x1024xf32>
    %neg3A_61 = arith.subf %neg3A_60, %mul3A_59 : vector<2048x1024xf32>
    %swap3A = arith.constant 0 : index
    %swap3A_62 = arith.constant 0 : index
    %swap3A_63 = vector.load %arg7[%swap3A, %swap3A_62] : memref<2048x1024xf32, #tpu.memory_space<vmem>>, vector<2048x1024xf32>
    tpu.vector_store %arg7[%swap3A, %swap3A_62], %neg3A_61 {strides = array<i32>} : memref<2048x1024xf32, #tpu.memory_space<vmem>>, vector<2048x1024xf32>,
    %mul3A_64 = vector.broadcast %get3A_11 : vector<1x2048xf32> to vector<16x2048xf32>
    %mul3A_65 = arith.mulf %mul3A_64, %div3A_28 : vector<16x2048xf32>
    %add3A_66 = arith.addf %sub3A, %mul3A_65 : vector<16x2048xf32>
    %mul3A_67 = arith.mulf %add3A_66, %add3A_66 : vector<16x2048xf32>
    %reduce_sum3A_68 = arith.constant dense<0.000000e+00> : vector<2048xf32>
    %reduce_sum3A_69 = vector.multi_reduction <add>, %mul3A_67, %reduce_sum3A_68 [0] : vector<16x2048xf32> to vector<2048xf32>
    %sqrt3A_70 = math.sqrt %reduce_sum3A_69 : vector<2048xf32>
    %neg3A_71 = arith.constant 0.000000e+00 : f32
    %neg3A_72 = vector.broadcast %neg3A_71 : f32 to vector<2048xf32>
    %neg3A_73 = arith.subf %neg3A_72, %sqrt3A_70 : vector<2048xf32>
    %swap3A_74 = arith.constant 0 : index
    %swap3A_75 = vector.load %arg6[%swap3A_74] : memref<2048xf32, #tpu.memory_space<vmem>>, vector<2048xf32>
    tpu.vector_store %arg6[%swap3A_74], %neg3A_73 {strides = array<i32>} : memref<2048xf32, #tpu.memory_space<vmem>>, vector<2048xf32>,
    return
  }
  func.func @transform_0(%arg0: i32) -> (i32, i32) {
    %c0_i32 = arith.constant 0 : i32
    %c0_i32_0 = arith.constant 0 : i32
    return %c0_i32, %arg0 : i32, i32
  }
  func.func @transform_1(%arg0: i32) -> (i32, i32) {
    %c0_i32 = arith.constant 0 : i32
    %c0_i32_0 = arith.constant 0 : i32
    return %c0_i32, %arg0 : i32, i32
  }
  func.func @transform_2(%arg0: i32) -> (i32, i32, i32) {
    %c0_i32 = arith.constant 0 : i32
    %c0_i32_0 = arith.constant 0 : i32
    %c0_i32_1 = arith.constant 0 : i32
    return %c0_i32, %arg0, %c0_i32_0 : i32, i32, i32
  }
  func.func @transform_3(%arg0: i32) -> (i32, i32) {
    %c0_i32 = arith.constant 0 : i32
    %c0_i32_0 = arith.constant 0 : i32
    return %c0_i32, %arg0 : i32, i32
  }
  func.func @transform_4(%arg0: i32) -> (i32, i32) {
    %c0_i32 = arith.constant 0 : i32
    %c0_i32_0 = arith.constant 0 : i32
    %c0_i32_1 = arith.constant 0 : i32
    return %c0_i32, %c0_i32_0 : i32, i32
  }
  func.func @transform_5(%arg0: i32) -> i32 {
    %c0_i32 = arith.constant 0 : i32
    return %arg0 : i32
  }
  func.func @transform_6(%arg0: i32) -> (i32, i32) {
    %c0_i32 = arith.constant 0 : i32
    %c0_i32_0 = arith.constant 0 : i32
    return %arg0, %c0_i32 : i32, i32
  }
}

</mosaic_0001>

<sc_bundles>
// kernel: kernel.4.cloned.1.call-start
scs
__scs_entry_jumppad:
0x0: {  	(pc) =	sbr.rel $0x88, $3  }
0x1: {  	(tag) =	ssettag $0x0;
	lr =	simm.s32 $0x1  }
0x2: {  	[smem:$0x3F9B] =	sst lr;
	_ =	strace $0xD0000000  }
0x3: {  	_ = 	snop  }
0x4: {  	_ = 	snop  }
0x5: {  	_ = 	snop  }
0x6: {  	_ = 	snop  }
0x7: {  	_ = 	snop  }
__scs_overlays_trampoline_lowered:
0x8: {  	[smem:$0x3FAA] =	sst s0  }
0x9: {  	[smem:$0x3FAB] =	sst s1  }
0xa: {  	[smem:$0x3FAC] =	sst s2  }
0xb: {  	[smem:$0x3FAD] =	sst s3  }
0xc: {  	[smem:$0x3FAE] =	sst s4  }
0xd: {  	[smem:$0x3FAF] =	sst s5  }
0xe: {  	[smem:$0x3FB0] =	sst s6  }
0xf: {  	[smem:$0x3FB1] =	sst s7  }
0x10: {  	[smem:$0x3FB2] =	sst s8  }
0x11: {  	[smem:$0x3FB3] =	sst s9;
	s0 =	simm.s32 @!p0 $0x0  }
0x12: {  	s1 =	sld [smem:$0x3F99];
	s0 =	simm.s32 @p0 $0x1  }
0x13: {  	[smem:$0x3FB4] =	sst s0;
	s0 =	simm.s32 @!p1 $0x0  }
0x14: {  	s2 =	sld [smem:$0x3F98];
	s0 =	simm.s32 @p1 $0x1  }
0x15: {  	[smem:$0x3FB5] =	sst s0;
	s0 =	simm.s32 @!p2 $0x0  }
0x16: {  	s3 =	sld [smem:$0x3FDB];
	s0 =	simm.s32 @p2 $0x1  }
0x17: {  	s4 =	simm.s32 $0x1BF5;
	[smem:$0x3FB7] =	sst s0  }
0x18: {  	s0 =	sld [smem:$0x3F9A];
	_ =	swait.ge [sflag:s4], $0x0  }
0x19: {  	s7 =	sld [smem:$0x3F9B]  }
0x1a: {  	s8 =	sadd.s32 $0xFFFFE003, lr  }
0x1b: {  	s9 =	sadd.s32 $0xFFFFFEF7, lr;
	s5 =	simm.s32 $0xFFFFFFFF;
	p2 =	slt.u32 s8, $0xFFFFF086  }
0x1c: {  	p1 =	slt.u32 s9, $0xF7A;
	s5 =	simm.s32 @!p2 $0x0  }
0x1d: {  	s5 =	simm.s32 @p1 $0x1;
	p0 =	seq.s32 s7, s2  }
0x1e: {  	s7 =	smul.u32 @!p0 $0xF7A, s2;
	p2 =	seq.s32 @!p0 s5, $0x0  }
0x1f: {  	s9 =	smul.u32 $0xF7A, s1;
	s8 =	simm.s32 @!p0 $0x1BF5;
	p2 =	por !p2, p0  }
0x20: {  	[sflag:s8] =	ssyncset.s32 @!p0 $0xFFFFF086;
	s6 =	sadd.s32 @!p0 s3, s7;
	s7 =	simm.s32 @!p0 $0x108  }
0x21: {  	s3 =	sadd.s32 s3, s9;
	s6 =	sadd.s32 @!p0 $0x88, s6;
	s7 =	simm.s32 @p2 $0x1082  }
0x22: {  	[simem:s7], [sflag:s8] =	dma.local @!p0 [hbm:s6], $0xF7A  }
0x23: {  	s9 =	sor.u32 $0xD0000000, s2;
	s6 =	simm.s32 $0x108;
	_ =	swait.ge @!p0 [sflag:s8], $0x0  }
0x24: {  	s3 =	sadd.s32 $0x88, s3;
	s6 =	simm.s32 @!p1 $0x1082;
	[sflag:s4] =	ssyncset.s32 $0xFFFFF086  }
0x25: {  	[simem:s6], [sflag:s4] =	dma.local [hbm:s3], $0xF7A  }
0x26: {  	[smem:$0x3F9B] =	sst s1;
	(tag) =	ssettag s2;
	_ =	strace s9  }
0x27: {  	s1 =	sld [smem:$0x3FAB]  }
0x28: {  	s2 =	sld [smem:$0x3FAC]  }
0x29: {  	s4 =	sld [smem:$0x3FAE]  }
0x2a: {  	p0 =	seq.s32 s5, $0x0;
	s5 =	sld [smem:$0x3FAF]  }
0x2b: {  	s6 =	sld [smem:$0x3FB0]  }
0x2c: {  	s7 =	sld [smem:$0x3FB1]  }
0x2d: {  	s3 =	simm.s32 $0x108;
	s8 =	sld [smem:$0x3FB2]  }
0x2e: {  	s3 =	simm.s32 @!p0 $0x1082;
	s9 =	sld [smem:$0x3FB3]  }
0x2f: {  	lr =	sadd.s32 s0, s3;
	s0 =	sld [smem:$0x3FAA]  }
0x30: {  	s3 =	sld [smem:$0x3FAD]  }
0x31: {  	[smem:$0x3FB6] =	sst s10  }
0x32: {  	s10 =	sld [smem:$0x3FB4];
	_ =	sdelay $0x3  }
0x33: {  	p0 =	seq.s32 s10, $0x1;
	s10 =	sld [smem:$0x3FB6];
	_ =	sdelay $0x3  }
0x34: {  	[smem:$0x3FB6] =	sst s10  }
0x35: {  	s10 =	sld [smem:$0x3FB5];
	_ =	sdelay $0x3  }
0x36: {  	p1 =	seq.s32 s10, $0x1;
	s10 =	sld [smem:$0x3FB6];
	_ =	sdelay $0x3  }
0x37: {  	[smem:$0x3FB6] =	sst s10  }
0x38: {  	s10 =	sld [smem:$0x3FB7]  }
0x39: {  	_ = 	snop;
	(pc) =	sbr.ind lr, $3  }
0x3a: {  	_ = 	snop  }
0x3b: {  	_ = 	snop  }
0x3c: {  	p2 =	seq.s32 s10, $0x1;
	s10 =	sld [smem:$0x3FB6]  }
0x3d: {  	_ =	shalt  }
0x3e: {  	_ =	shalt  }
0x3f: {  	_ =	shalt  }
0x40: {  	_ =	shalt  }
0x41: {  	_ =	shalt  }
0x42: {  	_ =	shalt  }
0x43: {  	_ =	shalt  }
0x44: {  	_ =	shalt  }
0x45: {  	_ =	shalt  }
0x46: {  	_ =	shalt  }
0x47: {  	_ =	shalt  }
0x48: {  	_ =	shalt  }
0x49: {  	_ =	shalt  }
0x4a: {  	_ =	shalt  }
0x4b: {  	_ =	shalt  }
0x4c: {  	_ =	shalt  }
0x4d: {  	_ =	shalt  }
0x4e: {  	_ =	shalt  }
0x4f: {  	_ =	shalt  }
0x50: {  	_ =	shalt  }
0x51: {  	_ =	shalt  }
0x52: {  	_ =	shalt  }
0x53: {  	_ =	shalt  }
0x54: {  	_ =	shalt  }
0x55: {  	_ =	shalt  }
0x56: {  	_ =	shalt  }
0x57: {  	_ =	shalt  }
0x58: {  	_ =	shalt  }
0x59: {  	_ =	shalt  }
0x5a: {  	_ =	shalt  }
0x5b: {  	_ =	shalt  }
0x5c: {  	_ =	shalt  }
0x5d: {  	_ =	shalt  }
0x5e: {  	_ =	shalt  }
0x5f: {  	_ =	shalt  }
0x60: {  	_ =	shalt  }
0x61: {  	_ =	shalt  }
0x62: {  	_ =	shalt  }
0x63: {  	_ =	shalt  }
0x64: {  	_ =	shalt  }
0x65: {  	_ =	shalt  }
0x66: {  	_ =	shalt  }
0x67: {  	_ =	shalt  }
0x68: {  	_ =	shalt  }
0x69: {  	_ =	shalt  }
0x6a: {  	_ =	shalt  }
0x6b: {  	_ =	shalt  }
0x6c: {  	_ =	shalt  }
0x6d: {  	_ =	shalt  }
0x6e: {  	_ =	shalt  }
0x6f: {  	_ =	shalt  }
0x70: {  	_ =	shalt  }
0x71: {  	_ =	shalt  }
0x72: {  	_ =	shalt  }
0x73: {  	_ =	shalt  }
0x74: {  	_ =	shalt  }
0x75: {  	_ =	shalt  }
0x76: {  	_ =	shalt  }
0x77: {  	_ =	shalt  }
0x78: {  	_ =	shalt  }
0x79: {  	_ =	shalt  }
0x7a: {  	_ =	shalt  }
0x7b: {  	_ =	shalt  }
0x7c: {  	_ =	shalt  }
0x7d: {  	_ =	shalt  }
0x7e: {  	_ =	shalt  }
0x7f: {  	_ =	shalt  }
0x80: {  	_ =	shalt  }
0x81: {  	_ =	shalt  }
0x82: {  	_ =	shalt  }
0x83: {  	_ =	shalt  }
0x84: {  	_ =	shalt  }
0x85: {  	_ =	shalt  }
0x86: {  	_ =	shalt  }
0x87: {  	_ =	shalt  }
.Lfunc_end0:
.L_simem_size_0:
called_computation_lowered:
.L_overlay_start_0:
0x88: {  	s2 =	sld [smem:$0x3FD9]  }
0x89: {  	s3 =	sld [smem:$0x3FFE];
	_ =	sdelay $0x1  }
0x8a: {  	s1 =	srdreg.scid  }
0x8b: {  	s0 =	sand.u32 $0x1, s1  }
0x8c: {  	s14 =	sshll.u32 s0, $0xA;
	s2 =	sadd.s32 s3, s2  }
0x8d: {  	s2 =	sadd.s32 s2, s14  }
0x8e: {  	[smem:$0x3FC2] =	sst s2  }
0x8f: {  	_ = 	snop  }
0x90: {  	s2 =	sld [smem:$0x3FD0];
	_ =	sdelay $0x2  }
0x91: {  	s4 =	simm.s32 $0xA;
	s5 =	simm.s32 $0x10;
	s15 =	sld [smem:$0x3FC5]  }
0x92: {  	[smem:s5], [sflag:s4] =	dma.local [hbm:s2], $0x1  }
0x93: {  	_ =	swait.eq [sflag:s4], $0x1  }
0x94: {  	[sflag:s4] =	ssyncset.done $0x0  }
0x95: {  	[sflag:s4] =	ssyncadd.s32 $0xFFFFFFFF  }
0x96: {  	s16 =	sld [smem:$0x11];
	(tm) =	ssettm $0x1  }
0x97: {  	s17 =	sld [smem:$0x3FFB];
	_ =	sdelay $0x3  }
0x98: {  	_ =	strace s17  }
0x99: {  	s4 =	sld [smem:$0x3FFC];
	_ =	sdelay $0x3  }
0x9a: {  	_ =	strace s4  }
0x9b: {  	s4 =	sld [smem:$0x3FFD];
	_ =	sdelay $0x3  }
0x9c: {  	_ =	strace s4  }
0x9d: {  	_ =	strace $0x8FFFFFFF  }
0x9e: {  	s18 =	sld [smem:$0x3FDB];
	_ =	sdelay $0x1  }
0x9f: {  	s19 =	simm.s32 $_scs_section_size  }
0xa0: {  	s6 =	simm.s32 $_size__tile_overlayer_lowered;
	s7 =	simm.s32 $_tile_overlayer_lowered  }
0xa1: {  	s22 =	simm.s32 $0x1BFF;
	s21 =	sshll.u32 s7, $0x1;
	s4 =	sadd.s32 s19, s18  }
0xa2: {  	s8 =	simm.s32 $0x0;
	s20 =	sshll.u32 s6, $0x1;
	s6 =	sadd.s32 s21, s4  }
0xa3: {  	[timem:s8], [sflag:s22] =	dma.local [hbm:s6], s20  }
0xa4: {  	_ =	swait.ge [sflag:s22], s20  }
0xa5: {  	s5 =	ssub.s32 $0x0, s20;
	[sflag:s22] =	ssyncset.done $0x0  }
0xa6: {  	[sflag:s22] =	ssyncadd.s32 s5;
	_ =	sdelay $0x1  }
0xa7: {  	s23 =	simm.s32 $0x1B8B  }
0xa8: {  	_ =	swait.ge [sflag:s23], $0x1  }
0xa9: {  	[sflag:s23] =	ssyncset.done $0x0  }
0xaa: {  	s25 =	simm.s32 $0x1B8E;
	s24 =	sld [smem:$0x3FFE];
	[sflag:s23] =	ssyncadd.s32 $0xFFFFFFFF  }
0xab: {  	s26 =	simm.s32 $execute0_lowered;
	[smem:$0x3FD2] =	sst s25  }
0xac: {  	s6 =	sshll.u32 s26, $0x1;
	_ =	strace $0x80000046;
	[dreg:$0x1] =	wrdreg $0xFFFFFFFF  }
0xad: {  	s28 =	simm.s32 $_size_execute0_lowered;
	s4 =	sadd.s32 s4, s6;
	[dreg:$0x0] =	wrdreg $0x0  }
0xae: {  	s6 =	sshll.u32 s28, $0x1;
	[dreg:$0x2] =	wrdreg s4  }
0xaf: {  	[dreg:$0x3] =	wrdreg s6  }
0xb0: {  	[dreg:$0x4] =	wrdreg $0xC0  }
0xb1: {  	_ =	task [dreg:s8], $0x5FFFF  }
0xb2: {  	[dreg:$0x1] =	wrdreg $0xFFFFFFFF  }
0xb3: {  	[dreg:$0x0] =	wrdreg $0x60  }
0xb4: {  	[dreg:$0x2] =	wrdreg s16  }
0xb5: {  	[dreg:$0x3] =	wrdreg s15  }
0xb6: {  	[dreg:$0x4] =	wrdreg s24  }
0xb7: {  	[dreg:$0x5] =	wrdreg $0x9  }
0xb8: {  	_ =	task.clear_ibuf [dreg:s8], $0x6FFFF;
	_ =	strace $0x90000046  }
0xb9: {  	s29 =	simm.s32 $0x9;
	_ =	strace $0x80000048  }
0xba: {  	_ =	swait.ge [sflag:s29], $0x1  }
0xbb: {  	[sflag:s29] =	ssyncadd.s32 $0xFFFFFFFF  }
0xbc: {  	_ =	strace $0x90000048  }
0xbd: {  	_ =	sfence  }
0xbe: {  	s30 =	sld [smem:$0x0];
	_ =	sdelay $0x2  }
0xbf: {  	s31 =	sshll.u32 s1, $0xD;
	s1 =	sshrl.u32 s1, $0x2  }
0xc0: {  	s3 =	sand.u32 $0x4000, s31;
	s1 =	sadd.s32 s1, s30  }
0xc1: {  	s0 =	sor.u32 s3, s0;
	s1 =	sshll.u32 s1, $0x11  }
0xc2: {  	s0 =	sor.u32 s1, s0  }
0xc3: {  	s0 =	sadd.s32 $0x8F2B, s0  }
0xc4: {  	[sflag:s0] =	ssyncadd.remote.s32 $0x1  }
0xc5: {  	_ =	sfence.sel $0xFFFF  }
0xc6: {  	[dreg:$0x0] =	wrdreg $0xFFFFFFFF;
	(pc) =	sbr.abs _section_cstart, $3  }
0xc7: {  	[dreg:$0x1] =	wrdreg $0xFFFFFFFF  }
0xc8: {  	_ =	task.clear_ibuf [dreg:s8], $0x2FFFF;
	_ =	strace $0x9FFFFFFF  }
0xc9: {  	(tm) =	ssettm $0x7FFFFFFF  }
tec
execute0_lowered:
.L_overlay_start_1:
0x0: {  	(tag) =	ssettag $0x1  }
0x1: {  	s2 =	rddreg [dreg:$0x0]  }
0x2: {  	s1 =	rddreg [dreg:$0x1]  }
0x3: {  	s3 =	rddreg [dreg:$0x2]  }
0x4: {  	s6 =	rddreg [dreg:$0x3];
	s30 =	simm.s32 $0x0  }
0x5: {  	s20 =	simm.s32 $0x400;
	[smem:$0x7FF] =	sst s30  }
0x6: {  	s21 =	simm.s32 $0x600;
	_ =	strace $0x80000047;
	[dreg:$0x6] =	wrdreg s20  }
0x7: {  	s22 =	simm.s32 $0x800;
	[dreg:$0x7] =	wrdreg s21  }
0x8: {  	s23 =	simm.s32 $0xA00;
	[dreg:$0x8] =	wrdreg s22  }
0x9: {  	s24 =	simm.s32 $0xC00;
	[dreg:$0x9] =	wrdreg s23  }
0xa: {  	s25 =	simm.s32 $0xE00;
	[dreg:$0xa] =	wrdreg s24  }
0xb: {  	s26 =	simm.s32 $0x1000;
	[dreg:$0xb] =	wrdreg s25  }
0xc: {  	s7 =	simm.s32 $0x1800;
	[dreg:$0xc] =	wrdreg s26  }
0xd: {  	s8 =	simm.s32 $0x1A00;
	[dreg:$0x10] =	wrdreg s7  }
0xe: {  	s9 =	simm.s32 $0x1C00;
	[dreg:$0x11] =	wrdreg s8  }
0xf: {  	s10 =	simm.s32 $0x1E00;
	[dreg:$0x12] =	wrdreg s9  }
0x10: {  	s11 =	simm.s32 $0x2000;
	[dreg:$0x13] =	wrdreg s10  }
0x11: {  	s12 =	simm.s32 $0x280;
	[dreg:$0x14] =	wrdreg s11  }
0x12: {  	s13 =	simm.s32 $0x480;
	[dreg:$0x15] =	wrdreg s12  }
0x13: {  	s14 =	simm.s32 $0x680;
	[dreg:$0x16] =	wrdreg s13  }
0x14: {  	s15 =	simm.s32 $0x880;
	[dreg:$0x17] =	wrdreg s14  }
0x15: {  	s16 =	simm.s32 $0xA80;
	[dreg:$0x18] =	wrdreg s15  }
0x16: {  	s17 =	simm.s32 $0xC80;
	[dreg:$0x19] =	wrdreg s16  }
0x17: {  	s18 =	simm.s32 $0xE80;
	[dreg:$0x1a] =	wrdreg s17  }
0x18: {  	[dreg:$0x1b] =	wrdreg s18;
	s20 =	simm.s32 $0x1280  }
0x19: {  	s21 =	simm.s32 $0x1480;
	[dreg:$0x1d] =	wrdreg s20  }
0x1a: {  	s22 =	simm.s32 $0x1680;
	[dreg:$0x1e] =	wrdreg s21  }
0x1b: {  	s23 =	simm.s32 $0x1880;
	[dreg:$0x1f] =	wrdreg s22  }
0x1c: {  	s24 =	simm.s32 $0x1A80;
	[smem:$0x7DD] =	sst s23  }
0x1d: {  	s0 =	srdreg.scid;
	s25 =	simm.s32 $0x1C80;
	[smem:$0x7DE] =	sst s24  }
0x1e: {  	s4 =	stileid.u32;
	s26 =	simm.s32 $0x1E80;
	[smem:$0x7DF] =	sst s25  }
0x1f: {  	s31 =	simm.s32 $0x100;
	s7 =	simm.s32 $0x700;
	[smem:$0x7E0] =	sst s26  }
0x20: {  	p0 =	por $0x0, $0x0;
	s8 =	simm.s32 $0x900;
	[smem:$0x7E4] =	sst s7  }
0x21: {  	s28 =	simm.s32 $0x1D80;
	s9 =	simm.s32 $0xB00;
	[smem:$0x7E5] =	sst s8  }
0x22: {  	s29 =	simm.s32 $0x1F80;
	s11 =	simm.s32 $0xD00;
	[smem:$0x7E6] =	sst s9  }
0x23: {  	s0 =	sand.u32 $0x1, s0;
	s12 =	simm.s32 $0xF00;
	[smem:$0x7E7] =	sst s11  }
0x24: {  	s4 =	sshll.u32 s4, $0x7;
	s13 =	simm.s32 $0x1100;
	[smem:$0x7E8] =	sst s12  }
0x25: {  	s5 =	sshll.u32 s0, $0x6;
	s14 =	simm.s32 $0x1300;
	[smem:$0x7E9] =	sst s13  }
0x26: {  	s0 =	ssub.s32 $0x2, s0;
	s15 =	simm.s32 $0x1500;
	[smem:$0x7EA] =	sst s14  }
0x27: {  	s16 =	simm.s32 $0x1700;
	s17 =	simm.s32 $0x1900;
	[smem:$0x7EB] =	sst s15  }
0x28: {  	s18 =	simm.s32 $0x1B00;
	s4 =	sor.u32 s5, s4;
	[smem:$0x7EC] =	sst s16  }
0x29: {  	s5 =	simm.s32 $0x1600;
	s10 =	sshrl.u32 s0, $0x1;
	[smem:$0x7ED] =	sst s17  }
0x2a: {  	s8 =	sadd.s32 $0x30D4, s2;
	s9 =	sadd.s32 $0x61A8, s2;
	[smem:$0x7EE] =	sst s18  }
0x2b: {  	s11 =	sadd.s32 $0xC350, s2;
	s20 =	simm.s32 $0x1F00;
	[dreg:$0xf] =	wrdreg s5  }
0x2c: {  	s12 =	sadd.s32 $0xF424, s2;
	s21 =	simm.s32 $0x2100;
	[smem:$0x7F0] =	sst s20  }
0x2d: {  	s13 =	sadd.s32 $0x124F8, s2;
	s22 =	simm.s32 $0x380;
	[smem:$0x7F1] =	sst s21  }
0x2e: {  	s14 =	sadd.s32 $0x155CC, s2;
	s23 =	simm.s32 $0x580;
	[smem:$0x7F2] =	sst s22  }
0x2f: {  	s15 =	sadd.s32 $0x186A0, s2;
	s24 =	simm.s32 $0x780;
	[smem:$0x7F3] =	sst s23  }
0x30: {  	s16 =	sadd.s32 $0x1B774, s2;
	s25 =	simm.s32 $0x980;
	[smem:$0x7F4] =	sst s24  }
0x31: {  	s17 =	sadd.s32 $0x1E848, s2;
	s26 =	simm.s32 $0xB80;
	[smem:$0x7F5] =	sst s25  }
0x32: {  	s18 =	sadd.s32 $0x2191C, s2;
	s7 =	simm.s32 $0x1380;
	[smem:$0x7F6] =	sst s26  }
0x33: {  	s3 =	sadd.s32 s4, s3;
	s1 =	sadd.s32 s1, s4;
	[smem:$0x7FA] =	sst s7  }
0x34: {  	s4 =	simm.s32 $0x1400;
	s5 =	simm.s32 $0x500;
	[dreg:$0x4] =	wrdreg s1  }
0x35: {  	s0 =	ssub.s32 s0, s10;
	s10 =	sadd.s32 $0x927C, s2;
	[dreg:$0xe] =	wrdreg s4  }
0x36: {  	s20 =	sadd.s32 $0x27AC4, s2;
	s24 =	simm.s32 $0x1580;
	[smem:$0x7E3] =	sst s5  }
0x37: {  	s21 =	sadd.s32 $0x2AB98, s2;
	s25 =	simm.s32 $0x1780;
	[smem:$0x7FB] =	sst s24  }
0x38: {  	s22 =	sadd.s32 $0x2DC6C, s2;
	s26 =	simm.s32 $0x1980;
	[smem:$0x7FC] =	sst s25  }
0x39: {  	s23 =	simm.s32 $0x80;
	s19 =	sadd.s32 $0xE00, s3;
	[smem:$0x7FD] =	sst s26  }
0x3a: {  	s7 =	simm.s32 $0x1;
	s3 =	simm.s32 $0x1200;
	[dreg:$0x5] =	wrdreg s19  }
0x3b: {  	s4 =	simm.s32 $0x300;
	s0 =	smax.u32 s0, $0x1;
	[dreg:$0xd] =	wrdreg s3  }
0x3c: {  	s5 =	simm.s32 $0x1180;
	s24 =	simm.s32 $0x180;
	[smem:$0x7E2] =	sst s4  }
0x3d: {  	s26 =	simm.s32 $0x2180;
	s25 =	simm.s32 $0x4000;
	[smem:$0x7F9] =	sst s5  }
0x3e: {  	s19 =	simm.s32 $0x1080;
	p1 =	sne.s32 s0, $0x1;
	s1 =	rddreg [dreg:$0x4]  }
.Ltmp0:
0x3f: {  	s3 =	simm.s32 $0x2080;
	[dreg:$0x1c] =	wrdreg s19;
	(pc) =	sbr.rel @!p1 .LBB2_1-.Ltmp0, $4  }
0x40: {  	s4 =	simm.s32 $0xF80;
	s5 =	simm.s32 $0x2;
	[smem:$0x7E1] =	sst s3  }
0x41: {  	s0 =	sadd.s32 $0xFFFFFFFF, s0;
	s19 =	simm.s32 $0x1D00;
	[smem:$0x7F8] =	sst s4  }
0x42: {  	s3 =	simm.s32 $0xD80;
	s4 =	simm.s32 $0x200;
	[smem:$0x7EF] =	sst s19  }
0x43: {  	s19 =	sadd.s32 $0x249F0, s2;
	[smem:$0x7F7] =	sst s3;
	s3 =	simm.s32 $0x3  }
0x44: {  	[tilespmem:s30], [sflag:$0x3] =	stream.linear.gather [hbm4b:s1+s30], $0x200, $0x38;
	[tilespmem:$0x2200] =	vst v63  }
0x45: {  	_ =	swait.ge [sflag:s3], $0x200  }
0x46: {  	[sflag:s3] =	ssyncset.done $0x0  }
0x47: {  	s1 =	rddreg [dreg:$0x6];
	[sflag:s3] =	ssyncadd.s32 $0xFFFFFE00  }
0x48: {  	[tilespmem:s4], [sflag:$0x1] =	stream.indirect.gather [hbm4b:s2+s23], $0x1, s30, s23, $0xb8;
	[tilespmem:$0x2200] =	vst v63  }
0x49: {  	s6 =	smov.u32 s0;
	s0 =	rddreg [dreg:$0x7]  }
0x4a: {  	[tilespmem:s1], [sflag:$0x1] =	stream.indirect.gather [hbm4b:s8+s23], $0x1, s30, s23, $0xb8;
	[tilespmem:$0x2200] =	vst v63  }
0x4b: {  	s1 =	rddreg [dreg:$0x8]  }
0x4c: {  	[tilespmem:s0], [sflag:$0x1] =	stream.indirect.gather [hbm4b:s9+s23], $0x1, s30, s23, $0xb8;
	[tilespmem:$0x2200] =	vst v63  }
0x4d: {  	s0 =	rddreg [dreg:$0x9]  }
0x4e: {  	[tilespmem:s1], [sflag:$0x1] =	stream.indirect.gather [hbm4b:s10+s23], $0x1, s30, s23, $0xb8;
	[tilespmem:$0x2200] =	vst v63  }
0x4f: {  	s1 =	rddreg [dreg:$0xa]  }
0x50: {  	[tilespmem:s0], [sflag:$0x1] =	stream.indirect.gather [hbm4b:s11+s23], $0x1, s30, s23, $0xb8;
	[tilespmem:$0x2200] =	vst v63  }
0x51: {  	s0 =	rddreg [dreg:$0xb]  }
0x52: {  	[tilespmem:s1], [sflag:$0x1] =	stream.indirect.gather [hbm4b:s12+s23], $0x1, s30, s23, $0xb8;
	[tilespmem:$0x2200] =	vst v63  }
0x53: {  	s1 =	rddreg [dreg:$0xc]  }
0x54: {  	[tilespmem:s0], [sflag:$0x1] =	stream.indirect.gather [hbm4b:s13+s23], $0x1, s30, s23, $0xb8;
	[tilespmem:$0x2200] =	vst v63  }
0x55: {  	s0 =	rddreg [dreg:$0xd]  }
0x56: {  	[tilespmem:s1], [sflag:$0x1] =	stream.indirect.gather [hbm4b:s14+s23], $0x1, s30, s23, $0xb8;
	[tilespmem:$0x2200] =	vst v63  }
0x57: {  	s1 =	rddreg [dreg:$0xe]  }
0x58: {  	[tilespmem:s0], [sflag:$0x1] =	stream.indirect.gather [hbm4b:s15+s23], $0x1, s30, s23, $0xb8;
	[tilespmem:$0x2200] =	vst v63  }
0x59: {  	s0 =	rddreg [dreg:$0xf]  }
0x5a: {  	[tilespmem:s1], [sflag:$0x1] =	stream.indirect.gather [hbm4b:s16+s23], $0x1, s30, s23, $0xb8;
	[tilespmem:$0x2200] =	vst v63  }
0x5b: {  	s1 =	rddreg [dreg:$0x10]  }
0x5c: {  	[tilespmem:s0], [sflag:$0x1] =	stream.indirect.gather [hbm4b:s17+s23], $0x1, s30, s23, $0xb8;
	[tilespmem:$0x2200] =	vst v63  }
0x5d: {  	s0 =	rddreg [dreg:$0x11]  }
0x5e: {  	[tilespmem:s1], [sflag:$0x1] =	stream.indirect.gather [hbm4b:s18+s23], $0x1, s30, s23, $0xb8;
	[tilespmem:$0x2200] =	vst v63  }
0x5f: {  	s1 =	rddreg [dreg:$0x12]  }
0x60: {  	[tilespmem:s0], [sflag:$0x1] =	stream.indirect.gather [hbm4b:s19+s23], $0x1, s30, s23, $0xb8;
	[tilespmem:$0x2200] =	vst v63  }
0x61: {  	s0 =	rddreg [dreg:$0x13]  }
0x62: {  	[tilespmem:s1], [sflag:$0x1] =	stream.indirect.gather [hbm4b:s20+s23], $0x1, s30, s23, $0xb8;
	[tilespmem:$0x2200] =	vst v63  }
0x63: {  	s1 =	rddreg [dreg:$0x14]  }
0x64: {  	[tilespmem:s0], [sflag:$0x1] =	stream.indirect.gather [hbm4b:s21+s23], $0x1, s30, s23, $0xb8;
	[tilespmem:$0x2200] =	vst v63  }
0x65: {  	s0 =	rddreg [dreg:$0x15]  }
0x66: {  	[tilespmem:s1], [sflag:$0x1] =	stream.indirect.gather [hbm4b:s22+s23], $0x1, s30, s23, $0xb8;
	[tilespmem:$0x2200] =	vst v63  }
0x67: {  	s1 =	rddreg [dreg:$0x16]  }
0x68: {  	[tilespmem:s0], [sflag:$0x2] =	stream.indirect.gather [hbm4b:s2+s23], $0x1, s23, s23, $0xb8;
	[tilespmem:$0x2200] =	vst v63  }
0x69: {  	s0 =	rddreg [dreg:$0x17]  }
0x6a: {  	[tilespmem:s1], [sflag:$0x2] =	stream.indirect.gather [hbm4b:s8+s23], $0x1, s23, s23, $0xb8;
	[tilespmem:$0x2200] =	vst v63  }
0x6b: {  	s1 =	rddreg [dreg:$0x18]  }
0x6c: {  	[tilespmem:s0], [sflag:$0x2] =	stream.indirect.gather [hbm4b:s9+s23], $0x1, s23, s23, $0xb8;
	[tilespmem:$0x2200] =	vst v63  }
0x6d: {  	s0 =	rddreg [dreg:$0x19]  }
0x6e: {  	[tilespmem:s1], [sflag:$0x2] =	stream.indirect.gather [hbm4b:s10+s23], $0x1, s23, s23, $0xb8;
	[tilespmem:$0x2200] =	vst v63  }
0x6f: {  	s1 =	rddreg [dreg:$0x1a]  }
0x70: {  	[tilespmem:s0], [sflag:$0x2] =	stream.indirect.gather [hbm4b:s11+s23], $0x1, s23, s23, $0xb8;
	[tilespmem:$0x2200] =	vst v63  }
0x71: {  	s0 =	rddreg [dreg:$0x1b]  }
0x72: {  	[tilespmem:s1], [sflag:$0x2] =	stream.indirect.gather [hbm4b:s12+s23], $0x1, s23, s23, $0xb8;
	[tilespmem:$0x2200] =	vst v63  }
0x73: {  	s1 =	rddreg [dreg:$0x1c]  }
0x74: {  	[tilespmem:s0], [sflag:$0x2] =	stream.indirect.gather [hbm4b:s13+s23], $0x1, s23, s23, $0xb8;
	[tilespmem:$0x2200] =	vst v63  }
0x75: {  	s0 =	rddreg [dreg:$0x1d]  }
0x76: {  	[tilespmem:s1], [sflag:$0x2] =	stream.indirect.gather [hbm4b:s14+s23], $0x1, s23, s23, $0xb8;
	[tilespmem:$0x2200] =	vst v63  }
0x77: {  	s1 =	rddreg [dreg:$0x1e]  }
0x78: {  	[tilespmem:s0], [sflag:$0x2] =	stream.indirect.gather [hbm4b:s15+s23], $0x1, s23, s23, $0xb8;
	[tilespmem:$0x2200] =	vst v63  }
0x79: {  	s0 =	rddreg [dreg:$0x1f]  }
0x7a: {  	[tilespmem:s1], [sflag:$0x2] =	stream.indirect.gather [hbm4b:s16+s23], $0x1, s23, s23, $0xb8;
	[tilespmem:$0x2200] =	vst v63  }
0x7b: {  	s1 =	sld [smem:$0x7DD]  }
0x7c: {  	[tilespmem:s0], [sflag:$0x2] =	stream.indirect.gather [hbm4b:s17+s23], $0x1, s23, s23, $0xb8;
	[tilespmem:$0x2200] =	vst v63  }
0x7d: {  	s0 =	sld [smem:$0x7DE]  }
0x7e: {  	[tilespmem:s1], [sflag:$0x2] =	stream.indirect.gather [hbm4b:s18+s23], $0x1, s23, s23, $0xb8;
	[tilespmem:$0x2200] =	vst v63  }
0x7f: {  	s1 =	sld [smem:$0x7DF]  }
0x80: {  	[tilespmem:s0], [sflag:$0x2] =	stream.indirect.gather [hbm4b:s19+s23], $0x1, s23, s23, $0xb8;
	[tilespmem:$0x2200] =	vst v63  }
0x81: {  	s0 =	sld [smem:$0x7E0]  }
0x82: {  	[tilespmem:s1], [sflag:$0x2] =	stream.indirect.gather [hbm4b:s20+s23], $0x1, s23, s23, $0xb8;
	[tilespmem:$0x2200] =	vst v63  }
0x83: {  	s1 =	sld [smem:$0x7E1]  }
0x84: {  	[tilespmem:s0], [sflag:$0x2] =	stream.indirect.gather [hbm4b:s21+s23], $0x1, s23, s23, $0xb8;
	[tilespmem:$0x2200] =	vst v63  }
0x85: {  	_ = 	snop  }
0x86: {  	[tilespmem:s1], [sflag:$0x2] =	stream.indirect.gather [hbm4b:s22+s23], $0x1, s23, s23, $0xb8;
	[tilespmem:$0x2200] =	vst v63  }
0x87: {  	_ =	swait.ge [sflag:s7], $0x80  }
0x88: {  	[sflag:s7] =	ssyncset.done $0x0  }
0x89: {  	[sflag:s7] =	ssyncadd.s32 $0xFFFFFF80  }
0x8a: {  	_ =	swait.ge [sflag:s7], $0x80  }
0x8b: {  	[sflag:s7] =	ssyncset.done $0x0  }
0x8c: {  	[sflag:s7] =	ssyncadd.s32 $0xFFFFFF80  }
0x8d: {  	_ =	swait.ge [sflag:s7], $0x80  }
0x8e: {  	[sflag:s7] =	ssyncset.done $0x0  }
0x8f: {  	[sflag:s7] =	ssyncadd.s32 $0xFFFFFF80  }
0x90: {  	_ =	swait.ge [sflag:s7], $0x80  }
0x91: {  	[sflag:s7] =	ssyncset.done $0x0  }
0x92: {  	[sflag:s7] =	ssyncadd.s32 $0xFFFFFF80  }
0x93: {  	_ =	swait.ge [sflag:s7], $0x80  }
0x94: {  	[sflag:s7] =	ssyncset.done $0x0  }
0x95: {  	[sflag:s7] =	ssyncadd.s32 $0xFFFFFF80  }
0x96: {  	_ =	swait.ge [sflag:s7], $0x80  }
0x97: {  	[sflag:s7] =	ssyncset.done $0x0  }
0x98: {  	[sflag:s7] =	ssyncadd.s32 $0xFFFFFF80  }
0x99: {  	_ =	swait.ge [sflag:s7], $0x80  }
0x9a: {  	[sflag:s7] =	ssyncset.done $0x0  }
0x9b: {  	[sflag:s7] =	ssyncadd.s32 $0xFFFFFF80  }
0x9c: {  	_ =	swait.ge [sflag:s7], $0x80  }
0x9d: {  	[sflag:s7] =	ssyncset.done $0x0  }
0x9e: {  	[sflag:s7] =	ssyncadd.s32 $0xFFFFFF80  }
0x9f: {  	_ =	swait.ge [sflag:s7], $0x80  }
0xa0: {  	[sflag:s7] =	ssyncset.done $0x0  }
0xa1: {  	[sflag:s7] =	ssyncadd.s32 $0xFFFFFF80  }
0xa2: {  	_ =	swait.ge [sflag:s7], $0x80  }
0xa3: {  	[sflag:s7] =	ssyncset.done $0x0  }
0xa4: {  	[sflag:s7] =	ssyncadd.s32 $0xFFFFFF80  }
0xa5: {  	_ =	swait.ge [sflag:s7], $0x80  }
0xa6: {  	[sflag:s7] =	ssyncset.done $0x0  }
0xa7: {  	[sflag:s7] =	ssyncadd.s32 $0xFFFFFF80  }
0xa8: {  	_ =	swait.ge [sflag:s7], $0x80  }
0xa9: {  	[sflag:s7] =	ssyncset.done $0x0  }
0xaa: {  	[sflag:s7] =	ssyncadd.s32 $0xFFFFFF80  }
0xab: {  	_ =	swait.ge [sflag:s7], $0x80  }
0xac: {  	[sflag:s7] =	ssyncset.done $0x0  }
0xad: {  	[sflag:s7] =	ssyncadd.s32 $0xFFFFFF80  }
0xae: {  	_ =	swait.ge [sflag:s7], $0x80  }
0xaf: {  	[sflag:s7] =	ssyncset.done $0x0  }
0xb0: {  	[sflag:s7] =	ssyncadd.s32 $0xFFFFFF80  }
0xb1: {  	_ =	swait.ge [sflag:s7], $0x80  }
0xb2: {  	[sflag:s7] =	ssyncset.done $0x0  }
0xb3: {  	[sflag:s7] =	ssyncadd.s32 $0xFFFFFF80  }
0xb4: {  	_ =	swait.ge [sflag:s7], $0x80  }
0xb5: {  	s0 =	sld [smem:$0x7E2]  }
0xb6: {  	[sflag:s7] =	ssyncset.done $0x0  }
0xb7: {  	s1 =	sld [smem:$0x7E3];
	[sflag:s7] =	ssyncadd.s32 $0xFFFFFF80  }
0xb8: {  	[tilespmem:s0], [sflag:$0x1] =	stream.indirect.gather [hbm4b:s2+s23], $0x1, s31, s23, $0xb8;
	[tilespmem:$0x2200] =	vst v63  }
0xb9: {  	s0 =	sld [smem:$0x7E4]  }
0xba: {  	[tilespmem:s1], [sflag:$0x1] =	stream.indirect.gather [hbm4b:s8+s23], $0x1, s31, s23, $0xb8;
	[tilespmem:$0x2200] =	vst v63  }
0xbb: {  	s1 =	sld [smem:$0x7E5]  }
0xbc: {  	[tilespmem:s0], [sflag:$0x1] =	stream.indirect.gather [hbm4b:s9+s23], $0x1, s31, s23, $0xb8;
	[tilespmem:$0x2200] =	vst v63  }
0xbd: {  	s0 =	sld [smem:$0x7E6]  }
0xbe: {  	[tilespmem:s1], [sflag:$0x1] =	stream.indirect.gather [hbm4b:s10+s23], $0x1, s31, s23, $0xb8;
	[tilespmem:$0x2200] =	vst v63  }
0xbf: {  	s1 =	sld [smem:$0x7E7]  }
0xc0: {  	[tilespmem:s0], [sflag:$0x1] =	stream.indirect.gather [hbm4b:s11+s23], $0x1, s31, s23, $0xb8;
	[tilespmem:$0x2200] =	vst v63  }
0xc1: {  	s0 =	sld [smem:$0x7E8]  }
0xc2: {  	[tilespmem:s1], [sflag:$0x1] =	stream.indirect.gather [hbm4b:s12+s23], $0x1, s31, s23, $0xb8;
	[tilespmem:$0x2200] =	vst v63  }
0xc3: {  	s1 =	sld [smem:$0x7E9]  }
0xc4: {  	[tilespmem:s0], [sflag:$0x1] =	stream.indirect.gather [hbm4b:s13+s23], $0x1, s31, s23, $0xb8;
	[tilespmem:$0x2200] =	vst v63  }
0xc5: {  	s0 =	sld [smem:$0x7EA]  }
0xc6: {  	[tilespmem:s1], [sflag:$0x1] =	stream.indirect.gather [hbm4b:s14+s23], $0x1, s31, s23, $0xb8;
	[tilespmem:$0x2200] =	vst v63  }
0xc7: {  	s1 =	sld [smem:$0x7EB]  }
0xc8: {  	[tilespmem:s0], [sflag:$0x1] =	stream.indirect.gather [hbm4b:s15+s23], $0x1, s31, s23, $0xb8;
	[tilespmem:$0x2200] =	vst v63  }
0xc9: {  	s0 =	sld [smem:$0x7EC]  }
0xca: {  	[tilespmem:s1], [sflag:$0x1] =	stream.indirect.gather [hbm4b:s16+s23], $0x1, s31, s23, $0xb8;
	[tilespmem:$0x2200] =	vst v63  }
0xcb: {  	s1 =	sld [smem:$0x7ED]  }
0xcc: {  	[tilespmem:s0], [sflag:$0x1] =	stream.indirect.gather [hbm4b:s17+s23], $0x1, s31, s23, $0xb8;
	[tilespmem:$0x2200] =	vst v63  }
0xcd: {  	s0 =	sld [smem:$0x7EE]  }
0xce: {  	[tilespmem:s1], [sflag:$0x1] =	stream.indirect.gather [hbm4b:s18+s23], $0x1, s31, s23, $0xb8;
	[tilespmem:$0x2200] =	vst v63  }
0xcf: {  	s1 =	sld [smem:$0x7EF]  }
0xd0: {  	[tilespmem:s0], [sflag:$0x1] =	stream.indirect.gather [hbm4b:s19+s23], $0x1, s31, s23, $0xb8;
	[tilespmem:$0x2200] =	vst v63  }
0xd1: {  	s0 =	sld [smem:$0x7F0]  }
0xd2: {  	[tilespmem:s1], [sflag:$0x1] =	stream.indirect.gather [hbm4b:s20+s23], $0x1, s31, s23, $0xb8;
	[tilespmem:$0x2200] =	vst v63  }
0xd3: {  	s1 =	sld [smem:$0x7F1]  }
0xd4: {  	[tilespmem:s0], [sflag:$0x1] =	stream.indirect.gather [hbm4b:s21+s23], $0x1, s31, s23, $0xb8;
	[tilespmem:$0x2200] =	vst v63  }
0xd5: {  	_ = 	snop  }
0xd6: {  	[tilespmem:s1], [sflag:$0x1] =	stream.indirect.gather [hbm4b:s22+s23], $0x1, s31, s23, $0xb8;
	[tilespmem:$0x2200] =	vst v63  }
0xd7: {  	_ =	swait.ge [sflag:s5], $0x80  }
0xd8: {  	[sflag:s5] =	ssyncset.done $0x0  }
0xd9: {  	[sflag:s5] =	ssyncadd.s32 $0xFFFFFF80  }
0xda: {  	_ =	swait.ge [sflag:s5], $0x80  }
0xdb: {  	[sflag:s5] =	ssyncset.done $0x0  }
0xdc: {  	[sflag:s5] =	ssyncadd.s32 $0xFFFFFF80  }
0xdd: {  	_ =	swait.ge [sflag:s5], $0x80  }
0xde: {  	[sflag:s5] =	ssyncset.done $0x0  }
0xdf: {  	[sflag:s5] =	ssyncadd.s32 $0xFFFFFF80  }
0xe0: {  	_ =	swait.ge [sflag:s5], $0x80  }
0xe1: {  	[sflag:s5] =	ssyncset.done $0x0  }
0xe2: {  	[sflag:s5] =	ssyncadd.s32 $0xFFFFFF80  }
0xe3: {  	_ =	swait.ge [sflag:s5], $0x80  }
0xe4: {  	[sflag:s5] =	ssyncset.done $0x0  }
0xe5: {  	[sflag:s5] =	ssyncadd.s32 $0xFFFFFF80  }
0xe6: {  	_ =	swait.ge [sflag:s5], $0x80  }
0xe7: {  	[sflag:s5] =	ssyncset.done $0x0  }
0xe8: {  	[sflag:s5] =	ssyncadd.s32 $0xFFFFFF80  }
0xe9: {  	_ =	swait.ge [sflag:s5], $0x80  }
0xea: {  	[sflag:s5] =	ssyncset.done $0x0  }
0xeb: {  	[sflag:s5] =	ssyncadd.s32 $0xFFFFFF80  }
0xec: {  	_ =	swait.ge [sflag:s5], $0x80  }
0xed: {  	[sflag:s5] =	ssyncset.done $0x0  }
0xee: {  	[sflag:s5] =	ssyncadd.s32 $0xFFFFFF80  }
0xef: {  	_ =	swait.ge [sflag:s5], $0x80  }
0xf0: {  	[sflag:s5] =	ssyncset.done $0x0  }
0xf1: {  	[sflag:s5] =	ssyncadd.s32 $0xFFFFFF80  }
0xf2: {  	_ =	swait.ge [sflag:s5], $0x80  }
0xf3: {  	[sflag:s5] =	ssyncset.done $0x0  }
0xf4: {  	[sflag:s5] =	ssyncadd.s32 $0xFFFFFF80  }
0xf5: {  	_ =	swait.ge [sflag:s5], $0x80  }
0xf6: {  	[sflag:s5] =	ssyncset.done $0x0  }
0xf7: {  	[sflag:s5] =	ssyncadd.s32 $0xFFFFFF80  }
0xf8: {  	_ =	swait.ge [sflag:s5], $0x80  }
0xf9: {  	[sflag:s5] =	ssyncset.done $0x0  }
0xfa: {  	[sflag:s5] =	ssyncadd.s32 $0xFFFFFF80  }
0xfb: {  	_ =	swait.ge [sflag:s5], $0x80  }
0xfc: {  	[sflag:s5] =	ssyncset.done $0x0  }
0xfd: {  	[sflag:s5] =	ssyncadd.s32 $0xFFFFFF80  }
0xfe: {  	_ =	swait.ge [sflag:s5], $0x80  }
0xff: {  	[sflag:s5] =	ssyncset.done $0x0  }
0x100: {  	[sflag:s5] =	ssyncadd.s32 $0xFFFFFF80  }
0x101: {  	_ =	swait.ge [sflag:s5], $0x80  }
0x102: {  	[sflag:s5] =	ssyncset.done $0x0  }
0x103: {  	[sflag:s5] =	ssyncadd.s32 $0xFFFFFF80  }
0x104: {  	_ =	swait.ge [sflag:s5], $0x80  }
0x105: {  	s0 =	sld [smem:$0x7F2]  }
0x106: {  	[sflag:s5] =	ssyncset.done $0x0  }
0x107: {  	s1 =	sld [smem:$0x7F3];
	[sflag:s5] =	ssyncadd.s32 $0xFFFFFF80  }
0x108: {  	[tilespmem:s0], [sflag:$0x2] =	stream.indirect.gather [hbm4b:s2+s23], $0x1, s24, s23, $0xb8;
	[tilespmem:$0x2200] =	vst v63  }
0x109: {  	s0 =	sld [smem:$0x7F4]  }
0x10a: {  	[tilespmem:s1], [sflag:$0x2] =	stream.indirect.gather [hbm4b:s8+s23], $0x1, s24, s23, $0xb8;
	[tilespmem:$0x2200] =	vst v63  }
0x10b: {  	s1 =	sld [smem:$0x7F5]  }
0x10c: {  	[tilespmem:s0], [sflag:$0x2] =	stream.indirect.gather [hbm4b:s9+s23], $0x1, s24, s23, $0xb8;
	[tilespmem:$0x2200] =	vst v63  }
0x10d: {  	s0 =	sld [smem:$0x7F6]  }
0x10e: {  	[tilespmem:s1], [sflag:$0x2] =	stream.indirect.gather [hbm4b:s10+s23], $0x1, s24, s23, $0xb8;
	[tilespmem:$0x2200] =	vst v63  }
0x10f: {  	s1 =	sld [smem:$0x7F7]  }
0x110: {  	[tilespmem:s0], [sflag:$0x2] =	stream.indirect.gather [hbm4b:s11+s23], $0x1, s24, s23, $0xb8;
	[tilespmem:$0x2200] =	vst v63  }
0x111: {  	s0 =	sld [smem:$0x7F8]  }
0x112: {  	[tilespmem:s1], [sflag:$0x2] =	stream.indirect.gather [hbm4b:s12+s23], $0x1, s24, s23, $0xb8;
	[tilespmem:$0x2200] =	vst v63  }
0x113: {  	s1 =	sld [smem:$0x7F9]  }
0x114: {  	[tilespmem:s0], [sflag:$0x2] =	stream.indirect.gather [hbm4b:s13+s23], $0x1, s24, s23, $0xb8;
	[tilespmem:$0x2200] =	vst v63  }
0x115: {  	s0 =	sld [smem:$0x7FA]  }
0x116: {  	[tilespmem:s1], [sflag:$0x2] =	stream.indirect.gather [hbm4b:s14+s23], $0x1, s24, s23, $0xb8;
	[tilespmem:$0x2200] =	vst v63  }
0x117: {  	s1 =	sld [smem:$0x7FB]  }
0x118: {  	[tilespmem:s0], [sflag:$0x2] =	stream.indirect.gather [hbm4b:s15+s23], $0x1, s24, s23, $0xb8;
	[tilespmem:$0x2200] =	vst v63  }
0x119: {  	s0 =	sld [smem:$0x7FC]  }
0x11a: {  	[tilespmem:s1], [sflag:$0x2] =	stream.indirect.gather [hbm4b:s16+s23], $0x1, s24, s23, $0xb8;
	[tilespmem:$0x2200] =	vst v63  }
0x11b: {  	s1 =	sld [smem:$0x7FD]  }
0x11c: {  	[tilespmem:s0], [sflag:$0x2] =	stream.indirect.gather [hbm4b:s17+s23], $0x1, s24, s23, $0xb8;
	[tilespmem:$0x2200] =	vst v63  }
0x11d: {  	_ = 	snop  }
0x11e: {  	[tilespmem:s1], [sflag:$0x2] =	stream.indirect.gather [hbm4b:s18+s23], $0x1, s24, s23, $0xb8;
	[tilespmem:$0x2200] =	vst v63  }
0x11f: {  	s1 =	simm.s32 $0x1B80  }
0x120: {  	[tilespmem:s1], [sflag:$0x2] =	stream.indirect.gather [hbm4b:s19+s23], $0x1, s24, s23, $0xb8;
	[tilespmem:$0x2200] =	vst v63  }
0x121: {  	_ = 	snop  }
0x122: {  	[tilespmem:s28], [sflag:$0x2] =	stream.indirect.gather [hbm4b:s20+s23], $0x1, s24, s23, $0xb8;
	[tilespmem:$0x2200] =	vst v63  }
0x123: {  	_ = 	snop  }
0x124: {  	[tilespmem:s29], [sflag:$0x2] =	stream.indirect.gather [hbm4b:s21+s23], $0x1, s24, s23, $0xb8;
	[tilespmem:$0x2200] =	vst v63  }
0x125: {  	_ = 	snop  }
0x126: {  	[tilespmem:s26], [sflag:$0x2] =	stream.indirect.gather [hbm4b:s22+s23], $0x1, s24, s23, $0xb8;
	[tilespmem:$0x2200] =	vst v63  }
0x127: {  	_ =	swait.ge [sflag:s7], $0x80  }
0x128: {  	[sflag:s7] =	ssyncset.done $0x0  }
0x129: {  	[sflag:s7] =	ssyncadd.s32 $0xFFFFFF80  }
0x12a: {  	_ =	swait.ge [sflag:s7], $0x80  }
0x12b: {  	[sflag:s7] =	ssyncset.done $0x0  }
0x12c: {  	[sflag:s7] =	ssyncadd.s32 $0xFFFFFF80  }
0x12d: {  	_ =	swait.ge [sflag:s7], $0x80  }
0x12e: {  	[sflag:s7] =	ssyncset.done $0x0  }
0x12f: {  	[sflag:s7] =	ssyncadd.s32 $0xFFFFFF80  }
0x130: {  	_ =	swait.ge [sflag:s7], $0x80  }
0x131: {  	[sflag:s7] =	ssyncset.done $0x0  }
0x132: {  	[sflag:s7] =	ssyncadd.s32 $0xFFFFFF80  }
0x133: {  	_ =	swait.ge [sflag:s7], $0x80  }
0x134: {  	[sflag:s7] =	ssyncset.done $0x0  }
0x135: {  	[sflag:s7] =	ssyncadd.s32 $0xFFFFFF80  }
0x136: {  	_ =	swait.ge [sflag:s7], $0x80  }
0x137: {  	[sflag:s7] =	ssyncset.done $0x0  }
0x138: {  	[sflag:s7] =	ssyncadd.s32 $0xFFFFFF80  }
0x139: {  	_ =	swait.ge [sflag:s7], $0x80  }
0x13a: {  	[sflag:s7] =	ssyncset.done $0x0  }
0x13b: {  	[sflag:s7] =	ssyncadd.s32 $0xFFFFFF80  }
0x13c: {  	_ =	swait.ge [sflag:s7], $0x80  }
0x13d: {  	[sflag:s7] =	ssyncset.done $0x0  }
0x13e: {  	[sflag:s7] =	ssyncadd.s32 $0xFFFFFF80  }
0x13f: {  	_ =	swait.ge [sflag:s7], $0x80  }
0x140: {  	[sflag:s7] =	ssyncset.done $0x0  }
0x141: {  	[sflag:s7] =	ssyncadd.s32 $0xFFFFFF80  }
0x142: {  	_ =	swait.ge [sflag:s7], $0x80  }
0x143: {  	[sflag:s7] =	ssyncset.done $0x0  }
0x144: {  	[sflag:s7] =	ssyncadd.s32 $0xFFFFFF80  }
0x145: {  	_ =	swait.ge [sflag:s7], $0x80  }
0x146: {  	[sflag:s7] =	ssyncset.done $0x0  }
0x147: {  	[sflag:s7] =	ssyncadd.s32 $0xFFFFFF80  }
0x148: {  	_ =	swait.ge [sflag:s7], $0x80  }
0x149: {  	[sflag:s7] =	ssyncset.done $0x0  }
0x14a: {  	[sflag:s7] =	ssyncadd.s32 $0xFFFFFF80  }
0x14b: {  	_ =	swait.ge [sflag:s7], $0x80  }
0x14c: {  	[sflag:s7] =	ssyncset.done $0x0  }
0x14d: {  	[sflag:s7] =	ssyncadd.s32 $0xFFFFFF80  }
0x14e: {  	_ =	swait.ge [sflag:s7], $0x80  }
0x14f: {  	[sflag:s7] =	ssyncset.done $0x0  }
0x150: {  	[sflag:s7] =	ssyncadd.s32 $0xFFFFFF80  }
0x151: {  	_ =	swait.ge [sflag:s7], $0x80  }
0x152: {  	[sflag:s7] =	ssyncset.done $0x0  }
0x153: {  	[sflag:s7] =	ssyncadd.s32 $0xFFFFFF80  }
0x154: {  	_ =	swait.ge [sflag:s7], $0x80  }
0x155: {  	[sflag:s7] =	ssyncset.done $0x0  }
0x156: {  	[sflag:s7] =	ssyncadd.s32 $0xFFFFFF80  }
0x157: {  	_ =	swait.ge [sflag:s5], $0x80  }
0x158: {  	[sflag:s5] =	ssyncset.done $0x0  }
0x159: {  	[sflag:s5] =	ssyncadd.s32 $0xFFFFFF80  }
0x15a: {  	_ =	swait.ge [sflag:s5], $0x80  }
0x15b: {  	[sflag:s5] =	ssyncset.done $0x0  }
0x15c: {  	[sflag:s5] =	ssyncadd.s32 $0xFFFFFF80  }
0x15d: {  	_ =	swait.ge [sflag:s5], $0x80  }
0x15e: {  	[sflag:s5] =	ssyncset.done $0x0  }
0x15f: {  	[sflag:s5] =	ssyncadd.s32 $0xFFFFFF80  }
0x160: {  	_ =	swait.ge [sflag:s5], $0x80  }
0x161: {  	[sflag:s5] =	ssyncset.done $0x0  }
0x162: {  	[sflag:s5] =	ssyncadd.s32 $0xFFFFFF80  }
0x163: {  	_ =	swait.ge [sflag:s5], $0x80  }
0x164: {  	[sflag:s5] =	ssyncset.done $0x0  }
0x165: {  	[sflag:s5] =	ssyncadd.s32 $0xFFFFFF80  }
0x166: {  	_ =	swait.ge [sflag:s5], $0x80  }
0x167: {  	[sflag:s5] =	ssyncset.done $0x0  }
0x168: {  	[sflag:s5] =	ssyncadd.s32 $0xFFFFFF80  }
0x169: {  	_ =	swait.ge [sflag:s5], $0x80  }
0x16a: {  	[sflag:s5] =	ssyncset.done $0x0  }
0x16b: {  	[sflag:s5] =	ssyncadd.s32 $0xFFFFFF80  }
0x16c: {  	_ =	swait.ge [sflag:s5], $0x80  }
0x16d: {  	[sflag:s5] =	ssyncset.done $0x0  }
0x16e: {  	[sflag:s5] =	ssyncadd.s32 $0xFFFFFF80  }
0x16f: {  	_ =	swait.ge [sflag:s5], $0x80  }
0x170: {  	[sflag:s5] =	ssyncset.done $0x0  }
0x171: {  	[sflag:s5] =	ssyncadd.s32 $0xFFFFFF80  }
0x172: {  	_ =	swait.ge [sflag:s5], $0x80  }
0x173: {  	[sflag:s5] =	ssyncset.done $0x0  }
0x174: {  	[sflag:s5] =	ssyncadd.s32 $0xFFFFFF80  }
0x175: {  	_ =	swait.ge [sflag:s5], $0x80  }
0x176: {  	[sflag:s5] =	ssyncset.done $0x0  }
0x177: {  	[sflag:s5] =	ssyncadd.s32 $0xFFFFFF80  }
0x178: {  	_ =	swait.ge [sflag:s5], $0x80  }
0x179: {  	[sflag:s5] =	ssyncset.done $0x0  }
0x17a: {  	[sflag:s5] =	ssyncadd.s32 $0xFFFFFF80  }
0x17b: {  	_ =	swait.ge [sflag:s5], $0x80  }
0x17c: {  	[sflag:s5] =	ssyncset.done $0x0  }
0x17d: {  	[sflag:s5] =	ssyncadd.s32 $0xFFFFFF80  }
0x17e: {  	_ =	swait.ge [sflag:s5], $0x80  }
0x17f: {  	[sflag:s5] =	ssyncset.done $0x0  }
0x180: {  	[sflag:s5] =	ssyncadd.s32 $0xFFFFFF80  }
0x181: {  	_ =	swait.ge [sflag:s5], $0x80  }
0x182: {  	[sflag:s5] =	ssyncset.done $0x0  }
0x183: {  	[sflag:s5] =	ssyncadd.s32 $0xFFFFFF80  }
0x184: {  	p1 =	sne.s32 s6, $0x1;
	_ =	swait.ge [sflag:s5], $0x80  }
.Ltmp1:
0x185: {  	[sflag:s5] =	ssyncset.done $0x0;
	(pc) =	sbr.rel @!p1 .LBB2_3-.Ltmp1, $4  }
0x186: {  	s1 =	rddreg [dreg:$0x5];
	[sflag:s5] =	ssyncadd.s32 $0xFFFFFF80  }
0x187: {  	[hbm4b:s1+s4] =	stream.strided.scatter [tilespmem:s4], [sflag:$0x3], $0x2000, s25, s4, $0x38;
	[tilespmem:$0x2200] =	vst v63  }
0x188: {  	p0 =	por $0x1, $0x1;
	_ =	swait.ge [sflag:s3], $0x2000  }
0x189: {  	s0 =	sadd.s32 $0xFFFFFFFF, s6;
	s1 =	rddreg [dreg:$0x4];
	[sflag:s3] =	ssyncset.done $0x0  }
.LBB2_4:
0x18a: {  	[sflag:s3] =	ssyncadd.s32 $0xFFFFE000  }
0x18b: {  	[tilespmem:s30], [sflag:$0x3] =	stream.linear.gather [hbm4b:s1+s30], $0x200, $0x38;
	[tilespmem:$0x2200] =	vst v63  }
0x18c: {  	_ =	swait.ge [sflag:s3], $0x200  }
0x18d: {  	[sflag:s3] =	ssyncset.done $0x0  }
0x18e: {  	s1 =	rddreg [dreg:$0x6];
	[sflag:s3] =	ssyncadd.s32 $0xFFFFFE00  }
0x18f: {  	[tilespmem:s4], [sflag:$0x1] =	stream.indirect.gather [hbm4b:s2+s23], $0x1, s30, s23, $0xb8;
	[tilespmem:$0x2200] =	vst v63  }
0x190: {  	s6 =	rddreg [dreg:$0x7]  }
0x191: {  	[tilespmem:s1], [sflag:$0x1] =	stream.indirect.gather [hbm4b:s8+s23], $0x1, s30, s23, $0xb8;
	[tilespmem:$0x2200] =	vst v63  }
0x192: {  	s1 =	rddreg [dreg:$0x8]  }
0x193: {  	[tilespmem:s6], [sflag:$0x1] =	stream.indirect.gather [hbm4b:s9+s23], $0x1, s30, s23, $0xb8;
	[tilespmem:$0x2200] =	vst v63  }
0x194: {  	s6 =	rddreg [dreg:$0x9]  }
0x195: {  	[tilespmem:s1], [sflag:$0x1] =	stream.indirect.gather [hbm4b:s10+s23], $0x1, s30, s23, $0xb8;
	[tilespmem:$0x2200] =	vst v63  }
0x196: {  	s1 =	rddreg [dreg:$0xa]  }
0x197: {  	[tilespmem:s6], [sflag:$0x1] =	stream.indirect.gather [hbm4b:s11+s23], $0x1, s30, s23, $0xb8;
	[tilespmem:$0x2200] =	vst v63  }
0x198: {  	s6 =	rddreg [dreg:$0xb]  }
0x199: {  	[tilespmem:s1], [sflag:$0x1] =	stream.indirect.gather [hbm4b:s12+s23], $0x1, s30, s23, $0xb8;
	[tilespmem:$0x2200] =	vst v63  }
0x19a: {  	s1 =	rddreg [dreg:$0xc]  }
0x19b: {  	[tilespmem:s6], [sflag:$0x1] =	stream.indirect.gather [hbm4b:s13+s23], $0x1, s30, s23, $0xb8;
	[tilespmem:$0x2200] =	vst v63  }
0x19c: {  	s6 =	rddreg [dreg:$0xd]  }
0x19d: {  	[tilespmem:s1], [sflag:$0x1] =	stream.indirect.gather [hbm4b:s14+s23], $0x1, s30, s23, $0xb8;
	[tilespmem:$0x2200] =	vst v63  }
0x19e: {  	s1 =	rddreg [dreg:$0xe]  }
0x19f: {  	[tilespmem:s6], [sflag:$0x1] =	stream.indirect.gather [hbm4b:s15+s23], $0x1, s30, s23, $0xb8;
	[tilespmem:$0x2200] =	vst v63  }
0x1a0: {  	s6 =	rddreg [dreg:$0xf]  }
0x1a1: {  	[tilespmem:s1], [sflag:$0x1] =	stream.indirect.gather [hbm4b:s16+s23], $0x1, s30, s23, $0xb8;
	[tilespmem:$0x2200] =	vst v63  }
0x1a2: {  	s1 =	rddreg [dreg:$0x10]  }
0x1a3: {  	[tilespmem:s6], [sflag:$0x1] =	stream.indirect.gather [hbm4b:s17+s23], $0x1, s30, s23, $0xb8;
	[tilespmem:$0x2200] =	vst v63  }
0x1a4: {  	s6 =	rddreg [dreg:$0x11]  }
0x1a5: {  	[tilespmem:s1], [sflag:$0x1] =	stream.indirect.gather [hbm4b:s18+s23], $0x1, s30, s23, $0xb8;
	[tilespmem:$0x2200] =	vst v63  }
0x1a6: {  	s1 =	rddreg [dreg:$0x12]  }
0x1a7: {  	[tilespmem:s6], [sflag:$0x1] =	stream.indirect.gather [hbm4b:s19+s23], $0x1, s30, s23, $0xb8;
	[tilespmem:$0x2200] =	vst v63  }
0x1a8: {  	s6 =	rddreg [dreg:$0x13]  }
0x1a9: {  	[tilespmem:s1], [sflag:$0x1] =	stream.indirect.gather [hbm4b:s20+s23], $0x1, s30, s23, $0xb8;
	[tilespmem:$0x2200] =	vst v63  }
0x1aa: {  	s1 =	rddreg [dreg:$0x14]  }
0x1ab: {  	[tilespmem:s6], [sflag:$0x1] =	stream.indirect.gather [hbm4b:s21+s23], $0x1, s30, s23, $0xb8;
	[tilespmem:$0x2200] =	vst v63  }
0x1ac: {  	s6 =	rddreg [dreg:$0x15]  }
0x1ad: {  	[tilespmem:s1], [sflag:$0x1] =	stream.indirect.gather [hbm4b:s22+s23], $0x1, s30, s23, $0xb8;
	[tilespmem:$0x2200] =	vst v63  }
0x1ae: {  	s1 =	rddreg [dreg:$0x16]  }
0x1af: {  	[tilespmem:s6], [sflag:$0x2] =	stream.indirect.gather [hbm4b:s2+s23], $0x1, s23, s23, $0xb8;
	[tilespmem:$0x2200] =	vst v63  }
0x1b0: {  	s6 =	rddreg [dreg:$0x17]  }
0x1b1: {  	[tilespmem:s1], [sflag:$0x2] =	stream.indirect.gather [hbm4b:s8+s23], $0x1, s23, s23, $0xb8;
	[tilespmem:$0x2200] =	vst v63  }
0x1b2: {  	s1 =	rddreg [dreg:$0x18]  }
0x1b3: {  	[tilespmem:s6], [sflag:$0x2] =	stream.indirect.gather [hbm4b:s9+s23], $0x1, s23, s23, $0xb8;
	[tilespmem:$0x2200] =	vst v63  }
0x1b4: {  	s6 =	rddreg [dreg:$0x19]  }
0x1b5: {  	[tilespmem:s1], [sflag:$0x2] =	stream.indirect.gather [hbm4b:s10+s23], $0x1, s23, s23, $0xb8;
	[tilespmem:$0x2200] =	vst v63  }
0x1b6: {  	s1 =	rddreg [dreg:$0x1a]  }
0x1b7: {  	[tilespmem:s6], [sflag:$0x2] =	stream.indirect.gather [hbm4b:s11+s23], $0x1, s23, s23, $0xb8;
	[tilespmem:$0x2200] =	vst v63  }
0x1b8: {  	s6 =	rddreg [dreg:$0x1b]  }
0x1b9: {  	[tilespmem:s1], [sflag:$0x2] =	stream.indirect.gather [hbm4b:s12+s23], $0x1, s23, s23, $0xb8;
	[tilespmem:$0x2200] =	vst v63  }
0x1ba: {  	s1 =	rddreg [dreg:$0x1c]  }
0x1bb: {  	[tilespmem:s6], [sflag:$0x2] =	stream.indirect.gather [hbm4b:s13+s23], $0x1, s23, s23, $0xb8;
	[tilespmem:$0x2200] =	vst v63  }
0x1bc: {  	s6 =	rddreg [dreg:$0x1d]  }
0x1bd: {  	[tilespmem:s1], [sflag:$0x2] =	stream.indirect.gather [hbm4b:s14+s23], $0x1, s23, s23, $0xb8;
	[tilespmem:$0x2200] =	vst v63  }
0x1be: {  	s1 =	rddreg [dreg:$0x1e]  }
0x1bf: {  	[tilespmem:s6], [sflag:$0x2] =	stream.indirect.gather [hbm4b:s15+s23], $0x1, s23, s23, $0xb8;
	[tilespmem:$0x2200] =	vst v63  }
0x1c0: {  	s6 =	rddreg [dreg:$0x1f]  }
0x1c1: {  	[tilespmem:s1], [sflag:$0x2] =	stream.indirect.gather [hbm4b:s16+s23], $0x1, s23, s23, $0xb8;
	[tilespmem:$0x2200] =	vst v63  }
0x1c2: {  	s1 =	sld [smem:$0x7DD]  }
0x1c3: {  	[tilespmem:s6], [sflag:$0x2] =	stream.indirect.gather [hbm4b:s17+s23], $0x1, s23, s23, $0xb8;
	[tilespmem:$0x2200] =	vst v63  }
0x1c4: {  	s6 =	sld [smem:$0x7DE]  }
0x1c5: {  	[tilespmem:s1], [sflag:$0x2] =	stream.indirect.gather [hbm4b:s18+s23], $0x1, s23, s23, $0xb8;
	[tilespmem:$0x2200] =	vst v63  }
0x1c6: {  	s1 =	sld [smem:$0x7DF]  }
0x1c7: {  	[tilespmem:s6], [sflag:$0x2] =	stream.indirect.gather [hbm4b:s19+s23], $0x1, s23, s23, $0xb8;
	[tilespmem:$0x2200] =	vst v63  }
0x1c8: {  	s6 =	sld [smem:$0x7E0]  }
0x1c9: {  	[tilespmem:s1], [sflag:$0x2] =	stream.indirect.gather [hbm4b:s20+s23], $0x1, s23, s23, $0xb8;
	[tilespmem:$0x2200] =	vst v63  }
0x1ca: {  	s1 =	sld [smem:$0x7E1]  }
0x1cb: {  	[tilespmem:s6], [sflag:$0x2] =	stream.indirect.gather [hbm4b:s21+s23], $0x1, s23, s23, $0xb8;
	[tilespmem:$0x2200] =	vst v63  }
0x1cc: {  	_ = 	snop  }
0x1cd: {  	[tilespmem:s1], [sflag:$0x2] =	stream.indirect.gather [hbm4b:s22+s23], $0x1, s23, s23, $0xb8;
	[tilespmem:$0x2200] =	vst v63  }
0x1ce: {  	_ =	swait.ge [sflag:s7], $0x80  }
0x1cf: {  	[sflag:s7] =	ssyncset.done $0x0  }
0x1d0: {  	[sflag:s7] =	ssyncadd.s32 $0xFFFFFF80  }
0x1d1: {  	_ =	swait.ge [sflag:s7], $0x80  }
0x1d2: {  	[sflag:s7] =	ssyncset.done $0x0  }
0x1d3: {  	[sflag:s7] =	ssyncadd.s32 $0xFFFFFF80  }
0x1d4: {  	_ =	swait.ge [sflag:s7], $0x80  }
0x1d5: {  	[sflag:s7] =	ssyncset.done $0x0  }
0x1d6: {  	[sflag:s7] =	ssyncadd.s32 $0xFFFFFF80  }
0x1d7: {  	_ =	swait.ge [sflag:s7], $0x80  }
0x1d8: {  	[sflag:s7] =	ssyncset.done $0x0  }
0x1d9: {  	[sflag:s7] =	ssyncadd.s32 $0xFFFFFF80  }
0x1da: {  	_ =	swait.ge [sflag:s7], $0x80  }
0x1db: {  	[sflag:s7] =	ssyncset.done $0x0  }
0x1dc: {  	[sflag:s7] =	ssyncadd.s32 $0xFFFFFF80  }
0x1dd: {  	_ =	swait.ge [sflag:s7], $0x80  }
0x1de: {  	[sflag:s7] =	ssyncset.done $0x0  }
0x1df: {  	[sflag:s7] =	ssyncadd.s32 $0xFFFFFF80  }
0x1e0: {  	_ =	swait.ge [sflag:s7], $0x80  }
0x1e1: {  	[sflag:s7] =	ssyncset.done $0x0  }
0x1e2: {  	[sflag:s7] =	ssyncadd.s32 $0xFFFFFF80  }
0x1e3: {  	_ =	swait.ge [sflag:s7], $0x80  }
0x1e4: {  	[sflag:s7] =	ssyncset.done $0x0  }
0x1e5: {  	[sflag:s7] =	ssyncadd.s32 $0xFFFFFF80  }
0x1e6: {  	_ =	swait.ge [sflag:s7], $0x80  }
0x1e7: {  	[sflag:s7] =	ssyncset.done $0x0  }
0x1e8: {  	[sflag:s7] =	ssyncadd.s32 $0xFFFFFF80  }
0x1e9: {  	_ =	swait.ge [sflag:s7], $0x80  }
0x1ea: {  	[sflag:s7] =	ssyncset.done $0x0  }
0x1eb: {  	[sflag:s7] =	ssyncadd.s32 $0xFFFFFF80  }
0x1ec: {  	_ =	swait.ge [sflag:s7], $0x80  }
0x1ed: {  	[sflag:s7] =	ssyncset.done $0x0  }
0x1ee: {  	[sflag:s7] =	ssyncadd.s32 $0xFFFFFF80  }
0x1ef: {  	_ =	swait.ge [sflag:s7], $0x80  }
0x1f0: {  	[sflag:s7] =	ssyncset.done $0x0  }
0x1f1: {  	[sflag:s7] =	ssyncadd.s32 $0xFFFFFF80  }
0x1f2: {  	_ =	swait.ge [sflag:s7], $0x80  }
0x1f3: {  	[sflag:s7] =	ssyncset.done $0x0  }
0x1f4: {  	[sflag:s7] =	ssyncadd.s32 $0xFFFFFF80  }
0x1f5: {  	_ =	swait.ge [sflag:s7], $0x80  }
0x1f6: {  	[sflag:s7] =	ssyncset.done $0x0  }
0x1f7: {  	[sflag:s7] =	ssyncadd.s32 $0xFFFFFF80  }
0x1f8: {  	_ =	swait.ge [sflag:s7], $0x80  }
0x1f9: {  	[sflag:s7] =	ssyncset.done $0x0  }
0x1fa: {  	[sflag:s7] =	ssyncadd.s32 $0xFFFFFF80  }
0x1fb: {  	_ =	swait.ge [sflag:s7], $0x80  }
0x1fc: {  	s1 =	sld [smem:$0x7E2]  }
0x1fd: {  	[sflag:s7] =	ssyncset.done $0x0  }
0x1fe: {  	s6 =	sld [smem:$0x7E3];
	[sflag:s7] =	ssyncadd.s32 $0xFFFFFF80  }
0x1ff: {  	[tilespmem:s1], [sflag:$0x1] =	stream.indirect.gather [hbm4b:s2+s23], $0x1, s31, s23, $0xb8;
	[tilespmem:$0x2200] =	vst v63  }
0x200: {  	s1 =	sld [smem:$0x7E4]  }
0x201: {  	[tilespmem:s6], [sflag:$0x1] =	stream.indirect.gather [hbm4b:s8+s23], $0x1, s31, s23, $0xb8;
	[tilespmem:$0x2200] =	vst v63  }
0x202: {  	s6 =	sld [smem:$0x7E5]  }
0x203: {  	[tilespmem:s1], [sflag:$0x1] =	stream.indirect.gather [hbm4b:s9+s23], $0x1, s31, s23, $0xb8;
	[tilespmem:$0x2200] =	vst v63  }
0x204: {  	s1 =	sld [smem:$0x7E6]  }
0x205: {  	[tilespmem:s6], [sflag:$0x1] =	stream.indirect.gather [hbm4b:s10+s23], $0x1, s31, s23, $0xb8;
	[tilespmem:$0x2200] =	vst v63  }
0x206: {  	s6 =	sld [smem:$0x7E7]  }
0x207: {  	[tilespmem:s1], [sflag:$0x1] =	stream.indirect.gather [hbm4b:s11+s23], $0x1, s31, s23, $0xb8;
	[tilespmem:$0x2200] =	vst v63  }
0x208: {  	s1 =	sld [smem:$0x7E8]  }
0x209: {  	[tilespmem:s6], [sflag:$0x1] =	stream.indirect.gather [hbm4b:s12+s23], $0x1, s31, s23, $0xb8;
	[tilespmem:$0x2200] =	vst v63  }
0x20a: {  	s6 =	sld [smem:$0x7E9]  }
0x20b: {  	[tilespmem:s1], [sflag:$0x1] =	stream.indirect.gather [hbm4b:s13+s23], $0x1, s31, s23, $0xb8;
	[tilespmem:$0x2200] =	vst v63  }
0x20c: {  	s1 =	sld [smem:$0x7EA]  }
0x20d: {  	[tilespmem:s6], [sflag:$0x1] =	stream.indirect.gather [hbm4b:s14+s23], $0x1, s31, s23, $0xb8;
	[tilespmem:$0x2200] =	vst v63  }
0x20e: {  	s6 =	sld [smem:$0x7EB]  }
0x20f: {  	[tilespmem:s1], [sflag:$0x1] =	stream.indirect.gather [hbm4b:s15+s23], $0x1, s31, s23, $0xb8;
	[tilespmem:$0x2200] =	vst v63  }
0x210: {  	s1 =	sld [smem:$0x7EC]  }
0x211: {  	[tilespmem:s6], [sflag:$0x1] =	stream.indirect.gather [hbm4b:s16+s23], $0x1, s31, s23, $0xb8;
	[tilespmem:$0x2200] =	vst v63  }
0x212: {  	s6 =	sld [smem:$0x7ED]  }
0x213: {  	[tilespmem:s1], [sflag:$0x1] =	stream.indirect.gather [hbm4b:s17+s23], $0x1, s31, s23, $0xb8;
	[tilespmem:$0x2200] =	vst v63  }
0x214: {  	s1 =	sld [smem:$0x7EE]  }
0x215: {  	[tilespmem:s6], [sflag:$0x1] =	stream.indirect.gather [hbm4b:s18+s23], $0x1, s31, s23, $0xb8;
	[tilespmem:$0x2200] =	vst v63  }
0x216: {  	s6 =	sld [smem:$0x7EF]  }
0x217: {  	[tilespmem:s1], [sflag:$0x1] =	stream.indirect.gather [hbm4b:s19+s23], $0x1, s31, s23, $0xb8;
	[tilespmem:$0x2200] =	vst v63  }
0x218: {  	s1 =	sld [smem:$0x7F0]  }
0x219: {  	[tilespmem:s6], [sflag:$0x1] =	stream.indirect.gather [hbm4b:s20+s23], $0x1, s31, s23, $0xb8;
	[tilespmem:$0x2200] =	vst v63  }
0x21a: {  	s6 =	sld [smem:$0x7F1]  }
0x21b: {  	[tilespmem:s1], [sflag:$0x1] =	stream.indirect.gather [hbm4b:s21+s23], $0x1, s31, s23, $0xb8;
	[tilespmem:$0x2200] =	vst v63  }
0x21c: {  	_ = 	snop  }
0x21d: {  	[tilespmem:s6], [sflag:$0x1] =	stream.indirect.gather [hbm4b:s22+s23], $0x1, s31, s23, $0xb8;
	[tilespmem:$0x2200] =	vst v63  }
0x21e: {  	_ =	swait.ge [sflag:s5], $0x80  }
0x21f: {  	[sflag:s5] =	ssyncset.done $0x0  }
0x220: {  	[sflag:s5] =	ssyncadd.s32 $0xFFFFFF80  }
0x221: {  	_ =	swait.ge [sflag:s5], $0x80  }
0x222: {  	[sflag:s5] =	ssyncset.done $0x0  }
0x223: {  	[sflag:s5] =	ssyncadd.s32 $0xFFFFFF80  }
0x224: {  	_ =	swait.ge [sflag:s5], $0x80  }
0x225: {  	[sflag:s5] =	ssyncset.done $0x0  }
0x226: {  	[sflag:s5] =	ssyncadd.s32 $0xFFFFFF80  }
0x227: {  	_ =	swait.ge [sflag:s5], $0x80  }
0x228: {  	[sflag:s5] =	ssyncset.done $0x0  }
0x229: {  	[sflag:s5] =	ssyncadd.s32 $0xFFFFFF80  }
0x22a: {  	_ =	swait.ge [sflag:s5], $0x80  }
0x22b: {  	[sflag:s5] =	ssyncset.done $0x0  }
0x22c: {  	[sflag:s5] =	ssyncadd.s32 $0xFFFFFF80  }
0x22d: {  	_ =	swait.ge [sflag:s5], $0x80  }
0x22e: {  	[sflag:s5] =	ssyncset.done $0x0  }
0x22f: {  	[sflag:s5] =	ssyncadd.s32 $0xFFFFFF80  }
0x230: {  	_ =	swait.ge [sflag:s5], $0x80  }
0x231: {  	[sflag:s5] =	ssyncset.done $0x0  }
0x232: {  	[sflag:s5] =	ssyncadd.s32 $0xFFFFFF80  }
0x233: {  	_ =	swait.ge [sflag:s5], $0x80  }
0x234: {  	[sflag:s5] =	ssyncset.done $0x0  }
0x235: {  	[sflag:s5] =	ssyncadd.s32 $0xFFFFFF80  }
0x236: {  	_ =	swait.ge [sflag:s5], $0x80  }
0x237: {  	[sflag:s5] =	ssyncset.done $0x0  }
0x238: {  	[sflag:s5] =	ssyncadd.s32 $0xFFFFFF80  }
0x239: {  	_ =	swait.ge [sflag:s5], $0x80  }
0x23a: {  	[sflag:s5] =	ssyncset.done $0x0  }
0x23b: {  	[sflag:s5] =	ssyncadd.s32 $0xFFFFFF80  }
0x23c: {  	_ =	swait.ge [sflag:s5], $0x80  }
0x23d: {  	[sflag:s5] =	ssyncset.done $0x0  }
0x23e: {  	[sflag:s5] =	ssyncadd.s32 $0xFFFFFF80  }
0x23f: {  	_ =	swait.ge [sflag:s5], $0x80  }
0x240: {  	[sflag:s5] =	ssyncset.done $0x0  }
0x241: {  	[sflag:s5] =	ssyncadd.s32 $0xFFFFFF80  }
0x242: {  	_ =	swait.ge [sflag:s5], $0x80  }
0x243: {  	[sflag:s5] =	ssyncset.done $0x0  }
0x244: {  	[sflag:s5] =	ssyncadd.s32 $0xFFFFFF80  }
0x245: {  	_ =	swait.ge [sflag:s5], $0x80  }
0x246: {  	[sflag:s5] =	ssyncset.done $0x0  }
0x247: {  	[sflag:s5] =	ssyncadd.s32 $0xFFFFFF80  }
0x248: {  	_ =	swait.ge [sflag:s5], $0x80  }
0x249: {  	[sflag:s5] =	ssyncset.done $0x0  }
0x24a: {  	[sflag:s5] =	ssyncadd.s32 $0xFFFFFF80  }
0x24b: {  	_ =	swait.ge [sflag:s5], $0x80  }
0x24c: {  	s1 =	sld [smem:$0x7F2]  }
0x24d: {  	[sflag:s5] =	ssyncset.done $0x0  }
0x24e: {  	s6 =	sld [smem:$0x7F3];
	[sflag:s5] =	ssyncadd.s32 $0xFFFFFF80  }
0x24f: {  	[tilespmem:s1], [sflag:$0x2] =	stream.indirect.gather [hbm4b:s2+s23], $0x1, s24, s23, $0xb8;
	[tilespmem:$0x2200] =	vst v63  }
0x250: {  	s1 =	sld [smem:$0x7F4]  }
0x251: {  	[tilespmem:s6], [sflag:$0x2] =	stream.indirect.gather [hbm4b:s8+s23], $0x1, s24, s23, $0xb8;
	[tilespmem:$0x2200] =	vst v63  }
0x252: {  	s6 =	sld [smem:$0x7F5]  }
0x253: {  	[tilespmem:s1], [sflag:$0x2] =	stream.indirect.gather [hbm4b:s9+s23], $0x1, s24, s23, $0xb8;
	[tilespmem:$0x2200] =	vst v63  }
0x254: {  	s1 =	sld [smem:$0x7F6]  }
0x255: {  	[tilespmem:s6], [sflag:$0x2] =	stream.indirect.gather [hbm4b:s10+s23], $0x1, s24, s23, $0xb8;
	[tilespmem:$0x2200] =	vst v63  }
0x256: {  	s6 =	sld [smem:$0x7F7]  }
0x257: {  	[tilespmem:s1], [sflag:$0x2] =	stream.indirect.gather [hbm4b:s11+s23], $0x1, s24, s23, $0xb8;
	[tilespmem:$0x2200] =	vst v63  }
0x258: {  	s1 =	sld [smem:$0x7F8]  }
0x259: {  	[tilespmem:s6], [sflag:$0x2] =	stream.indirect.gather [hbm4b:s12+s23], $0x1, s24, s23, $0xb8;
	[tilespmem:$0x2200] =	vst v63  }
0x25a: {  	s6 =	sld [smem:$0x7F9]  }
0x25b: {  	[tilespmem:s1], [sflag:$0x2] =	stream.indirect.gather [hbm4b:s13+s23], $0x1, s24, s23, $0xb8;
	[tilespmem:$0x2200] =	vst v63  }
0x25c: {  	s1 =	sld [smem:$0x7FA]  }
0x25d: {  	[tilespmem:s6], [sflag:$0x2] =	stream.indirect.gather [hbm4b:s14+s23], $0x1, s24, s23, $0xb8;
	[tilespmem:$0x2200] =	vst v63  }
0x25e: {  	s6 =	sld [smem:$0x7FB]  }
0x25f: {  	[tilespmem:s1], [sflag:$0x2] =	stream.indirect.gather [hbm4b:s15+s23], $0x1, s24, s23, $0xb8;
	[tilespmem:$0x2200] =	vst v63  }
0x260: {  	s1 =	sld [smem:$0x7FC]  }
0x261: {  	[tilespmem:s6], [sflag:$0x2] =	stream.indirect.gather [hbm4b:s16+s23], $0x1, s24, s23, $0xb8;
	[tilespmem:$0x2200] =	vst v63  }
0x262: {  	s6 =	sld [smem:$0x7FD]  }
0x263: {  	[tilespmem:s1], [sflag:$0x2] =	stream.indirect.gather [hbm4b:s17+s23], $0x1, s24, s23, $0xb8;
	[tilespmem:$0x2200] =	vst v63  }
0x264: {  	_ = 	snop  }
0x265: {  	[tilespmem:s6], [sflag:$0x2] =	stream.indirect.gather [hbm4b:s18+s23], $0x1, s24, s23, $0xb8;
	[tilespmem:$0x2200] =	vst v63  }
0x266: {  	s6 =	simm.s32 $0x1B80  }
0x267: {  	[tilespmem:s6], [sflag:$0x2] =	stream.indirect.gather [hbm4b:s19+s23], $0x1, s24, s23, $0xb8;
	[tilespmem:$0x2200] =	vst v63  }
0x268: {  	_ = 	snop  }
0x269: {  	[tilespmem:s28], [sflag:$0x2] =	stream.indirect.gather [hbm4b:s20+s23], $0x1, s24, s23, $0xb8;
	[tilespmem:$0x2200] =	vst v63  }
0x26a: {  	_ = 	snop  }
0x26b: {  	[tilespmem:s29], [sflag:$0x2] =	stream.indirect.gather [hbm4b:s21+s23], $0x1, s24, s23, $0xb8;
	[tilespmem:$0x2200] =	vst v63  }
0x26c: {  	_ = 	snop  }
0x26d: {  	[tilespmem:s26], [sflag:$0x2] =	stream.indirect.gather [hbm4b:s22+s23], $0x1, s24, s23, $0xb8;
	[tilespmem:$0x2200] =	vst v63  }
0x26e: {  	_ =	swait.ge [sflag:s7], $0x80  }
0x26f: {  	[sflag:s7] =	ssyncset.done $0x0  }
0x270: {  	[sflag:s7] =	ssyncadd.s32 $0xFFFFFF80  }
0x271: {  	_ =	swait.ge [sflag:s7], $0x80  }
0x272: {  	[sflag:s7] =	ssyncset.done $0x0  }
0x273: {  	[sflag:s7] =	ssyncadd.s32 $0xFFFFFF80  }
0x274: {  	_ =	swait.ge [sflag:s7], $0x80  }
0x275: {  	[sflag:s7] =	ssyncset.done $0x0  }
0x276: {  	[sflag:s7] =	ssyncadd.s32 $0xFFFFFF80  }
0x277: {  	_ =	swait.ge [sflag:s7], $0x80  }
0x278: {  	[sflag:s7] =	ssyncset.done $0x0  }
0x279: {  	[sflag:s7] =	ssyncadd.s32 $0xFFFFFF80  }
0x27a: {  	_ =	swait.ge [sflag:s7], $0x80  }
0x27b: {  	[sflag:s7] =	ssyncset.done $0x0  }
0x27c: {  	[sflag:s7] =	ssyncadd.s32 $0xFFFFFF80  }
0x27d: {  	_ =	swait.ge [sflag:s7], $0x80  }
0x27e: {  	[sflag:s7] =	ssyncset.done $0x0  }
0x27f: {  	[sflag:s7] =	ssyncadd.s32 $0xFFFFFF80  }
0x280: {  	_ =	swait.ge [sflag:s7], $0x80  }
0x281: {  	[sflag:s7] =	ssyncset.done $0x0  }
0x282: {  	[sflag:s7] =	ssyncadd.s32 $0xFFFFFF80  }
0x283: {  	_ =	swait.ge [sflag:s7], $0x80  }
0x284: {  	[sflag:s7] =	ssyncset.done $0x0  }
0x285: {  	[sflag:s7] =	ssyncadd.s32 $0xFFFFFF80  }
0x286: {  	_ =	swait.ge [sflag:s7], $0x80  }
0x287: {  	[sflag:s7] =	ssyncset.done $0x0  }
0x288: {  	[sflag:s7] =	ssyncadd.s32 $0xFFFFFF80  }
0x289: {  	_ =	swait.ge [sflag:s7], $0x80  }
0x28a: {  	[sflag:s7] =	ssyncset.done $0x0  }
0x28b: {  	[sflag:s7] =	ssyncadd.s32 $0xFFFFFF80  }
0x28c: {  	_ =	swait.ge [sflag:s7], $0x80  }
0x28d: {  	[sflag:s7] =	ssyncset.done $0x0  }
0x28e: {  	[sflag:s7] =	ssyncadd.s32 $0xFFFFFF80  }
0x28f: {  	_ =	swait.ge [sflag:s7], $0x80  }
0x290: {  	[sflag:s7] =	ssyncset.done $0x0  }
0x291: {  	[sflag:s7] =	ssyncadd.s32 $0xFFFFFF80  }
0x292: {  	_ =	swait.ge [sflag:s7], $0x80  }
0x293: {  	[sflag:s7] =	ssyncset.done $0x0  }
0x294: {  	[sflag:s7] =	ssyncadd.s32 $0xFFFFFF80  }
0x295: {  	_ =	swait.ge [sflag:s7], $0x80  }
0x296: {  	[sflag:s7] =	ssyncset.done $0x0  }
0x297: {  	[sflag:s7] =	ssyncadd.s32 $0xFFFFFF80  }
0x298: {  	_ =	swait.ge [sflag:s7], $0x80  }
0x299: {  	[sflag:s7] =	ssyncset.done $0x0  }
0x29a: {  	[sflag:s7] =	ssyncadd.s32 $0xFFFFFF80  }
0x29b: {  	_ =	swait.ge [sflag:s7], $0x80  }
0x29c: {  	[sflag:s7] =	ssyncset.done $0x0  }
0x29d: {  	[sflag:s7] =	ssyncadd.s32 $0xFFFFFF80  }
0x29e: {  	_ =	swait.ge [sflag:s5], $0x80  }
0x29f: {  	[sflag:s5] =	ssyncset.done $0x0  }
0x2a0: {  	[sflag:s5] =	ssyncadd.s32 $0xFFFFFF80  }
0x2a1: {  	_ =	swait.ge [sflag:s5], $0x80  }
0x2a2: {  	[sflag:s5] =	ssyncset.done $0x0  }
0x2a3: {  	[sflag:s5] =	ssyncadd.s32 $0xFFFFFF80  }
0x2a4: {  	_ =	swait.ge [sflag:s5], $0x80  }
0x2a5: {  	[sflag:s5] =	ssyncset.done $0x0  }
0x2a6: {  	[sflag:s5] =	ssyncadd.s32 $0xFFFFFF80  }
0x2a7: {  	_ =	swait.ge [sflag:s5], $0x80  }
0x2a8: {  	[sflag:s5] =	ssyncset.done $0x0  }
0x2a9: {  	[sflag:s5] =	ssyncadd.s32 $0xFFFFFF80  }
0x2aa: {  	_ =	swait.ge [sflag:s5], $0x80  }
0x2ab: {  	[sflag:s5] =	ssyncset.done $0x0  }
0x2ac: {  	[sflag:s5] =	ssyncadd.s32 $0xFFFFFF80  }
0x2ad: {  	_ =	swait.ge [sflag:s5], $0x80  }
0x2ae: {  	[sflag:s5] =	ssyncset.done $0x0  }
0x2af: {  	[sflag:s5] =	ssyncadd.s32 $0xFFFFFF80  }
0x2b0: {  	_ =	swait.ge [sflag:s5], $0x80  }
0x2b1: {  	[sflag:s5] =	ssyncset.done $0x0  }
0x2b2: {  	[sflag:s5] =	ssyncadd.s32 $0xFFFFFF80  }
0x2b3: {  	_ =	swait.ge [sflag:s5], $0x80  }
0x2b4: {  	[sflag:s5] =	ssyncset.done $0x0  }
0x2b5: {  	[sflag:s5] =	ssyncadd.s32 $0xFFFFFF80  }
0x2b6: {  	_ =	swait.ge [sflag:s5], $0x80  }
0x2b7: {  	[sflag:s5] =	ssyncset.done $0x0  }
0x2b8: {  	[sflag:s5] =	ssyncadd.s32 $0xFFFFFF80  }
0x2b9: {  	_ =	swait.ge [sflag:s5], $0x80  }
0x2ba: {  	[sflag:s5] =	ssyncset.done $0x0  }
0x2bb: {  	[sflag:s5] =	ssyncadd.s32 $0xFFFFFF80  }
0x2bc: {  	_ =	swait.ge [sflag:s5], $0x80  }
0x2bd: {  	[sflag:s5] =	ssyncset.done $0x0  }
0x2be: {  	[sflag:s5] =	ssyncadd.s32 $0xFFFFFF80  }
0x2bf: {  	_ =	swait.ge [sflag:s5], $0x80  }
0x2c0: {  	[sflag:s5] =	ssyncset.done $0x0  }
0x2c1: {  	[sflag:s5] =	ssyncadd.s32 $0xFFFFFF80  }
0x2c2: {  	_ =	swait.ge [sflag:s5], $0x80  }
0x2c3: {  	[sflag:s5] =	ssyncset.done $0x0  }
0x2c4: {  	[sflag:s5] =	ssyncadd.s32 $0xFFFFFF80  }
0x2c5: {  	_ =	swait.ge [sflag:s5], $0x80  }
0x2c6: {  	[sflag:s5] =	ssyncset.done $0x0  }
0x2c7: {  	[sflag:s5] =	ssyncadd.s32 $0xFFFFFF80  }
0x2c8: {  	_ =	swait.ge [sflag:s5], $0x80  }
0x2c9: {  	[sflag:s5] =	ssyncset.done $0x0  }
0x2ca: {  	[sflag:s5] =	ssyncadd.s32 $0xFFFFFF80  }
0x2cb: {  	p1 =	sne.s32 s0, $0x1;
	_ =	swait.ge [sflag:s5], $0x80  }
.Ltmp2:
0x2cc: {  	[sflag:s5] =	ssyncset.done $0x0;
	(pc) =	sbr.rel @p1 .LBB2_4-.Ltmp2, $4  }
0x2cd: {  	s6 =	rddreg [dreg:$0x5];
	[sflag:s5] =	ssyncadd.s32 $0xFFFFFF80  }
0x2ce: {  	[hbm4b:s6+s4] =	stream.strided.scatter [tilespmem:s4], [sflag:$0x3], $0x2000, s25, s4, $0x38;
	[tilespmem:$0x2200] =	vst v63  }
0x2cf: {  	_ =	swait.ge [sflag:s3], $0x2000  }
0x2d0: {  	s0 =	sadd.s32 $0xFFFFFFFF, s0;
	s1 =	rddreg [dreg:$0x4];
	[sflag:s3] =	ssyncset.done $0x0  }
0x2d1: {  	s25 =	simm.s32 $0x2180;
	s29 =	simm.s32 $0x1F80  }
0x2d2: {  	s28 =	simm.s32 $0x1D80;
	s26 =	simm.s32 $0x1B80;
	s6 =	rddreg [dreg:$0x3]  }
.LBB2_6:
0x2d3: {  	[sflag:s3] =	ssyncadd.s32 @p0 $0xFFFFE000  }
0x2d4: {  	[tilespmem:s30], [sflag:$0x3] =	stream.linear.gather [hbm4b:s1+s30], $0x200, $0x38;
	[tilespmem:$0x2200] =	vst v63  }
0x2d5: {  	_ =	swait.ge [sflag:s3], $0x200  }
0x2d6: {  	[sflag:s3] =	ssyncset.done $0x0  }
0x2d7: {  	s0 =	rddreg [dreg:$0x6];
	[sflag:s3] =	ssyncadd.s32 $0xFFFFFE00  }
0x2d8: {  	[tilespmem:s4], [sflag:$0x1] =	stream.indirect.gather [hbm4b:s2+s23], $0x1, s30, s23, $0xb8;
	[tilespmem:$0x2200] =	vst v63  }
0x2d9: {  	s1 =	rddreg [dreg:$0x7]  }
0x2da: {  	[tilespmem:s0], [sflag:$0x1] =	stream.indirect.gather [hbm4b:s8+s23], $0x1, s30, s23, $0xb8;
	[tilespmem:$0x2200] =	vst v63  }
0x2db: {  	s0 =	rddreg [dreg:$0x8]  }
0x2dc: {  	[tilespmem:s1], [sflag:$0x1] =	stream.indirect.gather [hbm4b:s9+s23], $0x1, s30, s23, $0xb8;
	[tilespmem:$0x2200] =	vst v63  }
0x2dd: {  	s1 =	rddreg [dreg:$0x9]  }
0x2de: {  	[tilespmem:s0], [sflag:$0x1] =	stream.indirect.gather [hbm4b:s10+s23], $0x1, s30, s23, $0xb8;
	[tilespmem:$0x2200] =	vst v63  }
0x2df: {  	s0 =	rddreg [dreg:$0xa]  }
0x2e0: {  	[tilespmem:s1], [sflag:$0x1] =	stream.indirect.gather [hbm4b:s11+s23], $0x1, s30, s23, $0xb8;
	[tilespmem:$0x2200] =	vst v63  }
0x2e1: {  	s1 =	rddreg [dreg:$0xb]  }
0x2e2: {  	[tilespmem:s0], [sflag:$0x1] =	stream.indirect.gather [hbm4b:s12+s23], $0x1, s30, s23, $0xb8;
	[tilespmem:$0x2200] =	vst v63  }
0x2e3: {  	s0 =	rddreg [dreg:$0xc]  }
0x2e4: {  	[tilespmem:s1], [sflag:$0x1] =	stream.indirect.gather [hbm4b:s13+s23], $0x1, s30, s23, $0xb8;
	[tilespmem:$0x2200] =	vst v63  }
0x2e5: {  	s1 =	rddreg [dreg:$0xd]  }
0x2e6: {  	[tilespmem:s0], [sflag:$0x1] =	stream.indirect.gather [hbm4b:s14+s23], $0x1, s30, s23, $0xb8;
	[tilespmem:$0x2200] =	vst v63  }
0x2e7: {  	s0 =	rddreg [dreg:$0xe]  }
0x2e8: {  	[tilespmem:s1], [sflag:$0x1] =	stream.indirect.gather [hbm4b:s15+s23], $0x1, s30, s23, $0xb8;
	[tilespmem:$0x2200] =	vst v63  }
0x2e9: {  	s1 =	rddreg [dreg:$0xf]  }
0x2ea: {  	[tilespmem:s0], [sflag:$0x1] =	stream.indirect.gather [hbm4b:s16+s23], $0x1, s30, s23, $0xb8;
	[tilespmem:$0x2200] =	vst v63  }
0x2eb: {  	s0 =	rddreg [dreg:$0x10]  }
0x2ec: {  	[tilespmem:s1], [sflag:$0x1] =	stream.indirect.gather [hbm4b:s17+s23], $0x1, s30, s23, $0xb8;
	[tilespmem:$0x2200] =	vst v63  }
0x2ed: {  	s1 =	rddreg [dreg:$0x11]  }
0x2ee: {  	[tilespmem:s0], [sflag:$0x1] =	stream.indirect.gather [hbm4b:s18+s23], $0x1, s30, s23, $0xb8;
	[tilespmem:$0x2200] =	vst v63  }
0x2ef: {  	s0 =	rddreg [dreg:$0x12]  }
0x2f0: {  	[tilespmem:s1], [sflag:$0x1] =	stream.indirect.gather [hbm4b:s19+s23], $0x1, s30, s23, $0xb8;
	[tilespmem:$0x2200] =	vst v63  }
0x2f1: {  	s1 =	rddreg [dreg:$0x13]  }
0x2f2: {  	[tilespmem:s0], [sflag:$0x1] =	stream.indirect.gather [hbm4b:s20+s23], $0x1, s30, s23, $0xb8;
	[tilespmem:$0x2200] =	vst v63  }
0x2f3: {  	s0 =	rddreg [dreg:$0x14]  }
0x2f4: {  	[tilespmem:s1], [sflag:$0x1] =	stream.indirect.gather [hbm4b:s21+s23], $0x1, s30, s23, $0xb8;
	[tilespmem:$0x2200] =	vst v63  }
0x2f5: {  	s1 =	rddreg [dreg:$0x15]  }
0x2f6: {  	[tilespmem:s0], [sflag:$0x1] =	stream.indirect.gather [hbm4b:s22+s23], $0x1, s30, s23, $0xb8;
	[tilespmem:$0x2200] =	vst v63  }
0x2f7: {  	s30 =	rddreg [dreg:$0x16]  }
0x2f8: {  	[tilespmem:s1], [sflag:$0x2] =	stream.indirect.gather [hbm4b:s2+s23], $0x1, s23, s23, $0xb8;
	[tilespmem:$0x2200] =	vst v63  }
0x2f9: {  	s1 =	rddreg [dreg:$0x17]  }
0x2fa: {  	[tilespmem:s30], [sflag:$0x2] =	stream.indirect.gather [hbm4b:s8+s23], $0x1, s23, s23, $0xb8;
	[tilespmem:$0x2200] =	vst v63  }
0x2fb: {  	s30 =	rddreg [dreg:$0x18]  }
0x2fc: {  	[tilespmem:s1], [sflag:$0x2] =	stream.indirect.gather [hbm4b:s9+s23], $0x1, s23, s23, $0xb8;
	[tilespmem:$0x2200] =	vst v63  }
0x2fd: {  	s1 =	rddreg [dreg:$0x19]  }
0x2fe: {  	[tilespmem:s30], [sflag:$0x2] =	stream.indirect.gather [hbm4b:s10+s23], $0x1, s23, s23, $0xb8;
	[tilespmem:$0x2200] =	vst v63  }
0x2ff: {  	s30 =	rddreg [dreg:$0x1a]  }
0x300: {  	[tilespmem:s1], [sflag:$0x2] =	stream.indirect.gather [hbm4b:s11+s23], $0x1, s23, s23, $0xb8;
	[tilespmem:$0x2200] =	vst v63  }
0x301: {  	s1 =	rddreg [dreg:$0x1b]  }
0x302: {  	[tilespmem:s30], [sflag:$0x2] =	stream.indirect.gather [hbm4b:s12+s23], $0x1, s23, s23, $0xb8;
	[tilespmem:$0x2200] =	vst v63  }
0x303: {  	s30 =	rddreg [dreg:$0x1c]  }
0x304: {  	[tilespmem:s1], [sflag:$0x2] =	stream.indirect.gather [hbm4b:s13+s23], $0x1, s23, s23, $0xb8;
	[tilespmem:$0x2200] =	vst v63  }
0x305: {  	s1 =	rddreg [dreg:$0x1d]  }
0x306: {  	[tilespmem:s30], [sflag:$0x2] =	stream.indirect.gather [hbm4b:s14+s23], $0x1, s23, s23, $0xb8;
	[tilespmem:$0x2200] =	vst v63  }
0x307: {  	s30 =	rddreg [dreg:$0x1e]  }
0x308: {  	[tilespmem:s1], [sflag:$0x2] =	stream.indirect.gather [hbm4b:s15+s23], $0x1, s23, s23, $0xb8;
	[tilespmem:$0x2200] =	vst v63  }
0x309: {  	s1 =	rddreg [dreg:$0x1f]  }
0x30a: {  	[tilespmem:s30], [sflag:$0x2] =	stream.indirect.gather [hbm4b:s16+s23], $0x1, s23, s23, $0xb8;
	[tilespmem:$0x2200] =	vst v63  }
0x30b: {  	s30 =	sld [smem:$0x7DD]  }
0x30c: {  	[tilespmem:s1], [sflag:$0x2] =	stream.indirect.gather [hbm4b:s17+s23], $0x1, s23, s23, $0xb8;
	[tilespmem:$0x2200] =	vst v63  }
0x30d: {  	s1 =	sld [smem:$0x7DE]  }
0x30e: {  	[tilespmem:s30], [sflag:$0x2] =	stream.indirect.gather [hbm4b:s18+s23], $0x1, s23, s23, $0xb8;
	[tilespmem:$0x2200] =	vst v63  }
0x30f: {  	s30 =	sld [smem:$0x7DF]  }
0x310: {  	[tilespmem:s1], [sflag:$0x2] =	stream.indirect.gather [hbm4b:s19+s23], $0x1, s23, s23, $0xb8;
	[tilespmem:$0x2200] =	vst v63  }
0x311: {  	s1 =	sld [smem:$0x7E0]  }
0x312: {  	[tilespmem:s30], [sflag:$0x2] =	stream.indirect.gather [hbm4b:s20+s23], $0x1, s23, s23, $0xb8;
	[tilespmem:$0x2200] =	vst v63  }
0x313: {  	s30 =	sld [smem:$0x7E1]  }
0x314: {  	[tilespmem:s1], [sflag:$0x2] =	stream.indirect.gather [hbm4b:s21+s23], $0x1, s23, s23, $0xb8;
	[tilespmem:$0x2200] =	vst v63  }
0x315: {  	_ = 	snop  }
0x316: {  	[tilespmem:s30], [sflag:$0x2] =	stream.indirect.gather [hbm4b:s22+s23], $0x1, s23, s23, $0xb8;
	[tilespmem:$0x2200] =	vst v63  }
0x317: {  	_ =	swait.ge [sflag:s7], $0x80  }
0x318: {  	[sflag:s7] =	ssyncset.done $0x0  }
0x319: {  	[sflag:s7] =	ssyncadd.s32 $0xFFFFFF80  }
0x31a: {  	_ =	swait.ge [sflag:s7], $0x80  }
0x31b: {  	[sflag:s7] =	ssyncset.done $0x0  }
0x31c: {  	[sflag:s7] =	ssyncadd.s32 $0xFFFFFF80  }
0x31d: {  	_ =	swait.ge [sflag:s7], $0x80  }
0x31e: {  	[sflag:s7] =	ssyncset.done $0x0  }
0x31f: {  	[sflag:s7] =	ssyncadd.s32 $0xFFFFFF80  }
0x320: {  	_ =	swait.ge [sflag:s7], $0x80  }
0x321: {  	[sflag:s7] =	ssyncset.done $0x0  }
0x322: {  	[sflag:s7] =	ssyncadd.s32 $0xFFFFFF80  }
0x323: {  	_ =	swait.ge [sflag:s7], $0x80  }
0x324: {  	[sflag:s7] =	ssyncset.done $0x0  }
0x325: {  	[sflag:s7] =	ssyncadd.s32 $0xFFFFFF80  }
0x326: {  	_ =	swait.ge [sflag:s7], $0x80  }
0x327: {  	[sflag:s7] =	ssyncset.done $0x0  }
0x328: {  	[sflag:s7] =	ssyncadd.s32 $0xFFFFFF80  }
0x329: {  	_ =	swait.ge [sflag:s7], $0x80  }
0x32a: {  	[sflag:s7] =	ssyncset.done $0x0  }
0x32b: {  	[sflag:s7] =	ssyncadd.s32 $0xFFFFFF80  }
0x32c: {  	_ =	swait.ge [sflag:s7], $0x80  }
0x32d: {  	[sflag:s7] =	ssyncset.done $0x0  }
0x32e: {  	[sflag:s7] =	ssyncadd.s32 $0xFFFFFF80  }
0x32f: {  	_ =	swait.ge [sflag:s7], $0x80  }
0x330: {  	[sflag:s7] =	ssyncset.done $0x0  }
0x331: {  	[sflag:s7] =	ssyncadd.s32 $0xFFFFFF80  }
0x332: {  	_ =	swait.ge [sflag:s7], $0x80  }
0x333: {  	[sflag:s7] =	ssyncset.done $0x0  }
0x334: {  	[sflag:s7] =	ssyncadd.s32 $0xFFFFFF80  }
0x335: {  	_ =	swait.ge [sflag:s7], $0x80  }
0x336: {  	[sflag:s7] =	ssyncset.done $0x0  }
0x337: {  	[sflag:s7] =	ssyncadd.s32 $0xFFFFFF80  }
0x338: {  	_ =	swait.ge [sflag:s7], $0x80  }
0x339: {  	[sflag:s7] =	ssyncset.done $0x0  }
0x33a: {  	[sflag:s7] =	ssyncadd.s32 $0xFFFFFF80  }
0x33b: {  	_ =	swait.ge [sflag:s7], $0x80  }
0x33c: {  	[sflag:s7] =	ssyncset.done $0x0  }
0x33d: {  	[sflag:s7] =	ssyncadd.s32 $0xFFFFFF80  }
0x33e: {  	_ =	swait.ge [sflag:s7], $0x80  }
0x33f: {  	[sflag:s7] =	ssyncset.done $0x0  }
0x340: {  	[sflag:s7] =	ssyncadd.s32 $0xFFFFFF80  }
0x341: {  	_ =	swait.ge [sflag:s7], $0x80  }
0x342: {  	[sflag:s7] =	ssyncset.done $0x0  }
0x343: {  	[sflag:s7] =	ssyncadd.s32 $0xFFFFFF80  }
0x344: {  	_ =	swait.ge [sflag:s7], $0x80  }
0x345: {  	s1 =	sld [smem:$0x7E2]  }
0x346: {  	[sflag:s7] =	ssyncset.done $0x0  }
0x347: {  	s30 =	sld [smem:$0x7E3];
	[sflag:s7] =	ssyncadd.s32 $0xFFFFFF80  }
0x348: {  	[tilespmem:s1], [sflag:$0x1] =	stream.indirect.gather [hbm4b:s2+s23], $0x1, s31, s23, $0xb8;
	[tilespmem:$0x2200] =	vst v63  }
0x349: {  	s0 =	sld [smem:$0x7E4]  }
0x34a: {  	[tilespmem:s30], [sflag:$0x1] =	stream.indirect.gather [hbm4b:s8+s23], $0x1, s31, s23, $0xb8;
	[tilespmem:$0x2200] =	vst v63  }
0x34b: {  	s30 =	sld [smem:$0x7E5]  }
0x34c: {  	[tilespmem:s0], [sflag:$0x1] =	stream.indirect.gather [hbm4b:s9+s23], $0x1, s31, s23, $0xb8;
	[tilespmem:$0x2200] =	vst v63  }
0x34d: {  	s0 =	sld [smem:$0x7E6]  }
0x34e: {  	[tilespmem:s30], [sflag:$0x1] =	stream.indirect.gather [hbm4b:s10+s23], $0x1, s31, s23, $0xb8;
	[tilespmem:$0x2200] =	vst v63  }
0x34f: {  	s30 =	sld [smem:$0x7E7]  }
0x350: {  	[tilespmem:s0], [sflag:$0x1] =	stream.indirect.gather [hbm4b:s11+s23], $0x1, s31, s23, $0xb8;
	[tilespmem:$0x2200] =	vst v63  }
0x351: {  	s0 =	sld [smem:$0x7E8]  }
0x352: {  	[tilespmem:s30], [sflag:$0x1] =	stream.indirect.gather [hbm4b:s12+s23], $0x1, s31, s23, $0xb8;
	[tilespmem:$0x2200] =	vst v63  }
0x353: {  	s30 =	sld [smem:$0x7E9]  }
0x354: {  	[tilespmem:s0], [sflag:$0x1] =	stream.indirect.gather [hbm4b:s13+s23], $0x1, s31, s23, $0xb8;
	[tilespmem:$0x2200] =	vst v63  }
0x355: {  	s0 =	sld [smem:$0x7EA]  }
0x356: {  	[tilespmem:s30], [sflag:$0x1] =	stream.indirect.gather [hbm4b:s14+s23], $0x1, s31, s23, $0xb8;
	[tilespmem:$0x2200] =	vst v63  }
0x357: {  	s30 =	sld [smem:$0x7EB]  }
0x358: {  	[tilespmem:s0], [sflag:$0x1] =	stream.indirect.gather [hbm4b:s15+s23], $0x1, s31, s23, $0xb8;
	[tilespmem:$0x2200] =	vst v63  }
0x359: {  	s0 =	sld [smem:$0x7EC]  }
0x35a: {  	[tilespmem:s30], [sflag:$0x1] =	stream.indirect.gather [hbm4b:s16+s23], $0x1, s31, s23, $0xb8;
	[tilespmem:$0x2200] =	vst v63  }
0x35b: {  	s30 =	sld [smem:$0x7ED]  }
0x35c: {  	[tilespmem:s0], [sflag:$0x1] =	stream.indirect.gather [hbm4b:s17+s23], $0x1, s31, s23, $0xb8;
	[tilespmem:$0x2200] =	vst v63  }
0x35d: {  	s0 =	sld [smem:$0x7EE]  }
0x35e: {  	[tilespmem:s30], [sflag:$0x1] =	stream.indirect.gather [hbm4b:s18+s23], $0x1, s31, s23, $0xb8;
	[tilespmem:$0x2200] =	vst v63  }
0x35f: {  	s30 =	sld [smem:$0x7EF]  }
0x360: {  	[tilespmem:s0], [sflag:$0x1] =	stream.indirect.gather [hbm4b:s19+s23], $0x1, s31, s23, $0xb8;
	[tilespmem:$0x2200] =	vst v63  }
0x361: {  	s0 =	sld [smem:$0x7F0]  }
0x362: {  	[tilespmem:s30], [sflag:$0x1] =	stream.indirect.gather [hbm4b:s20+s23], $0x1, s31, s23, $0xb8;
	[tilespmem:$0x2200] =	vst v63  }
0x363: {  	s30 =	sld [smem:$0x7F1]  }
0x364: {  	[tilespmem:s0], [sflag:$0x1] =	stream.indirect.gather [hbm4b:s21+s23], $0x1, s31, s23, $0xb8;
	[tilespmem:$0x2200] =	vst v63  }
0x365: {  	_ = 	snop  }
0x366: {  	[tilespmem:s30], [sflag:$0x1] =	stream.indirect.gather [hbm4b:s22+s23], $0x1, s31, s23, $0xb8;
	[tilespmem:$0x2200] =	vst v63  }
0x367: {  	_ =	swait.ge [sflag:s5], $0x80  }
0x368: {  	[sflag:s5] =	ssyncset.done $0x0  }
0x369: {  	[sflag:s5] =	ssyncadd.s32 $0xFFFFFF80  }
0x36a: {  	_ =	swait.ge [sflag:s5], $0x80  }
0x36b: {  	[sflag:s5] =	ssyncset.done $0x0  }
0x36c: {  	[sflag:s5] =	ssyncadd.s32 $0xFFFFFF80  }
0x36d: {  	_ =	swait.ge [sflag:s5], $0x80  }
0x36e: {  	[sflag:s5] =	ssyncset.done $0x0  }
0x36f: {  	[sflag:s5] =	ssyncadd.s32 $0xFFFFFF80  }
0x370: {  	_ =	swait.ge [sflag:s5], $0x80  }
0x371: {  	[sflag:s5] =	ssyncset.done $0x0  }
0x372: {  	[sflag:s5] =	ssyncadd.s32 $0xFFFFFF80  }
0x373: {  	_ =	swait.ge [sflag:s5], $0x80  }
0x374: {  	[sflag:s5] =	ssyncset.done $0x0  }
0x375: {  	[sflag:s5] =	ssyncadd.s32 $0xFFFFFF80  }
0x376: {  	_ =	swait.ge [sflag:s5], $0x80  }
0x377: {  	[sflag:s5] =	ssyncset.done $0x0  }
0x378: {  	[sflag:s5] =	ssyncadd.s32 $0xFFFFFF80  }
0x379: {  	_ =	swait.ge [sflag:s5], $0x80  }
0x37a: {  	[sflag:s5] =	ssyncset.done $0x0  }
0x37b: {  	[sflag:s5] =	ssyncadd.s32 $0xFFFFFF80  }
0x37c: {  	_ =	swait.ge [sflag:s5], $0x80  }
0x37d: {  	[sflag:s5] =	ssyncset.done $0x0  }
0x37e: {  	[sflag:s5] =	ssyncadd.s32 $0xFFFFFF80  }
0x37f: {  	_ =	swait.ge [sflag:s5], $0x80  }
0x380: {  	[sflag:s5] =	ssyncset.done $0x0  }
0x381: {  	[sflag:s5] =	ssyncadd.s32 $0xFFFFFF80  }
0x382: {  	_ =	swait.ge [sflag:s5], $0x80  }
0x383: {  	[sflag:s5] =	ssyncset.done $0x0  }
0x384: {  	[sflag:s5] =	ssyncadd.s32 $0xFFFFFF80  }
0x385: {  	_ =	swait.ge [sflag:s5], $0x80  }
0x386: {  	[sflag:s5] =	ssyncset.done $0x0  }
0x387: {  	[sflag:s5] =	ssyncadd.s32 $0xFFFFFF80  }
0x388: {  	_ =	swait.ge [sflag:s5], $0x80  }
0x389: {  	[sflag:s5] =	ssyncset.done $0x0  }
0x38a: {  	[sflag:s5] =	ssyncadd.s32 $0xFFFFFF80  }
0x38b: {  	_ =	swait.ge [sflag:s5], $0x80  }
0x38c: {  	[sflag:s5] =	ssyncset.done $0x0  }
0x38d: {  	[sflag:s5] =	ssyncadd.s32 $0xFFFFFF80  }
0x38e: {  	_ =	swait.ge [sflag:s5], $0x80  }
0x38f: {  	[sflag:s5] =	ssyncset.done $0x0  }
0x390: {  	[sflag:s5] =	ssyncadd.s32 $0xFFFFFF80  }
0x391: {  	_ =	swait.ge [sflag:s5], $0x80  }
0x392: {  	[sflag:s5] =	ssyncset.done $0x0  }
0x393: {  	[sflag:s5] =	ssyncadd.s32 $0xFFFFFF80  }
0x394: {  	_ =	swait.ge [sflag:s5], $0x80  }
0x395: {  	s30 =	sld [smem:$0x7F2]  }
0x396: {  	[sflag:s5] =	ssyncset.done $0x0  }
0x397: {  	s31 =	sld [smem:$0x7F3];
	[sflag:s5] =	ssyncadd.s32 $0xFFFFFF80  }
0x398: {  	[tilespmem:s30], [sflag:$0x2] =	stream.indirect.gather [hbm4b:s2+s23], $0x1, s24, s23, $0xb8;
	[tilespmem:$0x2200] =	vst v63  }
0x399: {  	s2 =	sld [smem:$0x7F4]  }
0x39a: {  	[tilespmem:s31], [sflag:$0x2] =	stream.indirect.gather [hbm4b:s8+s23], $0x1, s24, s23, $0xb8;
	[tilespmem:$0x2200] =	vst v63  }
0x39b: {  	s8 =	sld [smem:$0x7F5]  }
0x39c: {  	[tilespmem:s2], [sflag:$0x2] =	stream.indirect.gather [hbm4b:s9+s23], $0x1, s24, s23, $0xb8;
	[tilespmem:$0x2200] =	vst v63  }
0x39d: {  	s9 =	sld [smem:$0x7F6]  }
0x39e: {  	[tilespmem:s8], [sflag:$0x2] =	stream.indirect.gather [hbm4b:s10+s23], $0x1, s24, s23, $0xb8;
	[tilespmem:$0x2200] =	vst v63  }
0x39f: {  	s10 =	sld [smem:$0x7F7]  }
0x3a0: {  	[tilespmem:s9], [sflag:$0x2] =	stream.indirect.gather [hbm4b:s11+s23], $0x1, s24, s23, $0xb8;
	[tilespmem:$0x2200] =	vst v63  }
0x3a1: {  	s11 =	sld [smem:$0x7F8]  }
0x3a2: {  	[tilespmem:s10], [sflag:$0x2] =	stream.indirect.gather [hbm4b:s12+s23], $0x1, s24, s23, $0xb8;
	[tilespmem:$0x2200] =	vst v63  }
0x3a3: {  	s12 =	sld [smem:$0x7F9]  }
0x3a4: {  	[tilespmem:s11], [sflag:$0x2] =	stream.indirect.gather [hbm4b:s13+s23], $0x1, s24, s23, $0xb8;
	[tilespmem:$0x2200] =	vst v63  }
0x3a5: {  	s13 =	sld [smem:$0x7FA]  }
0x3a6: {  	[tilespmem:s12], [sflag:$0x2] =	stream.indirect.gather [hbm4b:s14+s23], $0x1, s24, s23, $0xb8;
	[tilespmem:$0x2200] =	vst v63  }
0x3a7: {  	s14 =	sld [smem:$0x7FB]  }
0x3a8: {  	[tilespmem:s13], [sflag:$0x2] =	stream.indirect.gather [hbm4b:s15+s23], $0x1, s24, s23, $0xb8;
	[tilespmem:$0x2200] =	vst v63  }
0x3a9: {  	s15 =	sld [smem:$0x7FC]  }
0x3aa: {  	[tilespmem:s14], [sflag:$0x2] =	stream.indirect.gather [hbm4b:s16+s23], $0x1, s24, s23, $0xb8;
	[tilespmem:$0x2200] =	vst v63  }
0x3ab: {  	s16 =	sld [smem:$0x7FD]  }
0x3ac: {  	[tilespmem:s15], [sflag:$0x2] =	stream.indirect.gather [hbm4b:s17+s23], $0x1, s24, s23, $0xb8;
	[tilespmem:$0x2200] =	vst v63  }
0x3ad: {  	_ = 	snop  }
0x3ae: {  	[tilespmem:s16], [sflag:$0x2] =	stream.indirect.gather [hbm4b:s18+s23], $0x1, s24, s23, $0xb8;
	[tilespmem:$0x2200] =	vst v63  }
0x3af: {  	_ = 	snop  }
0x3b0: {  	[tilespmem:s26], [sflag:$0x2] =	stream.indirect.gather [hbm4b:s19+s23], $0x1, s24, s23, $0xb8;
	[tilespmem:$0x2200] =	vst v63  }
0x3b1: {  	_ = 	snop  }
0x3b2: {  	[tilespmem:s28], [sflag:$0x2] =	stream.indirect.gather [hbm4b:s20+s23], $0x1, s24, s23, $0xb8;
	[tilespmem:$0x2200] =	vst v63  }
0x3b3: {  	_ = 	snop  }
0x3b4: {  	[tilespmem:s29], [sflag:$0x2] =	stream.indirect.gather [hbm4b:s21+s23], $0x1, s24, s23, $0xb8;
	[tilespmem:$0x2200] =	vst v63  }
0x3b5: {  	_ = 	snop  }
0x3b6: {  	[tilespmem:s25], [sflag:$0x2] =	stream.indirect.gather [hbm4b:s22+s23], $0x1, s24, s23, $0xb8;
	[tilespmem:$0x2200] =	vst v63  }
0x3b7: {  	_ =	swait.ge [sflag:s7], $0x80  }
0x3b8: {  	[sflag:s7] =	ssyncset.done $0x0  }
0x3b9: {  	[sflag:s7] =	ssyncadd.s32 $0xFFFFFF80  }
0x3ba: {  	_ =	swait.ge [sflag:s7], $0x80  }
0x3bb: {  	[sflag:s7] =	ssyncset.done $0x0  }
0x3bc: {  	[sflag:s7] =	ssyncadd.s32 $0xFFFFFF80  }
0x3bd: {  	_ =	swait.ge [sflag:s7], $0x80  }
0x3be: {  	[sflag:s7] =	ssyncset.done $0x0  }
0x3bf: {  	[sflag:s7] =	ssyncadd.s32 $0xFFFFFF80  }
0x3c0: {  	_ =	swait.ge [sflag:s7], $0x80  }
0x3c1: {  	[sflag:s7] =	ssyncset.done $0x0  }
0x3c2: {  	[sflag:s7] =	ssyncadd.s32 $0xFFFFFF80  }
0x3c3: {  	_ =	swait.ge [sflag:s7], $0x80  }
0x3c4: {  	[sflag:s7] =	ssyncset.done $0x0  }
0x3c5: {  	[sflag:s7] =	ssyncadd.s32 $0xFFFFFF80  }
0x3c6: {  	_ =	swait.ge [sflag:s7], $0x80  }
0x3c7: {  	[sflag:s7] =	ssyncset.done $0x0  }
0x3c8: {  	[sflag:s7] =	ssyncadd.s32 $0xFFFFFF80  }
0x3c9: {  	_ =	swait.ge [sflag:s7], $0x80  }
0x3ca: {  	[sflag:s7] =	ssyncset.done $0x0  }
0x3cb: {  	[sflag:s7] =	ssyncadd.s32 $0xFFFFFF80  }
0x3cc: {  	_ =	swait.ge [sflag:s7], $0x80  }
0x3cd: {  	[sflag:s7] =	ssyncset.done $0x0  }
0x3ce: {  	[sflag:s7] =	ssyncadd.s32 $0xFFFFFF80  }
0x3cf: {  	_ =	swait.ge [sflag:s7], $0x80  }
0x3d0: {  	[sflag:s7] =	ssyncset.done $0x0  }
0x3d1: {  	[sflag:s7] =	ssyncadd.s32 $0xFFFFFF80  }
0x3d2: {  	_ =	swait.ge [sflag:s7], $0x80  }
0x3d3: {  	[sflag:s7] =	ssyncset.done $0x0  }
0x3d4: {  	[sflag:s7] =	ssyncadd.s32 $0xFFFFFF80  }
0x3d5: {  	_ =	swait.ge [sflag:s7], $0x80  }
0x3d6: {  	[sflag:s7] =	ssyncset.done $0x0  }
0x3d7: {  	[sflag:s7] =	ssyncadd.s32 $0xFFFFFF80  }
0x3d8: {  	_ =	swait.ge [sflag:s7], $0x80  }
0x3d9: {  	[sflag:s7] =	ssyncset.done $0x0  }
0x3da: {  	[sflag:s7] =	ssyncadd.s32 $0xFFFFFF80  }
0x3db: {  	_ =	swait.ge [sflag:s7], $0x80  }
0x3dc: {  	[sflag:s7] =	ssyncset.done $0x0  }
0x3dd: {  	[sflag:s7] =	ssyncadd.s32 $0xFFFFFF80  }
0x3de: {  	_ =	swait.ge [sflag:s7], $0x80  }
0x3df: {  	[sflag:s7] =	ssyncset.done $0x0  }
0x3e0: {  	[sflag:s7] =	ssyncadd.s32 $0xFFFFFF80  }
0x3e1: {  	_ =	swait.ge [sflag:s7], $0x80  }
0x3e2: {  	[sflag:s7] =	ssyncset.done $0x0  }
0x3e3: {  	[sflag:s7] =	ssyncadd.s32 $0xFFFFFF80  }
0x3e4: {  	_ =	swait.ge [sflag:s7], $0x80  }
0x3e5: {  	[sflag:s7] =	ssyncset.done $0x0  }
0x3e6: {  	[sflag:s7] =	ssyncadd.s32 $0xFFFFFF80  }
0x3e7: {  	_ =	swait.ge [sflag:s5], $0x80  }
0x3e8: {  	[sflag:s5] =	ssyncset.done $0x0  }
0x3e9: {  	[sflag:s5] =	ssyncadd.s32 $0xFFFFFF80  }
0x3ea: {  	_ =	swait.ge [sflag:s5], $0x80  }
0x3eb: {  	[sflag:s5] =	ssyncset.done $0x0  }
0x3ec: {  	[sflag:s5] =	ssyncadd.s32 $0xFFFFFF80  }
0x3ed: {  	_ =	swait.ge [sflag:s5], $0x80  }
0x3ee: {  	[sflag:s5] =	ssyncset.done $0x0  }
0x3ef: {  	[sflag:s5] =	ssyncadd.s32 $0xFFFFFF80  }
0x3f0: {  	_ =	swait.ge [sflag:s5], $0x80  }
0x3f1: {  	[sflag:s5] =	ssyncset.done $0x0  }
0x3f2: {  	[sflag:s5] =	ssyncadd.s32 $0xFFFFFF80  }
0x3f3: {  	_ =	swait.ge [sflag:s5], $0x80  }
0x3f4: {  	[sflag:s5] =	ssyncset.done $0x0  }
0x3f5: {  	[sflag:s5] =	ssyncadd.s32 $0xFFFFFF80  }
0x3f6: {  	_ =	swait.ge [sflag:s5], $0x80  }
0x3f7: {  	[sflag:s5] =	ssyncset.done $0x0  }
0x3f8: {  	[sflag:s5] =	ssyncadd.s32 $0xFFFFFF80  }
0x3f9: {  	_ =	swait.ge [sflag:s5], $0x80  }
0x3fa: {  	[sflag:s5] =	ssyncset.done $0x0  }
0x3fb: {  	[sflag:s5] =	ssyncadd.s32 $0xFFFFFF80  }
0x3fc: {  	_ =	swait.ge [sflag:s5], $0x80  }
0x3fd: {  	[sflag:s5] =	ssyncset.done $0x0  }
0x3fe: {  	[sflag:s5] =	ssyncadd.s32 $0xFFFFFF80  }
0x3ff: {  	_ =	swait.ge [sflag:s5], $0x80  }
0x400: {  	[sflag:s5] =	ssyncset.done $0x0  }
0x401: {  	[sflag:s5] =	ssyncadd.s32 $0xFFFFFF80  }
0x402: {  	_ =	swait.ge [sflag:s5], $0x80  }
0x403: {  	[sflag:s5] =	ssyncset.done $0x0  }
0x404: {  	[sflag:s5] =	ssyncadd.s32 $0xFFFFFF80  }
0x405: {  	_ =	swait.ge [sflag:s5], $0x80  }
0x406: {  	[sflag:s5] =	ssyncset.done $0x0  }
0x407: {  	[sflag:s5] =	ssyncadd.s32 $0xFFFFFF80  }
0x408: {  	_ =	swait.ge [sflag:s5], $0x80  }
0x409: {  	[sflag:s5] =	ssyncset.done $0x0  }
0x40a: {  	[sflag:s5] =	ssyncadd.s32 $0xFFFFFF80  }
0x40b: {  	_ =	swait.ge [sflag:s5], $0x80  }
0x40c: {  	[sflag:s5] =	ssyncset.done $0x0  }
0x40d: {  	[sflag:s5] =	ssyncadd.s32 $0xFFFFFF80  }
0x40e: {  	_ =	swait.ge [sflag:s5], $0x80  }
0x40f: {  	[sflag:s5] =	ssyncset.done $0x0  }
0x410: {  	[sflag:s5] =	ssyncadd.s32 $0xFFFFFF80  }
0x411: {  	_ =	swait.ge [sflag:s5], $0x80  }
0x412: {  	[sflag:s5] =	ssyncset.done $0x0  }
0x413: {  	[sflag:s5] =	ssyncadd.s32 $0xFFFFFF80  }
0x414: {  	_ =	swait.ge [sflag:s5], $0x80  }
0x415: {  	[sflag:s5] =	ssyncset.done $0x0  }
0x416: {  	s30 =	simm.s32 $0x4000;
	s29 =	rddreg [dreg:$0x5];
	[sflag:s5] =	ssyncadd.s32 $0xFFFFFF80  }
0x417: {  	[hbm4b:s29+s4] =	stream.strided.scatter [tilespmem:s4], [sflag:$0x3], $0x2000, s30, s4, $0x38;
	[tilespmem:$0x2200] =	vst v63  }
0x418: {  	_ =	swait.ge [sflag:s3], $0x2000  }
0x419: {  	[sflag:s3] =	ssyncset.done $0x0  }
0x41a: {  	[sflag:s3] =	ssyncadd.s32 $0xFFFFE000  }
0x41b: {  	_ =	sfence.sel $0x180000  }
0x41c: {  	s31 =	stileid.u32;
	[bflag:$0x0] =	sbarrier.arrive $0xFFFF  }
0x41d: {  	p0 =	sne.s32 s31, $0x0;
	_ =	strace $0x90000047  }
0x41e: {  	s0 =	sadd.s32 @!p0 $0x100000, s6;
	[bflag:$0x2] =	sbarrier.arrive $0xFFFF  }
0x41f: {  	[sflag:s0] =	ssyncadd.tile.s32 @!p0 $0x1;
	_ =	shalt  }
.LBB2_1:
.Ltmp3:
0x420: {  	(pc) =	sbr.rel .LBB2_6-.Ltmp3, $3  }
0x421: {  	_ =	sdelay $0x1  }
0x422: {  	s25 =	simm.s32 $0x2180  }
0x423: {  	s29 =	simm.s32 $0x1F80;
	s28 =	simm.s32 $0x1D80;
	s26 =	simm.s32 $0x1B80  }
.LBB2_3:
.Ltmp4:
0x424: {  	(pc) =	sbr.rel .LBB2_6-.Ltmp4, $3  }
0x425: {  	_ =	sdelay $0x1  }
0x426: {  	s25 =	simm.s32 $0x2180;
	s29 =	simm.s32 $0x1F80  }
0x427: {  	s28 =	simm.s32 $0x1D80;
	s26 =	simm.s32 $0x1B80;
	s6 =	rddreg [dreg:$0x3]  }
.Lfunc_end2:
_tile_overlayer_lowered:
.L_overlay_start_2:
0x428: {  	(tag) =	ssettag $0x2  }
0x429: {  	s0 =	rddreg [dreg:$0x0];
	s2 =	stileid.u32  }
0x42a: {  	s1 =	rddreg [dreg:$0x1];
	p0 =	sne.s32 s2, $0x0  }
0x42b: {  	s3 =	rddreg [dreg:$0x2];
	[bflag:$0x3] =	sbarrier.arrive $0xFFFF;
	s2 =	simm.s32 @!p0 $0x1C03  }
0x42c: {  	[timem:s3], [sflag:s2] =	dma.local @!p0 [hbm:s0], s1  }
0x42d: {  	s0 =	simm.s32 @!p0 $0x3  }
0x42e: {  	_ =	swait.ge @!p0 [sflag:s0], s1  }
0x42f: {  	s1 =	ssub.s32 @!p0 $0x0, s1;
	[sflag:s0] =	ssyncset.done @!p0 $0x0  }
0x430: {  	[sflag:s0] =	ssyncadd.s32 @!p0 s1  }
0x431: {  	[bflag:$0x3] =	sbarrier.arrive $0xFFFF  }
0x432: {  	_ =	shalt  }

</sc_bundles>
